<compile_context>
chip_gen: v7x
topology: tpu7x:2x2x1
jax: 0.10.2.dev20260603
libtpu: 0.0.44.dev20260713+nightly
codegen_flags: <defaults>
</compile_context>

<pallas_src>
import functools
import jax
import jax.numpy as jnp
from jax import lax
from jax.experimental import pallas as pl
from jax.experimental.pallas import tpu as pltpu
from jax.experimental.pallas import tpu_sc as plsc

N_NODES = 10000
IN_CH = 256
HID_CH = 512
OUT_CH = 256
N_EDGES = 160000

NC = 2
NS = 16

EB = 80
E_PAD = 163840
PER_TILE = E_PAD // NS
NBATCH = PER_TILE // EB
DUMP = N_NODES
ACC_ROWS = N_NODES + 8
BM = 1000

ROWS_A = 624
LAST_START = ROWS_A * (NS - 1)
ROWS_LAST = N_NODES - LAST_START


def _rowsplit(s, emit):
    @pl.when(s < NS - 1)
    def _():
        emit(pl.multiple_of(s * ROWS_A, 8), ROWS_A)

    @pl.when(s == NS - 1)
    def _():
        emit(LAST_START, ROWS_LAST)


def _mesh():
    return plsc.VectorSubcoreMesh(core_axis_name="c", subcore_axis_name="s",
                                  num_cores=NC, num_subcores=NS)


def _deg_body(dst3_hbm, z16_hbm, o16_hbm, deg_out, didx_v, ones_v,
              deg_sp):
    c = lax.axis_index("c")
    s = lax.axis_index("s")
    _rowsplit(s, lambda r0, nr: pltpu.sync_copy(
        z16_hbm.at[pl.ds(r0, nr)], deg_sp.at[pl.ds(r0, nr)]))
    pltpu.sync_copy(o16_hbm, ones_v)
    plsc.subcore_barrier()

    for cc in range(NC):
        @pl.when(c == cc)
        def _():
            w = cc * NS + s
            pltpu.sync_copy(dst3_hbm.at[w], didx_v)

            def ebody(b, carry):
                pltpu.sync_copy(ones_v, deg_sp.at[didx_v.at[b]], add=True)
                return carry

            lax.fori_loop(0, NBATCH // NC, ebody, 0)
    plsc.subcore_barrier()
    for cc in range(NC):
        @pl.when(c == cc)
        def _():
            _rowsplit(s, lambda r0, nr: pltpu.sync_copy(
                deg_sp.at[pl.ds(r0, nr)],
                deg_out.at[cc].at[pl.ds(r0, nr)]))


def _degree_kernel(dst3b, z16, o16):
    return pl.kernel(
        _deg_body,
        out_type=jax.ShapeDtypeStruct((NC, N_NODES, 16), jnp.float32),
        mesh=_mesh(),
        scratch_types=[
            pltpu.VMEM((NBATCH // NC, EB), jnp.int32),
            pltpu.VMEM((EB, 16), jnp.float32),
            pltpu.VMEM_SHARED((ACC_ROWS, 16), jnp.float32),
        ],
    )(dst3b, z16, o16)


NBUF = 2


def _agg_body(n_chunks, g_hbm, src_hbm, dst3_hbm, z128_hbm, acc_out,
              sidx_v, didx_v, rows_v, gsems, ssems, acc_sp):
    c = lax.axis_index("c")
    s = lax.axis_index("s")
    per_sc = n_chunks // NC

    pltpu.sync_copy(src_hbm.at[pl.ds(s * PER_TILE, PER_TILE)], sidx_v)
    pltpu.sync_copy(dst3_hbm.at[s], didx_v)

    for cc in range(NC):
        @pl.when(c == cc)
        def _():
            for k in range(per_sc):
                chunk = cc * per_sc + k
                g_ref = g_hbm.at[chunk]
                out_ref = acc_out.at[chunk]
                _rowsplit(s, lambda r0, nr: pltpu.sync_copy(
                    z128_hbm.at[pl.ds(r0, nr)], acc_sp.at[pl.ds(r0, nr)]))
                plsc.subcore_barrier()

                def gat(b, p):
                    return pltpu.make_async_copy(
                        g_ref.at[sidx_v.at[pl.ds(b * EB, EB)]],
                        rows_v.at[p], gsems[p])

                def sca(b, p):
                    return pltpu.async_copy(
                        rows_v.at[p], acc_sp.at[didx_v.at[b]], ssems[p],
                        add=True)

                def sca_wait(b, p):
                    pltpu.make_async_copy(
                        rows_v.at[p], acc_sp.at[didx_v.at[b]],
                        ssems[p]).wait()

                for p in range(NBUF):
                    gat(p, p).start()

                def ebody(j, carry):
                    for p in range(NBUF):
                        b = j * NBUF + p
                        gat(b, p).wait()
                        sca(b, p)
                        sca_wait(b, p)

                        @pl.when(b + NBUF < NBATCH)
                        def _():
                            gat(b + NBUF, p).start()
                    return carry

                lax.fori_loop(0, NBATCH // NBUF, ebody, 0)
                plsc.subcore_barrier()
                _rowsplit(s, lambda r0, nr: pltpu.sync_copy(
                    acc_sp.at[pl.ds(r0, nr)], out_ref.at[pl.ds(r0, nr)]))
                plsc.subcore_barrier()


def _aggregate(g_chunks, src_pad, dst3, z128):
    n_chunks = g_chunks.shape[0]
    return pl.kernel(
        functools.partial(_agg_body, n_chunks),
        out_type=jax.ShapeDtypeStruct((n_chunks, N_NODES, 128), jnp.float32),
        mesh=_mesh(),
        scratch_types=[
            pltpu.VMEM((PER_TILE,), jnp.int32),
            pltpu.VMEM((NBATCH, EB), jnp.int32),
            pltpu.VMEM((NBUF, EB, 128), jnp.float32),
            [pltpu.SemaphoreType.DMA] * NBUF,
            [pltpu.SemaphoreType.DMA] * NBUF,
            pltpu.VMEM_SHARED((ACC_ROWS, 128), jnp.float32),
        ],
    )(g_chunks, src_pad, dst3, z128)


def _mm1_body(x_ref, w_ref, deg_ref, out_ref):
    deg = deg_ref[0] + deg_ref[1]
    dinv = lax.rsqrt(deg[:, 0:1])
    h = jnp.dot(x_ref[...], w_ref[...], preferred_element_type=jnp.float32)
    out_ref[0] = h * dinv


def _mm1(x, W1, degp):
    n_chunks = HID_CH // 128
    return pl.pallas_call(
        _mm1_body,
        grid=(n_chunks, N_NODES // BM),
        in_specs=[
            pl.BlockSpec((BM, IN_CH), lambda n, m: (m, 0)),
            pl.BlockSpec((IN_CH, 128), lambda n, m: (0, n)),
            pl.BlockSpec((NC, BM, 16), lambda n, m: (0, m, 0)),
        ],
        out_specs=pl.BlockSpec((1, BM, 128), lambda n, m: (n, m, 0)),
        out_shape=jax.ShapeDtypeStruct((n_chunks, N_NODES, 128), jnp.float32),
    )(x, W1, degp)


def _mm2_body(a_ref, g_ref, deg_ref, b1_ref, w_ref, out_ref):
    deg = deg_ref[0] + deg_ref[1]
    dinv = lax.rsqrt(deg[:, 0:1])
    acc = jnp.zeros((BM, 128), jnp.float32)
    for ci in range(HID_CH // 128):
        z = jnp.maximum(
            (a_ref[ci] + g_ref[ci]) * dinv + b1_ref[ci], 0.0)
        acc = acc + jnp.dot(z, w_ref[ci, 0],
                            preferred_element_type=jnp.float32)
    out_ref[0] = acc * dinv


def _mm2(acc1, g1, degp, b1r, W2r):
    n_chunks = OUT_CH // 128
    return pl.pallas_call(
        _mm2_body,
        grid=(n_chunks, N_NODES // BM),
        in_specs=[
            pl.BlockSpec((HID_CH // 128, BM, 128), lambda n, m: (0, m, 0)),
            pl.BlockSpec((HID_CH // 128, BM, 128), lambda n, m: (0, m, 0)),
            pl.BlockSpec((NC, BM, 16), lambda n, m: (0, m, 0)),
            pl.BlockSpec((HID_CH // 128, 128), lambda n, m: (0, 0)),
            pl.BlockSpec((HID_CH // 128, 1, 128, 128),
                         lambda n, m: (0, n, 0, 0)),
        ],
        out_specs=pl.BlockSpec((1, BM, 128), lambda n, m: (n, m, 0)),
        out_shape=jax.ShapeDtypeStruct((n_chunks, N_NODES, 128), jnp.float32),
    )(acc1, g1, degp, b1r, W2r)


def _fin_body(a_ref, g_ref, deg_ref, b2_ref, out_ref):
    deg = deg_ref[0] + deg_ref[1]
    dinv = lax.rsqrt(deg[:, 0:1])
    for ci in range(OUT_CH // 128):
        out_ref[:, ci * 128:(ci + 1) * 128] = (
            (a_ref[ci] + g_ref[ci]) * dinv + b2_ref[ci])


def _final(acc2, g2, degp, b2r):
    return pl.pallas_call(
        _fin_body,
        grid=(N_NODES // BM,),
        in_specs=[
            pl.BlockSpec((OUT_CH // 128, BM, 128), lambda m: (0, m, 0)),
            pl.BlockSpec((OUT_CH // 128, BM, 128), lambda m: (0, m, 0)),
            pl.BlockSpec((NC, BM, 16), lambda m: (0, m, 0)),
            pl.BlockSpec((OUT_CH // 128, 128), lambda m: (0, 0)),
        ],
        out_specs=pl.BlockSpec((BM, OUT_CH), lambda m: (m, 0)),
        out_shape=jax.ShapeDtypeStruct((N_NODES, OUT_CH), jnp.float32),
    )(acc2, g2, degp, b2r)


def kernel(x, edge_index, W1, b1, W2, b2):
    src = edge_index[0].astype(jnp.int32)
    dst = edge_index[1].astype(jnp.int32)
    n_pad = E_PAD - N_EDGES
    src_pad = jnp.concatenate([src, jnp.zeros((n_pad,), jnp.int32)])
    dst_pad = jnp.concatenate([dst, jnp.full((n_pad,), DUMP, jnp.int32)])
    dst3 = dst_pad.reshape(NS, NBATCH, EB)
    dst3b = dst_pad.reshape(NC * NS, NBATCH // NC, EB)

    z16 = jnp.zeros((N_NODES, 16), jnp.float32)
    o16 = jnp.ones((EB, 16), jnp.float32)
    z128 = jnp.zeros((N_NODES, 128), jnp.float32)
    b1r = b1.reshape(HID_CH // 128, 128)
    b2r = b2.reshape(OUT_CH // 128, 128)
    W2r = W2.reshape(HID_CH // 128, 128, OUT_CH // 128, 128).transpose(
        0, 2, 1, 3)

    degp = _degree_kernel(dst3b, z16, o16)
    g1 = _mm1(x, W1, degp)
    acc1 = _aggregate(g1, src_pad, dst3, z128)
    g2 = _mm2(acc1, g1, degp, b1r, W2r)
    acc2 = _aggregate(g2, src_pad, dst3, z128)
    out = _final(acc2, g2, degp, b2r)
    return out

# --- scband reference (transcript-rebuilt; emitter-appended) ---
"""Pipeline reference for scband-gcn-309237645460 (READ-ONLY COPY).

The authoritative reference and input builder live on the scoring server;
editing this copy changes nothing except your own understanding.
"""

import jax, jax.numpy as jnp
import numpy as np

N_NODES = 10000
IN_CH = 256
HID_CH = 512
OUT_CH = 256
N_EDGES = 160000


def setup_inputs(seed: int = 0) -> dict:
    key = jax.random.key(seed)
    k1, k2, k3, k4, k5, k6 = jax.random.split(key, 6)
    x = jax.random.normal(k1, (N_NODES, IN_CH), dtype=jnp.float32)
    edge_index = jax.random.randint(k2, (2, N_EDGES), 0, N_NODES, dtype=jnp.int64)
    # Glorot-style init for GCNConv linear weights, zeros for biases (PyG default)
    W1 = jax.random.normal(k3, (IN_CH, HID_CH), dtype=jnp.float32) * (1.0 / np.sqrt(IN_CH))
    b1 = jnp.zeros((HID_CH,), dtype=jnp.float32)
    W2 = jax.random.normal(k4, (HID_CH, OUT_CH), dtype=jnp.float32) * (1.0 / np.sqrt(HID_CH))
    b2 = jnp.zeros((OUT_CH,), dtype=jnp.float32)
    return {"x": x, "edge_index": edge_index, "W1": W1, "b1": b1, "W2": W2, "b2": b2}


def _gcn_conv(x, edge_index, W, b, num_nodes):
    # Faithful GCNConv: add self loops, symmetric normalization, linear, scatter-add, bias
    src = edge_index[0]
    dst = edge_index[1]
    loop = jnp.arange(num_nodes, dtype=src.dtype)
    src = jnp.concatenate([src, loop])
    dst = jnp.concatenate([dst, loop])
    ones = jnp.ones(src.shape[0], dtype=x.dtype)
    deg = jnp.zeros((num_nodes,), dtype=x.dtype).at[dst].add(ones)
    deg_inv_sqrt = jnp.where(deg > 0, deg ** -0.5, 0.0)
    norm = deg_inv_sqrt[src] * deg_inv_sqrt[dst]
    h = x @ W
    msg = h[src] * norm[:, None]
    out = jax.ops.segment_sum(msg, dst, num_segments=num_nodes)
    return out + b


def reference(x, edge_index, W1, b1, W2, b2):
    h = _gcn_conv(x, edge_index, W1, b1, N_NODES)
    h = jax.nn.relu(h)
    out = _gcn_conv(h, edge_index, W2, b2, N_NODES)
    return out

if __name__ == "__main__":
    import jax
    _d = setup_inputs()
    print(jax.jit(kernel)(*tuple(_d.values())))

</pallas_src>

<mosaic_0001>
#map = affine_map<(d0, d1) -> (0, 0, 0)>
#map1 = affine_map<(d0, d1) -> (0)>
#map2 = affine_map<(d0, d1) -> (0, 0)>
module attributes {stable_mosaic.version = 14 : i64} {
  func.func @_agg_body(%arg0: i32, %arg1: i32, %arg2: memref<2x10000x128xf32, #tpu.memory_space<hbm>>, %arg3: memref<163840xi32, #tpu.memory_space<hbm>>, %arg4: memref<16x128x80xi32, #tpu.memory_space<hbm>>, %arg5: memref<10000x128xf32, #tpu.memory_space<hbm>>, %arg6: memref<2x10000x128xf32, #tpu.memory_space<hbm>>, %arg7: memref<10240xi32, #tpu.memory_space<vmem>>, %arg8: memref<128x80xi32, #tpu.memory_space<vmem>>, %arg9: memref<2x80x128xf32, #tpu.memory_space<vmem>>, %arg10: memref<!tpu.dma_semaphore, #tpu.memory_space<semaphore_mem>>, %arg11: memref<!tpu.dma_semaphore, #tpu.memory_space<semaphore_mem>>, %arg12: memref<!tpu.dma_semaphore, #tpu.memory_space<semaphore_mem>>, %arg13: memref<!tpu.dma_semaphore, #tpu.memory_space<semaphore_mem>>, %arg14: memref<10008x128xf32, #tpu.memory_space<vmem_shared>>) attributes {dimension_semantics = [#tpu.dimension_semantics<core_parallel>, #tpu.dimension_semantics<subcore_parallel>], iteration_bounds = array<i64: 2, 16>, scalar_prefetch = 0 : i64, scratch_operands = 8 : i64, tpu.core_type = #tpu.core_type<sc_vector_subcore>, window_params = [{transform_indices = #map}, {transform_indices = #map1}, {transform_indices = #map}, {transform_indices = #map2}, {transform_indices = #map}]} {
    %mul3A = arith.constant 10240 : i32
    %mul3A_0 = arith.muli %arg1, %mul3A : i32
    "tpu.region"() ({
      %run_scoped3A = tpu.sem_alloc : memref<!tpu.dma_semaphore, #tpu.memory_space<semaphore_mem>>
      %dma_start3A = tpu.memref_slice %arg3[%mul3A_0] : memref<163840xi32, #tpu.memory_space<hbm>> -> memref<10240xi32, #tpu.memory_space<hbm>>
      %dma_start3A_8 = tpu.memref_slice %arg3[%mul3A_0] : memref<163840xi32, #tpu.memory_space<hbm>> -> memref<10240xi32, #tpu.memory_space<hbm>>
      tpu.enqueue_dma source(%dma_start3A_8 : memref<10240xi32, #tpu.memory_space<hbm>>) target(%arg7 : memref<10240xi32, #tpu.memory_space<vmem>>) target_semaphore(%run_scoped3A : memref<!tpu.dma_semaphore, #tpu.memory_space<semaphore_mem>>)
      %dma_wait3A = tpu.memref_slice %arg3[%mul3A_0] : memref<163840xi32, #tpu.memory_space<hbm>> -> memref<10240xi32, #tpu.memory_space<hbm>>
      %dma_wait3A_9 = tpu.memref_slice %arg3[%mul3A_0] : memref<163840xi32, #tpu.memory_space<hbm>> -> memref<10240xi32, #tpu.memory_space<hbm>>
      tpu.wait_dma2 semaphore(%run_scoped3A : memref<!tpu.dma_semaphore, #tpu.memory_space<semaphore_mem>>) src(%dma_wait3A_9 : memref<10240xi32, #tpu.memory_space<hbm>>) dst(%arg7 : memref<10240xi32, #tpu.memory_space<vmem>>)
      tpu.yield
    }) : () -> ()
    "tpu.region"() ({
      %run_scoped3A = tpu.sem_alloc : memref<!tpu.dma_semaphore, #tpu.memory_space<semaphore_mem>>
      %dma_start3A = arith.constant 0 : i32
      %dma_start3A_8 = arith.constant 0 : i32
      %dma_start3A_9 = tpu.memref_slice %arg4[%arg1, %dma_start3A, %dma_start3A_8] : memref<16x128x80xi32, #tpu.memory_space<hbm>> -> memref<1x128x80xi32, #tpu.memory_space<hbm>>
      %dma_start3A_10 = tpu.memref_squeeze %dma_start3A_9 : memref<1x128x80xi32, #tpu.memory_space<hbm>> -> memref<128x80xi32, #tpu.memory_space<hbm>>
      %dma_start3A_11 = arith.constant 0 : i32
      %dma_start3A_12 = arith.constant 0 : i32
      %dma_start3A_13 = tpu.memref_slice %arg4[%arg1, %dma_start3A_11, %dma_start3A_12] : memref<16x128x80xi32, #tpu.memory_space<hbm>> -> memref<1x128x80xi32, #tpu.memory_space<hbm>>
      %dma_start3A_14 = tpu.memref_squeeze %dma_start3A_13 : memref<1x128x80xi32, #tpu.memory_space<hbm>> -> memref<128x80xi32, #tpu.memory_space<hbm>>
      tpu.enqueue_dma source(%dma_start3A_14 : memref<128x80xi32, #tpu.memory_space<hbm>>) target(%arg8 : memref<128x80xi32, #tpu.memory_space<vmem>>) target_semaphore(%run_scoped3A : memref<!tpu.dma_semaphore, #tpu.memory_space<semaphore_mem>>)
      %dma_wait3A = arith.constant 0 : i32
      %dma_wait3A_15 = arith.constant 0 : i32
      %dma_wait3A_16 = tpu.memref_slice %arg4[%arg1, %dma_wait3A, %dma_wait3A_15] : memref<16x128x80xi32, #tpu.memory_space<hbm>> -> memref<1x128x80xi32, #tpu.memory_space<hbm>>
      %dma_wait3A_17 = tpu.memref_squeeze %dma_wait3A_16 : memref<1x128x80xi32, #tpu.memory_space<hbm>> -> memref<128x80xi32, #tpu.memory_space<hbm>>
      %dma_wait3A_18 = arith.constant 0 : i32
      %dma_wait3A_19 = arith.constant 0 : i32
      %dma_wait3A_20 = tpu.memref_slice %arg4[%arg1, %dma_wait3A_18, %dma_wait3A_19] : memref<16x128x80xi32, #tpu.memory_space<hbm>> -> memref<1x128x80xi32, #tpu.memory_space<hbm>>
      %dma_wait3A_21 = tpu.memref_squeeze %dma_wait3A_20 : memref<1x128x80xi32, #tpu.memory_space<hbm>> -> memref<128x80xi32, #tpu.memory_space<hbm>>
      tpu.wait_dma2 semaphore(%run_scoped3A : memref<!tpu.dma_semaphore, #tpu.memory_space<semaphore_mem>>) src(%dma_wait3A_21 : memref<128x80xi32, #tpu.memory_space<hbm>>) dst(%arg8 : memref<128x80xi32, #tpu.memory_space<vmem>>)
      tpu.yield
    }) : () -> ()
    %eq3A = arith.constant 0 : i32
    %eq3A_1 = arith.cmpi eq, %arg0, %eq3A : i32
    %convert_element_type3A = arith.extui %eq3A_1 : i1 to i32
    %cond3A = arith.constant 0 : i32
    %cond3A_2 = arith.cmpi ne, %convert_element_type3A, %cond3A : i32
    scf.if %cond3A_2 {
      %lt3A = arith.constant 15 : i32
      %lt3A_8 = arith.cmpi slt, %arg1, %lt3A : i32
      %convert_element_type3A_9 = arith.extui %lt3A_8 : i1 to i32
      %cond3A_10 = arith.constant 0 : i32
      %cond3A_11 = arith.cmpi ne, %convert_element_type3A_9, %cond3A_10 : i32
      scf.if %cond3A_11 {
        %mul3A_66 = arith.constant 624 : i32
        %mul3A_67 = arith.muli %arg1, %mul3A_66 : i32
        %multiple_of3A = tpu.assume_multiple %mul3A_67, 8 : i32
        "tpu.region"() ({
          %run_scoped3A = tpu.sem_alloc : memref<!tpu.dma_semaphore, #tpu.memory_space<semaphore_mem>>
          %dma_start3A_68 = arith.constant 0 : i32
          %dma_start3A_69 = tpu.memref_slice %arg14[%multiple_of3A, %dma_start3A_68] : memref<10008x128xf32, #tpu.memory_space<vmem_shared>> -> memref<624x128xf32, #tpu.memory_space<vmem_shared>>
          %dma_start3A_70 = arith.constant 0 : i32
          %dma_start3A_71 = tpu.memref_slice %arg5[%multiple_of3A, %dma_start3A_70] : memref<10000x128xf32, #tpu.memory_space<hbm>> -> memref<624x128xf32, #tpu.memory_space<hbm>>
          tpu.enqueue_dma source(%dma_start3A_71 : memref<624x128xf32, #tpu.memory_space<hbm>>) target(%dma_start3A_69 : memref<624x128xf32, #tpu.memory_space<vmem_shared>>) target_semaphore(%run_scoped3A : memref<!tpu.dma_semaphore, #tpu.memory_space<semaphore_mem>>)
          %dma_wait3A = arith.constant 0 : i32
          %dma_wait3A_72 = tpu.memref_slice %arg14[%multiple_of3A, %dma_wait3A] : memref<10008x128xf32, #tpu.memory_space<vmem_shared>> -> memref<624x128xf32, #tpu.memory_space<vmem_shared>>
          %dma_wait3A_73 = arith.constant 0 : i32
          %dma_wait3A_74 = tpu.memref_slice %arg5[%multiple_of3A, %dma_wait3A_73] : memref<10000x128xf32, #tpu.memory_space<hbm>> -> memref<624x128xf32, #tpu.memory_space<hbm>>
          tpu.wait_dma2 semaphore(%run_scoped3A : memref<!tpu.dma_semaphore, #tpu.memory_space<semaphore_mem>>) src(%dma_wait3A_74 : memref<624x128xf32, #tpu.memory_space<hbm>>) dst(%dma_wait3A_72 : memref<624x128xf32, #tpu.memory_space<vmem_shared>>)
          tpu.yield
        }) : () -> ()
      } else {
      }
      %eq3A_12 = arith.constant 15 : i32
      %eq3A_13 = arith.cmpi eq, %arg1, %eq3A_12 : i32
      %convert_element_type3A_14 = arith.extui %eq3A_13 : i1 to i32
      %cond3A_15 = arith.constant 0 : i32
      %cond3A_16 = arith.cmpi ne, %convert_element_type3A_14, %cond3A_15 : i32
      scf.if %cond3A_16 {
        "tpu.region"() ({
          %run_scoped3A = tpu.sem_alloc : memref<!tpu.dma_semaphore, #tpu.memory_space<semaphore_mem>>
          %dma_start3A_66 = arith.constant 9360 : i32
          %dma_start3A_67 = arith.constant 0 : i32
          %dma_start3A_68 = tpu.memref_slice %arg14[%dma_start3A_66, %dma_start3A_67] : memref<10008x128xf32, #tpu.memory_space<vmem_shared>> -> memref<640x128xf32, #tpu.memory_space<vmem_shared>>
          %dma_start3A_69 = arith.constant 9360 : i32
          %dma_start3A_70 = arith.constant 0 : i32
          %dma_start3A_71 = tpu.memref_slice %arg5[%dma_start3A_69, %dma_start3A_70] : memref<10000x128xf32, #tpu.memory_space<hbm>> -> memref<640x128xf32, #tpu.memory_space<hbm>>
          tpu.enqueue_dma source(%dma_start3A_71 : memref<640x128xf32, #tpu.memory_space<hbm>>) target(%dma_start3A_68 : memref<640x128xf32, #tpu.memory_space<vmem_shared>>) target_semaphore(%run_scoped3A : memref<!tpu.dma_semaphore, #tpu.memory_space<semaphore_mem>>)
          %dma_wait3A = arith.constant 9360 : i32
          %dma_wait3A_72 = arith.constant 0 : i32
          %dma_wait3A_73 = tpu.memref_slice %arg14[%dma_wait3A, %dma_wait3A_72] : memref<10008x128xf32, #tpu.memory_space<vmem_shared>> -> memref<640x128xf32, #tpu.memory_space<vmem_shared>>
          %dma_wait3A_74 = arith.constant 9360 : i32
          %dma_wait3A_75 = arith.constant 0 : i32
          %dma_wait3A_76 = tpu.memref_slice %arg5[%dma_wait3A_74, %dma_wait3A_75] : memref<10000x128xf32, #tpu.memory_space<hbm>> -> memref<640x128xf32, #tpu.memory_space<hbm>>
          tpu.wait_dma2 semaphore(%run_scoped3A : memref<!tpu.dma_semaphore, #tpu.memory_space<semaphore_mem>>) src(%dma_wait3A_76 : memref<640x128xf32, #tpu.memory_space<hbm>>) dst(%dma_wait3A_73 : memref<640x128xf32, #tpu.memory_space<vmem_shared>>)
          tpu.yield
        }) : () -> ()
      } else {
      }
      %barrier3A = arith.constant 0 : index
      tpu.barrier barrier_id(%barrier3A)
      %dma_start3A = arith.constant 0 : i32
      %dma_start3A_17 = arith.constant 0 : i32
      %dma_start3A_18 = arith.constant 0 : i32
      %dma_start3A_19 = arith.constant 0 : i32
      %dma_start3A_20 = tpu.memref_slice %arg9[%dma_start3A_17, %dma_start3A_18, %dma_start3A_19] : memref<2x80x128xf32, #tpu.memory_space<vmem>> -> memref<1x80x128xf32, #tpu.memory_space<vmem>>
      %dma_start3A_21 = tpu.memref_squeeze %dma_start3A_20 : memref<1x80x128xf32, #tpu.memory_space<vmem>> -> memref<80x128xf32, #tpu.memory_space<vmem>>
      %dma_start3A_22 = arith.constant 0 : i32
      %dma_start3A_23 = tpu.memref_slice %arg7[%dma_start3A_22] : memref<10240xi32, #tpu.memory_space<vmem>> -> memref<80xi32, #tpu.memory_space<vmem>>
      %dma_start3A_24 = arith.constant 0 : i32
      %dma_start3A_25 = arith.constant 0 : i32
      %dma_start3A_26 = tpu.memref_slice %arg2[%dma_start3A, %dma_start3A_24, %dma_start3A_25] : memref<2x10000x128xf32, #tpu.memory_space<hbm>> -> memref<1x10000x128xf32, #tpu.memory_space<hbm>>
      %dma_start3A_27 = tpu.memref_squeeze %dma_start3A_26 : memref<1x10000x128xf32, #tpu.memory_space<hbm>> -> memref<10000x128xf32, #tpu.memory_space<hbm>>
      %dma_start3A_28 = arith.constant 0 : i32
      %dma_start3A_29 = arith.constant 0 : i32
      %dma_start3A_30 = tpu.memref_slice %dma_start3A_27[%dma_start3A_28, %dma_start3A_29] : memref<10000x128xf32, #tpu.memory_space<hbm>> -> memref<10000x128xf32, #tpu.memory_space<hbm>>
      tpu.enqueue_indirect_dma source(%dma_start3A_30 : memref<10000x128xf32, #tpu.memory_space<hbm>>) target(%dma_start3A_21 : memref<80x128xf32, #tpu.memory_space<vmem>>) offsets(%dma_start3A_23 : memref<80xi32, #tpu.memory_space<vmem>>) semaphore(%arg10 : memref<!tpu.dma_semaphore, #tpu.memory_space<semaphore_mem>>)
      %dma_start3A_31 = arith.constant 0 : i32
      %dma_start3A_32 = arith.constant 1 : i32
      %dma_start3A_33 = arith.constant 0 : i32
      %dma_start3A_34 = arith.constant 0 : i32
      %dma_start3A_35 = tpu.memref_slice %arg9[%dma_start3A_32, %dma_start3A_33, %dma_start3A_34] : memref<2x80x128xf32, #tpu.memory_space<vmem>> -> memref<1x80x128xf32, #tpu.memory_space<vmem>>
      %dma_start3A_36 = tpu.memref_squeeze %dma_start3A_35 : memref<1x80x128xf32, #tpu.memory_space<vmem>> -> memref<80x128xf32, #tpu.memory_space<vmem>>
      %dma_start3A_37 = arith.constant 80 : i32
      %dma_start3A_38 = tpu.memref_slice %arg7[%dma_start3A_37] : memref<10240xi32, #tpu.memory_space<vmem>> -> memref<80xi32, #tpu.memory_space<vmem>>
      %dma_start3A_39 = arith.constant 0 : i32
      %dma_start3A_40 = arith.constant 0 : i32
      %dma_start3A_41 = tpu.memref_slice %arg2[%dma_start3A_31, %dma_start3A_39, %dma_start3A_40] : memref<2x10000x128xf32, #tpu.memory_space<hbm>> -> memref<1x10000x128xf32, #tpu.memory_space<hbm>>
      %dma_start3A_42 = tpu.memref_squeeze %dma_start3A_41 : memref<1x10000x128xf32, #tpu.memory_space<hbm>> -> memref<10000x128xf32, #tpu.memory_space<hbm>>
      %dma_start3A_43 = arith.constant 0 : i32
      %dma_start3A_44 = arith.constant 0 : i32
      %dma_start3A_45 = tpu.memref_slice %dma_start3A_42[%dma_start3A_43, %dma_start3A_44] : memref<10000x128xf32, #tpu.memory_space<hbm>> -> memref<10000x128xf32, #tpu.memory_space<hbm>>
      tpu.enqueue_indirect_dma source(%dma_start3A_45 : memref<10000x128xf32, #tpu.memory_space<hbm>>) target(%dma_start3A_36 : memref<80x128xf32, #tpu.memory_space<vmem>>) offsets(%dma_start3A_38 : memref<80xi32, #tpu.memory_space<vmem>>) semaphore(%arg11 : memref<!tpu.dma_semaphore, #tpu.memory_space<semaphore_mem>>)
      %scan3A = arith.constant 0 : i32
      %scan3A_46 = arith.constant 0 : i32
      %scan3A_47 = arith.constant 0 : i32
      %scan3A_48 = arith.constant 64 : i32
      %scan3A_49 = arith.addi %scan3A_47, %scan3A_48 : i32
      %scan3A_50 = arith.constant 1 : i32
      scf.for %scan3A_66 = %scan3A_47 to %scan3A_49 step %scan3A_50  : i32 {
        %mul3A_67 = arith.constant 2 : i32
        %mul3A_68 = arith.muli %scan3A_66, %mul3A_67 : i32
        %add3A = arith.constant 0 : i32
        %add3A_69 = arith.addi %mul3A_68, %add3A : i32
        %mul3A_70 = arith.constant 80 : i32
        %mul3A_71 = arith.muli %add3A_69, %mul3A_70 : i32
        %dma_wait3A = arith.constant 0 : i32
        %dma_wait3A_72 = arith.constant 0 : i32
        %dma_wait3A_73 = arith.constant 0 : i32
        %dma_wait3A_74 = tpu.memref_slice %arg9[%dma_wait3A, %dma_wait3A_72, %dma_wait3A_73] : memref<2x80x128xf32, #tpu.memory_space<vmem>> -> memref<1x80x128xf32, #tpu.memory_space<vmem>>
        %dma_wait3A_75 = tpu.memref_squeeze %dma_wait3A_74 : memref<1x80x128xf32, #tpu.memory_space<vmem>> -> memref<80x128xf32, #tpu.memory_space<vmem>>
        %dma_wait3A_76 = tpu.memref_slice %arg7[%mul3A_71] : memref<10240xi32, #tpu.memory_space<vmem>> -> memref<80xi32, #tpu.memory_space<vmem>>
        %dma_wait3A_77 = arith.constant 0 : i32
        %dma_wait3A_78 = arith.constant 0 : i32
        %dma_wait3A_79 = tpu.memref_slice %arg2[%scan3A_46, %dma_wait3A_77, %dma_wait3A_78] : memref<2x10000x128xf32, #tpu.memory_space<hbm>> -> memref<1x10000x128xf32, #tpu.memory_space<hbm>>
        %dma_wait3A_80 = tpu.memref_squeeze %dma_wait3A_79 : memref<1x10000x128xf32, #tpu.memory_space<hbm>> -> memref<10000x128xf32, #tpu.memory_space<hbm>>
        %dma_wait3A_81 = arith.constant 0 : i32
        %dma_wait3A_82 = arith.constant 0 : i32
        %dma_wait3A_83 = tpu.memref_slice %dma_wait3A_80[%dma_wait3A_81, %dma_wait3A_82] : memref<10000x128xf32, #tpu.memory_space<hbm>> -> memref<10000x128xf32, #tpu.memory_space<hbm>>
        tpu.wait_indirect_dma semaphore(%arg10 : memref<!tpu.dma_semaphore, #tpu.memory_space<semaphore_mem>>) src(%dma_wait3A_83 : memref<10000x128xf32, #tpu.memory_space<hbm>>) dst(%dma_wait3A_75 : memref<80x128xf32, #tpu.memory_space<vmem>>)
        %dma_start3A_84 = arith.constant 0 : i32
        %dma_start3A_85 = arith.constant 0 : i32
        %dma_start3A_86 = arith.constant 0 : i32
        %dma_start3A_87 = tpu.memref_slice %arg9[%dma_start3A_84, %dma_start3A_85, %dma_start3A_86] : memref<2x80x128xf32, #tpu.memory_space<vmem>> -> memref<1x80x128xf32, #tpu.memory_space<vmem>>
        %dma_start3A_88 = tpu.memref_squeeze %dma_start3A_87 : memref<1x80x128xf32, #tpu.memory_space<vmem>> -> memref<80x128xf32, #tpu.memory_space<vmem>>
        %dma_start3A_89 = arith.constant 0 : i32
        %dma_start3A_90 = tpu.memref_slice %arg8[%add3A_69, %dma_start3A_89] : memref<128x80xi32, #tpu.memory_space<vmem>> -> memref<1x80xi32, #tpu.memory_space<vmem>>
        %dma_start3A_91 = tpu.memref_squeeze %dma_start3A_90 : memref<1x80xi32, #tpu.memory_space<vmem>> -> memref<80xi32, #tpu.memory_space<vmem>>
        %dma_start3A_92 = arith.constant 0 : i32
        %dma_start3A_93 = arith.constant 0 : i32
        %dma_start3A_94 = tpu.memref_slice %arg14[%dma_start3A_92, %dma_start3A_93] : memref<10008x128xf32, #tpu.memory_space<vmem_shared>> -> memref<10008x128xf32, #tpu.memory_space<vmem_shared>>
        tpu.enqueue_indirect_dma source(%dma_start3A_88 : memref<80x128xf32, #tpu.memory_space<vmem>>) target(%dma_start3A_94 : memref<10008x128xf32, #tpu.memory_space<vmem_shared>>) offsets(%dma_start3A_91 : memref<80xi32, #tpu.memory_space<vmem>>) semaphore(%arg12 : memref<!tpu.dma_semaphore, #tpu.memory_space<semaphore_mem>>) {add = true}
        %dma_wait3A_95 = arith.constant 0 : i32
        %dma_wait3A_96 = arith.constant 0 : i32
        %dma_wait3A_97 = arith.constant 0 : i32
        %dma_wait3A_98 = tpu.memref_slice %arg9[%dma_wait3A_95, %dma_wait3A_96, %dma_wait3A_97] : memref<2x80x128xf32, #tpu.memory_space<vmem>> -> memref<1x80x128xf32, #tpu.memory_space<vmem>>
        %dma_wait3A_99 = tpu.memref_squeeze %dma_wait3A_98 : memref<1x80x128xf32, #tpu.memory_space<vmem>> -> memref<80x128xf32, #tpu.memory_space<vmem>>
        %dma_wait3A_100 = arith.constant 0 : i32
        %dma_wait3A_101 = tpu.memref_slice %arg8[%add3A_69, %dma_wait3A_100] : memref<128x80xi32, #tpu.memory_space<vmem>> -> memref<1x80xi32, #tpu.memory_space<vmem>>
        %dma_wait3A_102 = tpu.memref_squeeze %dma_wait3A_101 : memref<1x80xi32, #tpu.memory_space<vmem>> -> memref<80xi32, #tpu.memory_space<vmem>>
        %dma_wait3A_103 = arith.constant 0 : i32
        %dma_wait3A_104 = arith.constant 0 : i32
        %dma_wait3A_105 = tpu.memref_slice %arg14[%dma_wait3A_103, %dma_wait3A_104] : memref<10008x128xf32, #tpu.memory_space<vmem_shared>> -> memref<10008x128xf32, #tpu.memory_space<vmem_shared>>
        tpu.wait_indirect_dma semaphore(%arg12 : memref<!tpu.dma_semaphore, #tpu.memory_space<semaphore_mem>>) src(%dma_wait3A_99 : memref<80x128xf32, #tpu.memory_space<vmem>>) dst(%dma_wait3A_105 : memref<10008x128xf32, #tpu.memory_space<vmem_shared>>)
        %add3A_106 = arith.constant 2 : i32
        %add3A_107 = arith.addi %add3A_69, %add3A_106 : i32
        %lt3A_108 = arith.constant 128 : i32
        %lt3A_109 = arith.cmpi slt, %add3A_107, %lt3A_108 : i32
        %convert_element_type3A_110 = arith.extui %lt3A_109 : i1 to i32
        %cond3A_111 = arith.constant 0 : i32
        %cond3A_112 = arith.cmpi ne, %convert_element_type3A_110, %cond3A_111 : i32
        scf.if %cond3A_112 {
          %add3A_161 = arith.constant 2 : i32
          %add3A_162 = arith.addi %add3A_69, %add3A_161 : i32
          %mul3A_163 = arith.constant 80 : i32
          %mul3A_164 = arith.muli %add3A_162, %mul3A_163 : i32
          %dma_start3A_165 = arith.constant 0 : i32
          %dma_start3A_166 = arith.constant 0 : i32
          %dma_start3A_167 = arith.constant 0 : i32
          %dma_start3A_168 = tpu.memref_slice %arg9[%dma_start3A_165, %dma_start3A_166, %dma_start3A_167] : memref<2x80x128xf32, #tpu.memory_space<vmem>> -> memref<1x80x128xf32, #tpu.memory_space<vmem>>
          %dma_start3A_169 = tpu.memref_squeeze %dma_start3A_168 : memref<1x80x128xf32, #tpu.memory_space<vmem>> -> memref<80x128xf32, #tpu.memory_space<vmem>>
          %dma_start3A_170 = tpu.memref_slice %arg7[%mul3A_164] : memref<10240xi32, #tpu.memory_space<vmem>> -> memref<80xi32, #tpu.memory_space<vmem>>
          %dma_start3A_171 = arith.constant 0 : i32
          %dma_start3A_172 = arith.constant 0 : i32
          %dma_start3A_173 = tpu.memref_slice %arg2[%scan3A_46, %dma_start3A_171, %dma_start3A_172] : memref<2x10000x128xf32, #tpu.memory_space<hbm>> -> memref<1x10000x128xf32, #tpu.memory_space<hbm>>
          %dma_start3A_174 = tpu.memref_squeeze %dma_start3A_173 : memref<1x10000x128xf32, #tpu.memory_space<hbm>> -> memref<10000x128xf32, #tpu.memory_space<hbm>>
          %dma_start3A_175 = arith.constant 0 : i32
          %dma_start3A_176 = arith.constant 0 : i32
          %dma_start3A_177 = tpu.memref_slice %dma_start3A_174[%dma_start3A_175, %dma_start3A_176] : memref<10000x128xf32, #tpu.memory_space<hbm>> -> memref<10000x128xf32, #tpu.memory_space<hbm>>
          tpu.enqueue_indirect_dma source(%dma_start3A_177 : memref<10000x128xf32, #tpu.memory_space<hbm>>) target(%dma_start3A_169 : memref<80x128xf32, #tpu.memory_space<vmem>>) offsets(%dma_start3A_170 : memref<80xi32, #tpu.memory_space<vmem>>) semaphore(%arg10 : memref<!tpu.dma_semaphore, #tpu.memory_space<semaphore_mem>>)
        } else {
        }
        %mul3A_113 = arith.constant 2 : i32
        %mul3A_114 = arith.muli %scan3A_66, %mul3A_113 : i32
        %add3A_115 = arith.constant 1 : i32
        %add3A_116 = arith.addi %mul3A_114, %add3A_115 : i32
        %mul3A_117 = arith.constant 80 : i32
        %mul3A_118 = arith.muli %add3A_116, %mul3A_117 : i32
        %dma_wait3A_119 = arith.constant 1 : i32
        %dma_wait3A_120 = arith.constant 0 : i32
        %dma_wait3A_121 = arith.constant 0 : i32
        %dma_wait3A_122 = tpu.memref_slice %arg9[%dma_wait3A_119, %dma_wait3A_120, %dma_wait3A_121] : memref<2x80x128xf32, #tpu.memory_space<vmem>> -> memref<1x80x128xf32, #tpu.memory_space<vmem>>
        %dma_wait3A_123 = tpu.memref_squeeze %dma_wait3A_122 : memref<1x80x128xf32, #tpu.memory_space<vmem>> -> memref<80x128xf32, #tpu.memory_space<vmem>>
        %dma_wait3A_124 = tpu.memref_slice %arg7[%mul3A_118] : memref<10240xi32, #tpu.memory_space<vmem>> -> memref<80xi32, #tpu.memory_space<vmem>>
        %dma_wait3A_125 = arith.constant 0 : i32
        %dma_wait3A_126 = arith.constant 0 : i32
        %dma_wait3A_127 = tpu.memref_slice %arg2[%scan3A_46, %dma_wait3A_125, %dma_wait3A_126] : memref<2x10000x128xf32, #tpu.memory_space<hbm>> -> memref<1x10000x128xf32, #tpu.memory_space<hbm>>
        %dma_wait3A_128 = tpu.memref_squeeze %dma_wait3A_127 : memref<1x10000x128xf32, #tpu.memory_space<hbm>> -> memref<10000x128xf32, #tpu.memory_space<hbm>>
        %dma_wait3A_129 = arith.constant 0 : i32
        %dma_wait3A_130 = arith.constant 0 : i32
        %dma_wait3A_131 = tpu.memref_slice %dma_wait3A_128[%dma_wait3A_129, %dma_wait3A_130] : memref<10000x128xf32, #tpu.memory_space<hbm>> -> memref<10000x128xf32, #tpu.memory_space<hbm>>
        tpu.wait_indirect_dma semaphore(%arg11 : memref<!tpu.dma_semaphore, #tpu.memory_space<semaphore_mem>>) src(%dma_wait3A_131 : memref<10000x128xf32, #tpu.memory_space<hbm>>) dst(%dma_wait3A_123 : memref<80x128xf32, #tpu.memory_space<vmem>>)
        %dma_start3A_132 = arith.constant 1 : i32
        %dma_start3A_133 = arith.constant 0 : i32
        %dma_start3A_134 = arith.constant 0 : i32
        %dma_start3A_135 = tpu.memref_slice %arg9[%dma_start3A_132, %dma_start3A_133, %dma_start3A_134] : memref<2x80x128xf32, #tpu.memory_space<vmem>> -> memref<1x80x128xf32, #tpu.memory_space<vmem>>
        %dma_start3A_136 = tpu.memref_squeeze %dma_start3A_135 : memref<1x80x128xf32, #tpu.memory_space<vmem>> -> memref<80x128xf32, #tpu.memory_space<vmem>>
        %dma_start3A_137 = arith.constant 0 : i32
        %dma_start3A_138 = tpu.memref_slice %arg8[%add3A_116, %dma_start3A_137] : memref<128x80xi32, #tpu.memory_space<vmem>> -> memref<1x80xi32, #tpu.memory_space<vmem>>
        %dma_start3A_139 = tpu.memref_squeeze %dma_start3A_138 : memref<1x80xi32, #tpu.memory_space<vmem>> -> memref<80xi32, #tpu.memory_space<vmem>>
        %dma_start3A_140 = arith.constant 0 : i32
        %dma_start3A_141 = arith.constant 0 : i32
        %dma_start3A_142 = tpu.memref_slice %arg14[%dma_start3A_140, %dma_start3A_141] : memref<10008x128xf32, #tpu.memory_space<vmem_shared>> -> memref<10008x128xf32, #tpu.memory_space<vmem_shared>>
        tpu.enqueue_indirect_dma source(%dma_start3A_136 : memref<80x128xf32, #tpu.memory_space<vmem>>) target(%dma_start3A_142 : memref<10008x128xf32, #tpu.memory_space<vmem_shared>>) offsets(%dma_start3A_139 : memref<80xi32, #tpu.memory_space<vmem>>) semaphore(%arg13 : memref<!tpu.dma_semaphore, #tpu.memory_space<semaphore_mem>>) {add = true}
        %dma_wait3A_143 = arith.constant 1 : i32
        %dma_wait3A_144 = arith.constant 0 : i32
        %dma_wait3A_145 = arith.constant 0 : i32
        %dma_wait3A_146 = tpu.memref_slice %arg9[%dma_wait3A_143, %dma_wait3A_144, %dma_wait3A_145] : memref<2x80x128xf32, #tpu.memory_space<vmem>> -> memref<1x80x128xf32, #tpu.memory_space<vmem>>
        %dma_wait3A_147 = tpu.memref_squeeze %dma_wait3A_146 : memref<1x80x128xf32, #tpu.memory_space<vmem>> -> memref<80x128xf32, #tpu.memory_space<vmem>>
        %dma_wait3A_148 = arith.constant 0 : i32
        %dma_wait3A_149 = tpu.memref_slice %arg8[%add3A_116, %dma_wait3A_148] : memref<128x80xi32, #tpu.memory_space<vmem>> -> memref<1x80xi32, #tpu.memory_space<vmem>>
        %dma_wait3A_150 = tpu.memref_squeeze %dma_wait3A_149 : memref<1x80xi32, #tpu.memory_space<vmem>> -> memref<80xi32, #tpu.memory_space<vmem>>
        %dma_wait3A_151 = arith.constant 0 : i32
        %dma_wait3A_152 = arith.constant 0 : i32
        %dma_wait3A_153 = tpu.memref_slice %arg14[%dma_wait3A_151, %dma_wait3A_152] : memref<10008x128xf32, #tpu.memory_space<vmem_shared>> -> memref<10008x128xf32, #tpu.memory_space<vmem_shared>>
        tpu.wait_indirect_dma semaphore(%arg13 : memref<!tpu.dma_semaphore, #tpu.memory_space<semaphore_mem>>) src(%dma_wait3A_147 : memref<80x128xf32, #tpu.memory_space<vmem>>) dst(%dma_wait3A_153 : memref<10008x128xf32, #tpu.memory_space<vmem_shared>>)
        %add3A_154 = arith.constant 2 : i32
        %add3A_155 = arith.addi %add3A_116, %add3A_154 : i32
        %lt3A_156 = arith.constant 128 : i32
        %lt3A_157 = arith.cmpi slt, %add3A_155, %lt3A_156 : i32
        %convert_element_type3A_158 = arith.extui %lt3A_157 : i1 to i32
        %cond3A_159 = arith.constant 0 : i32
        %cond3A_160 = arith.cmpi ne, %convert_element_type3A_158, %cond3A_159 : i32
        scf.if %cond3A_160 {
          %add3A_161 = arith.constant 2 : i32
          %add3A_162 = arith.addi %add3A_116, %add3A_161 : i32
          %mul3A_163 = arith.constant 80 : i32
          %mul3A_164 = arith.muli %add3A_162, %mul3A_163 : i32
          %dma_start3A_165 = arith.constant 1 : i32
          %dma_start3A_166 = arith.constant 0 : i32
          %dma_start3A_167 = arith.constant 0 : i32
          %dma_start3A_168 = tpu.memref_slice %arg9[%dma_start3A_165, %dma_start3A_166, %dma_start3A_167] : memref<2x80x128xf32, #tpu.memory_space<vmem>> -> memref<1x80x128xf32, #tpu.memory_space<vmem>>
          %dma_start3A_169 = tpu.memref_squeeze %dma_start3A_168 : memref<1x80x128xf32, #tpu.memory_space<vmem>> -> memref<80x128xf32, #tpu.memory_space<vmem>>
          %dma_start3A_170 = tpu.memref_slice %arg7[%mul3A_164] : memref<10240xi32, #tpu.memory_space<vmem>> -> memref<80xi32, #tpu.memory_space<vmem>>
          %dma_start3A_171 = arith.constant 0 : i32
          %dma_start3A_172 = arith.constant 0 : i32
          %dma_start3A_173 = tpu.memref_slice %arg2[%scan3A_46, %dma_start3A_171, %dma_start3A_172] : memref<2x10000x128xf32, #tpu.memory_space<hbm>> -> memref<1x10000x128xf32, #tpu.memory_space<hbm>>
          %dma_start3A_174 = tpu.memref_squeeze %dma_start3A_173 : memref<1x10000x128xf32, #tpu.memory_space<hbm>> -> memref<10000x128xf32, #tpu.memory_space<hbm>>
          %dma_start3A_175 = arith.constant 0 : i32
          %dma_start3A_176 = arith.constant 0 : i32
          %dma_start3A_177 = tpu.memref_slice %dma_start3A_174[%dma_start3A_175, %dma_start3A_176] : memref<10000x128xf32, #tpu.memory_space<hbm>> -> memref<10000x128xf32, #tpu.memory_space<hbm>>
          tpu.enqueue_indirect_dma source(%dma_start3A_177 : memref<10000x128xf32, #tpu.memory_space<hbm>>) target(%dma_start3A_169 : memref<80x128xf32, #tpu.memory_space<vmem>>) offsets(%dma_start3A_170 : memref<80xi32, #tpu.memory_space<vmem>>) semaphore(%arg11 : memref<!tpu.dma_semaphore, #tpu.memory_space<semaphore_mem>>)
        } else {
        }
      }
      %scan3A_51 = arith.constant 64 : i32
      %barrier3A_52 = arith.constant 0 : index
      tpu.barrier barrier_id(%barrier3A_52)
      %lt3A_53 = arith.constant 15 : i32
      %lt3A_54 = arith.cmpi slt, %arg1, %lt3A_53 : i32
      %convert_element_type3A_55 = arith.extui %lt3A_54 : i1 to i32
      %cond3A_56 = arith.constant 0 : i32
      %cond3A_57 = arith.constant 0 : i32
      %cond3A_58 = arith.cmpi ne, %convert_element_type3A_55, %cond3A_57 : i32
      scf.if %cond3A_58 {
        %mul3A_66 = arith.constant 624 : i32
        %mul3A_67 = arith.muli %arg1, %mul3A_66 : i32
        %multiple_of3A = tpu.assume_multiple %mul3A_67, 8 : i32
        "tpu.region"() ({
          %run_scoped3A = tpu.sem_alloc : memref<!tpu.dma_semaphore, #tpu.memory_space<semaphore_mem>>
          %dma_start3A_68 = arith.constant 0 : i32
          %dma_start3A_69 = arith.constant 0 : i32
          %dma_start3A_70 = tpu.memref_slice %arg6[%cond3A_56, %dma_start3A_68, %dma_start3A_69] : memref<2x10000x128xf32, #tpu.memory_space<hbm>> -> memref<1x10000x128xf32, #tpu.memory_space<hbm>>
          %dma_start3A_71 = tpu.memref_squeeze %dma_start3A_70 : memref<1x10000x128xf32, #tpu.memory_space<hbm>> -> memref<10000x128xf32, #tpu.memory_space<hbm>>
          %dma_start3A_72 = arith.constant 0 : i32
          %dma_start3A_73 = tpu.memref_slice %dma_start3A_71[%multiple_of3A, %dma_start3A_72] : memref<10000x128xf32, #tpu.memory_space<hbm>> -> memref<624x128xf32, #tpu.memory_space<hbm>>
          %dma_start3A_74 = arith.constant 0 : i32
          %dma_start3A_75 = tpu.memref_slice %arg14[%multiple_of3A, %dma_start3A_74] : memref<10008x128xf32, #tpu.memory_space<vmem_shared>> -> memref<624x128xf32, #tpu.memory_space<vmem_shared>>
          tpu.enqueue_dma source(%dma_start3A_75 : memref<624x128xf32, #tpu.memory_space<vmem_shared>>) target(%dma_start3A_73 : memref<624x128xf32, #tpu.memory_space<hbm>>) target_semaphore(%run_scoped3A : memref<!tpu.dma_semaphore, #tpu.memory_space<semaphore_mem>>)
          %dma_wait3A = arith.constant 0 : i32
          %dma_wait3A_76 = arith.constant 0 : i32
          %dma_wait3A_77 = tpu.memref_slice %arg6[%cond3A_56, %dma_wait3A, %dma_wait3A_76] : memref<2x10000x128xf32, #tpu.memory_space<hbm>> -> memref<1x10000x128xf32, #tpu.memory_space<hbm>>
          %dma_wait3A_78 = tpu.memref_squeeze %dma_wait3A_77 : memref<1x10000x128xf32, #tpu.memory_space<hbm>> -> memref<10000x128xf32, #tpu.memory_space<hbm>>
          %dma_wait3A_79 = arith.constant 0 : i32
          %dma_wait3A_80 = tpu.memref_slice %dma_wait3A_78[%multiple_of3A, %dma_wait3A_79] : memref<10000x128xf32, #tpu.memory_space<hbm>> -> memref<624x128xf32, #tpu.memory_space<hbm>>
          %dma_wait3A_81 = arith.constant 0 : i32
          %dma_wait3A_82 = tpu.memref_slice %arg14[%multiple_of3A, %dma_wait3A_81] : memref<10008x128xf32, #tpu.memory_space<vmem_shared>> -> memref<624x128xf32, #tpu.memory_space<vmem_shared>>
          tpu.wait_dma2 semaphore(%run_scoped3A : memref<!tpu.dma_semaphore, #tpu.memory_space<semaphore_mem>>) src(%dma_wait3A_82 : memref<624x128xf32, #tpu.memory_space<vmem_shared>>) dst(%dma_wait3A_80 : memref<624x128xf32, #tpu.memory_space<hbm>>)
          tpu.yield
        }) : () -> ()
      } else {
      }
      %eq3A_59 = arith.constant 15 : i32
      %eq3A_60 = arith.cmpi eq, %arg1, %eq3A_59 : i32
      %convert_element_type3A_61 = arith.extui %eq3A_60 : i1 to i32
      %cond3A_62 = arith.constant 0 : i32
      %cond3A_63 = arith.constant 0 : i32
      %cond3A_64 = arith.cmpi ne, %convert_element_type3A_61, %cond3A_63 : i32
      scf.if %cond3A_64 {
        "tpu.region"() ({
          %run_scoped3A = tpu.sem_alloc : memref<!tpu.dma_semaphore, #tpu.memory_space<semaphore_mem>>
          %dma_start3A_66 = arith.constant 0 : i32
          %dma_start3A_67 = arith.constant 0 : i32
          %dma_start3A_68 = tpu.memref_slice %arg6[%cond3A_62, %dma_start3A_66, %dma_start3A_67] : memref<2x10000x128xf32, #tpu.memory_space<hbm>> -> memref<1x10000x128xf32, #tpu.memory_space<hbm>>
          %dma_start3A_69 = tpu.memref_squeeze %dma_start3A_68 : memref<1x10000x128xf32, #tpu.memory_space<hbm>> -> memref<10000x128xf32, #tpu.memory_space<hbm>>
          %dma_start3A_70 = arith.constant 9360 : i32
          %dma_start3A_71 = arith.constant 0 : i32
          %dma_start3A_72 = tpu.memref_slice %dma_start3A_69[%dma_start3A_70, %dma_start3A_71] : memref<10000x128xf32, #tpu.memory_space<hbm>> -> memref<640x128xf32, #tpu.memory_space<hbm>>
          %dma_start3A_73 = arith.constant 9360 : i32
          %dma_start3A_74 = arith.constant 0 : i32
          %dma_start3A_75 = tpu.memref_slice %arg14[%dma_start3A_73, %dma_start3A_74] : memref<10008x128xf32, #tpu.memory_space<vmem_shared>> -> memref<640x128xf32, #tpu.memory_space<vmem_shared>>
          tpu.enqueue_dma source(%dma_start3A_75 : memref<640x128xf32, #tpu.memory_space<vmem_shared>>) target(%dma_start3A_72 : memref<640x128xf32, #tpu.memory_space<hbm>>) target_semaphore(%run_scoped3A : memref<!tpu.dma_semaphore, #tpu.memory_space<semaphore_mem>>)
          %dma_wait3A = arith.constant 0 : i32
          %dma_wait3A_76 = arith.constant 0 : i32
          %dma_wait3A_77 = tpu.memref_slice %arg6[%cond3A_62, %dma_wait3A, %dma_wait3A_76] : memref<2x10000x128xf32, #tpu.memory_space<hbm>> -> memref<1x10000x128xf32, #tpu.memory_space<hbm>>
          %dma_wait3A_78 = tpu.memref_squeeze %dma_wait3A_77 : memref<1x10000x128xf32, #tpu.memory_space<hbm>> -> memref<10000x128xf32, #tpu.memory_space<hbm>>
          %dma_wait3A_79 = arith.constant 9360 : i32
          %dma_wait3A_80 = arith.constant 0 : i32
          %dma_wait3A_81 = tpu.memref_slice %dma_wait3A_78[%dma_wait3A_79, %dma_wait3A_80] : memref<10000x128xf32, #tpu.memory_space<hbm>> -> memref<640x128xf32, #tpu.memory_space<hbm>>
          %dma_wait3A_82 = arith.constant 9360 : i32
          %dma_wait3A_83 = arith.constant 0 : i32
          %dma_wait3A_84 = tpu.memref_slice %arg14[%dma_wait3A_82, %dma_wait3A_83] : memref<10008x128xf32, #tpu.memory_space<vmem_shared>> -> memref<640x128xf32, #tpu.memory_space<vmem_shared>>
          tpu.wait_dma2 semaphore(%run_scoped3A : memref<!tpu.dma_semaphore, #tpu.memory_space<semaphore_mem>>) src(%dma_wait3A_84 : memref<640x128xf32, #tpu.memory_space<vmem_shared>>) dst(%dma_wait3A_81 : memref<640x128xf32, #tpu.memory_space<hbm>>)
          tpu.yield
        }) : () -> ()
      } else {
      }
      %barrier3A_65 = arith.constant 0 : index
      tpu.barrier barrier_id(%barrier3A_65)
    } else {
    }
    %eq3A_3 = arith.constant 1 : i32
    %eq3A_4 = arith.cmpi eq, %arg0, %eq3A_3 : i32
    %convert_element_type3A_5 = arith.extui %eq3A_4 : i1 to i32
    %cond3A_6 = arith.constant 0 : i32
    %cond3A_7 = arith.cmpi ne, %convert_element_type3A_5, %cond3A_6 : i32
    scf.if %cond3A_7 {
      %lt3A = arith.constant 15 : i32
      %lt3A_8 = arith.cmpi slt, %arg1, %lt3A : i32
      %convert_element_type3A_9 = arith.extui %lt3A_8 : i1 to i32
      %cond3A_10 = arith.constant 0 : i32
      %cond3A_11 = arith.cmpi ne, %convert_element_type3A_9, %cond3A_10 : i32
      scf.if %cond3A_11 {
        %mul3A_66 = arith.constant 624 : i32
        %mul3A_67 = arith.muli %arg1, %mul3A_66 : i32
        %multiple_of3A = tpu.assume_multiple %mul3A_67, 8 : i32
        "tpu.region"() ({
          %run_scoped3A = tpu.sem_alloc : memref<!tpu.dma_semaphore, #tpu.memory_space<semaphore_mem>>
          %dma_start3A_68 = arith.constant 0 : i32
          %dma_start3A_69 = tpu.memref_slice %arg14[%multiple_of3A, %dma_start3A_68] : memref<10008x128xf32, #tpu.memory_space<vmem_shared>> -> memref<624x128xf32, #tpu.memory_space<vmem_shared>>
          %dma_start3A_70 = arith.constant 0 : i32
          %dma_start3A_71 = tpu.memref_slice %arg5[%multiple_of3A, %dma_start3A_70] : memref<10000x128xf32, #tpu.memory_space<hbm>> -> memref<624x128xf32, #tpu.memory_space<hbm>>
          tpu.enqueue_dma source(%dma_start3A_71 : memref<624x128xf32, #tpu.memory_space<hbm>>) target(%dma_start3A_69 : memref<624x128xf32, #tpu.memory_space<vmem_shared>>) target_semaphore(%run_scoped3A : memref<!tpu.dma_semaphore, #tpu.memory_space<semaphore_mem>>)
          %dma_wait3A = arith.constant 0 : i32
          %dma_wait3A_72 = tpu.memref_slice %arg14[%multiple_of3A, %dma_wait3A] : memref<10008x128xf32, #tpu.memory_space<vmem_shared>> -> memref<624x128xf32, #tpu.memory_space<vmem_shared>>
          %dma_wait3A_73 = arith.constant 0 : i32
          %dma_wait3A_74 = tpu.memref_slice %arg5[%multiple_of3A, %dma_wait3A_73] : memref<10000x128xf32, #tpu.memory_space<hbm>> -> memref<624x128xf32, #tpu.memory_space<hbm>>
          tpu.wait_dma2 semaphore(%run_scoped3A : memref<!tpu.dma_semaphore, #tpu.memory_space<semaphore_mem>>) src(%dma_wait3A_74 : memref<624x128xf32, #tpu.memory_space<hbm>>) dst(%dma_wait3A_72 : memref<624x128xf32, #tpu.memory_space<vmem_shared>>)
          tpu.yield
        }) : () -> ()
      } else {
      }
      %eq3A_12 = arith.constant 15 : i32
      %eq3A_13 = arith.cmpi eq, %arg1, %eq3A_12 : i32
      %convert_element_type3A_14 = arith.extui %eq3A_13 : i1 to i32
      %cond3A_15 = arith.constant 0 : i32
      %cond3A_16 = arith.cmpi ne, %convert_element_type3A_14, %cond3A_15 : i32
      scf.if %cond3A_16 {
        "tpu.region"() ({
          %run_scoped3A = tpu.sem_alloc : memref<!tpu.dma_semaphore, #tpu.memory_space<semaphore_mem>>
          %dma_start3A_66 = arith.constant 9360 : i32
          %dma_start3A_67 = arith.constant 0 : i32
          %dma_start3A_68 = tpu.memref_slice %arg14[%dma_start3A_66, %dma_start3A_67] : memref<10008x128xf32, #tpu.memory_space<vmem_shared>> -> memref<640x128xf32, #tpu.memory_space<vmem_shared>>
          %dma_start3A_69 = arith.constant 9360 : i32
          %dma_start3A_70 = arith.constant 0 : i32
          %dma_start3A_71 = tpu.memref_slice %arg5[%dma_start3A_69, %dma_start3A_70] : memref<10000x128xf32, #tpu.memory_space<hbm>> -> memref<640x128xf32, #tpu.memory_space<hbm>>
          tpu.enqueue_dma source(%dma_start3A_71 : memref<640x128xf32, #tpu.memory_space<hbm>>) target(%dma_start3A_68 : memref<640x128xf32, #tpu.memory_space<vmem_shared>>) target_semaphore(%run_scoped3A : memref<!tpu.dma_semaphore, #tpu.memory_space<semaphore_mem>>)
          %dma_wait3A = arith.constant 9360 : i32
          %dma_wait3A_72 = arith.constant 0 : i32
          %dma_wait3A_73 = tpu.memref_slice %arg14[%dma_wait3A, %dma_wait3A_72] : memref<10008x128xf32, #tpu.memory_space<vmem_shared>> -> memref<640x128xf32, #tpu.memory_space<vmem_shared>>
          %dma_wait3A_74 = arith.constant 9360 : i32
          %dma_wait3A_75 = arith.constant 0 : i32
          %dma_wait3A_76 = tpu.memref_slice %arg5[%dma_wait3A_74, %dma_wait3A_75] : memref<10000x128xf32, #tpu.memory_space<hbm>> -> memref<640x128xf32, #tpu.memory_space<hbm>>
          tpu.wait_dma2 semaphore(%run_scoped3A : memref<!tpu.dma_semaphore, #tpu.memory_space<semaphore_mem>>) src(%dma_wait3A_76 : memref<640x128xf32, #tpu.memory_space<hbm>>) dst(%dma_wait3A_73 : memref<640x128xf32, #tpu.memory_space<vmem_shared>>)
          tpu.yield
        }) : () -> ()
      } else {
      }
      %barrier3A = arith.constant 0 : index
      tpu.barrier barrier_id(%barrier3A)
      %dma_start3A = arith.constant 1 : i32
      %dma_start3A_17 = arith.constant 0 : i32
      %dma_start3A_18 = arith.constant 0 : i32
      %dma_start3A_19 = arith.constant 0 : i32
      %dma_start3A_20 = tpu.memref_slice %arg9[%dma_start3A_17, %dma_start3A_18, %dma_start3A_19] : memref<2x80x128xf32, #tpu.memory_space<vmem>> -> memref<1x80x128xf32, #tpu.memory_space<vmem>>
      %dma_start3A_21 = tpu.memref_squeeze %dma_start3A_20 : memref<1x80x128xf32, #tpu.memory_space<vmem>> -> memref<80x128xf32, #tpu.memory_space<vmem>>
      %dma_start3A_22 = arith.constant 0 : i32
      %dma_start3A_23 = tpu.memref_slice %arg7[%dma_start3A_22] : memref<10240xi32, #tpu.memory_space<vmem>> -> memref<80xi32, #tpu.memory_space<vmem>>
      %dma_start3A_24 = arith.constant 0 : i32
      %dma_start3A_25 = arith.constant 0 : i32
      %dma_start3A_26 = tpu.memref_slice %arg2[%dma_start3A, %dma_start3A_24, %dma_start3A_25] : memref<2x10000x128xf32, #tpu.memory_space<hbm>> -> memref<1x10000x128xf32, #tpu.memory_space<hbm>>
      %dma_start3A_27 = tpu.memref_squeeze %dma_start3A_26 : memref<1x10000x128xf32, #tpu.memory_space<hbm>> -> memref<10000x128xf32, #tpu.memory_space<hbm>>
      %dma_start3A_28 = arith.constant 0 : i32
      %dma_start3A_29 = arith.constant 0 : i32
      %dma_start3A_30 = tpu.memref_slice %dma_start3A_27[%dma_start3A_28, %dma_start3A_29] : memref<10000x128xf32, #tpu.memory_space<hbm>> -> memref<10000x128xf32, #tpu.memory_space<hbm>>
      tpu.enqueue_indirect_dma source(%dma_start3A_30 : memref<10000x128xf32, #tpu.memory_space<hbm>>) target(%dma_start3A_21 : memref<80x128xf32, #tpu.memory_space<vmem>>) offsets(%dma_start3A_23 : memref<80xi32, #tpu.memory_space<vmem>>) semaphore(%arg10 : memref<!tpu.dma_semaphore, #tpu.memory_space<semaphore_mem>>)
      %dma_start3A_31 = arith.constant 1 : i32
      %dma_start3A_32 = arith.constant 1 : i32
      %dma_start3A_33 = arith.constant 0 : i32
      %dma_start3A_34 = arith.constant 0 : i32
      %dma_start3A_35 = tpu.memref_slice %arg9[%dma_start3A_32, %dma_start3A_33, %dma_start3A_34] : memref<2x80x128xf32, #tpu.memory_space<vmem>> -> memref<1x80x128xf32, #tpu.memory_space<vmem>>
      %dma_start3A_36 = tpu.memref_squeeze %dma_start3A_35 : memref<1x80x128xf32, #tpu.memory_space<vmem>> -> memref<80x128xf32, #tpu.memory_space<vmem>>
      %dma_start3A_37 = arith.constant 80 : i32
      %dma_start3A_38 = tpu.memref_slice %arg7[%dma_start3A_37] : memref<10240xi32, #tpu.memory_space<vmem>> -> memref<80xi32, #tpu.memory_space<vmem>>
      %dma_start3A_39 = arith.constant 0 : i32
      %dma_start3A_40 = arith.constant 0 : i32
      %dma_start3A_41 = tpu.memref_slice %arg2[%dma_start3A_31, %dma_start3A_39, %dma_start3A_40] : memref<2x10000x128xf32, #tpu.memory_space<hbm>> -> memref<1x10000x128xf32, #tpu.memory_space<hbm>>
      %dma_start3A_42 = tpu.memref_squeeze %dma_start3A_41 : memref<1x10000x128xf32, #tpu.memory_space<hbm>> -> memref<10000x128xf32, #tpu.memory_space<hbm>>
      %dma_start3A_43 = arith.constant 0 : i32
      %dma_start3A_44 = arith.constant 0 : i32
      %dma_start3A_45 = tpu.memref_slice %dma_start3A_42[%dma_start3A_43, %dma_start3A_44] : memref<10000x128xf32, #tpu.memory_space<hbm>> -> memref<10000x128xf32, #tpu.memory_space<hbm>>
      tpu.enqueue_indirect_dma source(%dma_start3A_45 : memref<10000x128xf32, #tpu.memory_space<hbm>>) target(%dma_start3A_36 : memref<80x128xf32, #tpu.memory_space<vmem>>) offsets(%dma_start3A_38 : memref<80xi32, #tpu.memory_space<vmem>>) semaphore(%arg11 : memref<!tpu.dma_semaphore, #tpu.memory_space<semaphore_mem>>)
      %scan3A = arith.constant 0 : i32
      %scan3A_46 = arith.constant 1 : i32
      %scan3A_47 = arith.constant 0 : i32
      %scan3A_48 = arith.constant 64 : i32
      %scan3A_49 = arith.addi %scan3A_47, %scan3A_48 : i32
      %scan3A_50 = arith.constant 1 : i32
      scf.for %scan3A_66 = %scan3A_47 to %scan3A_49 step %scan3A_50  : i32 {
        %mul3A_67 = arith.constant 2 : i32
        %mul3A_68 = arith.muli %scan3A_66, %mul3A_67 : i32
        %add3A = arith.constant 0 : i32
        %add3A_69 = arith.addi %mul3A_68, %add3A : i32
        %mul3A_70 = arith.constant 80 : i32
        %mul3A_71 = arith.muli %add3A_69, %mul3A_70 : i32
        %dma_wait3A = arith.constant 0 : i32
        %dma_wait3A_72 = arith.constant 0 : i32
        %dma_wait3A_73 = arith.constant 0 : i32
        %dma_wait3A_74 = tpu.memref_slice %arg9[%dma_wait3A, %dma_wait3A_72, %dma_wait3A_73] : memref<2x80x128xf32, #tpu.memory_space<vmem>> -> memref<1x80x128xf32, #tpu.memory_space<vmem>>
        %dma_wait3A_75 = tpu.memref_squeeze %dma_wait3A_74 : memref<1x80x128xf32, #tpu.memory_space<vmem>> -> memref<80x128xf32, #tpu.memory_space<vmem>>
        %dma_wait3A_76 = tpu.memref_slice %arg7[%mul3A_71] : memref<10240xi32, #tpu.memory_space<vmem>> -> memref<80xi32, #tpu.memory_space<vmem>>
        %dma_wait3A_77 = arith.constant 0 : i32
        %dma_wait3A_78 = arith.constant 0 : i32
        %dma_wait3A_79 = tpu.memref_slice %arg2[%scan3A_46, %dma_wait3A_77, %dma_wait3A_78] : memref<2x10000x128xf32, #tpu.memory_space<hbm>> -> memref<1x10000x128xf32, #tpu.memory_space<hbm>>
        %dma_wait3A_80 = tpu.memref_squeeze %dma_wait3A_79 : memref<1x10000x128xf32, #tpu.memory_space<hbm>> -> memref<10000x128xf32, #tpu.memory_space<hbm>>
        %dma_wait3A_81 = arith.constant 0 : i32
        %dma_wait3A_82 = arith.constant 0 : i32
        %dma_wait3A_83 = tpu.memref_slice %dma_wait3A_80[%dma_wait3A_81, %dma_wait3A_82] : memref<10000x128xf32, #tpu.memory_space<hbm>> -> memref<10000x128xf32, #tpu.memory_space<hbm>>
        tpu.wait_indirect_dma semaphore(%arg10 : memref<!tpu.dma_semaphore, #tpu.memory_space<semaphore_mem>>) src(%dma_wait3A_83 : memref<10000x128xf32, #tpu.memory_space<hbm>>) dst(%dma_wait3A_75 : memref<80x128xf32, #tpu.memory_space<vmem>>)
        %dma_start3A_84 = arith.constant 0 : i32
        %dma_start3A_85 = arith.constant 0 : i32
        %dma_start3A_86 = arith.constant 0 : i32
        %dma_start3A_87 = tpu.memref_slice %arg9[%dma_start3A_84, %dma_start3A_85, %dma_start3A_86] : memref<2x80x128xf32, #tpu.memory_space<vmem>> -> memref<1x80x128xf32, #tpu.memory_space<vmem>>
        %dma_start3A_88 = tpu.memref_squeeze %dma_start3A_87 : memref<1x80x128xf32, #tpu.memory_space<vmem>> -> memref<80x128xf32, #tpu.memory_space<vmem>>
        %dma_start3A_89 = arith.constant 0 : i32
        %dma_start3A_90 = tpu.memref_slice %arg8[%add3A_69, %dma_start3A_89] : memref<128x80xi32, #tpu.memory_space<vmem>> -> memref<1x80xi32, #tpu.memory_space<vmem>>
        %dma_start3A_91 = tpu.memref_squeeze %dma_start3A_90 : memref<1x80xi32, #tpu.memory_space<vmem>> -> memref<80xi32, #tpu.memory_space<vmem>>
        %dma_start3A_92 = arith.constant 0 : i32
        %dma_start3A_93 = arith.constant 0 : i32
        %dma_start3A_94 = tpu.memref_slice %arg14[%dma_start3A_92, %dma_start3A_93] : memref<10008x128xf32, #tpu.memory_space<vmem_shared>> -> memref<10008x128xf32, #tpu.memory_space<vmem_shared>>
        tpu.enqueue_indirect_dma source(%dma_start3A_88 : memref<80x128xf32, #tpu.memory_space<vmem>>) target(%dma_start3A_94 : memref<10008x128xf32, #tpu.memory_space<vmem_shared>>) offsets(%dma_start3A_91 : memref<80xi32, #tpu.memory_space<vmem>>) semaphore(%arg12 : memref<!tpu.dma_semaphore, #tpu.memory_space<semaphore_mem>>) {add = true}
        %dma_wait3A_95 = arith.constant 0 : i32
        %dma_wait3A_96 = arith.constant 0 : i32
        %dma_wait3A_97 = arith.constant 0 : i32
        %dma_wait3A_98 = tpu.memref_slice %arg9[%dma_wait3A_95, %dma_wait3A_96, %dma_wait3A_97] : memref<2x80x128xf32, #tpu.memory_space<vmem>> -> memref<1x80x128xf32, #tpu.memory_space<vmem>>
        %dma_wait3A_99 = tpu.memref_squeeze %dma_wait3A_98 : memref<1x80x128xf32, #tpu.memory_space<vmem>> -> memref<80x128xf32, #tpu.memory_space<vmem>>
        %dma_wait3A_100 = arith.constant 0 : i32
        %dma_wait3A_101 = tpu.memref_slice %arg8[%add3A_69, %dma_wait3A_100] : memref<128x80xi32, #tpu.memory_space<vmem>> -> memref<1x80xi32, #tpu.memory_space<vmem>>
        %dma_wait3A_102 = tpu.memref_squeeze %dma_wait3A_101 : memref<1x80xi32, #tpu.memory_space<vmem>> -> memref<80xi32, #tpu.memory_space<vmem>>
        %dma_wait3A_103 = arith.constant 0 : i32
        %dma_wait3A_104 = arith.constant 0 : i32
        %dma_wait3A_105 = tpu.memref_slice %arg14[%dma_wait3A_103, %dma_wait3A_104] : memref<10008x128xf32, #tpu.memory_space<vmem_shared>> -> memref<10008x128xf32, #tpu.memory_space<vmem_shared>>
        tpu.wait_indirect_dma semaphore(%arg12 : memref<!tpu.dma_semaphore, #tpu.memory_space<semaphore_mem>>) src(%dma_wait3A_99 : memref<80x128xf32, #tpu.memory_space<vmem>>) dst(%dma_wait3A_105 : memref<10008x128xf32, #tpu.memory_space<vmem_shared>>)
        %add3A_106 = arith.constant 2 : i32
        %add3A_107 = arith.addi %add3A_69, %add3A_106 : i32
        %lt3A_108 = arith.constant 128 : i32
        %lt3A_109 = arith.cmpi slt, %add3A_107, %lt3A_108 : i32
        %convert_element_type3A_110 = arith.extui %lt3A_109 : i1 to i32
        %cond3A_111 = arith.constant 0 : i32
        %cond3A_112 = arith.cmpi ne, %convert_element_type3A_110, %cond3A_111 : i32
        scf.if %cond3A_112 {
          %add3A_161 = arith.constant 2 : i32
          %add3A_162 = arith.addi %add3A_69, %add3A_161 : i32
          %mul3A_163 = arith.constant 80 : i32
          %mul3A_164 = arith.muli %add3A_162, %mul3A_163 : i32
          %dma_start3A_165 = arith.constant 0 : i32
          %dma_start3A_166 = arith.constant 0 : i32
          %dma_start3A_167 = arith.constant 0 : i32
          %dma_start3A_168 = tpu.memref_slice %arg9[%dma_start3A_165, %dma_start3A_166, %dma_start3A_167] : memref<2x80x128xf32, #tpu.memory_space<vmem>> -> memref<1x80x128xf32, #tpu.memory_space<vmem>>
          %dma_start3A_169 = tpu.memref_squeeze %dma_start3A_168 : memref<1x80x128xf32, #tpu.memory_space<vmem>> -> memref<80x128xf32, #tpu.memory_space<vmem>>
          %dma_start3A_170 = tpu.memref_slice %arg7[%mul3A_164] : memref<10240xi32, #tpu.memory_space<vmem>> -> memref<80xi32, #tpu.memory_space<vmem>>
          %dma_start3A_171 = arith.constant 0 : i32
          %dma_start3A_172 = arith.constant 0 : i32
          %dma_start3A_173 = tpu.memref_slice %arg2[%scan3A_46, %dma_start3A_171, %dma_start3A_172] : memref<2x10000x128xf32, #tpu.memory_space<hbm>> -> memref<1x10000x128xf32, #tpu.memory_space<hbm>>
          %dma_start3A_174 = tpu.memref_squeeze %dma_start3A_173 : memref<1x10000x128xf32, #tpu.memory_space<hbm>> -> memref<10000x128xf32, #tpu.memory_space<hbm>>
          %dma_start3A_175 = arith.constant 0 : i32
          %dma_start3A_176 = arith.constant 0 : i32
          %dma_start3A_177 = tpu.memref_slice %dma_start3A_174[%dma_start3A_175, %dma_start3A_176] : memref<10000x128xf32, #tpu.memory_space<hbm>> -> memref<10000x128xf32, #tpu.memory_space<hbm>>
          tpu.enqueue_indirect_dma source(%dma_start3A_177 : memref<10000x128xf32, #tpu.memory_space<hbm>>) target(%dma_start3A_169 : memref<80x128xf32, #tpu.memory_space<vmem>>) offsets(%dma_start3A_170 : memref<80xi32, #tpu.memory_space<vmem>>) semaphore(%arg10 : memref<!tpu.dma_semaphore, #tpu.memory_space<semaphore_mem>>)
        } else {
        }
        %mul3A_113 = arith.constant 2 : i32
        %mul3A_114 = arith.muli %scan3A_66, %mul3A_113 : i32
        %add3A_115 = arith.constant 1 : i32
        %add3A_116 = arith.addi %mul3A_114, %add3A_115 : i32
        %mul3A_117 = arith.constant 80 : i32
        %mul3A_118 = arith.muli %add3A_116, %mul3A_117 : i32
        %dma_wait3A_119 = arith.constant 1 : i32
        %dma_wait3A_120 = arith.constant 0 : i32
        %dma_wait3A_121 = arith.constant 0 : i32
        %dma_wait3A_122 = tpu.memref_slice %arg9[%dma_wait3A_119, %dma_wait3A_120, %dma_wait3A_121] : memref<2x80x128xf32, #tpu.memory_space<vmem>> -> memref<1x80x128xf32, #tpu.memory_space<vmem>>
        %dma_wait3A_123 = tpu.memref_squeeze %dma_wait3A_122 : memref<1x80x128xf32, #tpu.memory_space<vmem>> -> memref<80x128xf32, #tpu.memory_space<vmem>>
        %dma_wait3A_124 = tpu.memref_slice %arg7[%mul3A_118] : memref<10240xi32, #tpu.memory_space<vmem>> -> memref<80xi32, #tpu.memory_space<vmem>>
        %dma_wait3A_125 = arith.constant 0 : i32
        %dma_wait3A_126 = arith.constant 0 : i32
        %dma_wait3A_127 = tpu.memref_slice %arg2[%scan3A_46, %dma_wait3A_125, %dma_wait3A_126] : memref<2x10000x128xf32, #tpu.memory_space<hbm>> -> memref<1x10000x128xf32, #tpu.memory_space<hbm>>
        %dma_wait3A_128 = tpu.memref_squeeze %dma_wait3A_127 : memref<1x10000x128xf32, #tpu.memory_space<hbm>> -> memref<10000x128xf32, #tpu.memory_space<hbm>>
        %dma_wait3A_129 = arith.constant 0 : i32
        %dma_wait3A_130 = arith.constant 0 : i32
        %dma_wait3A_131 = tpu.memref_slice %dma_wait3A_128[%dma_wait3A_129, %dma_wait3A_130] : memref<10000x128xf32, #tpu.memory_space<hbm>> -> memref<10000x128xf32, #tpu.memory_space<hbm>>
        tpu.wait_indirect_dma semaphore(%arg11 : memref<!tpu.dma_semaphore, #tpu.memory_space<semaphore_mem>>) src(%dma_wait3A_131 : memref<10000x128xf32, #tpu.memory_space<hbm>>) dst(%dma_wait3A_123 : memref<80x128xf32, #tpu.memory_space<vmem>>)
        %dma_start3A_132 = arith.constant 1 : i32
        %dma_start3A_133 = arith.constant 0 : i32
        %dma_start3A_134 = arith.constant 0 : i32
        %dma_start3A_135 = tpu.memref_slice %arg9[%dma_start3A_132, %dma_start3A_133, %dma_start3A_134] : memref<2x80x128xf32, #tpu.memory_space<vmem>> -> memref<1x80x128xf32, #tpu.memory_space<vmem>>
        %dma_start3A_136 = tpu.memref_squeeze %dma_start3A_135 : memref<1x80x128xf32, #tpu.memory_space<vmem>> -> memref<80x128xf32, #tpu.memory_space<vmem>>
        %dma_start3A_137 = arith.constant 0 : i32
        %dma_start3A_138 = tpu.memref_slice %arg8[%add3A_116, %dma_start3A_137] : memref<128x80xi32, #tpu.memory_space<vmem>> -> memref<1x80xi32, #tpu.memory_space<vmem>>
        %dma_start3A_139 = tpu.memref_squeeze %dma_start3A_138 : memref<1x80xi32, #tpu.memory_space<vmem>> -> memref<80xi32, #tpu.memory_space<vmem>>
        %dma_start3A_140 = arith.constant 0 : i32
        %dma_start3A_141 = arith.constant 0 : i32
        %dma_start3A_142 = tpu.memref_slice %arg14[%dma_start3A_140, %dma_start3A_141] : memref<10008x128xf32, #tpu.memory_space<vmem_shared>> -> memref<10008x128xf32, #tpu.memory_space<vmem_shared>>
        tpu.enqueue_indirect_dma source(%dma_start3A_136 : memref<80x128xf32, #tpu.memory_space<vmem>>) target(%dma_start3A_142 : memref<10008x128xf32, #tpu.memory_space<vmem_shared>>) offsets(%dma_start3A_139 : memref<80xi32, #tpu.memory_space<vmem>>) semaphore(%arg13 : memref<!tpu.dma_semaphore, #tpu.memory_space<semaphore_mem>>) {add = true}
        %dma_wait3A_143 = arith.constant 1 : i32
        %dma_wait3A_144 = arith.constant 0 : i32
        %dma_wait3A_145 = arith.constant 0 : i32
        %dma_wait3A_146 = tpu.memref_slice %arg9[%dma_wait3A_143, %dma_wait3A_144, %dma_wait3A_145] : memref<2x80x128xf32, #tpu.memory_space<vmem>> -> memref<1x80x128xf32, #tpu.memory_space<vmem>>
        %dma_wait3A_147 = tpu.memref_squeeze %dma_wait3A_146 : memref<1x80x128xf32, #tpu.memory_space<vmem>> -> memref<80x128xf32, #tpu.memory_space<vmem>>
        %dma_wait3A_148 = arith.constant 0 : i32
        %dma_wait3A_149 = tpu.memref_slice %arg8[%add3A_116, %dma_wait3A_148] : memref<128x80xi32, #tpu.memory_space<vmem>> -> memref<1x80xi32, #tpu.memory_space<vmem>>
        %dma_wait3A_150 = tpu.memref_squeeze %dma_wait3A_149 : memref<1x80xi32, #tpu.memory_space<vmem>> -> memref<80xi32, #tpu.memory_space<vmem>>
        %dma_wait3A_151 = arith.constant 0 : i32
        %dma_wait3A_152 = arith.constant 0 : i32
        %dma_wait3A_153 = tpu.memref_slice %arg14[%dma_wait3A_151, %dma_wait3A_152] : memref<10008x128xf32, #tpu.memory_space<vmem_shared>> -> memref<10008x128xf32, #tpu.memory_space<vmem_shared>>
        tpu.wait_indirect_dma semaphore(%arg13 : memref<!tpu.dma_semaphore, #tpu.memory_space<semaphore_mem>>) src(%dma_wait3A_147 : memref<80x128xf32, #tpu.memory_space<vmem>>) dst(%dma_wait3A_153 : memref<10008x128xf32, #tpu.memory_space<vmem_shared>>)
        %add3A_154 = arith.constant 2 : i32
        %add3A_155 = arith.addi %add3A_116, %add3A_154 : i32
        %lt3A_156 = arith.constant 128 : i32
        %lt3A_157 = arith.cmpi slt, %add3A_155, %lt3A_156 : i32
        %convert_element_type3A_158 = arith.extui %lt3A_157 : i1 to i32
        %cond3A_159 = arith.constant 0 : i32
        %cond3A_160 = arith.cmpi ne, %convert_element_type3A_158, %cond3A_159 : i32
        scf.if %cond3A_160 {
          %add3A_161 = arith.constant 2 : i32
          %add3A_162 = arith.addi %add3A_116, %add3A_161 : i32
          %mul3A_163 = arith.constant 80 : i32
          %mul3A_164 = arith.muli %add3A_162, %mul3A_163 : i32
          %dma_start3A_165 = arith.constant 1 : i32
          %dma_start3A_166 = arith.constant 0 : i32
          %dma_start3A_167 = arith.constant 0 : i32
          %dma_start3A_168 = tpu.memref_slice %arg9[%dma_start3A_165, %dma_start3A_166, %dma_start3A_167] : memref<2x80x128xf32, #tpu.memory_space<vmem>> -> memref<1x80x128xf32, #tpu.memory_space<vmem>>
          %dma_start3A_169 = tpu.memref_squeeze %dma_start3A_168 : memref<1x80x128xf32, #tpu.memory_space<vmem>> -> memref<80x128xf32, #tpu.memory_space<vmem>>
          %dma_start3A_170 = tpu.memref_slice %arg7[%mul3A_164] : memref<10240xi32, #tpu.memory_space<vmem>> -> memref<80xi32, #tpu.memory_space<vmem>>
          %dma_start3A_171 = arith.constant 0 : i32
          %dma_start3A_172 = arith.constant 0 : i32
          %dma_start3A_173 = tpu.memref_slice %arg2[%scan3A_46, %dma_start3A_171, %dma_start3A_172] : memref<2x10000x128xf32, #tpu.memory_space<hbm>> -> memref<1x10000x128xf32, #tpu.memory_space<hbm>>
          %dma_start3A_174 = tpu.memref_squeeze %dma_start3A_173 : memref<1x10000x128xf32, #tpu.memory_space<hbm>> -> memref<10000x128xf32, #tpu.memory_space<hbm>>
          %dma_start3A_175 = arith.constant 0 : i32
          %dma_start3A_176 = arith.constant 0 : i32
          %dma_start3A_177 = tpu.memref_slice %dma_start3A_174[%dma_start3A_175, %dma_start3A_176] : memref<10000x128xf32, #tpu.memory_space<hbm>> -> memref<10000x128xf32, #tpu.memory_space<hbm>>
          tpu.enqueue_indirect_dma source(%dma_start3A_177 : memref<10000x128xf32, #tpu.memory_space<hbm>>) target(%dma_start3A_169 : memref<80x128xf32, #tpu.memory_space<vmem>>) offsets(%dma_start3A_170 : memref<80xi32, #tpu.memory_space<vmem>>) semaphore(%arg11 : memref<!tpu.dma_semaphore, #tpu.memory_space<semaphore_mem>>)
        } else {
        }
      }
      %scan3A_51 = arith.constant 64 : i32
      %barrier3A_52 = arith.constant 0 : index
      tpu.barrier barrier_id(%barrier3A_52)
      %lt3A_53 = arith.constant 15 : i32
      %lt3A_54 = arith.cmpi slt, %arg1, %lt3A_53 : i32
      %convert_element_type3A_55 = arith.extui %lt3A_54 : i1 to i32
      %cond3A_56 = arith.constant 1 : i32
      %cond3A_57 = arith.constant 0 : i32
      %cond3A_58 = arith.cmpi ne, %convert_element_type3A_55, %cond3A_57 : i32
      scf.if %cond3A_58 {
        %mul3A_66 = arith.constant 624 : i32
        %mul3A_67 = arith.muli %arg1, %mul3A_66 : i32
        %multiple_of3A = tpu.assume_multiple %mul3A_67, 8 : i32
        "tpu.region"() ({
          %run_scoped3A = tpu.sem_alloc : memref<!tpu.dma_semaphore, #tpu.memory_space<semaphore_mem>>
          %dma_start3A_68 = arith.constant 0 : i32
          %dma_start3A_69 = arith.constant 0 : i32
          %dma_start3A_70 = tpu.memref_slice %arg6[%cond3A_56, %dma_start3A_68, %dma_start3A_69] : memref<2x10000x128xf32, #tpu.memory_space<hbm>> -> memref<1x10000x128xf32, #tpu.memory_space<hbm>>
          %dma_start3A_71 = tpu.memref_squeeze %dma_start3A_70 : memref<1x10000x128xf32, #tpu.memory_space<hbm>> -> memref<10000x128xf32, #tpu.memory_space<hbm>>
          %dma_start3A_72 = arith.constant 0 : i32
          %dma_start3A_73 = tpu.memref_slice %dma_start3A_71[%multiple_of3A, %dma_start3A_72] : memref<10000x128xf32, #tpu.memory_space<hbm>> -> memref<624x128xf32, #tpu.memory_space<hbm>>
          %dma_start3A_74 = arith.constant 0 : i32
          %dma_start3A_75 = tpu.memref_slice %arg14[%multiple_of3A, %dma_start3A_74] : memref<10008x128xf32, #tpu.memory_space<vmem_shared>> -> memref<624x128xf32, #tpu.memory_space<vmem_shared>>
          tpu.enqueue_dma source(%dma_start3A_75 : memref<624x128xf32, #tpu.memory_space<vmem_shared>>) target(%dma_start3A_73 : memref<624x128xf32, #tpu.memory_space<hbm>>) target_semaphore(%run_scoped3A : memref<!tpu.dma_semaphore, #tpu.memory_space<semaphore_mem>>)
          %dma_wait3A = arith.constant 0 : i32
          %dma_wait3A_76 = arith.constant 0 : i32
          %dma_wait3A_77 = tpu.memref_slice %arg6[%cond3A_56, %dma_wait3A, %dma_wait3A_76] : memref<2x10000x128xf32, #tpu.memory_space<hbm>> -> memref<1x10000x128xf32, #tpu.memory_space<hbm>>
          %dma_wait3A_78 = tpu.memref_squeeze %dma_wait3A_77 : memref<1x10000x128xf32, #tpu.memory_space<hbm>> -> memref<10000x128xf32, #tpu.memory_space<hbm>>
          %dma_wait3A_79 = arith.constant 0 : i32
          %dma_wait3A_80 = tpu.memref_slice %dma_wait3A_78[%multiple_of3A, %dma_wait3A_79] : memref<10000x128xf32, #tpu.memory_space<hbm>> -> memref<624x128xf32, #tpu.memory_space<hbm>>
          %dma_wait3A_81 = arith.constant 0 : i32
          %dma_wait3A_82 = tpu.memref_slice %arg14[%multiple_of3A, %dma_wait3A_81] : memref<10008x128xf32, #tpu.memory_space<vmem_shared>> -> memref<624x128xf32, #tpu.memory_space<vmem_shared>>
          tpu.wait_dma2 semaphore(%run_scoped3A : memref<!tpu.dma_semaphore, #tpu.memory_space<semaphore_mem>>) src(%dma_wait3A_82 : memref<624x128xf32, #tpu.memory_space<vmem_shared>>) dst(%dma_wait3A_80 : memref<624x128xf32, #tpu.memory_space<hbm>>)
          tpu.yield
        }) : () -> ()
      } else {
      }
      %eq3A_59 = arith.constant 15 : i32
      %eq3A_60 = arith.cmpi eq, %arg1, %eq3A_59 : i32
      %convert_element_type3A_61 = arith.extui %eq3A_60 : i1 to i32
      %cond3A_62 = arith.constant 1 : i32
      %cond3A_63 = arith.constant 0 : i32
      %cond3A_64 = arith.cmpi ne, %convert_element_type3A_61, %cond3A_63 : i32
      scf.if %cond3A_64 {
        "tpu.region"() ({
          %run_scoped3A = tpu.sem_alloc : memref<!tpu.dma_semaphore, #tpu.memory_space<semaphore_mem>>
          %dma_start3A_66 = arith.constant 0 : i32
          %dma_start3A_67 = arith.constant 0 : i32
          %dma_start3A_68 = tpu.memref_slice %arg6[%cond3A_62, %dma_start3A_66, %dma_start3A_67] : memref<2x10000x128xf32, #tpu.memory_space<hbm>> -> memref<1x10000x128xf32, #tpu.memory_space<hbm>>
          %dma_start3A_69 = tpu.memref_squeeze %dma_start3A_68 : memref<1x10000x128xf32, #tpu.memory_space<hbm>> -> memref<10000x128xf32, #tpu.memory_space<hbm>>
          %dma_start3A_70 = arith.constant 9360 : i32
          %dma_start3A_71 = arith.constant 0 : i32
          %dma_start3A_72 = tpu.memref_slice %dma_start3A_69[%dma_start3A_70, %dma_start3A_71] : memref<10000x128xf32, #tpu.memory_space<hbm>> -> memref<640x128xf32, #tpu.memory_space<hbm>>
          %dma_start3A_73 = arith.constant 9360 : i32
          %dma_start3A_74 = arith.constant 0 : i32
          %dma_start3A_75 = tpu.memref_slice %arg14[%dma_start3A_73, %dma_start3A_74] : memref<10008x128xf32, #tpu.memory_space<vmem_shared>> -> memref<640x128xf32, #tpu.memory_space<vmem_shared>>
          tpu.enqueue_dma source(%dma_start3A_75 : memref<640x128xf32, #tpu.memory_space<vmem_shared>>) target(%dma_start3A_72 : memref<640x128xf32, #tpu.memory_space<hbm>>) target_semaphore(%run_scoped3A : memref<!tpu.dma_semaphore, #tpu.memory_space<semaphore_mem>>)
          %dma_wait3A = arith.constant 0 : i32
          %dma_wait3A_76 = arith.constant 0 : i32
          %dma_wait3A_77 = tpu.memref_slice %arg6[%cond3A_62, %dma_wait3A, %dma_wait3A_76] : memref<2x10000x128xf32, #tpu.memory_space<hbm>> -> memref<1x10000x128xf32, #tpu.memory_space<hbm>>
          %dma_wait3A_78 = tpu.memref_squeeze %dma_wait3A_77 : memref<1x10000x128xf32, #tpu.memory_space<hbm>> -> memref<10000x128xf32, #tpu.memory_space<hbm>>
          %dma_wait3A_79 = arith.constant 9360 : i32
          %dma_wait3A_80 = arith.constant 0 : i32
          %dma_wait3A_81 = tpu.memref_slice %dma_wait3A_78[%dma_wait3A_79, %dma_wait3A_80] : memref<10000x128xf32, #tpu.memory_space<hbm>> -> memref<640x128xf32, #tpu.memory_space<hbm>>
          %dma_wait3A_82 = arith.constant 9360 : i32
          %dma_wait3A_83 = arith.constant 0 : i32
          %dma_wait3A_84 = tpu.memref_slice %arg14[%dma_wait3A_82, %dma_wait3A_83] : memref<10008x128xf32, #tpu.memory_space<vmem_shared>> -> memref<640x128xf32, #tpu.memory_space<vmem_shared>>
          tpu.wait_dma2 semaphore(%run_scoped3A : memref<!tpu.dma_semaphore, #tpu.memory_space<semaphore_mem>>) src(%dma_wait3A_84 : memref<640x128xf32, #tpu.memory_space<vmem_shared>>) dst(%dma_wait3A_81 : memref<640x128xf32, #tpu.memory_space<hbm>>)
          tpu.yield
        }) : () -> ()
      } else {
      }
      %barrier3A_65 = arith.constant 0 : index
      tpu.barrier barrier_id(%barrier3A_65)
    } else {
    }
    return
  }
}

#map = affine_map<(d0, d1) -> (0, 0, 0)>
#map1 = affine_map<(d0, d1) -> (0, 0)>
module attributes {stable_mosaic.version = 14 : i64} {
  func.func @_deg_body(%arg0: i32, %arg1: i32, %arg2: memref<32x64x80xi32, #tpu.memory_space<hbm>>, %arg3: memref<10000x16xf32, #tpu.memory_space<hbm>>, %arg4: memref<80x16xf32, #tpu.memory_space<hbm>>, %arg5: memref<2x10000x16xf32, #tpu.memory_space<hbm>>, %arg6: memref<64x80xi32, #tpu.memory_space<vmem>>, %arg7: memref<80x16xf32, #tpu.memory_space<vmem>>, %arg8: memref<10008x16xf32, #tpu.memory_space<vmem_shared>>) attributes {dimension_semantics = [#tpu.dimension_semantics<core_parallel>, #tpu.dimension_semantics<subcore_parallel>], iteration_bounds = array<i64: 2, 16>, scalar_prefetch = 0 : i64, scratch_operands = 3 : i64, tpu.core_type = #tpu.core_type<sc_vector_subcore>, window_params = [{transform_indices = #map}, {transform_indices = #map1}, {transform_indices = #map1}, {transform_indices = #map}]} {
    %lt3A = arith.constant 15 : i32
    %lt3A_0 = arith.cmpi slt, %arg1, %lt3A : i32
    %convert_element_type3A = arith.extui %lt3A_0 : i1 to i32
    %cond3A = arith.constant 0 : i32
    %cond3A_1 = arith.cmpi ne, %convert_element_type3A, %cond3A : i32
    scf.if %cond3A_1 {
      %mul3A = arith.constant 624 : i32
      %mul3A_27 = arith.muli %arg1, %mul3A : i32
      %multiple_of3A = tpu.assume_multiple %mul3A_27, 8 : i32
      "tpu.region"() ({
        %run_scoped3A = tpu.sem_alloc : memref<!tpu.dma_semaphore, #tpu.memory_space<semaphore_mem>>
        %dma_start3A = arith.constant 0 : i32
        %dma_start3A_28 = tpu.memref_slice %arg8[%multiple_of3A, %dma_start3A] : memref<10008x16xf32, #tpu.memory_space<vmem_shared>> -> memref<624x16xf32, #tpu.memory_space<vmem_shared>>
        %dma_start3A_29 = arith.constant 0 : i32
        %dma_start3A_30 = tpu.memref_slice %arg3[%multiple_of3A, %dma_start3A_29] : memref<10000x16xf32, #tpu.memory_space<hbm>> -> memref<624x16xf32, #tpu.memory_space<hbm>>
        tpu.enqueue_dma source(%dma_start3A_30 : memref<624x16xf32, #tpu.memory_space<hbm>>) target(%dma_start3A_28 : memref<624x16xf32, #tpu.memory_space<vmem_shared>>) target_semaphore(%run_scoped3A : memref<!tpu.dma_semaphore, #tpu.memory_space<semaphore_mem>>)
        %dma_wait3A = arith.constant 0 : i32
        %dma_wait3A_31 = tpu.memref_slice %arg8[%multiple_of3A, %dma_wait3A] : memref<10008x16xf32, #tpu.memory_space<vmem_shared>> -> memref<624x16xf32, #tpu.memory_space<vmem_shared>>
        %dma_wait3A_32 = arith.constant 0 : i32
        %dma_wait3A_33 = tpu.memref_slice %arg3[%multiple_of3A, %dma_wait3A_32] : memref<10000x16xf32, #tpu.memory_space<hbm>> -> memref<624x16xf32, #tpu.memory_space<hbm>>
        tpu.wait_dma2 semaphore(%run_scoped3A : memref<!tpu.dma_semaphore, #tpu.memory_space<semaphore_mem>>) src(%dma_wait3A_33 : memref<624x16xf32, #tpu.memory_space<hbm>>) dst(%dma_wait3A_31 : memref<624x16xf32, #tpu.memory_space<vmem_shared>>)
        tpu.yield
      }) : () -> ()
    } else {
    }
    %eq3A = arith.constant 15 : i32
    %eq3A_2 = arith.cmpi eq, %arg1, %eq3A : i32
    %convert_element_type3A_3 = arith.extui %eq3A_2 : i1 to i32
    %cond3A_4 = arith.constant 0 : i32
    %cond3A_5 = arith.cmpi ne, %convert_element_type3A_3, %cond3A_4 : i32
    scf.if %cond3A_5 {
      "tpu.region"() ({
        %run_scoped3A = tpu.sem_alloc : memref<!tpu.dma_semaphore, #tpu.memory_space<semaphore_mem>>
        %dma_start3A = arith.constant 9360 : i32
        %dma_start3A_27 = arith.constant 0 : i32
        %dma_start3A_28 = tpu.memref_slice %arg8[%dma_start3A, %dma_start3A_27] : memref<10008x16xf32, #tpu.memory_space<vmem_shared>> -> memref<640x16xf32, #tpu.memory_space<vmem_shared>>
        %dma_start3A_29 = arith.constant 9360 : i32
        %dma_start3A_30 = arith.constant 0 : i32
        %dma_start3A_31 = tpu.memref_slice %arg3[%dma_start3A_29, %dma_start3A_30] : memref<10000x16xf32, #tpu.memory_space<hbm>> -> memref<640x16xf32, #tpu.memory_space<hbm>>
        tpu.enqueue_dma source(%dma_start3A_31 : memref<640x16xf32, #tpu.memory_space<hbm>>) target(%dma_start3A_28 : memref<640x16xf32, #tpu.memory_space<vmem_shared>>) target_semaphore(%run_scoped3A : memref<!tpu.dma_semaphore, #tpu.memory_space<semaphore_mem>>)
        %dma_wait3A = arith.constant 9360 : i32
        %dma_wait3A_32 = arith.constant 0 : i32
        %dma_wait3A_33 = tpu.memref_slice %arg8[%dma_wait3A, %dma_wait3A_32] : memref<10008x16xf32, #tpu.memory_space<vmem_shared>> -> memref<640x16xf32, #tpu.memory_space<vmem_shared>>
        %dma_wait3A_34 = arith.constant 9360 : i32
        %dma_wait3A_35 = arith.constant 0 : i32
        %dma_wait3A_36 = tpu.memref_slice %arg3[%dma_wait3A_34, %dma_wait3A_35] : memref<10000x16xf32, #tpu.memory_space<hbm>> -> memref<640x16xf32, #tpu.memory_space<hbm>>
        tpu.wait_dma2 semaphore(%run_scoped3A : memref<!tpu.dma_semaphore, #tpu.memory_space<semaphore_mem>>) src(%dma_wait3A_36 : memref<640x16xf32, #tpu.memory_space<hbm>>) dst(%dma_wait3A_33 : memref<640x16xf32, #tpu.memory_space<vmem_shared>>)
        tpu.yield
      }) : () -> ()
    } else {
    }
    "tpu.region"() ({
      %run_scoped3A = tpu.sem_alloc : memref<!tpu.dma_semaphore, #tpu.memory_space<semaphore_mem>>
      tpu.enqueue_dma source(%arg4 : memref<80x16xf32, #tpu.memory_space<hbm>>) target(%arg7 : memref<80x16xf32, #tpu.memory_space<vmem>>) target_semaphore(%run_scoped3A : memref<!tpu.dma_semaphore, #tpu.memory_space<semaphore_mem>>)
      tpu.wait_dma2 semaphore(%run_scoped3A : memref<!tpu.dma_semaphore, #tpu.memory_space<semaphore_mem>>) src(%arg4 : memref<80x16xf32, #tpu.memory_space<hbm>>) dst(%arg7 : memref<80x16xf32, #tpu.memory_space<vmem>>)
      tpu.yield
    }) : () -> ()
    %barrier3A = arith.constant 0 : index
    tpu.barrier barrier_id(%barrier3A)
    %eq3A_6 = arith.constant 0 : i32
    %eq3A_7 = arith.cmpi eq, %arg0, %eq3A_6 : i32
    %convert_element_type3A_8 = arith.extui %eq3A_7 : i1 to i32
    %cond3A_9 = arith.constant 0 : i32
    %cond3A_10 = arith.cmpi ne, %convert_element_type3A_8, %cond3A_9 : i32
    scf.if %cond3A_10 {
      %add3A = arith.constant 0 : i32
      %add3A_27 = arith.addi %add3A, %arg1 : i32
      "tpu.region"() ({
        %run_scoped3A = tpu.sem_alloc : memref<!tpu.dma_semaphore, #tpu.memory_space<semaphore_mem>>
        %dma_start3A = arith.constant 0 : i32
        %dma_start3A_33 = arith.constant 0 : i32
        %dma_start3A_34 = tpu.memref_slice %arg2[%add3A_27, %dma_start3A, %dma_start3A_33] : memref<32x64x80xi32, #tpu.memory_space<hbm>> -> memref<1x64x80xi32, #tpu.memory_space<hbm>>
        %dma_start3A_35 = tpu.memref_squeeze %dma_start3A_34 : memref<1x64x80xi32, #tpu.memory_space<hbm>> -> memref<64x80xi32, #tpu.memory_space<hbm>>
        %dma_start3A_36 = arith.constant 0 : i32
        %dma_start3A_37 = arith.constant 0 : i32
        %dma_start3A_38 = tpu.memref_slice %arg2[%add3A_27, %dma_start3A_36, %dma_start3A_37] : memref<32x64x80xi32, #tpu.memory_space<hbm>> -> memref<1x64x80xi32, #tpu.memory_space<hbm>>
        %dma_start3A_39 = tpu.memref_squeeze %dma_start3A_38 : memref<1x64x80xi32, #tpu.memory_space<hbm>> -> memref<64x80xi32, #tpu.memory_space<hbm>>
        tpu.enqueue_dma source(%dma_start3A_39 : memref<64x80xi32, #tpu.memory_space<hbm>>) target(%arg6 : memref<64x80xi32, #tpu.memory_space<vmem>>) target_semaphore(%run_scoped3A : memref<!tpu.dma_semaphore, #tpu.memory_space<semaphore_mem>>)
        %dma_wait3A = arith.constant 0 : i32
        %dma_wait3A_40 = arith.constant 0 : i32
        %dma_wait3A_41 = tpu.memref_slice %arg2[%add3A_27, %dma_wait3A, %dma_wait3A_40] : memref<32x64x80xi32, #tpu.memory_space<hbm>> -> memref<1x64x80xi32, #tpu.memory_space<hbm>>
        %dma_wait3A_42 = tpu.memref_squeeze %dma_wait3A_41 : memref<1x64x80xi32, #tpu.memory_space<hbm>> -> memref<64x80xi32, #tpu.memory_space<hbm>>
        %dma_wait3A_43 = arith.constant 0 : i32
        %dma_wait3A_44 = arith.constant 0 : i32
        %dma_wait3A_45 = tpu.memref_slice %arg2[%add3A_27, %dma_wait3A_43, %dma_wait3A_44] : memref<32x64x80xi32, #tpu.memory_space<hbm>> -> memref<1x64x80xi32, #tpu.memory_space<hbm>>
        %dma_wait3A_46 = tpu.memref_squeeze %dma_wait3A_45 : memref<1x64x80xi32, #tpu.memory_space<hbm>> -> memref<64x80xi32, #tpu.memory_space<hbm>>
        tpu.wait_dma2 semaphore(%run_scoped3A : memref<!tpu.dma_semaphore, #tpu.memory_space<semaphore_mem>>) src(%dma_wait3A_46 : memref<64x80xi32, #tpu.memory_space<hbm>>) dst(%arg6 : memref<64x80xi32, #tpu.memory_space<vmem>>)
        tpu.yield
      }) : () -> ()
      %scan3A = arith.constant 0 : i32
      %scan3A_28 = arith.constant 0 : i32
      %scan3A_29 = arith.constant 64 : i32
      %scan3A_30 = arith.addi %scan3A_28, %scan3A_29 : i32
      %scan3A_31 = arith.constant 1 : i32
      scf.for %scan3A_33 = %scan3A_28 to %scan3A_30 step %scan3A_31  : i32 {
        "tpu.region"() ({
          %run_scoped3A = tpu.sem_alloc : memref<!tpu.dma_semaphore, #tpu.memory_space<semaphore_mem>>
          %dma_start3A = arith.constant 0 : i32
          %dma_start3A_34 = tpu.memref_slice %arg6[%scan3A_33, %dma_start3A] : memref<64x80xi32, #tpu.memory_space<vmem>> -> memref<1x80xi32, #tpu.memory_space<vmem>>
          %dma_start3A_35 = tpu.memref_squeeze %dma_start3A_34 : memref<1x80xi32, #tpu.memory_space<vmem>> -> memref<80xi32, #tpu.memory_space<vmem>>
          %dma_start3A_36 = arith.constant 0 : i32
          %dma_start3A_37 = arith.constant 0 : i32
          %dma_start3A_38 = tpu.memref_slice %arg8[%dma_start3A_36, %dma_start3A_37] : memref<10008x16xf32, #tpu.memory_space<vmem_shared>> -> memref<10008x16xf32, #tpu.memory_space<vmem_shared>>
          tpu.enqueue_indirect_dma source(%arg7 : memref<80x16xf32, #tpu.memory_space<vmem>>) target(%dma_start3A_38 : memref<10008x16xf32, #tpu.memory_space<vmem_shared>>) offsets(%dma_start3A_35 : memref<80xi32, #tpu.memory_space<vmem>>) semaphore(%run_scoped3A : memref<!tpu.dma_semaphore, #tpu.memory_space<semaphore_mem>>) {add = true}
          %dma_wait3A = arith.constant 0 : i32
          %dma_wait3A_39 = tpu.memref_slice %arg6[%scan3A_33, %dma_wait3A] : memref<64x80xi32, #tpu.memory_space<vmem>> -> memref<1x80xi32, #tpu.memory_space<vmem>>
          %dma_wait3A_40 = tpu.memref_squeeze %dma_wait3A_39 : memref<1x80xi32, #tpu.memory_space<vmem>> -> memref<80xi32, #tpu.memory_space<vmem>>
          %dma_wait3A_41 = arith.constant 0 : i32
          %dma_wait3A_42 = arith.constant 0 : i32
          %dma_wait3A_43 = tpu.memref_slice %arg8[%dma_wait3A_41, %dma_wait3A_42] : memref<10008x16xf32, #tpu.memory_space<vmem_shared>> -> memref<10008x16xf32, #tpu.memory_space<vmem_shared>>
          tpu.wait_indirect_dma semaphore(%run_scoped3A : memref<!tpu.dma_semaphore, #tpu.memory_space<semaphore_mem>>) src(%arg7 : memref<80x16xf32, #tpu.memory_space<vmem>>) dst(%dma_wait3A_43 : memref<10008x16xf32, #tpu.memory_space<vmem_shared>>)
          tpu.yield
        }) : () -> ()
      }
      %scan3A_32 = arith.constant 64 : i32
    } else {
    }
    %eq3A_11 = arith.constant 1 : i32
    %eq3A_12 = arith.cmpi eq, %arg0, %eq3A_11 : i32
    %convert_element_type3A_13 = arith.extui %eq3A_12 : i1 to i32
    %cond3A_14 = arith.constant 0 : i32
    %cond3A_15 = arith.cmpi ne, %convert_element_type3A_13, %cond3A_14 : i32
    scf.if %cond3A_15 {
      %add3A = arith.constant 16 : i32
      %add3A_27 = arith.addi %add3A, %arg1 : i32
      "tpu.region"() ({
        %run_scoped3A = tpu.sem_alloc : memref<!tpu.dma_semaphore, #tpu.memory_space<semaphore_mem>>
        %dma_start3A = arith.constant 0 : i32
        %dma_start3A_33 = arith.constant 0 : i32
        %dma_start3A_34 = tpu.memref_slice %arg2[%add3A_27, %dma_start3A, %dma_start3A_33] : memref<32x64x80xi32, #tpu.memory_space<hbm>> -> memref<1x64x80xi32, #tpu.memory_space<hbm>>
        %dma_start3A_35 = tpu.memref_squeeze %dma_start3A_34 : memref<1x64x80xi32, #tpu.memory_space<hbm>> -> memref<64x80xi32, #tpu.memory_space<hbm>>
        %dma_start3A_36 = arith.constant 0 : i32
        %dma_start3A_37 = arith.constant 0 : i32
        %dma_start3A_38 = tpu.memref_slice %arg2[%add3A_27, %dma_start3A_36, %dma_start3A_37] : memref<32x64x80xi32, #tpu.memory_space<hbm>> -> memref<1x64x80xi32, #tpu.memory_space<hbm>>
        %dma_start3A_39 = tpu.memref_squeeze %dma_start3A_38 : memref<1x64x80xi32, #tpu.memory_space<hbm>> -> memref<64x80xi32, #tpu.memory_space<hbm>>
        tpu.enqueue_dma source(%dma_start3A_39 : memref<64x80xi32, #tpu.memory_space<hbm>>) target(%arg6 : memref<64x80xi32, #tpu.memory_space<vmem>>) target_semaphore(%run_scoped3A : memref<!tpu.dma_semaphore, #tpu.memory_space<semaphore_mem>>)
        %dma_wait3A = arith.constant 0 : i32
        %dma_wait3A_40 = arith.constant 0 : i32
        %dma_wait3A_41 = tpu.memref_slice %arg2[%add3A_27, %dma_wait3A, %dma_wait3A_40] : memref<32x64x80xi32, #tpu.memory_space<hbm>> -> memref<1x64x80xi32, #tpu.memory_space<hbm>>
        %dma_wait3A_42 = tpu.memref_squeeze %dma_wait3A_41 : memref<1x64x80xi32, #tpu.memory_space<hbm>> -> memref<64x80xi32, #tpu.memory_space<hbm>>
        %dma_wait3A_43 = arith.constant 0 : i32
        %dma_wait3A_44 = arith.constant 0 : i32
        %dma_wait3A_45 = tpu.memref_slice %arg2[%add3A_27, %dma_wait3A_43, %dma_wait3A_44] : memref<32x64x80xi32, #tpu.memory_space<hbm>> -> memref<1x64x80xi32, #tpu.memory_space<hbm>>
        %dma_wait3A_46 = tpu.memref_squeeze %dma_wait3A_45 : memref<1x64x80xi32, #tpu.memory_space<hbm>> -> memref<64x80xi32, #tpu.memory_space<hbm>>
        tpu.wait_dma2 semaphore(%run_scoped3A : memref<!tpu.dma_semaphore, #tpu.memory_space<semaphore_mem>>) src(%dma_wait3A_46 : memref<64x80xi32, #tpu.memory_space<hbm>>) dst(%arg6 : memref<64x80xi32, #tpu.memory_space<vmem>>)
        tpu.yield
      }) : () -> ()
      %scan3A = arith.constant 0 : i32
      %scan3A_28 = arith.constant 0 : i32
      %scan3A_29 = arith.constant 64 : i32
      %scan3A_30 = arith.addi %scan3A_28, %scan3A_29 : i32
      %scan3A_31 = arith.constant 1 : i32
      scf.for %scan3A_33 = %scan3A_28 to %scan3A_30 step %scan3A_31  : i32 {
        "tpu.region"() ({
          %run_scoped3A = tpu.sem_alloc : memref<!tpu.dma_semaphore, #tpu.memory_space<semaphore_mem>>
          %dma_start3A = arith.constant 0 : i32
          %dma_start3A_34 = tpu.memref_slice %arg6[%scan3A_33, %dma_start3A] : memref<64x80xi32, #tpu.memory_space<vmem>> -> memref<1x80xi32, #tpu.memory_space<vmem>>
          %dma_start3A_35 = tpu.memref_squeeze %dma_start3A_34 : memref<1x80xi32, #tpu.memory_space<vmem>> -> memref<80xi32, #tpu.memory_space<vmem>>
          %dma_start3A_36 = arith.constant 0 : i32
          %dma_start3A_37 = arith.constant 0 : i32
          %dma_start3A_38 = tpu.memref_slice %arg8[%dma_start3A_36, %dma_start3A_37] : memref<10008x16xf32, #tpu.memory_space<vmem_shared>> -> memref<10008x16xf32, #tpu.memory_space<vmem_shared>>
          tpu.enqueue_indirect_dma source(%arg7 : memref<80x16xf32, #tpu.memory_space<vmem>>) target(%dma_start3A_38 : memref<10008x16xf32, #tpu.memory_space<vmem_shared>>) offsets(%dma_start3A_35 : memref<80xi32, #tpu.memory_space<vmem>>) semaphore(%run_scoped3A : memref<!tpu.dma_semaphore, #tpu.memory_space<semaphore_mem>>) {add = true}
          %dma_wait3A = arith.constant 0 : i32
          %dma_wait3A_39 = tpu.memref_slice %arg6[%scan3A_33, %dma_wait3A] : memref<64x80xi32, #tpu.memory_space<vmem>> -> memref<1x80xi32, #tpu.memory_space<vmem>>
          %dma_wait3A_40 = tpu.memref_squeeze %dma_wait3A_39 : memref<1x80xi32, #tpu.memory_space<vmem>> -> memref<80xi32, #tpu.memory_space<vmem>>
          %dma_wait3A_41 = arith.constant 0 : i32
          %dma_wait3A_42 = arith.constant 0 : i32
          %dma_wait3A_43 = tpu.memref_slice %arg8[%dma_wait3A_41, %dma_wait3A_42] : memref<10008x16xf32, #tpu.memory_space<vmem_shared>> -> memref<10008x16xf32, #tpu.memory_space<vmem_shared>>
          tpu.wait_indirect_dma semaphore(%run_scoped3A : memref<!tpu.dma_semaphore, #tpu.memory_space<semaphore_mem>>) src(%arg7 : memref<80x16xf32, #tpu.memory_space<vmem>>) dst(%dma_wait3A_43 : memref<10008x16xf32, #tpu.memory_space<vmem_shared>>)
          tpu.yield
        }) : () -> ()
      }
      %scan3A_32 = arith.constant 64 : i32
    } else {
    }
    %barrier3A_16 = arith.constant 0 : index
    tpu.barrier barrier_id(%barrier3A_16)
    %eq3A_17 = arith.constant 0 : i32
    %eq3A_18 = arith.cmpi eq, %arg0, %eq3A_17 : i32
    %convert_element_type3A_19 = arith.extui %eq3A_18 : i1 to i32
    %cond3A_20 = arith.constant 0 : i32
    %cond3A_21 = arith.cmpi ne, %convert_element_type3A_19, %cond3A_20 : i32
    scf.if %cond3A_21 {
      %lt3A_27 = arith.constant 15 : i32
      %lt3A_28 = arith.cmpi slt, %arg1, %lt3A_27 : i32
      %convert_element_type3A_29 = arith.extui %lt3A_28 : i1 to i32
      %cond3A_30 = arith.constant 0 : i32
      %cond3A_31 = arith.cmpi ne, %convert_element_type3A_29, %cond3A_30 : i32
      scf.if %cond3A_31 {
        %mul3A = arith.constant 624 : i32
        %mul3A_37 = arith.muli %arg1, %mul3A : i32
        %multiple_of3A = tpu.assume_multiple %mul3A_37, 8 : i32
        %run_scoped3A = arith.constant 0 : i32
        "tpu.region"() ({
          %run_scoped3A_38 = tpu.sem_alloc : memref<!tpu.dma_semaphore, #tpu.memory_space<semaphore_mem>>
          %dma_start3A = arith.constant 0 : i32
          %dma_start3A_39 = arith.constant 0 : i32
          %dma_start3A_40 = tpu.memref_slice %arg5[%run_scoped3A, %dma_start3A, %dma_start3A_39] : memref<2x10000x16xf32, #tpu.memory_space<hbm>> -> memref<1x10000x16xf32, #tpu.memory_space<hbm>>
          %dma_start3A_41 = tpu.memref_squeeze %dma_start3A_40 : memref<1x10000x16xf32, #tpu.memory_space<hbm>> -> memref<10000x16xf32, #tpu.memory_space<hbm>>
          %dma_start3A_42 = arith.constant 0 : i32
          %dma_start3A_43 = tpu.memref_slice %dma_start3A_41[%multiple_of3A, %dma_start3A_42] : memref<10000x16xf32, #tpu.memory_space<hbm>> -> memref<624x16xf32, #tpu.memory_space<hbm>>
          %dma_start3A_44 = arith.constant 0 : i32
          %dma_start3A_45 = tpu.memref_slice %arg8[%multiple_of3A, %dma_start3A_44] : memref<10008x16xf32, #tpu.memory_space<vmem_shared>> -> memref<624x16xf32, #tpu.memory_space<vmem_shared>>
          tpu.enqueue_dma source(%dma_start3A_45 : memref<624x16xf32, #tpu.memory_space<vmem_shared>>) target(%dma_start3A_43 : memref<624x16xf32, #tpu.memory_space<hbm>>) target_semaphore(%run_scoped3A_38 : memref<!tpu.dma_semaphore, #tpu.memory_space<semaphore_mem>>)
          %dma_wait3A = arith.constant 0 : i32
          %dma_wait3A_46 = arith.constant 0 : i32
          %dma_wait3A_47 = tpu.memref_slice %arg5[%run_scoped3A, %dma_wait3A, %dma_wait3A_46] : memref<2x10000x16xf32, #tpu.memory_space<hbm>> -> memref<1x10000x16xf32, #tpu.memory_space<hbm>>
          %dma_wait3A_48 = tpu.memref_squeeze %dma_wait3A_47 : memref<1x10000x16xf32, #tpu.memory_space<hbm>> -> memref<10000x16xf32, #tpu.memory_space<hbm>>
          %dma_wait3A_49 = arith.constant 0 : i32
          %dma_wait3A_50 = tpu.memref_slice %dma_wait3A_48[%multiple_of3A, %dma_wait3A_49] : memref<10000x16xf32, #tpu.memory_space<hbm>> -> memref<624x16xf32, #tpu.memory_space<hbm>>
          %dma_wait3A_51 = arith.constant 0 : i32
          %dma_wait3A_52 = tpu.memref_slice %arg8[%multiple_of3A, %dma_wait3A_51] : memref<10008x16xf32, #tpu.memory_space<vmem_shared>> -> memref<624x16xf32, #tpu.memory_space<vmem_shared>>
          tpu.wait_dma2 semaphore(%run_scoped3A_38 : memref<!tpu.dma_semaphore, #tpu.memory_space<semaphore_mem>>) src(%dma_wait3A_52 : memref<624x16xf32, #tpu.memory_space<vmem_shared>>) dst(%dma_wait3A_50 : memref<624x16xf32, #tpu.memory_space<hbm>>)
          tpu.yield
        }) : () -> ()
      } else {
      }
      %eq3A_32 = arith.constant 15 : i32
      %eq3A_33 = arith.cmpi eq, %arg1, %eq3A_32 : i32
      %convert_element_type3A_34 = arith.extui %eq3A_33 : i1 to i32
      %cond3A_35 = arith.constant 0 : i32
      %cond3A_36 = arith.cmpi ne, %convert_element_type3A_34, %cond3A_35 : i32
      scf.if %cond3A_36 {
        %run_scoped3A = arith.constant 0 : i32
        "tpu.region"() ({
          %run_scoped3A_37 = tpu.sem_alloc : memref<!tpu.dma_semaphore, #tpu.memory_space<semaphore_mem>>
          %dma_start3A = arith.constant 0 : i32
          %dma_start3A_38 = arith.constant 0 : i32
          %dma_start3A_39 = tpu.memref_slice %arg5[%run_scoped3A, %dma_start3A, %dma_start3A_38] : memref<2x10000x16xf32, #tpu.memory_space<hbm>> -> memref<1x10000x16xf32, #tpu.memory_space<hbm>>
          %dma_start3A_40 = tpu.memref_squeeze %dma_start3A_39 : memref<1x10000x16xf32, #tpu.memory_space<hbm>> -> memref<10000x16xf32, #tpu.memory_space<hbm>>
          %dma_start3A_41 = arith.constant 9360 : i32
          %dma_start3A_42 = arith.constant 0 : i32
          %dma_start3A_43 = tpu.memref_slice %dma_start3A_40[%dma_start3A_41, %dma_start3A_42] : memref<10000x16xf32, #tpu.memory_space<hbm>> -> memref<640x16xf32, #tpu.memory_space<hbm>>
          %dma_start3A_44 = arith.constant 9360 : i32
          %dma_start3A_45 = arith.constant 0 : i32
          %dma_start3A_46 = tpu.memref_slice %arg8[%dma_start3A_44, %dma_start3A_45] : memref<10008x16xf32, #tpu.memory_space<vmem_shared>> -> memref<640x16xf32, #tpu.memory_space<vmem_shared>>
          tpu.enqueue_dma source(%dma_start3A_46 : memref<640x16xf32, #tpu.memory_space<vmem_shared>>) target(%dma_start3A_43 : memref<640x16xf32, #tpu.memory_space<hbm>>) target_semaphore(%run_scoped3A_37 : memref<!tpu.dma_semaphore, #tpu.memory_space<semaphore_mem>>)
          %dma_wait3A = arith.constant 0 : i32
          %dma_wait3A_47 = arith.constant 0 : i32
          %dma_wait3A_48 = tpu.memref_slice %arg5[%run_scoped3A, %dma_wait3A, %dma_wait3A_47] : memref<2x10000x16xf32, #tpu.memory_space<hbm>> -> memref<1x10000x16xf32, #tpu.memory_space<hbm>>
          %dma_wait3A_49 = tpu.memref_squeeze %dma_wait3A_48 : memref<1x10000x16xf32, #tpu.memory_space<hbm>> -> memref<10000x16xf32, #tpu.memory_space<hbm>>
          %dma_wait3A_50 = arith.constant 9360 : i32
          %dma_wait3A_51 = arith.constant 0 : i32
          %dma_wait3A_52 = tpu.memref_slice %dma_wait3A_49[%dma_wait3A_50, %dma_wait3A_51] : memref<10000x16xf32, #tpu.memory_space<hbm>> -> memref<640x16xf32, #tpu.memory_space<hbm>>
          %dma_wait3A_53 = arith.constant 9360 : i32
          %dma_wait3A_54 = arith.constant 0 : i32
          %dma_wait3A_55 = tpu.memref_slice %arg8[%dma_wait3A_53, %dma_wait3A_54] : memref<10008x16xf32, #tpu.memory_space<vmem_shared>> -> memref<640x16xf32, #tpu.memory_space<vmem_shared>>
          tpu.wait_dma2 semaphore(%run_scoped3A_37 : memref<!tpu.dma_semaphore, #tpu.memory_space<semaphore_mem>>) src(%dma_wait3A_55 : memref<640x16xf32, #tpu.memory_space<vmem_shared>>) dst(%dma_wait3A_52 : memref<640x16xf32, #tpu.memory_space<hbm>>)
          tpu.yield
        }) : () -> ()
      } else {
      }
    } else {
    }
    %eq3A_22 = arith.constant 1 : i32
    %eq3A_23 = arith.cmpi eq, %arg0, %eq3A_22 : i32
    %convert_element_type3A_24 = arith.extui %eq3A_23 : i1 to i32
    %cond3A_25 = arith.constant 0 : i32
    %cond3A_26 = arith.cmpi ne, %convert_element_type3A_24, %cond3A_25 : i32
    scf.if %cond3A_26 {
      %lt3A_27 = arith.constant 15 : i32
      %lt3A_28 = arith.cmpi slt, %arg1, %lt3A_27 : i32
      %convert_element_type3A_29 = arith.extui %lt3A_28 : i1 to i32
      %cond3A_30 = arith.constant 0 : i32
      %cond3A_31 = arith.cmpi ne, %convert_element_type3A_29, %cond3A_30 : i32
      scf.if %cond3A_31 {
        %mul3A = arith.constant 624 : i32
        %mul3A_37 = arith.muli %arg1, %mul3A : i32
        %multiple_of3A = tpu.assume_multiple %mul3A_37, 8 : i32
        %run_scoped3A = arith.constant 1 : i32
        "tpu.region"() ({
          %run_scoped3A_38 = tpu.sem_alloc : memref<!tpu.dma_semaphore, #tpu.memory_space<semaphore_mem>>
          %dma_start3A = arith.constant 0 : i32
          %dma_start3A_39 = arith.constant 0 : i32
          %dma_start3A_40 = tpu.memref_slice %arg5[%run_scoped3A, %dma_start3A, %dma_start3A_39] : memref<2x10000x16xf32, #tpu.memory_space<hbm>> -> memref<1x10000x16xf32, #tpu.memory_space<hbm>>
          %dma_start3A_41 = tpu.memref_squeeze %dma_start3A_40 : memref<1x10000x16xf32, #tpu.memory_space<hbm>> -> memref<10000x16xf32, #tpu.memory_space<hbm>>
          %dma_start3A_42 = arith.constant 0 : i32
          %dma_start3A_43 = tpu.memref_slice %dma_start3A_41[%multiple_of3A, %dma_start3A_42] : memref<10000x16xf32, #tpu.memory_space<hbm>> -> memref<624x16xf32, #tpu.memory_space<hbm>>
          %dma_start3A_44 = arith.constant 0 : i32
          %dma_start3A_45 = tpu.memref_slice %arg8[%multiple_of3A, %dma_start3A_44] : memref<10008x16xf32, #tpu.memory_space<vmem_shared>> -> memref<624x16xf32, #tpu.memory_space<vmem_shared>>
          tpu.enqueue_dma source(%dma_start3A_45 : memref<624x16xf32, #tpu.memory_space<vmem_shared>>) target(%dma_start3A_43 : memref<624x16xf32, #tpu.memory_space<hbm>>) target_semaphore(%run_scoped3A_38 : memref<!tpu.dma_semaphore, #tpu.memory_space<semaphore_mem>>)
          %dma_wait3A = arith.constant 0 : i32
          %dma_wait3A_46 = arith.constant 0 : i32
          %dma_wait3A_47 = tpu.memref_slice %arg5[%run_scoped3A, %dma_wait3A, %dma_wait3A_46] : memref<2x10000x16xf32, #tpu.memory_space<hbm>> -> memref<1x10000x16xf32, #tpu.memory_space<hbm>>
          %dma_wait3A_48 = tpu.memref_squeeze %dma_wait3A_47 : memref<1x10000x16xf32, #tpu.memory_space<hbm>> -> memref<10000x16xf32, #tpu.memory_space<hbm>>
          %dma_wait3A_49 = arith.constant 0 : i32
          %dma_wait3A_50 = tpu.memref_slice %dma_wait3A_48[%multiple_of3A, %dma_wait3A_49] : memref<10000x16xf32, #tpu.memory_space<hbm>> -> memref<624x16xf32, #tpu.memory_space<hbm>>
          %dma_wait3A_51 = arith.constant 0 : i32
          %dma_wait3A_52 = tpu.memref_slice %arg8[%multiple_of3A, %dma_wait3A_51] : memref<10008x16xf32, #tpu.memory_space<vmem_shared>> -> memref<624x16xf32, #tpu.memory_space<vmem_shared>>
          tpu.wait_dma2 semaphore(%run_scoped3A_38 : memref<!tpu.dma_semaphore, #tpu.memory_space<semaphore_mem>>) src(%dma_wait3A_52 : memref<624x16xf32, #tpu.memory_space<vmem_shared>>) dst(%dma_wait3A_50 : memref<624x16xf32, #tpu.memory_space<hbm>>)
          tpu.yield
        }) : () -> ()
      } else {
      }
      %eq3A_32 = arith.constant 15 : i32
      %eq3A_33 = arith.cmpi eq, %arg1, %eq3A_32 : i32
      %convert_element_type3A_34 = arith.extui %eq3A_33 : i1 to i32
      %cond3A_35 = arith.constant 0 : i32
      %cond3A_36 = arith.cmpi ne, %convert_element_type3A_34, %cond3A_35 : i32
      scf.if %cond3A_36 {
        %run_scoped3A = arith.constant 1 : i32
        "tpu.region"() ({
          %run_scoped3A_37 = tpu.sem_alloc : memref<!tpu.dma_semaphore, #tpu.memory_space<semaphore_mem>>
          %dma_start3A = arith.constant 0 : i32
          %dma_start3A_38 = arith.constant 0 : i32
          %dma_start3A_39 = tpu.memref_slice %arg5[%run_scoped3A, %dma_start3A, %dma_start3A_38] : memref<2x10000x16xf32, #tpu.memory_space<hbm>> -> memref<1x10000x16xf32, #tpu.memory_space<hbm>>
          %dma_start3A_40 = tpu.memref_squeeze %dma_start3A_39 : memref<1x10000x16xf32, #tpu.memory_space<hbm>> -> memref<10000x16xf32, #tpu.memory_space<hbm>>
          %dma_start3A_41 = arith.constant 9360 : i32
          %dma_start3A_42 = arith.constant 0 : i32
          %dma_start3A_43 = tpu.memref_slice %dma_start3A_40[%dma_start3A_41, %dma_start3A_42] : memref<10000x16xf32, #tpu.memory_space<hbm>> -> memref<640x16xf32, #tpu.memory_space<hbm>>
          %dma_start3A_44 = arith.constant 9360 : i32
          %dma_start3A_45 = arith.constant 0 : i32
          %dma_start3A_46 = tpu.memref_slice %arg8[%dma_start3A_44, %dma_start3A_45] : memref<10008x16xf32, #tpu.memory_space<vmem_shared>> -> memref<640x16xf32, #tpu.memory_space<vmem_shared>>
          tpu.enqueue_dma source(%dma_start3A_46 : memref<640x16xf32, #tpu.memory_space<vmem_shared>>) target(%dma_start3A_43 : memref<640x16xf32, #tpu.memory_space<hbm>>) target_semaphore(%run_scoped3A_37 : memref<!tpu.dma_semaphore, #tpu.memory_space<semaphore_mem>>)
          %dma_wait3A = arith.constant 0 : i32
          %dma_wait3A_47 = arith.constant 0 : i32
          %dma_wait3A_48 = tpu.memref_slice %arg5[%run_scoped3A, %dma_wait3A, %dma_wait3A_47] : memref<2x10000x16xf32, #tpu.memory_space<hbm>> -> memref<1x10000x16xf32, #tpu.memory_space<hbm>>
          %dma_wait3A_49 = tpu.memref_squeeze %dma_wait3A_48 : memref<1x10000x16xf32, #tpu.memory_space<hbm>> -> memref<10000x16xf32, #tpu.memory_space<hbm>>
          %dma_wait3A_50 = arith.constant 9360 : i32
          %dma_wait3A_51 = arith.constant 0 : i32
          %dma_wait3A_52 = tpu.memref_slice %dma_wait3A_49[%dma_wait3A_50, %dma_wait3A_51] : memref<10000x16xf32, #tpu.memory_space<hbm>> -> memref<640x16xf32, #tpu.memory_space<hbm>>
          %dma_wait3A_53 = arith.constant 9360 : i32
          %dma_wait3A_54 = arith.constant 0 : i32
          %dma_wait3A_55 = tpu.memref_slice %arg8[%dma_wait3A_53, %dma_wait3A_54] : memref<10008x16xf32, #tpu.memory_space<vmem_shared>> -> memref<640x16xf32, #tpu.memory_space<vmem_shared>>
          tpu.wait_dma2 semaphore(%run_scoped3A_37 : memref<!tpu.dma_semaphore, #tpu.memory_space<semaphore_mem>>) src(%dma_wait3A_55 : memref<640x16xf32, #tpu.memory_space<vmem_shared>>) dst(%dma_wait3A_52 : memref<640x16xf32, #tpu.memory_space<hbm>>)
          tpu.yield
        }) : () -> ()
      } else {
      }
    } else {
    }
    return
  }
}

#map = affine_map<(d0, d1) -> (0, 0, 0)>
#map1 = affine_map<(d0, d1) -> (0)>
#map2 = affine_map<(d0, d1) -> (0, 0)>
module attributes {stable_mosaic.version = 14 : i64} {
  func.func @_agg_body(%arg0: i32, %arg1: i32, %arg2: memref<4x10000x128xf32, #tpu.memory_space<hbm>>, %arg3: memref<163840xi32, #tpu.memory_space<hbm>>, %arg4: memref<16x128x80xi32, #tpu.memory_space<hbm>>, %arg5: memref<10000x128xf32, #tpu.memory_space<hbm>>, %arg6: memref<4x10000x128xf32, #tpu.memory_space<hbm>>, %arg7: memref<10240xi32, #tpu.memory_space<vmem>>, %arg8: memref<128x80xi32, #tpu.memory_space<vmem>>, %arg9: memref<2x80x128xf32, #tpu.memory_space<vmem>>, %arg10: memref<!tpu.dma_semaphore, #tpu.memory_space<semaphore_mem>>, %arg11: memref<!tpu.dma_semaphore, #tpu.memory_space<semaphore_mem>>, %arg12: memref<!tpu.dma_semaphore, #tpu.memory_space<semaphore_mem>>, %arg13: memref<!tpu.dma_semaphore, #tpu.memory_space<semaphore_mem>>, %arg14: memref<10008x128xf32, #tpu.memory_space<vmem_shared>>) attributes {dimension_semantics = [#tpu.dimension_semantics<core_parallel>, #tpu.dimension_semantics<subcore_parallel>], iteration_bounds = array<i64: 2, 16>, scalar_prefetch = 0 : i64, scratch_operands = 8 : i64, tpu.core_type = #tpu.core_type<sc_vector_subcore>, window_params = [{transform_indices = #map}, {transform_indices = #map1}, {transform_indices = #map}, {transform_indices = #map2}, {transform_indices = #map}]} {
    %mul3A = arith.constant 10240 : i32
    %mul3A_0 = arith.muli %arg1, %mul3A : i32
    "tpu.region"() ({
      %run_scoped3A = tpu.sem_alloc : memref<!tpu.dma_semaphore, #tpu.memory_space<semaphore_mem>>
      %dma_start3A = tpu.memref_slice %arg3[%mul3A_0] : memref<163840xi32, #tpu.memory_space<hbm>> -> memref<10240xi32, #tpu.memory_space<hbm>>
      %dma_start3A_8 = tpu.memref_slice %arg3[%mul3A_0] : memref<163840xi32, #tpu.memory_space<hbm>> -> memref<10240xi32, #tpu.memory_space<hbm>>
      tpu.enqueue_dma source(%dma_start3A_8 : memref<10240xi32, #tpu.memory_space<hbm>>) target(%arg7 : memref<10240xi32, #tpu.memory_space<vmem>>) target_semaphore(%run_scoped3A : memref<!tpu.dma_semaphore, #tpu.memory_space<semaphore_mem>>)
      %dma_wait3A = tpu.memref_slice %arg3[%mul3A_0] : memref<163840xi32, #tpu.memory_space<hbm>> -> memref<10240xi32, #tpu.memory_space<hbm>>
      %dma_wait3A_9 = tpu.memref_slice %arg3[%mul3A_0] : memref<163840xi32, #tpu.memory_space<hbm>> -> memref<10240xi32, #tpu.memory_space<hbm>>
      tpu.wait_dma2 semaphore(%run_scoped3A : memref<!tpu.dma_semaphore, #tpu.memory_space<semaphore_mem>>) src(%dma_wait3A_9 : memref<10240xi32, #tpu.memory_space<hbm>>) dst(%arg7 : memref<10240xi32, #tpu.memory_space<vmem>>)
      tpu.yield
    }) : () -> ()
    "tpu.region"() ({
      %run_scoped3A = tpu.sem_alloc : memref<!tpu.dma_semaphore, #tpu.memory_space<semaphore_mem>>
      %dma_start3A = arith.constant 0 : i32
      %dma_start3A_8 = arith.constant 0 : i32
      %dma_start3A_9 = tpu.memref_slice %arg4[%arg1, %dma_start3A, %dma_start3A_8] : memref<16x128x80xi32, #tpu.memory_space<hbm>> -> memref<1x128x80xi32, #tpu.memory_space<hbm>>
      %dma_start3A_10 = tpu.memref_squeeze %dma_start3A_9 : memref<1x128x80xi32, #tpu.memory_space<hbm>> -> memref<128x80xi32, #tpu.memory_space<hbm>>
      %dma_start3A_11 = arith.constant 0 : i32
      %dma_start3A_12 = arith.constant 0 : i32
      %dma_start3A_13 = tpu.memref_slice %arg4[%arg1, %dma_start3A_11, %dma_start3A_12] : memref<16x128x80xi32, #tpu.memory_space<hbm>> -> memref<1x128x80xi32, #tpu.memory_space<hbm>>
      %dma_start3A_14 = tpu.memref_squeeze %dma_start3A_13 : memref<1x128x80xi32, #tpu.memory_space<hbm>> -> memref<128x80xi32, #tpu.memory_space<hbm>>
      tpu.enqueue_dma source(%dma_start3A_14 : memref<128x80xi32, #tpu.memory_space<hbm>>) target(%arg8 : memref<128x80xi32, #tpu.memory_space<vmem>>) target_semaphore(%run_scoped3A : memref<!tpu.dma_semaphore, #tpu.memory_space<semaphore_mem>>)
      %dma_wait3A = arith.constant 0 : i32
      %dma_wait3A_15 = arith.constant 0 : i32
      %dma_wait3A_16 = tpu.memref_slice %arg4[%arg1, %dma_wait3A, %dma_wait3A_15] : memref<16x128x80xi32, #tpu.memory_space<hbm>> -> memref<1x128x80xi32, #tpu.memory_space<hbm>>
      %dma_wait3A_17 = tpu.memref_squeeze %dma_wait3A_16 : memref<1x128x80xi32, #tpu.memory_space<hbm>> -> memref<128x80xi32, #tpu.memory_space<hbm>>
      %dma_wait3A_18 = arith.constant 0 : i32
      %dma_wait3A_19 = arith.constant 0 : i32
      %dma_wait3A_20 = tpu.memref_slice %arg4[%arg1, %dma_wait3A_18, %dma_wait3A_19] : memref<16x128x80xi32, #tpu.memory_space<hbm>> -> memref<1x128x80xi32, #tpu.memory_space<hbm>>
      %dma_wait3A_21 = tpu.memref_squeeze %dma_wait3A_20 : memref<1x128x80xi32, #tpu.memory_space<hbm>> -> memref<128x80xi32, #tpu.memory_space<hbm>>
      tpu.wait_dma2 semaphore(%run_scoped3A : memref<!tpu.dma_semaphore, #tpu.memory_space<semaphore_mem>>) src(%dma_wait3A_21 : memref<128x80xi32, #tpu.memory_space<hbm>>) dst(%arg8 : memref<128x80xi32, #tpu.memory_space<vmem>>)
      tpu.yield
    }) : () -> ()
    %eq3A = arith.constant 0 : i32
    %eq3A_1 = arith.cmpi eq, %arg0, %eq3A : i32
    %convert_element_type3A = arith.extui %eq3A_1 : i1 to i32
    %cond3A = arith.constant 0 : i32
    %cond3A_2 = arith.cmpi ne, %convert_element_type3A, %cond3A : i32
    scf.if %cond3A_2 {
      %lt3A = arith.constant 15 : i32
      %lt3A_8 = arith.cmpi slt, %arg1, %lt3A : i32
      %convert_element_type3A_9 = arith.extui %lt3A_8 : i1 to i32
      %cond3A_10 = arith.constant 0 : i32
      %cond3A_11 = arith.cmpi ne, %convert_element_type3A_9, %cond3A_10 : i32
      scf.if %cond3A_11 {
        %mul3A_128 = arith.constant 624 : i32
        %mul3A_129 = arith.muli %arg1, %mul3A_128 : i32
        %multiple_of3A = tpu.assume_multiple %mul3A_129, 8 : i32
        "tpu.region"() ({
          %run_scoped3A = tpu.sem_alloc : memref<!tpu.dma_semaphore, #tpu.memory_space<semaphore_mem>>
          %dma_start3A_130 = arith.constant 0 : i32
          %dma_start3A_131 = tpu.memref_slice %arg14[%multiple_of3A, %dma_start3A_130] : memref<10008x128xf32, #tpu.memory_space<vmem_shared>> -> memref<624x128xf32, #tpu.memory_space<vmem_shared>>
          %dma_start3A_132 = arith.constant 0 : i32
          %dma_start3A_133 = tpu.memref_slice %arg5[%multiple_of3A, %dma_start3A_132] : memref<10000x128xf32, #tpu.memory_space<hbm>> -> memref<624x128xf32, #tpu.memory_space<hbm>>
          tpu.enqueue_dma source(%dma_start3A_133 : memref<624x128xf32, #tpu.memory_space<hbm>>) target(%dma_start3A_131 : memref<624x128xf32, #tpu.memory_space<vmem_shared>>) target_semaphore(%run_scoped3A : memref<!tpu.dma_semaphore, #tpu.memory_space<semaphore_mem>>)
          %dma_wait3A = arith.constant 0 : i32
          %dma_wait3A_134 = tpu.memref_slice %arg14[%multiple_of3A, %dma_wait3A] : memref<10008x128xf32, #tpu.memory_space<vmem_shared>> -> memref<624x128xf32, #tpu.memory_space<vmem_shared>>
          %dma_wait3A_135 = arith.constant 0 : i32
          %dma_wait3A_136 = tpu.memref_slice %arg5[%multiple_of3A, %dma_wait3A_135] : memref<10000x128xf32, #tpu.memory_space<hbm>> -> memref<624x128xf32, #tpu.memory_space<hbm>>
          tpu.wait_dma2 semaphore(%run_scoped3A : memref<!tpu.dma_semaphore, #tpu.memory_space<semaphore_mem>>) src(%dma_wait3A_136 : memref<624x128xf32, #tpu.memory_space<hbm>>) dst(%dma_wait3A_134 : memref<624x128xf32, #tpu.memory_space<vmem_shared>>)
          tpu.yield
        }) : () -> ()
      } else {
      }
      %eq3A_12 = arith.constant 15 : i32
      %eq3A_13 = arith.cmpi eq, %arg1, %eq3A_12 : i32
      %convert_element_type3A_14 = arith.extui %eq3A_13 : i1 to i32
      %cond3A_15 = arith.constant 0 : i32
      %cond3A_16 = arith.cmpi ne, %convert_element_type3A_14, %cond3A_15 : i32
      scf.if %cond3A_16 {
        "tpu.region"() ({
          %run_scoped3A = tpu.sem_alloc : memref<!tpu.dma_semaphore, #tpu.memory_space<semaphore_mem>>
          %dma_start3A_128 = arith.constant 9360 : i32
          %dma_start3A_129 = arith.constant 0 : i32
          %dma_start3A_130 = tpu.memref_slice %arg14[%dma_start3A_128, %dma_start3A_129] : memref<10008x128xf32, #tpu.memory_space<vmem_shared>> -> memref<640x128xf32, #tpu.memory_space<vmem_shared>>
          %dma_start3A_131 = arith.constant 9360 : i32
          %dma_start3A_132 = arith.constant 0 : i32
          %dma_start3A_133 = tpu.memref_slice %arg5[%dma_start3A_131, %dma_start3A_132] : memref<10000x128xf32, #tpu.memory_space<hbm>> -> memref<640x128xf32, #tpu.memory_space<hbm>>
          tpu.enqueue_dma source(%dma_start3A_133 : memref<640x128xf32, #tpu.memory_space<hbm>>) target(%dma_start3A_130 : memref<640x128xf32, #tpu.memory_space<vmem_shared>>) target_semaphore(%run_scoped3A : memref<!tpu.dma_semaphore, #tpu.memory_space<semaphore_mem>>)
          %dma_wait3A = arith.constant 9360 : i32
          %dma_wait3A_134 = arith.constant 0 : i32
          %dma_wait3A_135 = tpu.memref_slice %arg14[%dma_wait3A, %dma_wait3A_134] : memref<10008x128xf32, #tpu.memory_space<vmem_shared>> -> memref<640x128xf32, #tpu.memory_space<vmem_shared>>
          %dma_wait3A_136 = arith.constant 9360 : i32
          %dma_wait3A_137 = arith.constant 0 : i32
          %dma_wait3A_138 = tpu.memref_slice %arg5[%dma_wait3A_136, %dma_wait3A_137] : memref<10000x128xf32, #tpu.memory_space<hbm>> -> memref<640x128xf32, #tpu.memory_space<hbm>>
          tpu.wait_dma2 semaphore(%run_scoped3A : memref<!tpu.dma_semaphore, #tpu.memory_space<semaphore_mem>>) src(%dma_wait3A_138 : memref<640x128xf32, #tpu.memory_space<hbm>>) dst(%dma_wait3A_135 : memref<640x128xf32, #tpu.memory_space<vmem_shared>>)
          tpu.yield
        }) : () -> ()
      } else {
      }
      %barrier3A = arith.constant 0 : index
      tpu.barrier barrier_id(%barrier3A)
      %dma_start3A = arith.constant 0 : i32
      %dma_start3A_17 = arith.constant 0 : i32
      %dma_start3A_18 = arith.constant 0 : i32
      %dma_start3A_19 = arith.constant 0 : i32
      %dma_start3A_20 = tpu.memref_slice %arg9[%dma_start3A_17, %dma_start3A_18, %dma_start3A_19] : memref<2x80x128xf32, #tpu.memory_space<vmem>> -> memref<1x80x128xf32, #tpu.memory_space<vmem>>
      %dma_start3A_21 = tpu.memref_squeeze %dma_start3A_20 : memref<1x80x128xf32, #tpu.memory_space<vmem>> -> memref<80x128xf32, #tpu.memory_space<vmem>>
      %dma_start3A_22 = arith.constant 0 : i32
      %dma_start3A_23 = tpu.memref_slice %arg7[%dma_start3A_22] : memref<10240xi32, #tpu.memory_space<vmem>> -> memref<80xi32, #tpu.memory_space<vmem>>
      %dma_start3A_24 = arith.constant 0 : i32
      %dma_start3A_25 = arith.constant 0 : i32
      %dma_start3A_26 = tpu.memref_slice %arg2[%dma_start3A, %dma_start3A_24, %dma_start3A_25] : memref<4x10000x128xf32, #tpu.memory_space<hbm>> -> memref<1x10000x128xf32, #tpu.memory_space<hbm>>
      %dma_start3A_27 = tpu.memref_squeeze %dma_start3A_26 : memref<1x10000x128xf32, #tpu.memory_space<hbm>> -> memref<10000x128xf32, #tpu.memory_space<hbm>>
      %dma_start3A_28 = arith.constant 0 : i32
      %dma_start3A_29 = arith.constant 0 : i32
      %dma_start3A_30 = tpu.memref_slice %dma_start3A_27[%dma_start3A_28, %dma_start3A_29] : memref<10000x128xf32, #tpu.memory_space<hbm>> -> memref<10000x128xf32, #tpu.memory_space<hbm>>
      tpu.enqueue_indirect_dma source(%dma_start3A_30 : memref<10000x128xf32, #tpu.memory_space<hbm>>) target(%dma_start3A_21 : memref<80x128xf32, #tpu.memory_space<vmem>>) offsets(%dma_start3A_23 : memref<80xi32, #tpu.memory_space<vmem>>) semaphore(%arg10 : memref<!tpu.dma_semaphore, #tpu.memory_space<semaphore_mem>>)
      %dma_start3A_31 = arith.constant 0 : i32
      %dma_start3A_32 = arith.constant 1 : i32
      %dma_start3A_33 = arith.constant 0 : i32
      %dma_start3A_34 = arith.constant 0 : i32
      %dma_start3A_35 = tpu.memref_slice %arg9[%dma_start3A_32, %dma_start3A_33, %dma_start3A_34] : memref<2x80x128xf32, #tpu.memory_space<vmem>> -> memref<1x80x128xf32, #tpu.memory_space<vmem>>
      %dma_start3A_36 = tpu.memref_squeeze %dma_start3A_35 : memref<1x80x128xf32, #tpu.memory_space<vmem>> -> memref<80x128xf32, #tpu.memory_space<vmem>>
      %dma_start3A_37 = arith.constant 80 : i32
      %dma_start3A_38 = tpu.memref_slice %arg7[%dma_start3A_37] : memref<10240xi32, #tpu.memory_space<vmem>> -> memref<80xi32, #tpu.memory_space<vmem>>
      %dma_start3A_39 = arith.constant 0 : i32
      %dma_start3A_40 = arith.constant 0 : i32
      %dma_start3A_41 = tpu.memref_slice %arg2[%dma_start3A_31, %dma_start3A_39, %dma_start3A_40] : memref<4x10000x128xf32, #tpu.memory_space<hbm>> -> memref<1x10000x128xf32, #tpu.memory_space<hbm>>
      %dma_start3A_42 = tpu.memref_squeeze %dma_start3A_41 : memref<1x10000x128xf32, #tpu.memory_space<hbm>> -> memref<10000x128xf32, #tpu.memory_space<hbm>>
      %dma_start3A_43 = arith.constant 0 : i32
      %dma_start3A_44 = arith.constant 0 : i32
      %dma_start3A_45 = tpu.memref_slice %dma_start3A_42[%dma_start3A_43, %dma_start3A_44] : memref<10000x128xf32, #tpu.memory_space<hbm>> -> memref<10000x128xf32, #tpu.memory_space<hbm>>
      tpu.enqueue_indirect_dma source(%dma_start3A_45 : memref<10000x128xf32, #tpu.memory_space<hbm>>) target(%dma_start3A_36 : memref<80x128xf32, #tpu.memory_space<vmem>>) offsets(%dma_start3A_38 : memref<80xi32, #tpu.memory_space<vmem>>) semaphore(%arg11 : memref<!tpu.dma_semaphore, #tpu.memory_space<semaphore_mem>>)
      %scan3A = arith.constant 0 : i32
      %scan3A_46 = arith.constant 0 : i32
      %scan3A_47 = arith.constant 0 : i32
      %scan3A_48 = arith.constant 64 : i32
      %scan3A_49 = arith.addi %scan3A_47, %scan3A_48 : i32
      %scan3A_50 = arith.constant 1 : i32
      scf.for %scan3A_128 = %scan3A_47 to %scan3A_49 step %scan3A_50  : i32 {
        %mul3A_129 = arith.constant 2 : i32
        %mul3A_130 = arith.muli %scan3A_128, %mul3A_129 : i32
        %add3A = arith.constant 0 : i32
        %add3A_131 = arith.addi %mul3A_130, %add3A : i32
        %mul3A_132 = arith.constant 80 : i32
        %mul3A_133 = arith.muli %add3A_131, %mul3A_132 : i32
        %dma_wait3A = arith.constant 0 : i32
        %dma_wait3A_134 = arith.constant 0 : i32
        %dma_wait3A_135 = arith.constant 0 : i32
        %dma_wait3A_136 = tpu.memref_slice %arg9[%dma_wait3A, %dma_wait3A_134, %dma_wait3A_135] : memref<2x80x128xf32, #tpu.memory_space<vmem>> -> memref<1x80x128xf32, #tpu.memory_space<vmem>>
        %dma_wait3A_137 = tpu.memref_squeeze %dma_wait3A_136 : memref<1x80x128xf32, #tpu.memory_space<vmem>> -> memref<80x128xf32, #tpu.memory_space<vmem>>
        %dma_wait3A_138 = tpu.memref_slice %arg7[%mul3A_133] : memref<10240xi32, #tpu.memory_space<vmem>> -> memref<80xi32, #tpu.memory_space<vmem>>
        %dma_wait3A_139 = arith.constant 0 : i32
        %dma_wait3A_140 = arith.constant 0 : i32
        %dma_wait3A_141 = tpu.memref_slice %arg2[%scan3A_46, %dma_wait3A_139, %dma_wait3A_140] : memref<4x10000x128xf32, #tpu.memory_space<hbm>> -> memref<1x10000x128xf32, #tpu.memory_space<hbm>>
        %dma_wait3A_142 = tpu.memref_squeeze %dma_wait3A_141 : memref<1x10000x128xf32, #tpu.memory_space<hbm>> -> memref<10000x128xf32, #tpu.memory_space<hbm>>
        %dma_wait3A_143 = arith.constant 0 : i32
        %dma_wait3A_144 = arith.constant 0 : i32
        %dma_wait3A_145 = tpu.memref_slice %dma_wait3A_142[%dma_wait3A_143, %dma_wait3A_144] : memref<10000x128xf32, #tpu.memory_space<hbm>> -> memref<10000x128xf32, #tpu.memory_space<hbm>>
        tpu.wait_indirect_dma semaphore(%arg10 : memref<!tpu.dma_semaphore, #tpu.memory_space<semaphore_mem>>) src(%dma_wait3A_145 : memref<10000x128xf32, #tpu.memory_space<hbm>>) dst(%dma_wait3A_137 : memref<80x128xf32, #tpu.memory_space<vmem>>)
        %dma_start3A_146 = arith.constant 0 : i32
        %dma_start3A_147 = arith.constant 0 : i32
        %dma_start3A_148 = arith.constant 0 : i32
        %dma_start3A_149 = tpu.memref_slice %arg9[%dma_start3A_146, %dma_start3A_147, %dma_start3A_148] : memref<2x80x128xf32, #tpu.memory_space<vmem>> -> memref<1x80x128xf32, #tpu.memory_space<vmem>>
        %dma_start3A_150 = tpu.memref_squeeze %dma_start3A_149 : memref<1x80x128xf32, #tpu.memory_space<vmem>> -> memref<80x128xf32, #tpu.memory_space<vmem>>
        %dma_start3A_151 = arith.constant 0 : i32
        %dma_start3A_152 = tpu.memref_slice %arg8[%add3A_131, %dma_start3A_151] : memref<128x80xi32, #tpu.memory_space<vmem>> -> memref<1x80xi32, #tpu.memory_space<vmem>>
        %dma_start3A_153 = tpu.memref_squeeze %dma_start3A_152 : memref<1x80xi32, #tpu.memory_space<vmem>> -> memref<80xi32, #tpu.memory_space<vmem>>
        %dma_start3A_154 = arith.constant 0 : i32
        %dma_start3A_155 = arith.constant 0 : i32
        %dma_start3A_156 = tpu.memref_slice %arg14[%dma_start3A_154, %dma_start3A_155] : memref<10008x128xf32, #tpu.memory_space<vmem_shared>> -> memref<10008x128xf32, #tpu.memory_space<vmem_shared>>
        tpu.enqueue_indirect_dma source(%dma_start3A_150 : memref<80x128xf32, #tpu.memory_space<vmem>>) target(%dma_start3A_156 : memref<10008x128xf32, #tpu.memory_space<vmem_shared>>) offsets(%dma_start3A_153 : memref<80xi32, #tpu.memory_space<vmem>>) semaphore(%arg12 : memref<!tpu.dma_semaphore, #tpu.memory_space<semaphore_mem>>) {add = true}
        %dma_wait3A_157 = arith.constant 0 : i32
        %dma_wait3A_158 = arith.constant 0 : i32
        %dma_wait3A_159 = arith.constant 0 : i32
        %dma_wait3A_160 = tpu.memref_slice %arg9[%dma_wait3A_157, %dma_wait3A_158, %dma_wait3A_159] : memref<2x80x128xf32, #tpu.memory_space<vmem>> -> memref<1x80x128xf32, #tpu.memory_space<vmem>>
        %dma_wait3A_161 = tpu.memref_squeeze %dma_wait3A_160 : memref<1x80x128xf32, #tpu.memory_space<vmem>> -> memref<80x128xf32, #tpu.memory_space<vmem>>
        %dma_wait3A_162 = arith.constant 0 : i32
        %dma_wait3A_163 = tpu.memref_slice %arg8[%add3A_131, %dma_wait3A_162] : memref<128x80xi32, #tpu.memory_space<vmem>> -> memref<1x80xi32, #tpu.memory_space<vmem>>
        %dma_wait3A_164 = tpu.memref_squeeze %dma_wait3A_163 : memref<1x80xi32, #tpu.memory_space<vmem>> -> memref<80xi32, #tpu.memory_space<vmem>>
        %dma_wait3A_165 = arith.constant 0 : i32
        %dma_wait3A_166 = arith.constant 0 : i32
        %dma_wait3A_167 = tpu.memref_slice %arg14[%dma_wait3A_165, %dma_wait3A_166] : memref<10008x128xf32, #tpu.memory_space<vmem_shared>> -> memref<10008x128xf32, #tpu.memory_space<vmem_shared>>
        tpu.wait_indirect_dma semaphore(%arg12 : memref<!tpu.dma_semaphore, #tpu.memory_space<semaphore_mem>>) src(%dma_wait3A_161 : memref<80x128xf32, #tpu.memory_space<vmem>>) dst(%dma_wait3A_167 : memref<10008x128xf32, #tpu.memory_space<vmem_shared>>)
        %add3A_168 = arith.constant 2 : i32
        %add3A_169 = arith.addi %add3A_131, %add3A_168 : i32
        %lt3A_170 = arith.constant 128 : i32
        %lt3A_171 = arith.cmpi slt, %add3A_169, %lt3A_170 : i32
        %convert_element_type3A_172 = arith.extui %lt3A_171 : i1 to i32
        %cond3A_173 = arith.constant 0 : i32
        %cond3A_174 = arith.cmpi ne, %convert_element_type3A_172, %cond3A_173 : i32
        scf.if %cond3A_174 {
          %add3A_223 = arith.constant 2 : i32
          %add3A_224 = arith.addi %add3A_131, %add3A_223 : i32
          %mul3A_225 = arith.constant 80 : i32
          %mul3A_226 = arith.muli %add3A_224, %mul3A_225 : i32
          %dma_start3A_227 = arith.constant 0 : i32
          %dma_start3A_228 = arith.constant 0 : i32
          %dma_start3A_229 = arith.constant 0 : i32
          %dma_start3A_230 = tpu.memref_slice %arg9[%dma_start3A_227, %dma_start3A_228, %dma_start3A_229] : memref<2x80x128xf32, #tpu.memory_space<vmem>> -> memref<1x80x128xf32, #tpu.memory_space<vmem>>
          %dma_start3A_231 = tpu.memref_squeeze %dma_start3A_230 : memref<1x80x128xf32, #tpu.memory_space<vmem>> -> memref<80x128xf32, #tpu.memory_space<vmem>>
          %dma_start3A_232 = tpu.memref_slice %arg7[%mul3A_226] : memref<10240xi32, #tpu.memory_space<vmem>> -> memref<80xi32, #tpu.memory_space<vmem>>
          %dma_start3A_233 = arith.constant 0 : i32
          %dma_start3A_234 = arith.constant 0 : i32
          %dma_start3A_235 = tpu.memref_slice %arg2[%scan3A_46, %dma_start3A_233, %dma_start3A_234] : memref<4x10000x128xf32, #tpu.memory_space<hbm>> -> memref<1x10000x128xf32, #tpu.memory_space<hbm>>
          %dma_start3A_236 = tpu.memref_squeeze %dma_start3A_235 : memref<1x10000x128xf32, #tpu.memory_space<hbm>> -> memref<10000x128xf32, #tpu.memory_space<hbm>>
          %dma_start3A_237 = arith.constant 0 : i32
          %dma_start3A_238 = arith.constant 0 : i32
          %dma_start3A_239 = tpu.memref_slice %dma_start3A_236[%dma_start3A_237, %dma_start3A_238] : memref<10000x128xf32, #tpu.memory_space<hbm>> -> memref<10000x128xf32, #tpu.memory_space<hbm>>
          tpu.enqueue_indirect_dma source(%dma_start3A_239 : memref<10000x128xf32, #tpu.memory_space<hbm>>) target(%dma_start3A_231 : memref<80x128xf32, #tpu.memory_space<vmem>>) offsets(%dma_start3A_232 : memref<80xi32, #tpu.memory_space<vmem>>) semaphore(%arg10 : memref<!tpu.dma_semaphore, #tpu.memory_space<semaphore_mem>>)
        } else {
        }
        %mul3A_175 = arith.constant 2 : i32
        %mul3A_176 = arith.muli %scan3A_128, %mul3A_175 : i32
        %add3A_177 = arith.constant 1 : i32
        %add3A_178 = arith.addi %mul3A_176, %add3A_177 : i32
        %mul3A_179 = arith.constant 80 : i32
        %mul3A_180 = arith.muli %add3A_178, %mul3A_179 : i32
        %dma_wait3A_181 = arith.constant 1 : i32
        %dma_wait3A_182 = arith.constant 0 : i32
        %dma_wait3A_183 = arith.constant 0 : i32
        %dma_wait3A_184 = tpu.memref_slice %arg9[%dma_wait3A_181, %dma_wait3A_182, %dma_wait3A_183] : memref<2x80x128xf32, #tpu.memory_space<vmem>> -> memref<1x80x128xf32, #tpu.memory_space<vmem>>
        %dma_wait3A_185 = tpu.memref_squeeze %dma_wait3A_184 : memref<1x80x128xf32, #tpu.memory_space<vmem>> -> memref<80x128xf32, #tpu.memory_space<vmem>>
        %dma_wait3A_186 = tpu.memref_slice %arg7[%mul3A_180] : memref<10240xi32, #tpu.memory_space<vmem>> -> memref<80xi32, #tpu.memory_space<vmem>>
        %dma_wait3A_187 = arith.constant 0 : i32
        %dma_wait3A_188 = arith.constant 0 : i32
        %dma_wait3A_189 = tpu.memref_slice %arg2[%scan3A_46, %dma_wait3A_187, %dma_wait3A_188] : memref<4x10000x128xf32, #tpu.memory_space<hbm>> -> memref<1x10000x128xf32, #tpu.memory_space<hbm>>
        %dma_wait3A_190 = tpu.memref_squeeze %dma_wait3A_189 : memref<1x10000x128xf32, #tpu.memory_space<hbm>> -> memref<10000x128xf32, #tpu.memory_space<hbm>>
        %dma_wait3A_191 = arith.constant 0 : i32
        %dma_wait3A_192 = arith.constant 0 : i32
        %dma_wait3A_193 = tpu.memref_slice %dma_wait3A_190[%dma_wait3A_191, %dma_wait3A_192] : memref<10000x128xf32, #tpu.memory_space<hbm>> -> memref<10000x128xf32, #tpu.memory_space<hbm>>
        tpu.wait_indirect_dma semaphore(%arg11 : memref<!tpu.dma_semaphore, #tpu.memory_space<semaphore_mem>>) src(%dma_wait3A_193 : memref<10000x128xf32, #tpu.memory_space<hbm>>) dst(%dma_wait3A_185 : memref<80x128xf32, #tpu.memory_space<vmem>>)
        %dma_start3A_194 = arith.constant 1 : i32
        %dma_start3A_195 = arith.constant 0 : i32
        %dma_start3A_196 = arith.constant 0 : i32
        %dma_start3A_197 = tpu.memref_slice %arg9[%dma_start3A_194, %dma_start3A_195, %dma_start3A_196] : memref<2x80x128xf32, #tpu.memory_space<vmem>> -> memref<1x80x128xf32, #tpu.memory_space<vmem>>
        %dma_start3A_198 = tpu.memref_squeeze %dma_start3A_197 : memref<1x80x128xf32, #tpu.memory_space<vmem>> -> memref<80x128xf32, #tpu.memory_space<vmem>>
        %dma_start3A_199 = arith.constant 0 : i32
        %dma_start3A_200 = tpu.memref_slice %arg8[%add3A_178, %dma_start3A_199] : memref<128x80xi32, #tpu.memory_space<vmem>> -> memref<1x80xi32, #tpu.memory_space<vmem>>
        %dma_start3A_201 = tpu.memref_squeeze %dma_start3A_200 : memref<1x80xi32, #tpu.memory_space<vmem>> -> memref<80xi32, #tpu.memory_space<vmem>>
        %dma_start3A_202 = arith.constant 0 : i32
        %dma_start3A_203 = arith.constant 0 : i32
        %dma_start3A_204 = tpu.memref_slice %arg14[%dma_start3A_202, %dma_start3A_203] : memref<10008x128xf32, #tpu.memory_space<vmem_shared>> -> memref<10008x128xf32, #tpu.memory_space<vmem_shared>>
        tpu.enqueue_indirect_dma source(%dma_start3A_198 : memref<80x128xf32, #tpu.memory_space<vmem>>) target(%dma_start3A_204 : memref<10008x128xf32, #tpu.memory_space<vmem_shared>>) offsets(%dma_start3A_201 : memref<80xi32, #tpu.memory_space<vmem>>) semaphore(%arg13 : memref<!tpu.dma_semaphore, #tpu.memory_space<semaphore_mem>>) {add = true}
        %dma_wait3A_205 = arith.constant 1 : i32
        %dma_wait3A_206 = arith.constant 0 : i32
        %dma_wait3A_207 = arith.constant 0 : i32
        %dma_wait3A_208 = tpu.memref_slice %arg9[%dma_wait3A_205, %dma_wait3A_206, %dma_wait3A_207] : memref<2x80x128xf32, #tpu.memory_space<vmem>> -> memref<1x80x128xf32, #tpu.memory_space<vmem>>
        %dma_wait3A_209 = tpu.memref_squeeze %dma_wait3A_208 : memref<1x80x128xf32, #tpu.memory_space<vmem>> -> memref<80x128xf32, #tpu.memory_space<vmem>>
        %dma_wait3A_210 = arith.constant 0 : i32
        %dma_wait3A_211 = tpu.memref_slice %arg8[%add3A_178, %dma_wait3A_210] : memref<128x80xi32, #tpu.memory_space<vmem>> -> memref<1x80xi32, #tpu.memory_space<vmem>>
        %dma_wait3A_212 = tpu.memref_squeeze %dma_wait3A_211 : memref<1x80xi32, #tpu.memory_space<vmem>> -> memref<80xi32, #tpu.memory_space<vmem>>
        %dma_wait3A_213 = arith.constant 0 : i32
        %dma_wait3A_214 = arith.constant 0 : i32
        %dma_wait3A_215 = tpu.memref_slice %arg14[%dma_wait3A_213, %dma_wait3A_214] : memref<10008x128xf32, #tpu.memory_space<vmem_shared>> -> memref<10008x128xf32, #tpu.memory_space<vmem_shared>>
        tpu.wait_indirect_dma semaphore(%arg13 : memref<!tpu.dma_semaphore, #tpu.memory_space<semaphore_mem>>) src(%dma_wait3A_209 : memref<80x128xf32, #tpu.memory_space<vmem>>) dst(%dma_wait3A_215 : memref<10008x128xf32, #tpu.memory_space<vmem_shared>>)
        %add3A_216 = arith.constant 2 : i32
        %add3A_217 = arith.addi %add3A_178, %add3A_216 : i32
        %lt3A_218 = arith.constant 128 : i32
        %lt3A_219 = arith.cmpi slt, %add3A_217, %lt3A_218 : i32
        %convert_element_type3A_220 = arith.extui %lt3A_219 : i1 to i32
        %cond3A_221 = arith.constant 0 : i32
        %cond3A_222 = arith.cmpi ne, %convert_element_type3A_220, %cond3A_221 : i32
        scf.if %cond3A_222 {
          %add3A_223 = arith.constant 2 : i32
          %add3A_224 = arith.addi %add3A_178, %add3A_223 : i32
          %mul3A_225 = arith.constant 80 : i32
          %mul3A_226 = arith.muli %add3A_224, %mul3A_225 : i32
          %dma_start3A_227 = arith.constant 1 : i32
          %dma_start3A_228 = arith.constant 0 : i32
          %dma_start3A_229 = arith.constant 0 : i32
          %dma_start3A_230 = tpu.memref_slice %arg9[%dma_start3A_227, %dma_start3A_228, %dma_start3A_229] : memref<2x80x128xf32, #tpu.memory_space<vmem>> -> memref<1x80x128xf32, #tpu.memory_space<vmem>>
          %dma_start3A_231 = tpu.memref_squeeze %dma_start3A_230 : memref<1x80x128xf32, #tpu.memory_space<vmem>> -> memref<80x128xf32, #tpu.memory_space<vmem>>
          %dma_start3A_232 = tpu.memref_slice %arg7[%mul3A_226] : memref<10240xi32, #tpu.memory_space<vmem>> -> memref<80xi32, #tpu.memory_space<vmem>>
          %dma_start3A_233 = arith.constant 0 : i32
          %dma_start3A_234 = arith.constant 0 : i32
          %dma_start3A_235 = tpu.memref_slice %arg2[%scan3A_46, %dma_start3A_233, %dma_start3A_234] : memref<4x10000x128xf32, #tpu.memory_space<hbm>> -> memref<1x10000x128xf32, #tpu.memory_space<hbm>>
          %dma_start3A_236 = tpu.memref_squeeze %dma_start3A_235 : memref<1x10000x128xf32, #tpu.memory_space<hbm>> -> memref<10000x128xf32, #tpu.memory_space<hbm>>
          %dma_start3A_237 = arith.constant 0 : i32
          %dma_start3A_238 = arith.constant 0 : i32
          %dma_start3A_239 = tpu.memref_slice %dma_start3A_236[%dma_start3A_237, %dma_start3A_238] : memref<10000x128xf32, #tpu.memory_space<hbm>> -> memref<10000x128xf32, #tpu.memory_space<hbm>>
          tpu.enqueue_indirect_dma source(%dma_start3A_239 : memref<10000x128xf32, #tpu.memory_space<hbm>>) target(%dma_start3A_231 : memref<80x128xf32, #tpu.memory_space<vmem>>) offsets(%dma_start3A_232 : memref<80xi32, #tpu.memory_space<vmem>>) semaphore(%arg11 : memref<!tpu.dma_semaphore, #tpu.memory_space<semaphore_mem>>)
        } else {
        }
      }
      %scan3A_51 = arith.constant 64 : i32
      %barrier3A_52 = arith.constant 0 : index
      tpu.barrier barrier_id(%barrier3A_52)
      %lt3A_53 = arith.constant 15 : i32
      %lt3A_54 = arith.cmpi slt, %arg1, %lt3A_53 : i32
      %convert_element_type3A_55 = arith.extui %lt3A_54 : i1 to i32
      %cond3A_56 = arith.constant 0 : i32
      %cond3A_57 = arith.constant 0 : i32
      %cond3A_58 = arith.cmpi ne, %convert_element_type3A_55, %cond3A_57 : i32
      scf.if %cond3A_58 {
        %mul3A_128 = arith.constant 624 : i32
        %mul3A_129 = arith.muli %arg1, %mul3A_128 : i32
        %multiple_of3A = tpu.assume_multiple %mul3A_129, 8 : i32
        "tpu.region"() ({
          %run_scoped3A = tpu.sem_alloc : memref<!tpu.dma_semaphore, #tpu.memory_space<semaphore_mem>>
          %dma_start3A_130 = arith.constant 0 : i32
          %dma_start3A_131 = arith.constant 0 : i32
          %dma_start3A_132 = tpu.memref_slice %arg6[%cond3A_56, %dma_start3A_130, %dma_start3A_131] : memref<4x10000x128xf32, #tpu.memory_space<hbm>> -> memref<1x10000x128xf32, #tpu.memory_space<hbm>>
          %dma_start3A_133 = tpu.memref_squeeze %dma_start3A_132 : memref<1x10000x128xf32, #tpu.memory_space<hbm>> -> memref<10000x128xf32, #tpu.memory_space<hbm>>
          %dma_start3A_134 = arith.constant 0 : i32
          %dma_start3A_135 = tpu.memref_slice %dma_start3A_133[%multiple_of3A, %dma_start3A_134] : memref<10000x128xf32, #tpu.memory_space<hbm>> -> memref<624x128xf32, #tpu.memory_space<hbm>>
          %dma_start3A_136 = arith.constant 0 : i32
          %dma_start3A_137 = tpu.memref_slice %arg14[%multiple_of3A, %dma_start3A_136] : memref<10008x128xf32, #tpu.memory_space<vmem_shared>> -> memref<624x128xf32, #tpu.memory_space<vmem_shared>>
          tpu.enqueue_dma source(%dma_start3A_137 : memref<624x128xf32, #tpu.memory_space<vmem_shared>>) target(%dma_start3A_135 : memref<624x128xf32, #tpu.memory_space<hbm>>) target_semaphore(%run_scoped3A : memref<!tpu.dma_semaphore, #tpu.memory_space<semaphore_mem>>)
          %dma_wait3A = arith.constant 0 : i32
          %dma_wait3A_138 = arith.constant 0 : i32
          %dma_wait3A_139 = tpu.memref_slice %arg6[%cond3A_56, %dma_wait3A, %dma_wait3A_138] : memref<4x10000x128xf32, #tpu.memory_space<hbm>> -> memref<1x10000x128xf32, #tpu.memory_space<hbm>>
          %dma_wait3A_140 = tpu.memref_squeeze %dma_wait3A_139 : memref<1x10000x128xf32, #tpu.memory_space<hbm>> -> memref<10000x128xf32, #tpu.memory_space<hbm>>
          %dma_wait3A_141 = arith.constant 0 : i32
          %dma_wait3A_142 = tpu.memref_slice %dma_wait3A_140[%multiple_of3A, %dma_wait3A_141] : memref<10000x128xf32, #tpu.memory_space<hbm>> -> memref<624x128xf32, #tpu.memory_space<hbm>>
          %dma_wait3A_143 = arith.constant 0 : i32
          %dma_wait3A_144 = tpu.memref_slice %arg14[%multiple_of3A, %dma_wait3A_143] : memref<10008x128xf32, #tpu.memory_space<vmem_shared>> -> memref<624x128xf32, #tpu.memory_space<vmem_shared>>
          tpu.wait_dma2 semaphore(%run_scoped3A : memref<!tpu.dma_semaphore, #tpu.memory_space<semaphore_mem>>) src(%dma_wait3A_144 : memref<624x128xf32, #tpu.memory_space<vmem_shared>>) dst(%dma_wait3A_142 : memref<624x128xf32, #tpu.memory_space<hbm>>)
          tpu.yield
        }) : () -> ()
      } else {
      }
      %eq3A_59 = arith.constant 15 : i32
      %eq3A_60 = arith.cmpi eq, %arg1, %eq3A_59 : i32
      %convert_element_type3A_61 = arith.extui %eq3A_60 : i1 to i32
      %cond3A_62 = arith.constant 0 : i32
      %cond3A_63 = arith.constant 0 : i32
      %cond3A_64 = arith.cmpi ne, %convert_element_type3A_61, %cond3A_63 : i32
      scf.if %cond3A_64 {
        "tpu.region"() ({
          %run_scoped3A = tpu.sem_alloc : memref<!tpu.dma_semaphore, #tpu.memory_space<semaphore_mem>>
          %dma_start3A_128 = arith.constant 0 : i32
          %dma_start3A_129 = arith.constant 0 : i32
          %dma_start3A_130 = tpu.memref_slice %arg6[%cond3A_62, %dma_start3A_128, %dma_start3A_129] : memref<4x10000x128xf32, #tpu.memory_space<hbm>> -> memref<1x10000x128xf32, #tpu.memory_space<hbm>>
          %dma_start3A_131 = tpu.memref_squeeze %dma_start3A_130 : memref<1x10000x128xf32, #tpu.memory_space<hbm>> -> memref<10000x128xf32, #tpu.memory_space<hbm>>
          %dma_start3A_132 = arith.constant 9360 : i32
          %dma_start3A_133 = arith.constant 0 : i32
          %dma_start3A_134 = tpu.memref_slice %dma_start3A_131[%dma_start3A_132, %dma_start3A_133] : memref<10000x128xf32, #tpu.memory_space<hbm>> -> memref<640x128xf32, #tpu.memory_space<hbm>>
          %dma_start3A_135 = arith.constant 9360 : i32
          %dma_start3A_136 = arith.constant 0 : i32
          %dma_start3A_137 = tpu.memref_slice %arg14[%dma_start3A_135, %dma_start3A_136] : memref<10008x128xf32, #tpu.memory_space<vmem_shared>> -> memref<640x128xf32, #tpu.memory_space<vmem_shared>>
          tpu.enqueue_dma source(%dma_start3A_137 : memref<640x128xf32, #tpu.memory_space<vmem_shared>>) target(%dma_start3A_134 : memref<640x128xf32, #tpu.memory_space<hbm>>) target_semaphore(%run_scoped3A : memref<!tpu.dma_semaphore, #tpu.memory_space<semaphore_mem>>)
          %dma_wait3A = arith.constant 0 : i32
          %dma_wait3A_138 = arith.constant 0 : i32
          %dma_wait3A_139 = tpu.memref_slice %arg6[%cond3A_62, %dma_wait3A, %dma_wait3A_138] : memref<4x10000x128xf32, #tpu.memory_space<hbm>> -> memref<1x10000x128xf32, #tpu.memory_space<hbm>>
          %dma_wait3A_140 = tpu.memref_squeeze %dma_wait3A_139 : memref<1x10000x128xf32, #tpu.memory_space<hbm>> -> memref<10000x128xf32, #tpu.memory_space<hbm>>
          %dma_wait3A_141 = arith.constant 9360 : i32
          %dma_wait3A_142 = arith.constant 0 : i32
          %dma_wait3A_143 = tpu.memref_slice %dma_wait3A_140[%dma_wait3A_141, %dma_wait3A_142] : memref<10000x128xf32, #tpu.memory_space<hbm>> -> memref<640x128xf32, #tpu.memory_space<hbm>>
          %dma_wait3A_144 = arith.constant 9360 : i32
          %dma_wait3A_145 = arith.constant 0 : i32
          %dma_wait3A_146 = tpu.memref_slice %arg14[%dma_wait3A_144, %dma_wait3A_145] : memref<10008x128xf32, #tpu.memory_space<vmem_shared>> -> memref<640x128xf32, #tpu.memory_space<vmem_shared>>
          tpu.wait_dma2 semaphore(%run_scoped3A : memref<!tpu.dma_semaphore, #tpu.memory_space<semaphore_mem>>) src(%dma_wait3A_146 : memref<640x128xf32, #tpu.memory_space<vmem_shared>>) dst(%dma_wait3A_143 : memref<640x128xf32, #tpu.memory_space<hbm>>)
          tpu.yield
        }) : () -> ()
      } else {
      }
      %barrier3A_65 = arith.constant 0 : index
      tpu.barrier barrier_id(%barrier3A_65)
      %lt3A_66 = arith.constant 15 : i32
      %lt3A_67 = arith.cmpi slt, %arg1, %lt3A_66 : i32
      %convert_element_type3A_68 = arith.extui %lt3A_67 : i1 to i32
      %cond3A_69 = arith.constant 0 : i32
      %cond3A_70 = arith.cmpi ne, %convert_element_type3A_68, %cond3A_69 : i32
      scf.if %cond3A_70 {
        %mul3A_128 = arith.constant 624 : i32
        %mul3A_129 = arith.muli %arg1, %mul3A_128 : i32
        %multiple_of3A = tpu.assume_multiple %mul3A_129, 8 : i32
        "tpu.region"() ({
          %run_scoped3A = tpu.sem_alloc : memref<!tpu.dma_semaphore, #tpu.memory_space<semaphore_mem>>
          %dma_start3A_130 = arith.constant 0 : i32
          %dma_start3A_131 = tpu.memref_slice %arg14[%multiple_of3A, %dma_start3A_130] : memref<10008x128xf32, #tpu.memory_space<vmem_shared>> -> memref<624x128xf32, #tpu.memory_space<vmem_shared>>
          %dma_start3A_132 = arith.constant 0 : i32
          %dma_start3A_133 = tpu.memref_slice %arg5[%multiple_of3A, %dma_start3A_132] : memref<10000x128xf32, #tpu.memory_space<hbm>> -> memref<624x128xf32, #tpu.memory_space<hbm>>
          tpu.enqueue_dma source(%dma_start3A_133 : memref<624x128xf32, #tpu.memory_space<hbm>>) target(%dma_start3A_131 : memref<624x128xf32, #tpu.memory_space<vmem_shared>>) target_semaphore(%run_scoped3A : memref<!tpu.dma_semaphore, #tpu.memory_space<semaphore_mem>>)
          %dma_wait3A = arith.constant 0 : i32
          %dma_wait3A_134 = tpu.memref_slice %arg14[%multiple_of3A, %dma_wait3A] : memref<10008x128xf32, #tpu.memory_space<vmem_shared>> -> memref<624x128xf32, #tpu.memory_space<vmem_shared>>
          %dma_wait3A_135 = arith.constant 0 : i32
          %dma_wait3A_136 = tpu.memref_slice %arg5[%multiple_of3A, %dma_wait3A_135] : memref<10000x128xf32, #tpu.memory_space<hbm>> -> memref<624x128xf32, #tpu.memory_space<hbm>>
          tpu.wait_dma2 semaphore(%run_scoped3A : memref<!tpu.dma_semaphore, #tpu.memory_space<semaphore_mem>>) src(%dma_wait3A_136 : memref<624x128xf32, #tpu.memory_space<hbm>>) dst(%dma_wait3A_134 : memref<624x128xf32, #tpu.memory_space<vmem_shared>>)
          tpu.yield
        }) : () -> ()
      } else {
      }
      %eq3A_71 = arith.constant 15 : i32
      %eq3A_72 = arith.cmpi eq, %arg1, %eq3A_71 : i32
      %convert_element_type3A_73 = arith.extui %eq3A_72 : i1 to i32
      %cond3A_74 = arith.constant 0 : i32
      %cond3A_75 = arith.cmpi ne, %convert_element_type3A_73, %cond3A_74 : i32
      scf.if %cond3A_75 {
        "tpu.region"() ({
          %run_scoped3A = tpu.sem_alloc : memref<!tpu.dma_semaphore, #tpu.memory_space<semaphore_mem>>
          %dma_start3A_128 = arith.constant 9360 : i32
          %dma_start3A_129 = arith.constant 0 : i32
          %dma_start3A_130 = tpu.memref_slice %arg14[%dma_start3A_128, %dma_start3A_129] : memref<10008x128xf32, #tpu.memory_space<vmem_shared>> -> memref<640x128xf32, #tpu.memory_space<vmem_shared>>
          %dma_start3A_131 = arith.constant 9360 : i32
          %dma_start3A_132 = arith.constant 0 : i32
          %dma_start3A_133 = tpu.memref_slice %arg5[%dma_start3A_131, %dma_start3A_132] : memref<10000x128xf32, #tpu.memory_space<hbm>> -> memref<640x128xf32, #tpu.memory_space<hbm>>
          tpu.enqueue_dma source(%dma_start3A_133 : memref<640x128xf32, #tpu.memory_space<hbm>>) target(%dma_start3A_130 : memref<640x128xf32, #tpu.memory_space<vmem_shared>>) target_semaphore(%run_scoped3A : memref<!tpu.dma_semaphore, #tpu.memory_space<semaphore_mem>>)
          %dma_wait3A = arith.constant 9360 : i32
          %dma_wait3A_134 = arith.constant 0 : i32
          %dma_wait3A_135 = tpu.memref_slice %arg14[%dma_wait3A, %dma_wait3A_134] : memref<10008x128xf32, #tpu.memory_space<vmem_shared>> -> memref<640x128xf32, #tpu.memory_space<vmem_shared>>
          %dma_wait3A_136 = arith.constant 9360 : i32
          %dma_wait3A_137 = arith.constant 0 : i32
          %dma_wait3A_138 = tpu.memref_slice %arg5[%dma_wait3A_136, %dma_wait3A_137] : memref<10000x128xf32, #tpu.memory_space<hbm>> -> memref<640x128xf32, #tpu.memory_space<hbm>>
          tpu.wait_dma2 semaphore(%run_scoped3A : memref<!tpu.dma_semaphore, #tpu.memory_space<semaphore_mem>>) src(%dma_wait3A_138 : memref<640x128xf32, #tpu.memory_space<hbm>>) dst(%dma_wait3A_135 : memref<640x128xf32, #tpu.memory_space<vmem_shared>>)
          tpu.yield
        }) : () -> ()
      } else {
      }
      %barrier3A_76 = arith.constant 0 : index
      tpu.barrier barrier_id(%barrier3A_76)
      %dma_start3A_77 = arith.constant 1 : i32
      %dma_start3A_78 = arith.constant 0 : i32
      %dma_start3A_79 = arith.constant 0 : i32
      %dma_start3A_80 = arith.constant 0 : i32
      %dma_start3A_81 = tpu.memref_slice %arg9[%dma_start3A_78, %dma_start3A_79, %dma_start3A_80] : memref<2x80x128xf32, #tpu.memory_space<vmem>> -> memref<1x80x128xf32, #tpu.memory_space<vmem>>
      %dma_start3A_82 = tpu.memref_squeeze %dma_start3A_81 : memref<1x80x128xf32, #tpu.memory_space<vmem>> -> memref<80x128xf32, #tpu.memory_space<vmem>>
      %dma_start3A_83 = arith.constant 0 : i32
      %dma_start3A_84 = tpu.memref_slice %arg7[%dma_start3A_83] : memref<10240xi32, #tpu.memory_space<vmem>> -> memref<80xi32, #tpu.memory_space<vmem>>
      %dma_start3A_85 = arith.constant 0 : i32
      %dma_start3A_86 = arith.constant 0 : i32
      %dma_start3A_87 = tpu.memref_slice %arg2[%dma_start3A_77, %dma_start3A_85, %dma_start3A_86] : memref<4x10000x128xf32, #tpu.memory_space<hbm>> -> memref<1x10000x128xf32, #tpu.memory_space<hbm>>
      %dma_start3A_88 = tpu.memref_squeeze %dma_start3A_87 : memref<1x10000x128xf32, #tpu.memory_space<hbm>> -> memref<10000x128xf32, #tpu.memory_space<hbm>>
      %dma_start3A_89 = arith.constant 0 : i32
      %dma_start3A_90 = arith.constant 0 : i32
      %dma_start3A_91 = tpu.memref_slice %dma_start3A_88[%dma_start3A_89, %dma_start3A_90] : memref<10000x128xf32, #tpu.memory_space<hbm>> -> memref<10000x128xf32, #tpu.memory_space<hbm>>
      tpu.enqueue_indirect_dma source(%dma_start3A_91 : memref<10000x128xf32, #tpu.memory_space<hbm>>) target(%dma_start3A_82 : memref<80x128xf32, #tpu.memory_space<vmem>>) offsets(%dma_start3A_84 : memref<80xi32, #tpu.memory_space<vmem>>) semaphore(%arg10 : memref<!tpu.dma_semaphore, #tpu.memory_space<semaphore_mem>>)
      %dma_start3A_92 = arith.constant 1 : i32
      %dma_start3A_93 = arith.constant 1 : i32
      %dma_start3A_94 = arith.constant 0 : i32
      %dma_start3A_95 = arith.constant 0 : i32
      %dma_start3A_96 = tpu.memref_slice %arg9[%dma_start3A_93, %dma_start3A_94, %dma_start3A_95] : memref<2x80x128xf32, #tpu.memory_space<vmem>> -> memref<1x80x128xf32, #tpu.memory_space<vmem>>
      %dma_start3A_97 = tpu.memref_squeeze %dma_start3A_96 : memref<1x80x128xf32, #tpu.memory_space<vmem>> -> memref<80x128xf32, #tpu.memory_space<vmem>>
      %dma_start3A_98 = arith.constant 80 : i32
      %dma_start3A_99 = tpu.memref_slice %arg7[%dma_start3A_98] : memref<10240xi32, #tpu.memory_space<vmem>> -> memref<80xi32, #tpu.memory_space<vmem>>
      %dma_start3A_100 = arith.constant 0 : i32
      %dma_start3A_101 = arith.constant 0 : i32
      %dma_start3A_102 = tpu.memref_slice %arg2[%dma_start3A_92, %dma_start3A_100, %dma_start3A_101] : memref<4x10000x128xf32, #tpu.memory_space<hbm>> -> memref<1x10000x128xf32, #tpu.memory_space<hbm>>
      %dma_start3A_103 = tpu.memref_squeeze %dma_start3A_102 : memref<1x10000x128xf32, #tpu.memory_space<hbm>> -> memref<10000x128xf32, #tpu.memory_space<hbm>>
      %dma_start3A_104 = arith.constant 0 : i32
      %dma_start3A_105 = arith.constant 0 : i32
      %dma_start3A_106 = tpu.memref_slice %dma_start3A_103[%dma_start3A_104, %dma_start3A_105] : memref<10000x128xf32, #tpu.memory_space<hbm>> -> memref<10000x128xf32, #tpu.memory_space<hbm>>
      tpu.enqueue_indirect_dma source(%dma_start3A_106 : memref<10000x128xf32, #tpu.memory_space<hbm>>) target(%dma_start3A_97 : memref<80x128xf32, #tpu.memory_space<vmem>>) offsets(%dma_start3A_99 : memref<80xi32, #tpu.memory_space<vmem>>) semaphore(%arg11 : memref<!tpu.dma_semaphore, #tpu.memory_space<semaphore_mem>>)
      %scan3A_107 = arith.constant 0 : i32
      %scan3A_108 = arith.constant 1 : i32
      %scan3A_109 = arith.constant 0 : i32
      %scan3A_110 = arith.constant 64 : i32
      %scan3A_111 = arith.addi %scan3A_109, %scan3A_110 : i32
      %scan3A_112 = arith.constant 1 : i32
      scf.for %scan3A_128 = %scan3A_109 to %scan3A_111 step %scan3A_112  : i32 {
        %mul3A_129 = arith.constant 2 : i32
        %mul3A_130 = arith.muli %scan3A_128, %mul3A_129 : i32
        %add3A = arith.constant 0 : i32
        %add3A_131 = arith.addi %mul3A_130, %add3A : i32
        %mul3A_132 = arith.constant 80 : i32
        %mul3A_133 = arith.muli %add3A_131, %mul3A_132 : i32
        %dma_wait3A = arith.constant 0 : i32
        %dma_wait3A_134 = arith.constant 0 : i32
        %dma_wait3A_135 = arith.constant 0 : i32
        %dma_wait3A_136 = tpu.memref_slice %arg9[%dma_wait3A, %dma_wait3A_134, %dma_wait3A_135] : memref<2x80x128xf32, #tpu.memory_space<vmem>> -> memref<1x80x128xf32, #tpu.memory_space<vmem>>
        %dma_wait3A_137 = tpu.memref_squeeze %dma_wait3A_136 : memref<1x80x128xf32, #tpu.memory_space<vmem>> -> memref<80x128xf32, #tpu.memory_space<vmem>>
        %dma_wait3A_138 = tpu.memref_slice %arg7[%mul3A_133] : memref<10240xi32, #tpu.memory_space<vmem>> -> memref<80xi32, #tpu.memory_space<vmem>>
        %dma_wait3A_139 = arith.constant 0 : i32
        %dma_wait3A_140 = arith.constant 0 : i32
        %dma_wait3A_141 = tpu.memref_slice %arg2[%scan3A_108, %dma_wait3A_139, %dma_wait3A_140] : memref<4x10000x128xf32, #tpu.memory_space<hbm>> -> memref<1x10000x128xf32, #tpu.memory_space<hbm>>
        %dma_wait3A_142 = tpu.memref_squeeze %dma_wait3A_141 : memref<1x10000x128xf32, #tpu.memory_space<hbm>> -> memref<10000x128xf32, #tpu.memory_space<hbm>>
        %dma_wait3A_143 = arith.constant 0 : i32
        %dma_wait3A_144 = arith.constant 0 : i32
        %dma_wait3A_145 = tpu.memref_slice %dma_wait3A_142[%dma_wait3A_143, %dma_wait3A_144] : memref<10000x128xf32, #tpu.memory_space<hbm>> -> memref<10000x128xf32, #tpu.memory_space<hbm>>
        tpu.wait_indirect_dma semaphore(%arg10 : memref<!tpu.dma_semaphore, #tpu.memory_space<semaphore_mem>>) src(%dma_wait3A_145 : memref<10000x128xf32, #tpu.memory_space<hbm>>) dst(%dma_wait3A_137 : memref<80x128xf32, #tpu.memory_space<vmem>>)
        %dma_start3A_146 = arith.constant 0 : i32
        %dma_start3A_147 = arith.constant 0 : i32
        %dma_start3A_148 = arith.constant 0 : i32
        %dma_start3A_149 = tpu.memref_slice %arg9[%dma_start3A_146, %dma_start3A_147, %dma_start3A_148] : memref<2x80x128xf32, #tpu.memory_space<vmem>> -> memref<1x80x128xf32, #tpu.memory_space<vmem>>
        %dma_start3A_150 = tpu.memref_squeeze %dma_start3A_149 : memref<1x80x128xf32, #tpu.memory_space<vmem>> -> memref<80x128xf32, #tpu.memory_space<vmem>>
        %dma_start3A_151 = arith.constant 0 : i32
        %dma_start3A_152 = tpu.memref_slice %arg8[%add3A_131, %dma_start3A_151] : memref<128x80xi32, #tpu.memory_space<vmem>> -> memref<1x80xi32, #tpu.memory_space<vmem>>
        %dma_start3A_153 = tpu.memref_squeeze %dma_start3A_152 : memref<1x80xi32, #tpu.memory_space<vmem>> -> memref<80xi32, #tpu.memory_space<vmem>>
        %dma_start3A_154 = arith.constant 0 : i32
        %dma_start3A_155 = arith.constant 0 : i32
        %dma_start3A_156 = tpu.memref_slice %arg14[%dma_start3A_154, %dma_start3A_155] : memref<10008x128xf32, #tpu.memory_space<vmem_shared>> -> memref<10008x128xf32, #tpu.memory_space<vmem_shared>>
        tpu.enqueue_indirect_dma source(%dma_start3A_150 : memref<80x128xf32, #tpu.memory_space<vmem>>) target(%dma_start3A_156 : memref<10008x128xf32, #tpu.memory_space<vmem_shared>>) offsets(%dma_start3A_153 : memref<80xi32, #tpu.memory_space<vmem>>) semaphore(%arg12 : memref<!tpu.dma_semaphore, #tpu.memory_space<semaphore_mem>>) {add = true}
        %dma_wait3A_157 = arith.constant 0 : i32
        %dma_wait3A_158 = arith.constant 0 : i32
        %dma_wait3A_159 = arith.constant 0 : i32
        %dma_wait3A_160 = tpu.memref_slice %arg9[%dma_wait3A_157, %dma_wait3A_158, %dma_wait3A_159] : memref<2x80x128xf32, #tpu.memory_space<vmem>> -> memref<1x80x128xf32, #tpu.memory_space<vmem>>
        %dma_wait3A_161 = tpu.memref_squeeze %dma_wait3A_160 : memref<1x80x128xf32, #tpu.memory_space<vmem>> -> memref<80x128xf32, #tpu.memory_space<vmem>>
        %dma_wait3A_162 = arith.constant 0 : i32
        %dma_wait3A_163 = tpu.memref_slice %arg8[%add3A_131, %dma_wait3A_162] : memref<128x80xi32, #tpu.memory_space<vmem>> -> memref<1x80xi32, #tpu.memory_space<vmem>>
        %dma_wait3A_164 = tpu.memref_squeeze %dma_wait3A_163 : memref<1x80xi32, #tpu.memory_space<vmem>> -> memref<80xi32, #tpu.memory_space<vmem>>
        %dma_wait3A_165 = arith.constant 0 : i32
        %dma_wait3A_166 = arith.constant 0 : i32
        %dma_wait3A_167 = tpu.memref_slice %arg14[%dma_wait3A_165, %dma_wait3A_166] : memref<10008x128xf32, #tpu.memory_space<vmem_shared>> -> memref<10008x128xf32, #tpu.memory_space<vmem_shared>>
        tpu.wait_indirect_dma semaphore(%arg12 : memref<!tpu.dma_semaphore, #tpu.memory_space<semaphore_mem>>) src(%dma_wait3A_161 : memref<80x128xf32, #tpu.memory_space<vmem>>) dst(%dma_wait3A_167 : memref<10008x128xf32, #tpu.memory_space<vmem_shared>>)
        %add3A_168 = arith.constant 2 : i32
        %add3A_169 = arith.addi %add3A_131, %add3A_168 : i32
        %lt3A_170 = arith.constant 128 : i32
        %lt3A_171 = arith.cmpi slt, %add3A_169, %lt3A_170 : i32
        %convert_element_type3A_172 = arith.extui %lt3A_171 : i1 to i32
        %cond3A_173 = arith.constant 0 : i32
        %cond3A_174 = arith.cmpi ne, %convert_element_type3A_172, %cond3A_173 : i32
        scf.if %cond3A_174 {
          %add3A_223 = arith.constant 2 : i32
          %add3A_224 = arith.addi %add3A_131, %add3A_223 : i32
          %mul3A_225 = arith.constant 80 : i32
          %mul3A_226 = arith.muli %add3A_224, %mul3A_225 : i32
          %dma_start3A_227 = arith.constant 0 : i32
          %dma_start3A_228 = arith.constant 0 : i32
          %dma_start3A_229 = arith.constant 0 : i32
          %dma_start3A_230 = tpu.memref_slice %arg9[%dma_start3A_227, %dma_start3A_228, %dma_start3A_229] : memref<2x80x128xf32, #tpu.memory_space<vmem>> -> memref<1x80x128xf32, #tpu.memory_space<vmem>>
          %dma_start3A_231 = tpu.memref_squeeze %dma_start3A_230 : memref<1x80x128xf32, #tpu.memory_space<vmem>> -> memref<80x128xf32, #tpu.memory_space<vmem>>
          %dma_start3A_232 = tpu.memref_slice %arg7[%mul3A_226] : memref<10240xi32, #tpu.memory_space<vmem>> -> memref<80xi32, #tpu.memory_space<vmem>>
          %dma_start3A_233 = arith.constant 0 : i32
          %dma_start3A_234 = arith.constant 0 : i32
          %dma_start3A_235 = tpu.memref_slice %arg2[%scan3A_108, %dma_start3A_233, %dma_start3A_234] : memref<4x10000x128xf32, #tpu.memory_space<hbm>> -> memref<1x10000x128xf32, #tpu.memory_space<hbm>>
          %dma_start3A_236 = tpu.memref_squeeze %dma_start3A_235 : memref<1x10000x128xf32, #tpu.memory_space<hbm>> -> memref<10000x128xf32, #tpu.memory_space<hbm>>
          %dma_start3A_237 = arith.constant 0 : i32
          %dma_start3A_238 = arith.constant 0 : i32
          %dma_start3A_239 = tpu.memref_slice %dma_start3A_236[%dma_start3A_237, %dma_start3A_238] : memref<10000x128xf32, #tpu.memory_space<hbm>> -> memref<10000x128xf32, #tpu.memory_space<hbm>>
          tpu.enqueue_indirect_dma source(%dma_start3A_239 : memref<10000x128xf32, #tpu.memory_space<hbm>>) target(%dma_start3A_231 : memref<80x128xf32, #tpu.memory_space<vmem>>) offsets(%dma_start3A_232 : memref<80xi32, #tpu.memory_space<vmem>>) semaphore(%arg10 : memref<!tpu.dma_semaphore, #tpu.memory_space<semaphore_mem>>)
        } else {
        }
        %mul3A_175 = arith.constant 2 : i32
        %mul3A_176 = arith.muli %scan3A_128, %mul3A_175 : i32
        %add3A_177 = arith.constant 1 : i32
        %add3A_178 = arith.addi %mul3A_176, %add3A_177 : i32
        %mul3A_179 = arith.constant 80 : i32
        %mul3A_180 = arith.muli %add3A_178, %mul3A_179 : i32
        %dma_wait3A_181 = arith.constant 1 : i32
        %dma_wait3A_182 = arith.constant 0 : i32
        %dma_wait3A_183 = arith.constant 0 : i32
        %dma_wait3A_184 = tpu.memref_slice %arg9[%dma_wait3A_181, %dma_wait3A_182, %dma_wait3A_183] : memref<2x80x128xf32, #tpu.memory_space<vmem>> -> memref<1x80x128xf32, #tpu.memory_space<vmem>>
        %dma_wait3A_185 = tpu.memref_squeeze %dma_wait3A_184 : memref<1x80x128xf32, #tpu.memory_space<vmem>> -> memref<80x128xf32, #tpu.memory_space<vmem>>
        %dma_wait3A_186 = tpu.memref_slice %arg7[%mul3A_180] : memref<10240xi32, #tpu.memory_space<vmem>> -> memref<80xi32, #tpu.memory_space<vmem>>
        %dma_wait3A_187 = arith.constant 0 : i32
        %dma_wait3A_188 = arith.constant 0 : i32
        %dma_wait3A_189 = tpu.memref_slice %arg2[%scan3A_108, %dma_wait3A_187, %dma_wait3A_188] : memref<4x10000x128xf32, #tpu.memory_space<hbm>> -> memref<1x10000x128xf32, #tpu.memory_space<hbm>>
        %dma_wait3A_190 = tpu.memref_squeeze %dma_wait3A_189 : memref<1x10000x128xf32, #tpu.memory_space<hbm>> -> memref<10000x128xf32, #tpu.memory_space<hbm>>
        %dma_wait3A_191 = arith.constant 0 : i32
        %dma_wait3A_192 = arith.constant 0 : i32
        %dma_wait3A_193 = tpu.memref_slice %dma_wait3A_190[%dma_wait3A_191, %dma_wait3A_192] : memref<10000x128xf32, #tpu.memory_space<hbm>> -> memref<10000x128xf32, #tpu.memory_space<hbm>>
        tpu.wait_indirect_dma semaphore(%arg11 : memref<!tpu.dma_semaphore, #tpu.memory_space<semaphore_mem>>) src(%dma_wait3A_193 : memref<10000x128xf32, #tpu.memory_space<hbm>>) dst(%dma_wait3A_185 : memref<80x128xf32, #tpu.memory_space<vmem>>)
        %dma_start3A_194 = arith.constant 1 : i32
        %dma_start3A_195 = arith.constant 0 : i32
        %dma_start3A_196 = arith.constant 0 : i32
        %dma_start3A_197 = tpu.memref_slice %arg9[%dma_start3A_194, %dma_start3A_195, %dma_start3A_196] : memref<2x80x128xf32, #tpu.memory_space<vmem>> -> memref<1x80x128xf32, #tpu.memory_space<vmem>>
        %dma_start3A_198 = tpu.memref_squeeze %dma_start3A_197 : memref<1x80x128xf32, #tpu.memory_space<vmem>> -> memref<80x128xf32, #tpu.memory_space<vmem>>
        %dma_start3A_199 = arith.constant 0 : i32
        %dma_start3A_200 = tpu.memref_slice %arg8[%add3A_178, %dma_start3A_199] : memref<128x80xi32, #tpu.memory_space<vmem>> -> memref<1x80xi32, #tpu.memory_space<vmem>>
        %dma_start3A_201 = tpu.memref_squeeze %dma_start3A_200 : memref<1x80xi32, #tpu.memory_space<vmem>> -> memref<80xi32, #tpu.memory_space<vmem>>
        %dma_start3A_202 = arith.constant 0 : i32
        %dma_start3A_203 = arith.constant 0 : i32
        %dma_start3A_204 = tpu.memref_slice %arg14[%dma_start3A_202, %dma_start3A_203] : memref<10008x128xf32, #tpu.memory_space<vmem_shared>> -> memref<10008x128xf32, #tpu.memory_space<vmem_shared>>
        tpu.enqueue_indirect_dma source(%dma_start3A_198 : memref<80x128xf32, #tpu.memory_space<vmem>>) target(%dma_start3A_204 : memref<10008x128xf32, #tpu.memory_space<vmem_shared>>) offsets(%dma_start3A_201 : memref<80xi32, #tpu.memory_space<vmem>>) semaphore(%arg13 : memref<!tpu.dma_semaphore, #tpu.memory_space<semaphore_mem>>) {add = true}
        %dma_wait3A_205 = arith.constant 1 : i32
        %dma_wait3A_206 = arith.constant 0 : i32
        %dma_wait3A_207 = arith.constant 0 : i32
        %dma_wait3A_208 = tpu.memref_slice %arg9[%dma_wait3A_205, %dma_wait3A_206, %dma_wait3A_207] : memref<2x80x128xf32, #tpu.memory_space<vmem>> -> memref<1x80x128xf32, #tpu.memory_space<vmem>>
        %dma_wait3A_209 = tpu.memref_squeeze %dma_wait3A_208 : memref<1x80x128xf32, #tpu.memory_space<vmem>> -> memref<80x128xf32, #tpu.memory_space<vmem>>
        %dma_wait3A_210 = arith.constant 0 : i32
        %dma_wait3A_211 = tpu.memref_slice %arg8[%add3A_178, %dma_wait3A_210] : memref<128x80xi32, #tpu.memory_space<vmem>> -> memref<1x80xi32, #tpu.memory_space<vmem>>
        %dma_wait3A_212 = tpu.memref_squeeze %dma_wait3A_211 : memref<1x80xi32, #tpu.memory_space<vmem>> -> memref<80xi32, #tpu.memory_space<vmem>>
        %dma_wait3A_213 = arith.constant 0 : i32
        %dma_wait3A_214 = arith.constant 0 : i32
        %dma_wait3A_215 = tpu.memref_slice %arg14[%dma_wait3A_213, %dma_wait3A_214] : memref<10008x128xf32, #tpu.memory_space<vmem_shared>> -> memref<10008x128xf32, #tpu.memory_space<vmem_shared>>
        tpu.wait_indirect_dma semaphore(%arg13 : memref<!tpu.dma_semaphore, #tpu.memory_space<semaphore_mem>>) src(%dma_wait3A_209 : memref<80x128xf32, #tpu.memory_space<vmem>>) dst(%dma_wait3A_215 : memref<10008x128xf32, #tpu.memory_space<vmem_shared>>)
        %add3A_216 = arith.constant 2 : i32
        %add3A_217 = arith.addi %add3A_178, %add3A_216 : i32
        %lt3A_218 = arith.constant 128 : i32
        %lt3A_219 = arith.cmpi slt, %add3A_217, %lt3A_218 : i32
        %convert_element_type3A_220 = arith.extui %lt3A_219 : i1 to i32
        %cond3A_221 = arith.constant 0 : i32
        %cond3A_222 = arith.cmpi ne, %convert_element_type3A_220, %cond3A_221 : i32
        scf.if %cond3A_222 {
          %add3A_223 = arith.constant 2 : i32
          %add3A_224 = arith.addi %add3A_178, %add3A_223 : i32
          %mul3A_225 = arith.constant 80 : i32
          %mul3A_226 = arith.muli %add3A_224, %mul3A_225 : i32
          %dma_start3A_227 = arith.constant 1 : i32
          %dma_start3A_228 = arith.constant 0 : i32
          %dma_start3A_229 = arith.constant 0 : i32
          %dma_start3A_230 = tpu.memref_slice %arg9[%dma_start3A_227, %dma_start3A_228, %dma_start3A_229] : memref<2x80x128xf32, #tpu.memory_space<vmem>> -> memref<1x80x128xf32, #tpu.memory_space<vmem>>
          %dma_start3A_231 = tpu.memref_squeeze %dma_start3A_230 : memref<1x80x128xf32, #tpu.memory_space<vmem>> -> memref<80x128xf32, #tpu.memory_space<vmem>>
          %dma_start3A_232 = tpu.memref_slice %arg7[%mul3A_226] : memref<10240xi32, #tpu.memory_space<vmem>> -> memref<80xi32, #tpu.memory_space<vmem>>
          %dma_start3A_233 = arith.constant 0 : i32
          %dma_start3A_234 = arith.constant 0 : i32
          %dma_start3A_235 = tpu.memref_slice %arg2[%scan3A_108, %dma_start3A_233, %dma_start3A_234] : memref<4x10000x128xf32, #tpu.memory_space<hbm>> -> memref<1x10000x128xf32, #tpu.memory_space<hbm>>
          %dma_start3A_236 = tpu.memref_squeeze %dma_start3A_235 : memref<1x10000x128xf32, #tpu.memory_space<hbm>> -> memref<10000x128xf32, #tpu.memory_space<hbm>>
          %dma_start3A_237 = arith.constant 0 : i32
          %dma_start3A_238 = arith.constant 0 : i32
          %dma_start3A_239 = tpu.memref_slice %dma_start3A_236[%dma_start3A_237, %dma_start3A_238] : memref<10000x128xf32, #tpu.memory_space<hbm>> -> memref<10000x128xf32, #tpu.memory_space<hbm>>
          tpu.enqueue_indirect_dma source(%dma_start3A_239 : memref<10000x128xf32, #tpu.memory_space<hbm>>) target(%dma_start3A_231 : memref<80x128xf32, #tpu.memory_space<vmem>>) offsets(%dma_start3A_232 : memref<80xi32, #tpu.memory_space<vmem>>) semaphore(%arg11 : memref<!tpu.dma_semaphore, #tpu.memory_space<semaphore_mem>>)
        } else {
        }
      }
      %scan3A_113 = arith.constant 64 : i32
      %barrier3A_114 = arith.constant 0 : index
      tpu.barrier barrier_id(%barrier3A_114)
      %lt3A_115 = arith.constant 15 : i32
      %lt3A_116 = arith.cmpi slt, %arg1, %lt3A_115 : i32
      %convert_element_type3A_117 = arith.extui %lt3A_116 : i1 to i32
      %cond3A_118 = arith.constant 1 : i32
      %cond3A_119 = arith.constant 0 : i32
      %cond3A_120 = arith.cmpi ne, %convert_element_type3A_117, %cond3A_119 : i32
      scf.if %cond3A_120 {
        %mul3A_128 = arith.constant 624 : i32
        %mul3A_129 = arith.muli %arg1, %mul3A_128 : i32
        %multiple_of3A = tpu.assume_multiple %mul3A_129, 8 : i32
        "tpu.region"() ({
          %run_scoped3A = tpu.sem_alloc : memref<!tpu.dma_semaphore, #tpu.memory_space<semaphore_mem>>
          %dma_start3A_130 = arith.constant 0 : i32
          %dma_start3A_131 = arith.constant 0 : i32
          %dma_start3A_132 = tpu.memref_slice %arg6[%cond3A_118, %dma_start3A_130, %dma_start3A_131] : memref<4x10000x128xf32, #tpu.memory_space<hbm>> -> memref<1x10000x128xf32, #tpu.memory_space<hbm>>
          %dma_start3A_133 = tpu.memref_squeeze %dma_start3A_132 : memref<1x10000x128xf32, #tpu.memory_space<hbm>> -> memref<10000x128xf32, #tpu.memory_space<hbm>>
          %dma_start3A_134 = arith.constant 0 : i32
          %dma_start3A_135 = tpu.memref_slice %dma_start3A_133[%multiple_of3A, %dma_start3A_134] : memref<10000x128xf32, #tpu.memory_space<hbm>> -> memref<624x128xf32, #tpu.memory_space<hbm>>
          %dma_start3A_136 = arith.constant 0 : i32
          %dma_start3A_137 = tpu.memref_slice %arg14[%multiple_of3A, %dma_start3A_136] : memref<10008x128xf32, #tpu.memory_space<vmem_shared>> -> memref<624x128xf32, #tpu.memory_space<vmem_shared>>
          tpu.enqueue_dma source(%dma_start3A_137 : memref<624x128xf32, #tpu.memory_space<vmem_shared>>) target(%dma_start3A_135 : memref<624x128xf32, #tpu.memory_space<hbm>>) target_semaphore(%run_scoped3A : memref<!tpu.dma_semaphore, #tpu.memory_space<semaphore_mem>>)
          %dma_wait3A = arith.constant 0 : i32
          %dma_wait3A_138 = arith.constant 0 : i32
          %dma_wait3A_139 = tpu.memref_slice %arg6[%cond3A_118, %dma_wait3A, %dma_wait3A_138] : memref<4x10000x128xf32, #tpu.memory_space<hbm>> -> memref<1x10000x128xf32, #tpu.memory_space<hbm>>
          %dma_wait3A_140 = tpu.memref_squeeze %dma_wait3A_139 : memref<1x10000x128xf32, #tpu.memory_space<hbm>> -> memref<10000x128xf32, #tpu.memory_space<hbm>>
          %dma_wait3A_141 = arith.constant 0 : i32
          %dma_wait3A_142 = tpu.memref_slice %dma_wait3A_140[%multiple_of3A, %dma_wait3A_141] : memref<10000x128xf32, #tpu.memory_space<hbm>> -> memref<624x128xf32, #tpu.memory_space<hbm>>
          %dma_wait3A_143 = arith.constant 0 : i32
          %dma_wait3A_144 = tpu.memref_slice %arg14[%multiple_of3A, %dma_wait3A_143] : memref<10008x128xf32, #tpu.memory_space<vmem_shared>> -> memref<624x128xf32, #tpu.memory_space<vmem_shared>>
          tpu.wait_dma2 semaphore(%run_scoped3A : memref<!tpu.dma_semaphore, #tpu.memory_space<semaphore_mem>>) src(%dma_wait3A_144 : memref<624x128xf32, #tpu.memory_space<vmem_shared>>) dst(%dma_wait3A_142 : memref<624x128xf32, #tpu.memory_space<hbm>>)
          tpu.yield
        }) : () -> ()
      } else {
      }
      %eq3A_121 = arith.constant 15 : i32
      %eq3A_122 = arith.cmpi eq, %arg1, %eq3A_121 : i32
      %convert_element_type3A_123 = arith.extui %eq3A_122 : i1 to i32
      %cond3A_124 = arith.constant 1 : i32
      %cond3A_125 = arith.constant 0 : i32
      %cond3A_126 = arith.cmpi ne, %convert_element_type3A_123, %cond3A_125 : i32
      scf.if %cond3A_126 {
        "tpu.region"() ({
          %run_scoped3A = tpu.sem_alloc : memref<!tpu.dma_semaphore, #tpu.memory_space<semaphore_mem>>
          %dma_start3A_128 = arith.constant 0 : i32
          %dma_start3A_129 = arith.constant 0 : i32
          %dma_start3A_130 = tpu.memref_slice %arg6[%cond3A_124, %dma_start3A_128, %dma_start3A_129] : memref<4x10000x128xf32, #tpu.memory_space<hbm>> -> memref<1x10000x128xf32, #tpu.memory_space<hbm>>
          %dma_start3A_131 = tpu.memref_squeeze %dma_start3A_130 : memref<1x10000x128xf32, #tpu.memory_space<hbm>> -> memref<10000x128xf32, #tpu.memory_space<hbm>>
          %dma_start3A_132 = arith.constant 9360 : i32
          %dma_start3A_133 = arith.constant 0 : i32
          %dma_start3A_134 = tpu.memref_slice %dma_start3A_131[%dma_start3A_132, %dma_start3A_133] : memref<10000x128xf32, #tpu.memory_space<hbm>> -> memref<640x128xf32, #tpu.memory_space<hbm>>
          %dma_start3A_135 = arith.constant 9360 : i32
          %dma_start3A_136 = arith.constant 0 : i32
          %dma_start3A_137 = tpu.memref_slice %arg14[%dma_start3A_135, %dma_start3A_136] : memref<10008x128xf32, #tpu.memory_space<vmem_shared>> -> memref<640x128xf32, #tpu.memory_space<vmem_shared>>
          tpu.enqueue_dma source(%dma_start3A_137 : memref<640x128xf32, #tpu.memory_space<vmem_shared>>) target(%dma_start3A_134 : memref<640x128xf32, #tpu.memory_space<hbm>>) target_semaphore(%run_scoped3A : memref<!tpu.dma_semaphore, #tpu.memory_space<semaphore_mem>>)
          %dma_wait3A = arith.constant 0 : i32
          %dma_wait3A_138 = arith.constant 0 : i32
          %dma_wait3A_139 = tpu.memref_slice %arg6[%cond3A_124, %dma_wait3A, %dma_wait3A_138] : memref<4x10000x128xf32, #tpu.memory_space<hbm>> -> memref<1x10000x128xf32, #tpu.memory_space<hbm>>
          %dma_wait3A_140 = tpu.memref_squeeze %dma_wait3A_139 : memref<1x10000x128xf32, #tpu.memory_space<hbm>> -> memref<10000x128xf32, #tpu.memory_space<hbm>>
          %dma_wait3A_141 = arith.constant 9360 : i32
          %dma_wait3A_142 = arith.constant 0 : i32
          %dma_wait3A_143 = tpu.memref_slice %dma_wait3A_140[%dma_wait3A_141, %dma_wait3A_142] : memref<10000x128xf32, #tpu.memory_space<hbm>> -> memref<640x128xf32, #tpu.memory_space<hbm>>
          %dma_wait3A_144 = arith.constant 9360 : i32
          %dma_wait3A_145 = arith.constant 0 : i32
          %dma_wait3A_146 = tpu.memref_slice %arg14[%dma_wait3A_144, %dma_wait3A_145] : memref<10008x128xf32, #tpu.memory_space<vmem_shared>> -> memref<640x128xf32, #tpu.memory_space<vmem_shared>>
          tpu.wait_dma2 semaphore(%run_scoped3A : memref<!tpu.dma_semaphore, #tpu.memory_space<semaphore_mem>>) src(%dma_wait3A_146 : memref<640x128xf32, #tpu.memory_space<vmem_shared>>) dst(%dma_wait3A_143 : memref<640x128xf32, #tpu.memory_space<hbm>>)
          tpu.yield
        }) : () -> ()
      } else {
      }
      %barrier3A_127 = arith.constant 0 : index
      tpu.barrier barrier_id(%barrier3A_127)
    } else {
    }
    %eq3A_3 = arith.constant 1 : i32
    %eq3A_4 = arith.cmpi eq, %arg0, %eq3A_3 : i32
    %convert_element_type3A_5 = arith.extui %eq3A_4 : i1 to i32
    %cond3A_6 = arith.constant 0 : i32
    %cond3A_7 = arith.cmpi ne, %convert_element_type3A_5, %cond3A_6 : i32
    scf.if %cond3A_7 {
      %lt3A = arith.constant 15 : i32
      %lt3A_8 = arith.cmpi slt, %arg1, %lt3A : i32
      %convert_element_type3A_9 = arith.extui %lt3A_8 : i1 to i32
      %cond3A_10 = arith.constant 0 : i32
      %cond3A_11 = arith.cmpi ne, %convert_element_type3A_9, %cond3A_10 : i32
      scf.if %cond3A_11 {
        %mul3A_128 = arith.constant 624 : i32
        %mul3A_129 = arith.muli %arg1, %mul3A_128 : i32
        %multiple_of3A = tpu.assume_multiple %mul3A_129, 8 : i32
        "tpu.region"() ({
          %run_scoped3A = tpu.sem_alloc : memref<!tpu.dma_semaphore, #tpu.memory_space<semaphore_mem>>
          %dma_start3A_130 = arith.constant 0 : i32
          %dma_start3A_131 = tpu.memref_slice %arg14[%multiple_of3A, %dma_start3A_130] : memref<10008x128xf32, #tpu.memory_space<vmem_shared>> -> memref<624x128xf32, #tpu.memory_space<vmem_shared>>
          %dma_start3A_132 = arith.constant 0 : i32
          %dma_start3A_133 = tpu.memref_slice %arg5[%multiple_of3A, %dma_start3A_132] : memref<10000x128xf32, #tpu.memory_space<hbm>> -> memref<624x128xf32, #tpu.memory_space<hbm>>
          tpu.enqueue_dma source(%dma_start3A_133 : memref<624x128xf32, #tpu.memory_space<hbm>>) target(%dma_start3A_131 : memref<624x128xf32, #tpu.memory_space<vmem_shared>>) target_semaphore(%run_scoped3A : memref<!tpu.dma_semaphore, #tpu.memory_space<semaphore_mem>>)
          %dma_wait3A = arith.constant 0 : i32
          %dma_wait3A_134 = tpu.memref_slice %arg14[%multiple_of3A, %dma_wait3A] : memref<10008x128xf32, #tpu.memory_space<vmem_shared>> -> memref<624x128xf32, #tpu.memory_space<vmem_shared>>
          %dma_wait3A_135 = arith.constant 0 : i32
          %dma_wait3A_136 = tpu.memref_slice %arg5[%multiple_of3A, %dma_wait3A_135] : memref<10000x128xf32, #tpu.memory_space<hbm>> -> memref<624x128xf32, #tpu.memory_space<hbm>>
          tpu.wait_dma2 semaphore(%run_scoped3A : memref<!tpu.dma_semaphore, #tpu.memory_space<semaphore_mem>>) src(%dma_wait3A_136 : memref<624x128xf32, #tpu.memory_space<hbm>>) dst(%dma_wait3A_134 : memref<624x128xf32, #tpu.memory_space<vmem_shared>>)
          tpu.yield
        }) : () -> ()
      } else {
      }
      %eq3A_12 = arith.constant 15 : i32
      %eq3A_13 = arith.cmpi eq, %arg1, %eq3A_12 : i32
      %convert_element_type3A_14 = arith.extui %eq3A_13 : i1 to i32
      %cond3A_15 = arith.constant 0 : i32
      %cond3A_16 = arith.cmpi ne, %convert_element_type3A_14, %cond3A_15 : i32
      scf.if %cond3A_16 {
        "tpu.region"() ({
          %run_scoped3A = tpu.sem_alloc : memref<!tpu.dma_semaphore, #tpu.memory_space<semaphore_mem>>
          %dma_start3A_128 = arith.constant 9360 : i32
          %dma_start3A_129 = arith.constant 0 : i32
          %dma_start3A_130 = tpu.memref_slice %arg14[%dma_start3A_128, %dma_start3A_129] : memref<10008x128xf32, #tpu.memory_space<vmem_shared>> -> memref<640x128xf32, #tpu.memory_space<vmem_shared>>
          %dma_start3A_131 = arith.constant 9360 : i32
          %dma_start3A_132 = arith.constant 0 : i32
          %dma_start3A_133 = tpu.memref_slice %arg5[%dma_start3A_131, %dma_start3A_132] : memref<10000x128xf32, #tpu.memory_space<hbm>> -> memref<640x128xf32, #tpu.memory_space<hbm>>
          tpu.enqueue_dma source(%dma_start3A_133 : memref<640x128xf32, #tpu.memory_space<hbm>>) target(%dma_start3A_130 : memref<640x128xf32, #tpu.memory_space<vmem_shared>>) target_semaphore(%run_scoped3A : memref<!tpu.dma_semaphore, #tpu.memory_space<semaphore_mem>>)
          %dma_wait3A = arith.constant 9360 : i32
          %dma_wait3A_134 = arith.constant 0 : i32
          %dma_wait3A_135 = tpu.memref_slice %arg14[%dma_wait3A, %dma_wait3A_134] : memref<10008x128xf32, #tpu.memory_space<vmem_shared>> -> memref<640x128xf32, #tpu.memory_space<vmem_shared>>
          %dma_wait3A_136 = arith.constant 9360 : i32
          %dma_wait3A_137 = arith.constant 0 : i32
          %dma_wait3A_138 = tpu.memref_slice %arg5[%dma_wait3A_136, %dma_wait3A_137] : memref<10000x128xf32, #tpu.memory_space<hbm>> -> memref<640x128xf32, #tpu.memory_space<hbm>>
          tpu.wait_dma2 semaphore(%run_scoped3A : memref<!tpu.dma_semaphore, #tpu.memory_space<semaphore_mem>>) src(%dma_wait3A_138 : memref<640x128xf32, #tpu.memory_space<hbm>>) dst(%dma_wait3A_135 : memref<640x128xf32, #tpu.memory_space<vmem_shared>>)
          tpu.yield
        }) : () -> ()
      } else {
      }
      %barrier3A = arith.constant 0 : index
      tpu.barrier barrier_id(%barrier3A)
      %dma_start3A = arith.constant 2 : i32
      %dma_start3A_17 = arith.constant 0 : i32
      %dma_start3A_18 = arith.constant 0 : i32
      %dma_start3A_19 = arith.constant 0 : i32
      %dma_start3A_20 = tpu.memref_slice %arg9[%dma_start3A_17, %dma_start3A_18, %dma_start3A_19] : memref<2x80x128xf32, #tpu.memory_space<vmem>> -> memref<1x80x128xf32, #tpu.memory_space<vmem>>
      %dma_start3A_21 = tpu.memref_squeeze %dma_start3A_20 : memref<1x80x128xf32, #tpu.memory_space<vmem>> -> memref<80x128xf32, #tpu.memory_space<vmem>>
      %dma_start3A_22 = arith.constant 0 : i32
      %dma_start3A_23 = tpu.memref_slice %arg7[%dma_start3A_22] : memref<10240xi32, #tpu.memory_space<vmem>> -> memref<80xi32, #tpu.memory_space<vmem>>
      %dma_start3A_24 = arith.constant 0 : i32
      %dma_start3A_25 = arith.constant 0 : i32
      %dma_start3A_26 = tpu.memref_slice %arg2[%dma_start3A, %dma_start3A_24, %dma_start3A_25] : memref<4x10000x128xf32, #tpu.memory_space<hbm>> -> memref<1x10000x128xf32, #tpu.memory_space<hbm>>
      %dma_start3A_27 = tpu.memref_squeeze %dma_start3A_26 : memref<1x10000x128xf32, #tpu.memory_space<hbm>> -> memref<10000x128xf32, #tpu.memory_space<hbm>>
      %dma_start3A_28 = arith.constant 0 : i32
      %dma_start3A_29 = arith.constant 0 : i32
      %dma_start3A_30 = tpu.memref_slice %dma_start3A_27[%dma_start3A_28, %dma_start3A_29] : memref<10000x128xf32, #tpu.memory_space<hbm>> -> memref<10000x128xf32, #tpu.memory_space<hbm>>
      tpu.enqueue_indirect_dma source(%dma_start3A_30 : memref<10000x128xf32, #tpu.memory_space<hbm>>) target(%dma_start3A_21 : memref<80x128xf32, #tpu.memory_space<vmem>>) offsets(%dma_start3A_23 : memref<80xi32, #tpu.memory_space<vmem>>) semaphore(%arg10 : memref<!tpu.dma_semaphore, #tpu.memory_space<semaphore_mem>>)
      %dma_start3A_31 = arith.constant 2 : i32
      %dma_start3A_32 = arith.constant 1 : i32
      %dma_start3A_33 = arith.constant 0 : i32
      %dma_start3A_34 = arith.constant 0 : i32
      %dma_start3A_35 = tpu.memref_slice %arg9[%dma_start3A_32, %dma_start3A_33, %dma_start3A_34] : memref<2x80x128xf32, #tpu.memory_space<vmem>> -> memref<1x80x128xf32, #tpu.memory_space<vmem>>
      %dma_start3A_36 = tpu.memref_squeeze %dma_start3A_35 : memref<1x80x128xf32, #tpu.memory_space<vmem>> -> memref<80x128xf32, #tpu.memory_space<vmem>>
      %dma_start3A_37 = arith.constant 80 : i32
      %dma_start3A_38 = tpu.memref_slice %arg7[%dma_start3A_37] : memref<10240xi32, #tpu.memory_space<vmem>> -> memref<80xi32, #tpu.memory_space<vmem>>
      %dma_start3A_39 = arith.constant 0 : i32
      %dma_start3A_40 = arith.constant 0 : i32
      %dma_start3A_41 = tpu.memref_slice %arg2[%dma_start3A_31, %dma_start3A_39, %dma_start3A_40] : memref<4x10000x128xf32, #tpu.memory_space<hbm>> -> memref<1x10000x128xf32, #tpu.memory_space<hbm>>
      %dma_start3A_42 = tpu.memref_squeeze %dma_start3A_41 : memref<1x10000x128xf32, #tpu.memory_space<hbm>> -> memref<10000x128xf32, #tpu.memory_space<hbm>>
      %dma_start3A_43 = arith.constant 0 : i32
      %dma_start3A_44 = arith.constant 0 : i32
      %dma_start3A_45 = tpu.memref_slice %dma_start3A_42[%dma_start3A_43, %dma_start3A_44] : memref<10000x128xf32, #tpu.memory_space<hbm>> -> memref<10000x128xf32, #tpu.memory_space<hbm>>
      tpu.enqueue_indirect_dma source(%dma_start3A_45 : memref<10000x128xf32, #tpu.memory_space<hbm>>) target(%dma_start3A_36 : memref<80x128xf32, #tpu.memory_space<vmem>>) offsets(%dma_start3A_38 : memref<80xi32, #tpu.memory_space<vmem>>) semaphore(%arg11 : memref<!tpu.dma_semaphore, #tpu.memory_space<semaphore_mem>>)
      %scan3A = arith.constant 0 : i32
      %scan3A_46 = arith.constant 2 : i32
      %scan3A_47 = arith.constant 0 : i32
      %scan3A_48 = arith.constant 64 : i32
      %scan3A_49 = arith.addi %scan3A_47, %scan3A_48 : i32
      %scan3A_50 = arith.constant 1 : i32
      scf.for %scan3A_128 = %scan3A_47 to %scan3A_49 step %scan3A_50  : i32 {
        %mul3A_129 = arith.constant 2 : i32
        %mul3A_130 = arith.muli %scan3A_128, %mul3A_129 : i32
        %add3A = arith.constant 0 : i32
        %add3A_131 = arith.addi %mul3A_130, %add3A : i32
        %mul3A_132 = arith.constant 80 : i32
        %mul3A_133 = arith.muli %add3A_131, %mul3A_132 : i32
        %dma_wait3A = arith.constant 0 : i32
        %dma_wait3A_134 = arith.constant 0 : i32
        %dma_wait3A_135 = arith.constant 0 : i32
        %dma_wait3A_136 = tpu.memref_slice %arg9[%dma_wait3A, %dma_wait3A_134, %dma_wait3A_135] : memref<2x80x128xf32, #tpu.memory_space<vmem>> -> memref<1x80x128xf32, #tpu.memory_space<vmem>>
        %dma_wait3A_137 = tpu.memref_squeeze %dma_wait3A_136 : memref<1x80x128xf32, #tpu.memory_space<vmem>> -> memref<80x128xf32, #tpu.memory_space<vmem>>
        %dma_wait3A_138 = tpu.memref_slice %arg7[%mul3A_133] : memref<10240xi32, #tpu.memory_space<vmem>> -> memref<80xi32, #tpu.memory_space<vmem>>
        %dma_wait3A_139 = arith.constant 0 : i32
        %dma_wait3A_140 = arith.constant 0 : i32
        %dma_wait3A_141 = tpu.memref_slice %arg2[%scan3A_46, %dma_wait3A_139, %dma_wait3A_140] : memref<4x10000x128xf32, #tpu.memory_space<hbm>> -> memref<1x10000x128xf32, #tpu.memory_space<hbm>>
        %dma_wait3A_142 = tpu.memref_squeeze %dma_wait3A_141 : memref<1x10000x128xf32, #tpu.memory_space<hbm>> -> memref<10000x128xf32, #tpu.memory_space<hbm>>
        %dma_wait3A_143 = arith.constant 0 : i32
        %dma_wait3A_144 = arith.constant 0 : i32
        %dma_wait3A_145 = tpu.memref_slice %dma_wait3A_142[%dma_wait3A_143, %dma_wait3A_144] : memref<10000x128xf32, #tpu.memory_space<hbm>> -> memref<10000x128xf32, #tpu.memory_space<hbm>>
        tpu.wait_indirect_dma semaphore(%arg10 : memref<!tpu.dma_semaphore, #tpu.memory_space<semaphore_mem>>) src(%dma_wait3A_145 : memref<10000x128xf32, #tpu.memory_space<hbm>>) dst(%dma_wait3A_137 : memref<80x128xf32, #tpu.memory_space<vmem>>)
        %dma_start3A_146 = arith.constant 0 : i32
        %dma_start3A_147 = arith.constant 0 : i32
        %dma_start3A_148 = arith.constant 0 : i32
        %dma_start3A_149 = tpu.memref_slice %arg9[%dma_start3A_146, %dma_start3A_147, %dma_start3A_148] : memref<2x80x128xf32, #tpu.memory_space<vmem>> -> memref<1x80x128xf32, #tpu.memory_space<vmem>>
        %dma_start3A_150 = tpu.memref_squeeze %dma_start3A_149 : memref<1x80x128xf32, #tpu.memory_space<vmem>> -> memref<80x128xf32, #tpu.memory_space<vmem>>
        %dma_start3A_151 = arith.constant 0 : i32
        %dma_start3A_152 = tpu.memref_slice %arg8[%add3A_131, %dma_start3A_151] : memref<128x80xi32, #tpu.memory_space<vmem>> -> memref<1x80xi32, #tpu.memory_space<vmem>>
        %dma_start3A_153 = tpu.memref_squeeze %dma_start3A_152 : memref<1x80xi32, #tpu.memory_space<vmem>> -> memref<80xi32, #tpu.memory_space<vmem>>
        %dma_start3A_154 = arith.constant 0 : i32
        %dma_start3A_155 = arith.constant 0 : i32
        %dma_start3A_156 = tpu.memref_slice %arg14[%dma_start3A_154, %dma_start3A_155] : memref<10008x128xf32, #tpu.memory_space<vmem_shared>> -> memref<10008x128xf32, #tpu.memory_space<vmem_shared>>
        tpu.enqueue_indirect_dma source(%dma_start3A_150 : memref<80x128xf32, #tpu.memory_space<vmem>>) target(%dma_start3A_156 : memref<10008x128xf32, #tpu.memory_space<vmem_shared>>) offsets(%dma_start3A_153 : memref<80xi32, #tpu.memory_space<vmem>>) semaphore(%arg12 : memref<!tpu.dma_semaphore, #tpu.memory_space<semaphore_mem>>) {add = true}
        %dma_wait3A_157 = arith.constant 0 : i32
        %dma_wait3A_158 = arith.constant 0 : i32
        %dma_wait3A_159 = arith.constant 0 : i32
        %dma_wait3A_160 = tpu.memref_slice %arg9[%dma_wait3A_157, %dma_wait3A_158, %dma_wait3A_159] : memref<2x80x128xf32, #tpu.memory_space<vmem>> -> memref<1x80x128xf32, #tpu.memory_space<vmem>>
        %dma_wait3A_161 = tpu.memref_squeeze %dma_wait3A_160 : memref<1x80x128xf32, #tpu.memory_space<vmem>> -> memref<80x128xf32, #tpu.memory_space<vmem>>
        %dma_wait3A_162 = arith.constant 0 : i32
        %dma_wait3A_163 = tpu.memref_slice %arg8[%add3A_131, %dma_wait3A_162] : memref<128x80xi32, #tpu.memory_space<vmem>> -> memref<1x80xi32, #tpu.memory_space<vmem>>
        %dma_wait3A_164 = tpu.memref_squeeze %dma_wait3A_163 : memref<1x80xi32, #tpu.memory_space<vmem>> -> memref<80xi32, #tpu.memory_space<vmem>>
        %dma_wait3A_165 = arith.constant 0 : i32
        %dma_wait3A_166 = arith.constant 0 : i32
        %dma_wait3A_167 = tpu.memref_slice %arg14[%dma_wait3A_165, %dma_wait3A_166] : memref<10008x128xf32, #tpu.memory_space<vmem_shared>> -> memref<10008x128xf32, #tpu.memory_space<vmem_shared>>
        tpu.wait_indirect_dma semaphore(%arg12 : memref<!tpu.dma_semaphore, #tpu.memory_space<semaphore_mem>>) src(%dma_wait3A_161 : memref<80x128xf32, #tpu.memory_space<vmem>>) dst(%dma_wait3A_167 : memref<10008x128xf32, #tpu.memory_space<vmem_shared>>)
        %add3A_168 = arith.constant 2 : i32
        %add3A_169 = arith.addi %add3A_131, %add3A_168 : i32
        %lt3A_170 = arith.constant 128 : i32
        %lt3A_171 = arith.cmpi slt, %add3A_169, %lt3A_170 : i32
        %convert_element_type3A_172 = arith.extui %lt3A_171 : i1 to i32
        %cond3A_173 = arith.constant 0 : i32
        %cond3A_174 = arith.cmpi ne, %convert_element_type3A_172, %cond3A_173 : i32
        scf.if %cond3A_174 {
          %add3A_223 = arith.constant 2 : i32
          %add3A_224 = arith.addi %add3A_131, %add3A_223 : i32
          %mul3A_225 = arith.constant 80 : i32
          %mul3A_226 = arith.muli %add3A_224, %mul3A_225 : i32
          %dma_start3A_227 = arith.constant 0 : i32
          %dma_start3A_228 = arith.constant 0 : i32
          %dma_start3A_229 = arith.constant 0 : i32
          %dma_start3A_230 = tpu.memref_slice %arg9[%dma_start3A_227, %dma_start3A_228, %dma_start3A_229] : memref<2x80x128xf32, #tpu.memory_space<vmem>> -> memref<1x80x128xf32, #tpu.memory_space<vmem>>
          %dma_start3A_231 = tpu.memref_squeeze %dma_start3A_230 : memref<1x80x128xf32, #tpu.memory_space<vmem>> -> memref<80x128xf32, #tpu.memory_space<vmem>>
          %dma_start3A_232 = tpu.memref_slice %arg7[%mul3A_226] : memref<10240xi32, #tpu.memory_space<vmem>> -> memref<80xi32, #tpu.memory_space<vmem>>
          %dma_start3A_233 = arith.constant 0 : i32
          %dma_start3A_234 = arith.constant 0 : i32
          %dma_start3A_235 = tpu.memref_slice %arg2[%scan3A_46, %dma_start3A_233, %dma_start3A_234] : memref<4x10000x128xf32, #tpu.memory_space<hbm>> -> memref<1x10000x128xf32, #tpu.memory_space<hbm>>
          %dma_start3A_236 = tpu.memref_squeeze %dma_start3A_235 : memref<1x10000x128xf32, #tpu.memory_space<hbm>> -> memref<10000x128xf32, #tpu.memory_space<hbm>>
          %dma_start3A_237 = arith.constant 0 : i32
          %dma_start3A_238 = arith.constant 0 : i32
          %dma_start3A_239 = tpu.memref_slice %dma_start3A_236[%dma_start3A_237, %dma_start3A_238] : memref<10000x128xf32, #tpu.memory_space<hbm>> -> memref<10000x128xf32, #tpu.memory_space<hbm>>
          tpu.enqueue_indirect_dma source(%dma_start3A_239 : memref<10000x128xf32, #tpu.memory_space<hbm>>) target(%dma_start3A_231 : memref<80x128xf32, #tpu.memory_space<vmem>>) offsets(%dma_start3A_232 : memref<80xi32, #tpu.memory_space<vmem>>) semaphore(%arg10 : memref<!tpu.dma_semaphore, #tpu.memory_space<semaphore_mem>>)
        } else {
        }
        %mul3A_175 = arith.constant 2 : i32
        %mul3A_176 = arith.muli %scan3A_128, %mul3A_175 : i32
        %add3A_177 = arith.constant 1 : i32
        %add3A_178 = arith.addi %mul3A_176, %add3A_177 : i32
        %mul3A_179 = arith.constant 80 : i32
        %mul3A_180 = arith.muli %add3A_178, %mul3A_179 : i32
        %dma_wait3A_181 = arith.constant 1 : i32
        %dma_wait3A_182 = arith.constant 0 : i32
        %dma_wait3A_183 = arith.constant 0 : i32
        %dma_wait3A_184 = tpu.memref_slice %arg9[%dma_wait3A_181, %dma_wait3A_182, %dma_wait3A_183] : memref<2x80x128xf32, #tpu.memory_space<vmem>> -> memref<1x80x128xf32, #tpu.memory_space<vmem>>
        %dma_wait3A_185 = tpu.memref_squeeze %dma_wait3A_184 : memref<1x80x128xf32, #tpu.memory_space<vmem>> -> memref<80x128xf32, #tpu.memory_space<vmem>>
        %dma_wait3A_186 = tpu.memref_slice %arg7[%mul3A_180] : memref<10240xi32, #tpu.memory_space<vmem>> -> memref<80xi32, #tpu.memory_space<vmem>>
        %dma_wait3A_187 = arith.constant 0 : i32
        %dma_wait3A_188 = arith.constant 0 : i32
        %dma_wait3A_189 = tpu.memref_slice %arg2[%scan3A_46, %dma_wait3A_187, %dma_wait3A_188] : memref<4x10000x128xf32, #tpu.memory_space<hbm>> -> memref<1x10000x128xf32, #tpu.memory_space<hbm>>
        %dma_wait3A_190 = tpu.memref_squeeze %dma_wait3A_189 : memref<1x10000x128xf32, #tpu.memory_space<hbm>> -> memref<10000x128xf32, #tpu.memory_space<hbm>>
        %dma_wait3A_191 = arith.constant 0 : i32
        %dma_wait3A_192 = arith.constant 0 : i32
        %dma_wait3A_193 = tpu.memref_slice %dma_wait3A_190[%dma_wait3A_191, %dma_wait3A_192] : memref<10000x128xf32, #tpu.memory_space<hbm>> -> memref<10000x128xf32, #tpu.memory_space<hbm>>
        tpu.wait_indirect_dma semaphore(%arg11 : memref<!tpu.dma_semaphore, #tpu.memory_space<semaphore_mem>>) src(%dma_wait3A_193 : memref<10000x128xf32, #tpu.memory_space<hbm>>) dst(%dma_wait3A_185 : memref<80x128xf32, #tpu.memory_space<vmem>>)
        %dma_start3A_194 = arith.constant 1 : i32
        %dma_start3A_195 = arith.constant 0 : i32
        %dma_start3A_196 = arith.constant 0 : i32
        %dma_start3A_197 = tpu.memref_slice %arg9[%dma_start3A_194, %dma_start3A_195, %dma_start3A_196] : memref<2x80x128xf32, #tpu.memory_space<vmem>> -> memref<1x80x128xf32, #tpu.memory_space<vmem>>
        %dma_start3A_198 = tpu.memref_squeeze %dma_start3A_197 : memref<1x80x128xf32, #tpu.memory_space<vmem>> -> memref<80x128xf32, #tpu.memory_space<vmem>>
        %dma_start3A_199 = arith.constant 0 : i32
        %dma_start3A_200 = tpu.memref_slice %arg8[%add3A_178, %dma_start3A_199] : memref<128x80xi32, #tpu.memory_space<vmem>> -> memref<1x80xi32, #tpu.memory_space<vmem>>
        %dma_start3A_201 = tpu.memref_squeeze %dma_start3A_200 : memref<1x80xi32, #tpu.memory_space<vmem>> -> memref<80xi32, #tpu.memory_space<vmem>>
        %dma_start3A_202 = arith.constant 0 : i32
        %dma_start3A_203 = arith.constant 0 : i32
        %dma_start3A_204 = tpu.memref_slice %arg14[%dma_start3A_202, %dma_start3A_203] : memref<10008x128xf32, #tpu.memory_space<vmem_shared>> -> memref<10008x128xf32, #tpu.memory_space<vmem_shared>>
        tpu.enqueue_indirect_dma source(%dma_start3A_198 : memref<80x128xf32, #tpu.memory_space<vmem>>) target(%dma_start3A_204 : memref<10008x128xf32, #tpu.memory_space<vmem_shared>>) offsets(%dma_start3A_201 : memref<80xi32, #tpu.memory_space<vmem>>) semaphore(%arg13 : memref<!tpu.dma_semaphore, #tpu.memory_space<semaphore_mem>>) {add = true}
        %dma_wait3A_205 = arith.constant 1 : i32
        %dma_wait3A_206 = arith.constant 0 : i32
        %dma_wait3A_207 = arith.constant 0 : i32
        %dma_wait3A_208 = tpu.memref_slice %arg9[%dma_wait3A_205, %dma_wait3A_206, %dma_wait3A_207] : memref<2x80x128xf32, #tpu.memory_space<vmem>> -> memref<1x80x128xf32, #tpu.memory_space<vmem>>
        %dma_wait3A_209 = tpu.memref_squeeze %dma_wait3A_208 : memref<1x80x128xf32, #tpu.memory_space<vmem>> -> memref<80x128xf32, #tpu.memory_space<vmem>>
        %dma_wait3A_210 = arith.constant 0 : i32
        %dma_wait3A_211 = tpu.memref_slice %arg8[%add3A_178, %dma_wait3A_210] : memref<128x80xi32, #tpu.memory_space<vmem>> -> memref<1x80xi32, #tpu.memory_space<vmem>>
        %dma_wait3A_212 = tpu.memref_squeeze %dma_wait3A_211 : memref<1x80xi32, #tpu.memory_space<vmem>> -> memref<80xi32, #tpu.memory_space<vmem>>
        %dma_wait3A_213 = arith.constant 0 : i32
        %dma_wait3A_214 = arith.constant 0 : i32
        %dma_wait3A_215 = tpu.memref_slice %arg14[%dma_wait3A_213, %dma_wait3A_214] : memref<10008x128xf32, #tpu.memory_space<vmem_shared>> -> memref<10008x128xf32, #tpu.memory_space<vmem_shared>>
        tpu.wait_indirect_dma semaphore(%arg13 : memref<!tpu.dma_semaphore, #tpu.memory_space<semaphore_mem>>) src(%dma_wait3A_209 : memref<80x128xf32, #tpu.memory_space<vmem>>) dst(%dma_wait3A_215 : memref<10008x128xf32, #tpu.memory_space<vmem_shared>>)
        %add3A_216 = arith.constant 2 : i32
        %add3A_217 = arith.addi %add3A_178, %add3A_216 : i32
        %lt3A_218 = arith.constant 128 : i32
        %lt3A_219 = arith.cmpi slt, %add3A_217, %lt3A_218 : i32
        %convert_element_type3A_220 = arith.extui %lt3A_219 : i1 to i32
        %cond3A_221 = arith.constant 0 : i32
        %cond3A_222 = arith.cmpi ne, %convert_element_type3A_220, %cond3A_221 : i32
        scf.if %cond3A_222 {
          %add3A_223 = arith.constant 2 : i32
          %add3A_224 = arith.addi %add3A_178, %add3A_223 : i32
          %mul3A_225 = arith.constant 80 : i32
          %mul3A_226 = arith.muli %add3A_224, %mul3A_225 : i32
          %dma_start3A_227 = arith.constant 1 : i32
          %dma_start3A_228 = arith.constant 0 : i32
          %dma_start3A_229 = arith.constant 0 : i32
          %dma_start3A_230 = tpu.memref_slice %arg9[%dma_start3A_227, %dma_start3A_228, %dma_start3A_229] : memref<2x80x128xf32, #tpu.memory_space<vmem>> -> memref<1x80x128xf32, #tpu.memory_space<vmem>>
          %dma_start3A_231 = tpu.memref_squeeze %dma_start3A_230 : memref<1x80x128xf32, #tpu.memory_space<vmem>> -> memref<80x128xf32, #tpu.memory_space<vmem>>
          %dma_start3A_232 = tpu.memref_slice %arg7[%mul3A_226] : memref<10240xi32, #tpu.memory_space<vmem>> -> memref<80xi32, #tpu.memory_space<vmem>>
          %dma_start3A_233 = arith.constant 0 : i32
          %dma_start3A_234 = arith.constant 0 : i32
          %dma_start3A_235 = tpu.memref_slice %arg2[%scan3A_46, %dma_start3A_233, %dma_start3A_234] : memref<4x10000x128xf32, #tpu.memory_space<hbm>> -> memref<1x10000x128xf32, #tpu.memory_space<hbm>>
          %dma_start3A_236 = tpu.memref_squeeze %dma_start3A_235 : memref<1x10000x128xf32, #tpu.memory_space<hbm>> -> memref<10000x128xf32, #tpu.memory_space<hbm>>
          %dma_start3A_237 = arith.constant 0 : i32
          %dma_start3A_238 = arith.constant 0 : i32
          %dma_start3A_239 = tpu.memref_slice %dma_start3A_236[%dma_start3A_237, %dma_start3A_238] : memref<10000x128xf32, #tpu.memory_space<hbm>> -> memref<10000x128xf32, #tpu.memory_space<hbm>>
          tpu.enqueue_indirect_dma source(%dma_start3A_239 : memref<10000x128xf32, #tpu.memory_space<hbm>>) target(%dma_start3A_231 : memref<80x128xf32, #tpu.memory_space<vmem>>) offsets(%dma_start3A_232 : memref<80xi32, #tpu.memory_space<vmem>>) semaphore(%arg11 : memref<!tpu.dma_semaphore, #tpu.memory_space<semaphore_mem>>)
        } else {
        }
      }
      %scan3A_51 = arith.constant 64 : i32
      %barrier3A_52 = arith.constant 0 : index
      tpu.barrier barrier_id(%barrier3A_52)
      %lt3A_53 = arith.constant 15 : i32
      %lt3A_54 = arith.cmpi slt, %arg1, %lt3A_53 : i32
      %convert_element_type3A_55 = arith.extui %lt3A_54 : i1 to i32
      %cond3A_56 = arith.constant 2 : i32
      %cond3A_57 = arith.constant 0 : i32
      %cond3A_58 = arith.cmpi ne, %convert_element_type3A_55, %cond3A_57 : i32
      scf.if %cond3A_58 {
        %mul3A_128 = arith.constant 624 : i32
        %mul3A_129 = arith.muli %arg1, %mul3A_128 : i32
        %multiple_of3A = tpu.assume_multiple %mul3A_129, 8 : i32
        "tpu.region"() ({
          %run_scoped3A = tpu.sem_alloc : memref<!tpu.dma_semaphore, #tpu.memory_space<semaphore_mem>>
          %dma_start3A_130 = arith.constant 0 : i32
          %dma_start3A_131 = arith.constant 0 : i32
          %dma_start3A_132 = tpu.memref_slice %arg6[%cond3A_56, %dma_start3A_130, %dma_start3A_131] : memref<4x10000x128xf32, #tpu.memory_space<hbm>> -> memref<1x10000x128xf32, #tpu.memory_space<hbm>>
          %dma_start3A_133 = tpu.memref_squeeze %dma_start3A_132 : memref<1x10000x128xf32, #tpu.memory_space<hbm>> -> memref<10000x128xf32, #tpu.memory_space<hbm>>
          %dma_start3A_134 = arith.constant 0 : i32
          %dma_start3A_135 = tpu.memref_slice %dma_start3A_133[%multiple_of3A, %dma_start3A_134] : memref<10000x128xf32, #tpu.memory_space<hbm>> -> memref<624x128xf32, #tpu.memory_space<hbm>>
          %dma_start3A_136 = arith.constant 0 : i32
          %dma_start3A_137 = tpu.memref_slice %arg14[%multiple_of3A, %dma_start3A_136] : memref<10008x128xf32, #tpu.memory_space<vmem_shared>> -> memref<624x128xf32, #tpu.memory_space<vmem_shared>>
          tpu.enqueue_dma source(%dma_start3A_137 : memref<624x128xf32, #tpu.memory_space<vmem_shared>>) target(%dma_start3A_135 : memref<624x128xf32, #tpu.memory_space<hbm>>) target_semaphore(%run_scoped3A : memref<!tpu.dma_semaphore, #tpu.memory_space<semaphore_mem>>)
          %dma_wait3A = arith.constant 0 : i32
          %dma_wait3A_138 = arith.constant 0 : i32
          %dma_wait3A_139 = tpu.memref_slice %arg6[%cond3A_56, %dma_wait3A, %dma_wait3A_138] : memref<4x10000x128xf32, #tpu.memory_space<hbm>> -> memref<1x10000x128xf32, #tpu.memory_space<hbm>>
          %dma_wait3A_140 = tpu.memref_squeeze %dma_wait3A_139 : memref<1x10000x128xf32, #tpu.memory_space<hbm>> -> memref<10000x128xf32, #tpu.memory_space<hbm>>
          %dma_wait3A_141 = arith.constant 0 : i32
          %dma_wait3A_142 = tpu.memref_slice %dma_wait3A_140[%multiple_of3A, %dma_wait3A_141] : memref<10000x128xf32, #tpu.memory_space<hbm>> -> memref<624x128xf32, #tpu.memory_space<hbm>>
          %dma_wait3A_143 = arith.constant 0 : i32
          %dma_wait3A_144 = tpu.memref_slice %arg14[%multiple_of3A, %dma_wait3A_143] : memref<10008x128xf32, #tpu.memory_space<vmem_shared>> -> memref<624x128xf32, #tpu.memory_space<vmem_shared>>
          tpu.wait_dma2 semaphore(%run_scoped3A : memref<!tpu.dma_semaphore, #tpu.memory_space<semaphore_mem>>) src(%dma_wait3A_144 : memref<624x128xf32, #tpu.memory_space<vmem_shared>>) dst(%dma_wait3A_142 : memref<624x128xf32, #tpu.memory_space<hbm>>)
          tpu.yield
        }) : () -> ()
      } else {
      }
      %eq3A_59 = arith.constant 15 : i32
      %eq3A_60 = arith.cmpi eq, %arg1, %eq3A_59 : i32
      %convert_element_type3A_61 = arith.extui %eq3A_60 : i1 to i32
      %cond3A_62 = arith.constant 2 : i32
      %cond3A_63 = arith.constant 0 : i32
      %cond3A_64 = arith.cmpi ne, %convert_element_type3A_61, %cond3A_63 : i32
      scf.if %cond3A_64 {
        "tpu.region"() ({
          %run_scoped3A = tpu.sem_alloc : memref<!tpu.dma_semaphore, #tpu.memory_space<semaphore_mem>>
          %dma_start3A_128 = arith.constant 0 : i32
          %dma_start3A_129 = arith.constant 0 : i32
          %dma_start3A_130 = tpu.memref_slice %arg6[%cond3A_62, %dma_start3A_128, %dma_start3A_129] : memref<4x10000x128xf32, #tpu.memory_space<hbm>> -> memref<1x10000x128xf32, #tpu.memory_space<hbm>>
          %dma_start3A_131 = tpu.memref_squeeze %dma_start3A_130 : memref<1x10000x128xf32, #tpu.memory_space<hbm>> -> memref<10000x128xf32, #tpu.memory_space<hbm>>
          %dma_start3A_132 = arith.constant 9360 : i32
          %dma_start3A_133 = arith.constant 0 : i32
          %dma_start3A_134 = tpu.memref_slice %dma_start3A_131[%dma_start3A_132, %dma_start3A_133] : memref<10000x128xf32, #tpu.memory_space<hbm>> -> memref<640x128xf32, #tpu.memory_space<hbm>>
          %dma_start3A_135 = arith.constant 9360 : i32
          %dma_start3A_136 = arith.constant 0 : i32
          %dma_start3A_137 = tpu.memref_slice %arg14[%dma_start3A_135, %dma_start3A_136] : memref<10008x128xf32, #tpu.memory_space<vmem_shared>> -> memref<640x128xf32, #tpu.memory_space<vmem_shared>>
          tpu.enqueue_dma source(%dma_start3A_137 : memref<640x128xf32, #tpu.memory_space<vmem_shared>>) target(%dma_start3A_134 : memref<640x128xf32, #tpu.memory_space<hbm>>) target_semaphore(%run_scoped3A : memref<!tpu.dma_semaphore, #tpu.memory_space<semaphore_mem>>)
          %dma_wait3A = arith.constant 0 : i32
          %dma_wait3A_138 = arith.constant 0 : i32
          %dma_wait3A_139 = tpu.memref_slice %arg6[%cond3A_62, %dma_wait3A, %dma_wait3A_138] : memref<4x10000x128xf32, #tpu.memory_space<hbm>> -> memref<1x10000x128xf32, #tpu.memory_space<hbm>>
          %dma_wait3A_140 = tpu.memref_squeeze %dma_wait3A_139 : memref<1x10000x128xf32, #tpu.memory_space<hbm>> -> memref<10000x128xf32, #tpu.memory_space<hbm>>
          %dma_wait3A_141 = arith.constant 9360 : i32
          %dma_wait3A_142 = arith.constant 0 : i32
          %dma_wait3A_143 = tpu.memref_slice %dma_wait3A_140[%dma_wait3A_141, %dma_wait3A_142] : memref<10000x128xf32, #tpu.memory_space<hbm>> -> memref<640x128xf32, #tpu.memory_space<hbm>>
          %dma_wait3A_144 = arith.constant 9360 : i32
          %dma_wait3A_145 = arith.constant 0 : i32
          %dma_wait3A_146 = tpu.memref_slice %arg14[%dma_wait3A_144, %dma_wait3A_145] : memref<10008x128xf32, #tpu.memory_space<vmem_shared>> -> memref<640x128xf32, #tpu.memory_space<vmem_shared>>
          tpu.wait_dma2 semaphore(%run_scoped3A : memref<!tpu.dma_semaphore, #tpu.memory_space<semaphore_mem>>) src(%dma_wait3A_146 : memref<640x128xf32, #tpu.memory_space<vmem_shared>>) dst(%dma_wait3A_143 : memref<640x128xf32, #tpu.memory_space<hbm>>)
          tpu.yield
        }) : () -> ()
      } else {
      }
      %barrier3A_65 = arith.constant 0 : index
      tpu.barrier barrier_id(%barrier3A_65)
      %lt3A_66 = arith.constant 15 : i32
      %lt3A_67 = arith.cmpi slt, %arg1, %lt3A_66 : i32
      %convert_element_type3A_68 = arith.extui %lt3A_67 : i1 to i32
      %cond3A_69 = arith.constant 0 : i32
      %cond3A_70 = arith.cmpi ne, %convert_element_type3A_68, %cond3A_69 : i32
      scf.if %cond3A_70 {
        %mul3A_128 = arith.constant 624 : i32
        %mul3A_129 = arith.muli %arg1, %mul3A_128 : i32
        %multiple_of3A = tpu.assume_multiple %mul3A_129, 8 : i32
        "tpu.region"() ({
          %run_scoped3A = tpu.sem_alloc : memref<!tpu.dma_semaphore, #tpu.memory_space<semaphore_mem>>
          %dma_start3A_130 = arith.constant 0 : i32
          %dma_start3A_131 = tpu.memref_slice %arg14[%multiple_of3A, %dma_start3A_130] : memref<10008x128xf32, #tpu.memory_space<vmem_shared>> -> memref<624x128xf32, #tpu.memory_space<vmem_shared>>
          %dma_start3A_132 = arith.constant 0 : i32
          %dma_start3A_133 = tpu.memref_slice %arg5[%multiple_of3A, %dma_start3A_132] : memref<10000x128xf32, #tpu.memory_space<hbm>> -> memref<624x128xf32, #tpu.memory_space<hbm>>
          tpu.enqueue_dma source(%dma_start3A_133 : memref<624x128xf32, #tpu.memory_space<hbm>>) target(%dma_start3A_131 : memref<624x128xf32, #tpu.memory_space<vmem_shared>>) target_semaphore(%run_scoped3A : memref<!tpu.dma_semaphore, #tpu.memory_space<semaphore_mem>>)
          %dma_wait3A = arith.constant 0 : i32
          %dma_wait3A_134 = tpu.memref_slice %arg14[%multiple_of3A, %dma_wait3A] : memref<10008x128xf32, #tpu.memory_space<vmem_shared>> -> memref<624x128xf32, #tpu.memory_space<vmem_shared>>
          %dma_wait3A_135 = arith.constant 0 : i32
          %dma_wait3A_136 = tpu.memref_slice %arg5[%multiple_of3A, %dma_wait3A_135] : memref<10000x128xf32, #tpu.memory_space<hbm>> -> memref<624x128xf32, #tpu.memory_space<hbm>>
          tpu.wait_dma2 semaphore(%run_scoped3A : memref<!tpu.dma_semaphore, #tpu.memory_space<semaphore_mem>>) src(%dma_wait3A_136 : memref<624x128xf32, #tpu.memory_space<hbm>>) dst(%dma_wait3A_134 : memref<624x128xf32, #tpu.memory_space<vmem_shared>>)
          tpu.yield
        }) : () -> ()
      } else {
      }
      %eq3A_71 = arith.constant 15 : i32
      %eq3A_72 = arith.cmpi eq, %arg1, %eq3A_71 : i32
      %convert_element_type3A_73 = arith.extui %eq3A_72 : i1 to i32
      %cond3A_74 = arith.constant 0 : i32
      %cond3A_75 = arith.cmpi ne, %convert_element_type3A_73, %cond3A_74 : i32
      scf.if %cond3A_75 {
        "tpu.region"() ({
          %run_scoped3A = tpu.sem_alloc : memref<!tpu.dma_semaphore, #tpu.memory_space<semaphore_mem>>
          %dma_start3A_128 = arith.constant 9360 : i32
          %dma_start3A_129 = arith.constant 0 : i32
          %dma_start3A_130 = tpu.memref_slice %arg14[%dma_start3A_128, %dma_start3A_129] : memref<10008x128xf32, #tpu.memory_space<vmem_shared>> -> memref<640x128xf32, #tpu.memory_space<vmem_shared>>
          %dma_start3A_131 = arith.constant 9360 : i32
          %dma_start3A_132 = arith.constant 0 : i32
          %dma_start3A_133 = tpu.memref_slice %arg5[%dma_start3A_131, %dma_start3A_132] : memref<10000x128xf32, #tpu.memory_space<hbm>> -> memref<640x128xf32, #tpu.memory_space<hbm>>
          tpu.enqueue_dma source(%dma_start3A_133 : memref<640x128xf32, #tpu.memory_space<hbm>>) target(%dma_start3A_130 : memref<640x128xf32, #tpu.memory_space<vmem_shared>>) target_semaphore(%run_scoped3A : memref<!tpu.dma_semaphore, #tpu.memory_space<semaphore_mem>>)
          %dma_wait3A = arith.constant 9360 : i32
          %dma_wait3A_134 = arith.constant 0 : i32
          %dma_wait3A_135 = tpu.memref_slice %arg14[%dma_wait3A, %dma_wait3A_134] : memref<10008x128xf32, #tpu.memory_space<vmem_shared>> -> memref<640x128xf32, #tpu.memory_space<vmem_shared>>
          %dma_wait3A_136 = arith.constant 9360 : i32
          %dma_wait3A_137 = arith.constant 0 : i32
          %dma_wait3A_138 = tpu.memref_slice %arg5[%dma_wait3A_136, %dma_wait3A_137] : memref<10000x128xf32, #tpu.memory_space<hbm>> -> memref<640x128xf32, #tpu.memory_space<hbm>>
          tpu.wait_dma2 semaphore(%run_scoped3A : memref<!tpu.dma_semaphore, #tpu.memory_space<semaphore_mem>>) src(%dma_wait3A_138 : memref<640x128xf32, #tpu.memory_space<hbm>>) dst(%dma_wait3A_135 : memref<640x128xf32, #tpu.memory_space<vmem_shared>>)
          tpu.yield
        }) : () -> ()
      } else {
      }
      %barrier3A_76 = arith.constant 0 : index
      tpu.barrier barrier_id(%barrier3A_76)
      %dma_start3A_77 = arith.constant 3 : i32
      %dma_start3A_78 = arith.constant 0 : i32
      %dma_start3A_79 = arith.constant 0 : i32
      %dma_start3A_80 = arith.constant 0 : i32
      %dma_start3A_81 = tpu.memref_slice %arg9[%dma_start3A_78, %dma_start3A_79, %dma_start3A_80] : memref<2x80x128xf32, #tpu.memory_space<vmem>> -> memref<1x80x128xf32, #tpu.memory_space<vmem>>
      %dma_start3A_82 = tpu.memref_squeeze %dma_start3A_81 : memref<1x80x128xf32, #tpu.memory_space<vmem>> -> memref<80x128xf32, #tpu.memory_space<vmem>>
      %dma_start3A_83 = arith.constant 0 : i32
      %dma_start3A_84 = tpu.memref_slice %arg7[%dma_start3A_83] : memref<10240xi32, #tpu.memory_space<vmem>> -> memref<80xi32, #tpu.memory_space<vmem>>
      %dma_start3A_85 = arith.constant 0 : i32
      %dma_start3A_86 = arith.constant 0 : i32
      %dma_start3A_87 = tpu.memref_slice %arg2[%dma_start3A_77, %dma_start3A_85, %dma_start3A_86] : memref<4x10000x128xf32, #tpu.memory_space<hbm>> -> memref<1x10000x128xf32, #tpu.memory_space<hbm>>
      %dma_start3A_88 = tpu.memref_squeeze %dma_start3A_87 : memref<1x10000x128xf32, #tpu.memory_space<hbm>> -> memref<10000x128xf32, #tpu.memory_space<hbm>>
      %dma_start3A_89 = arith.constant 0 : i32
      %dma_start3A_90 = arith.constant 0 : i32
      %dma_start3A_91 = tpu.memref_slice %dma_start3A_88[%dma_start3A_89, %dma_start3A_90] : memref<10000x128xf32, #tpu.memory_space<hbm>> -> memref<10000x128xf32, #tpu.memory_space<hbm>>
      tpu.enqueue_indirect_dma source(%dma_start3A_91 : memref<10000x128xf32, #tpu.memory_space<hbm>>) target(%dma_start3A_82 : memref<80x128xf32, #tpu.memory_space<vmem>>) offsets(%dma_start3A_84 : memref<80xi32, #tpu.memory_space<vmem>>) semaphore(%arg10 : memref<!tpu.dma_semaphore, #tpu.memory_space<semaphore_mem>>)
      %dma_start3A_92 = arith.constant 3 : i32
      %dma_start3A_93 = arith.constant 1 : i32
      %dma_start3A_94 = arith.constant 0 : i32
      %dma_start3A_95 = arith.constant 0 : i32
      %dma_start3A_96 = tpu.memref_slice %arg9[%dma_start3A_93, %dma_start3A_94, %dma_start3A_95] : memref<2x80x128xf32, #tpu.memory_space<vmem>> -> memref<1x80x128xf32, #tpu.memory_space<vmem>>
      %dma_start3A_97 = tpu.memref_squeeze %dma_start3A_96 : memref<1x80x128xf32, #tpu.memory_space<vmem>> -> memref<80x128xf32, #tpu.memory_space<vmem>>
      %dma_start3A_98 = arith.constant 80 : i32
      %dma_start3A_99 = tpu.memref_slice %arg7[%dma_start3A_98] : memref<10240xi32, #tpu.memory_space<vmem>> -> memref<80xi32, #tpu.memory_space<vmem>>
      %dma_start3A_100 = arith.constant 0 : i32
      %dma_start3A_101 = arith.constant 0 : i32
      %dma_start3A_102 = tpu.memref_slice %arg2[%dma_start3A_92, %dma_start3A_100, %dma_start3A_101] : memref<4x10000x128xf32, #tpu.memory_space<hbm>> -> memref<1x10000x128xf32, #tpu.memory_space<hbm>>
      %dma_start3A_103 = tpu.memref_squeeze %dma_start3A_102 : memref<1x10000x128xf32, #tpu.memory_space<hbm>> -> memref<10000x128xf32, #tpu.memory_space<hbm>>
      %dma_start3A_104 = arith.constant 0 : i32
      %dma_start3A_105 = arith.constant 0 : i32
      %dma_start3A_106 = tpu.memref_slice %dma_start3A_103[%dma_start3A_104, %dma_start3A_105] : memref<10000x128xf32, #tpu.memory_space<hbm>> -> memref<10000x128xf32, #tpu.memory_space<hbm>>
      tpu.enqueue_indirect_dma source(%dma_start3A_106 : memref<10000x128xf32, #tpu.memory_space<hbm>>) target(%dma_start3A_97 : memref<80x128xf32, #tpu.memory_space<vmem>>) offsets(%dma_start3A_99 : memref<80xi32, #tpu.memory_space<vmem>>) semaphore(%arg11 : memref<!tpu.dma_semaphore, #tpu.memory_space<semaphore_mem>>)
      %scan3A_107 = arith.constant 0 : i32
      %scan3A_108 = arith.constant 3 : i32
      %scan3A_109 = arith.constant 0 : i32
      %scan3A_110 = arith.constant 64 : i32
      %scan3A_111 = arith.addi %scan3A_109, %scan3A_110 : i32
      %scan3A_112 = arith.constant 1 : i32
      scf.for %scan3A_128 = %scan3A_109 to %scan3A_111 step %scan3A_112  : i32 {
        %mul3A_129 = arith.constant 2 : i32
        %mul3A_130 = arith.muli %scan3A_128, %mul3A_129 : i32
        %add3A = arith.constant 0 : i32
        %add3A_131 = arith.addi %mul3A_130, %add3A : i32
        %mul3A_132 = arith.constant 80 : i32
        %mul3A_133 = arith.muli %add3A_131, %mul3A_132 : i32
        %dma_wait3A = arith.constant 0 : i32
        %dma_wait3A_134 = arith.constant 0 : i32
        %dma_wait3A_135 = arith.constant 0 : i32
        %dma_wait3A_136 = tpu.memref_slice %arg9[%dma_wait3A, %dma_wait3A_134, %dma_wait3A_135] : memref<2x80x128xf32, #tpu.memory_space<vmem>> -> memref<1x80x128xf32, #tpu.memory_space<vmem>>
        %dma_wait3A_137 = tpu.memref_squeeze %dma_wait3A_136 : memref<1x80x128xf32, #tpu.memory_space<vmem>> -> memref<80x128xf32, #tpu.memory_space<vmem>>
        %dma_wait3A_138 = tpu.memref_slice %arg7[%mul3A_133] : memref<10240xi32, #tpu.memory_space<vmem>> -> memref<80xi32, #tpu.memory_space<vmem>>
        %dma_wait3A_139 = arith.constant 0 : i32
        %dma_wait3A_140 = arith.constant 0 : i32
        %dma_wait3A_141 = tpu.memref_slice %arg2[%scan3A_108, %dma_wait3A_139, %dma_wait3A_140] : memref<4x10000x128xf32, #tpu.memory_space<hbm>> -> memref<1x10000x128xf32, #tpu.memory_space<hbm>>
        %dma_wait3A_142 = tpu.memref_squeeze %dma_wait3A_141 : memref<1x10000x128xf32, #tpu.memory_space<hbm>> -> memref<10000x128xf32, #tpu.memory_space<hbm>>
        %dma_wait3A_143 = arith.constant 0 : i32
        %dma_wait3A_144 = arith.constant 0 : i32
        %dma_wait3A_145 = tpu.memref_slice %dma_wait3A_142[%dma_wait3A_143, %dma_wait3A_144] : memref<10000x128xf32, #tpu.memory_space<hbm>> -> memref<10000x128xf32, #tpu.memory_space<hbm>>
        tpu.wait_indirect_dma semaphore(%arg10 : memref<!tpu.dma_semaphore, #tpu.memory_space<semaphore_mem>>) src(%dma_wait3A_145 : memref<10000x128xf32, #tpu.memory_space<hbm>>) dst(%dma_wait3A_137 : memref<80x128xf32, #tpu.memory_space<vmem>>)
        %dma_start3A_146 = arith.constant 0 : i32
        %dma_start3A_147 = arith.constant 0 : i32
        %dma_start3A_148 = arith.constant 0 : i32
        %dma_start3A_149 = tpu.memref_slice %arg9[%dma_start3A_146, %dma_start3A_147, %dma_start3A_148] : memref<2x80x128xf32, #tpu.memory_space<vmem>> -> memref<1x80x128xf32, #tpu.memory_space<vmem>>
        %dma_start3A_150 = tpu.memref_squeeze %dma_start3A_149 : memref<1x80x128xf32, #tpu.memory_space<vmem>> -> memref<80x128xf32, #tpu.memory_space<vmem>>
        %dma_start3A_151 = arith.constant 0 : i32
        %dma_start3A_152 = tpu.memref_slice %arg8[%add3A_131, %dma_start3A_151] : memref<128x80xi32, #tpu.memory_space<vmem>> -> memref<1x80xi32, #tpu.memory_space<vmem>>
        %dma_start3A_153 = tpu.memref_squeeze %dma_start3A_152 : memref<1x80xi32, #tpu.memory_space<vmem>> -> memref<80xi32, #tpu.memory_space<vmem>>
        %dma_start3A_154 = arith.constant 0 : i32
        %dma_start3A_155 = arith.constant 0 : i32
        %dma_start3A_156 = tpu.memref_slice %arg14[%dma_start3A_154, %dma_start3A_155] : memref<10008x128xf32, #tpu.memory_space<vmem_shared>> -> memref<10008x128xf32, #tpu.memory_space<vmem_shared>>
        tpu.enqueue_indirect_dma source(%dma_start3A_150 : memref<80x128xf32, #tpu.memory_space<vmem>>) target(%dma_start3A_156 : memref<10008x128xf32, #tpu.memory_space<vmem_shared>>) offsets(%dma_start3A_153 : memref<80xi32, #tpu.memory_space<vmem>>) semaphore(%arg12 : memref<!tpu.dma_semaphore, #tpu.memory_space<semaphore_mem>>) {add = true}
        %dma_wait3A_157 = arith.constant 0 : i32
        %dma_wait3A_158 = arith.constant 0 : i32
        %dma_wait3A_159 = arith.constant 0 : i32
        %dma_wait3A_160 = tpu.memref_slice %arg9[%dma_wait3A_157, %dma_wait3A_158, %dma_wait3A_159] : memref<2x80x128xf32, #tpu.memory_space<vmem>> -> memref<1x80x128xf32, #tpu.memory_space<vmem>>
        %dma_wait3A_161 = tpu.memref_squeeze %dma_wait3A_160 : memref<1x80x128xf32, #tpu.memory_space<vmem>> -> memref<80x128xf32, #tpu.memory_space<vmem>>
        %dma_wait3A_162 = arith.constant 0 : i32
        %dma_wait3A_163 = tpu.memref_slice %arg8[%add3A_131, %dma_wait3A_162] : memref<128x80xi32, #tpu.memory_space<vmem>> -> memref<1x80xi32, #tpu.memory_space<vmem>>
        %dma_wait3A_164 = tpu.memref_squeeze %dma_wait3A_163 : memref<1x80xi32, #tpu.memory_space<vmem>> -> memref<80xi32, #tpu.memory_space<vmem>>
        %dma_wait3A_165 = arith.constant 0 : i32
        %dma_wait3A_166 = arith.constant 0 : i32
        %dma_wait3A_167 = tpu.memref_slice %arg14[%dma_wait3A_165, %dma_wait3A_166] : memref<10008x128xf32, #tpu.memory_space<vmem_shared>> -> memref<10008x128xf32, #tpu.memory_space<vmem_shared>>
        tpu.wait_indirect_dma semaphore(%arg12 : memref<!tpu.dma_semaphore, #tpu.memory_space<semaphore_mem>>) src(%dma_wait3A_161 : memref<80x128xf32, #tpu.memory_space<vmem>>) dst(%dma_wait3A_167 : memref<10008x128xf32, #tpu.memory_space<vmem_shared>>)
        %add3A_168 = arith.constant 2 : i32
        %add3A_169 = arith.addi %add3A_131, %add3A_168 : i32
        %lt3A_170 = arith.constant 128 : i32
        %lt3A_171 = arith.cmpi slt, %add3A_169, %lt3A_170 : i32
        %convert_element_type3A_172 = arith.extui %lt3A_171 : i1 to i32
        %cond3A_173 = arith.constant 0 : i32
        %cond3A_174 = arith.cmpi ne, %convert_element_type3A_172, %cond3A_173 : i32
        scf.if %cond3A_174 {
          %add3A_223 = arith.constant 2 : i32
          %add3A_224 = arith.addi %add3A_131, %add3A_223 : i32
          %mul3A_225 = arith.constant 80 : i32
          %mul3A_226 = arith.muli %add3A_224, %mul3A_225 : i32
          %dma_start3A_227 = arith.constant 0 : i32
          %dma_start3A_228 = arith.constant 0 : i32
          %dma_start3A_229 = arith.constant 0 : i32
          %dma_start3A_230 = tpu.memref_slice %arg9[%dma_start3A_227, %dma_start3A_228, %dma_start3A_229] : memref<2x80x128xf32, #tpu.memory_space<vmem>> -> memref<1x80x128xf32, #tpu.memory_space<vmem>>
          %dma_start3A_231 = tpu.memref_squeeze %dma_start3A_230 : memref<1x80x128xf32, #tpu.memory_space<vmem>> -> memref<80x128xf32, #tpu.memory_space<vmem>>
          %dma_start3A_232 = tpu.memref_slice %arg7[%mul3A_226] : memref<10240xi32, #tpu.memory_space<vmem>> -> memref<80xi32, #tpu.memory_space<vmem>>
          %dma_start3A_233 = arith.constant 0 : i32
          %dma_start3A_234 = arith.constant 0 : i32
          %dma_start3A_235 = tpu.memref_slice %arg2[%scan3A_108, %dma_start3A_233, %dma_start3A_234] : memref<4x10000x128xf32, #tpu.memory_space<hbm>> -> memref<1x10000x128xf32, #tpu.memory_space<hbm>>
          %dma_start3A_236 = tpu.memref_squeeze %dma_start3A_235 : memref<1x10000x128xf32, #tpu.memory_space<hbm>> -> memref<10000x128xf32, #tpu.memory_space<hbm>>
          %dma_start3A_237 = arith.constant 0 : i32
          %dma_start3A_238 = arith.constant 0 : i32
          %dma_start3A_239 = tpu.memref_slice %dma_start3A_236[%dma_start3A_237, %dma_start3A_238] : memref<10000x128xf32, #tpu.memory_space<hbm>> -> memref<10000x128xf32, #tpu.memory_space<hbm>>
          tpu.enqueue_indirect_dma source(%dma_start3A_239 : memref<10000x128xf32, #tpu.memory_space<hbm>>) target(%dma_start3A_231 : memref<80x128xf32, #tpu.memory_space<vmem>>) offsets(%dma_start3A_232 : memref<80xi32, #tpu.memory_space<vmem>>) semaphore(%arg10 : memref<!tpu.dma_semaphore, #tpu.memory_space<semaphore_mem>>)
        } else {
        }
        %mul3A_175 = arith.constant 2 : i32
        %mul3A_176 = arith.muli %scan3A_128, %mul3A_175 : i32
        %add3A_177 = arith.constant 1 : i32
        %add3A_178 = arith.addi %mul3A_176, %add3A_177 : i32
        %mul3A_179 = arith.constant 80 : i32
        %mul3A_180 = arith.muli %add3A_178, %mul3A_179 : i32
        %dma_wait3A_181 = arith.constant 1 : i32
        %dma_wait3A_182 = arith.constant 0 : i32
        %dma_wait3A_183 = arith.constant 0 : i32
        %dma_wait3A_184 = tpu.memref_slice %arg9[%dma_wait3A_181, %dma_wait3A_182, %dma_wait3A_183] : memref<2x80x128xf32, #tpu.memory_space<vmem>> -> memref<1x80x128xf32, #tpu.memory_space<vmem>>
        %dma_wait3A_185 = tpu.memref_squeeze %dma_wait3A_184 : memref<1x80x128xf32, #tpu.memory_space<vmem>> -> memref<80x128xf32, #tpu.memory_space<vmem>>
        %dma_wait3A_186 = tpu.memref_slice %arg7[%mul3A_180] : memref<10240xi32, #tpu.memory_space<vmem>> -> memref<80xi32, #tpu.memory_space<vmem>>
        %dma_wait3A_187 = arith.constant 0 : i32
        %dma_wait3A_188 = arith.constant 0 : i32
        %dma_wait3A_189 = tpu.memref_slice %arg2[%scan3A_108, %dma_wait3A_187, %dma_wait3A_188] : memref<4x10000x128xf32, #tpu.memory_space<hbm>> -> memref<1x10000x128xf32, #tpu.memory_space<hbm>>
        %dma_wait3A_190 = tpu.memref_squeeze %dma_wait3A_189 : memref<1x10000x128xf32, #tpu.memory_space<hbm>> -> memref<10000x128xf32, #tpu.memory_space<hbm>>
        %dma_wait3A_191 = arith.constant 0 : i32
        %dma_wait3A_192 = arith.constant 0 : i32
        %dma_wait3A_193 = tpu.memref_slice %dma_wait3A_190[%dma_wait3A_191, %dma_wait3A_192] : memref<10000x128xf32, #tpu.memory_space<hbm>> -> memref<10000x128xf32, #tpu.memory_space<hbm>>
        tpu.wait_indirect_dma semaphore(%arg11 : memref<!tpu.dma_semaphore, #tpu.memory_space<semaphore_mem>>) src(%dma_wait3A_193 : memref<10000x128xf32, #tpu.memory_space<hbm>>) dst(%dma_wait3A_185 : memref<80x128xf32, #tpu.memory_space<vmem>>)
        %dma_start3A_194 = arith.constant 1 : i32
        %dma_start3A_195 = arith.constant 0 : i32
        %dma_start3A_196 = arith.constant 0 : i32
        %dma_start3A_197 = tpu.memref_slice %arg9[%dma_start3A_194, %dma_start3A_195, %dma_start3A_196] : memref<2x80x128xf32, #tpu.memory_space<vmem>> -> memref<1x80x128xf32, #tpu.memory_space<vmem>>
        %dma_start3A_198 = tpu.memref_squeeze %dma_start3A_197 : memref<1x80x128xf32, #tpu.memory_space<vmem>> -> memref<80x128xf32, #tpu.memory_space<vmem>>
        %dma_start3A_199 = arith.constant 0 : i32
        %dma_start3A_200 = tpu.memref_slice %arg8[%add3A_178, %dma_start3A_199] : memref<128x80xi32, #tpu.memory_space<vmem>> -> memref<1x80xi32, #tpu.memory_space<vmem>>
        %dma_start3A_201 = tpu.memref_squeeze %dma_start3A_200 : memref<1x80xi32, #tpu.memory_space<vmem>> -> memref<80xi32, #tpu.memory_space<vmem>>
        %dma_start3A_202 = arith.constant 0 : i32
        %dma_start3A_203 = arith.constant 0 : i32
        %dma_start3A_204 = tpu.memref_slice %arg14[%dma_start3A_202, %dma_start3A_203] : memref<10008x128xf32, #tpu.memory_space<vmem_shared>> -> memref<10008x128xf32, #tpu.memory_space<vmem_shared>>
        tpu.enqueue_indirect_dma source(%dma_start3A_198 : memref<80x128xf32, #tpu.memory_space<vmem>>) target(%dma_start3A_204 : memref<10008x128xf32, #tpu.memory_space<vmem_shared>>) offsets(%dma_start3A_201 : memref<80xi32, #tpu.memory_space<vmem>>) semaphore(%arg13 : memref<!tpu.dma_semaphore, #tpu.memory_space<semaphore_mem>>) {add = true}
        %dma_wait3A_205 = arith.constant 1 : i32
        %dma_wait3A_206 = arith.constant 0 : i32
        %dma_wait3A_207 = arith.constant 0 : i32
        %dma_wait3A_208 = tpu.memref_slice %arg9[%dma_wait3A_205, %dma_wait3A_206, %dma_wait3A_207] : memref<2x80x128xf32, #tpu.memory_space<vmem>> -> memref<1x80x128xf32, #tpu.memory_space<vmem>>
        %dma_wait3A_209 = tpu.memref_squeeze %dma_wait3A_208 : memref<1x80x128xf32, #tpu.memory_space<vmem>> -> memref<80x128xf32, #tpu.memory_space<vmem>>
        %dma_wait3A_210 = arith.constant 0 : i32
        %dma_wait3A_211 = tpu.memref_slice %arg8[%add3A_178, %dma_wait3A_210] : memref<128x80xi32, #tpu.memory_space<vmem>> -> memref<1x80xi32, #tpu.memory_space<vmem>>
        %dma_wait3A_212 = tpu.memref_squeeze %dma_wait3A_211 : memref<1x80xi32, #tpu.memory_space<vmem>> -> memref<80xi32, #tpu.memory_space<vmem>>
        %dma_wait3A_213 = arith.constant 0 : i32
        %dma_wait3A_214 = arith.constant 0 : i32
        %dma_wait3A_215 = tpu.memref_slice %arg14[%dma_wait3A_213, %dma_wait3A_214] : memref<10008x128xf32, #tpu.memory_space<vmem_shared>> -> memref<10008x128xf32, #tpu.memory_space<vmem_shared>>
        tpu.wait_indirect_dma semaphore(%arg13 : memref<!tpu.dma_semaphore, #tpu.memory_space<semaphore_mem>>) src(%dma_wait3A_209 : memref<80x128xf32, #tpu.memory_space<vmem>>) dst(%dma_wait3A_215 : memref<10008x128xf32, #tpu.memory_space<vmem_shared>>)
        %add3A_216 = arith.constant 2 : i32
        %add3A_217 = arith.addi %add3A_178, %add3A_216 : i32
        %lt3A_218 = arith.constant 128 : i32
        %lt3A_219 = arith.cmpi slt, %add3A_217, %lt3A_218 : i32
        %convert_element_type3A_220 = arith.extui %lt3A_219 : i1 to i32
        %cond3A_221 = arith.constant 0 : i32
        %cond3A_222 = arith.cmpi ne, %convert_element_type3A_220, %cond3A_221 : i32
        scf.if %cond3A_222 {
          %add3A_223 = arith.constant 2 : i32
          %add3A_224 = arith.addi %add3A_178, %add3A_223 : i32
          %mul3A_225 = arith.constant 80 : i32
          %mul3A_226 = arith.muli %add3A_224, %mul3A_225 : i32
          %dma_start3A_227 = arith.constant 1 : i32
          %dma_start3A_228 = arith.constant 0 : i32
          %dma_start3A_229 = arith.constant 0 : i32
          %dma_start3A_230 = tpu.memref_slice %arg9[%dma_start3A_227, %dma_start3A_228, %dma_start3A_229] : memref<2x80x128xf32, #tpu.memory_space<vmem>> -> memref<1x80x128xf32, #tpu.memory_space<vmem>>
          %dma_start3A_231 = tpu.memref_squeeze %dma_start3A_230 : memref<1x80x128xf32, #tpu.memory_space<vmem>> -> memref<80x128xf32, #tpu.memory_space<vmem>>
          %dma_start3A_232 = tpu.memref_slice %arg7[%mul3A_226] : memref<10240xi32, #tpu.memory_space<vmem>> -> memref<80xi32, #tpu.memory_space<vmem>>
          %dma_start3A_233 = arith.constant 0 : i32
          %dma_start3A_234 = arith.constant 0 : i32
          %dma_start3A_235 = tpu.memref_slice %arg2[%scan3A_108, %dma_start3A_233, %dma_start3A_234] : memref<4x10000x128xf32, #tpu.memory_space<hbm>> -> memref<1x10000x128xf32, #tpu.memory_space<hbm>>
          %dma_start3A_236 = tpu.memref_squeeze %dma_start3A_235 : memref<1x10000x128xf32, #tpu.memory_space<hbm>> -> memref<10000x128xf32, #tpu.memory_space<hbm>>
          %dma_start3A_237 = arith.constant 0 : i32
          %dma_start3A_238 = arith.constant 0 : i32
          %dma_start3A_239 = tpu.memref_slice %dma_start3A_236[%dma_start3A_237, %dma_start3A_238] : memref<10000x128xf32, #tpu.memory_space<hbm>> -> memref<10000x128xf32, #tpu.memory_space<hbm>>
          tpu.enqueue_indirect_dma source(%dma_start3A_239 : memref<10000x128xf32, #tpu.memory_space<hbm>>) target(%dma_start3A_231 : memref<80x128xf32, #tpu.memory_space<vmem>>) offsets(%dma_start3A_232 : memref<80xi32, #tpu.memory_space<vmem>>) semaphore(%arg11 : memref<!tpu.dma_semaphore, #tpu.memory_space<semaphore_mem>>)
        } else {
        }
      }
      %scan3A_113 = arith.constant 64 : i32
      %barrier3A_114 = arith.constant 0 : index
      tpu.barrier barrier_id(%barrier3A_114)
      %lt3A_115 = arith.constant 15 : i32
      %lt3A_116 = arith.cmpi slt, %arg1, %lt3A_115 : i32
      %convert_element_type3A_117 = arith.extui %lt3A_116 : i1 to i32
      %cond3A_118 = arith.constant 3 : i32
      %cond3A_119 = arith.constant 0 : i32
      %cond3A_120 = arith.cmpi ne, %convert_element_type3A_117, %cond3A_119 : i32
      scf.if %cond3A_120 {
        %mul3A_128 = arith.constant 624 : i32
        %mul3A_129 = arith.muli %arg1, %mul3A_128 : i32
        %multiple_of3A = tpu.assume_multiple %mul3A_129, 8 : i32
        "tpu.region"() ({
          %run_scoped3A = tpu.sem_alloc : memref<!tpu.dma_semaphore, #tpu.memory_space<semaphore_mem>>
          %dma_start3A_130 = arith.constant 0 : i32
          %dma_start3A_131 = arith.constant 0 : i32
          %dma_start3A_132 = tpu.memref_slice %arg6[%cond3A_118, %dma_start3A_130, %dma_start3A_131] : memref<4x10000x128xf32, #tpu.memory_space<hbm>> -> memref<1x10000x128xf32, #tpu.memory_space<hbm>>
          %dma_start3A_133 = tpu.memref_squeeze %dma_start3A_132 : memref<1x10000x128xf32, #tpu.memory_space<hbm>> -> memref<10000x128xf32, #tpu.memory_space<hbm>>
          %dma_start3A_134 = arith.constant 0 : i32
          %dma_start3A_135 = tpu.memref_slice %dma_start3A_133[%multiple_of3A, %dma_start3A_134] : memref<10000x128xf32, #tpu.memory_space<hbm>> -> memref<624x128xf32, #tpu.memory_space<hbm>>
          %dma_start3A_136 = arith.constant 0 : i32
          %dma_start3A_137 = tpu.memref_slice %arg14[%multiple_of3A, %dma_start3A_136] : memref<10008x128xf32, #tpu.memory_space<vmem_shared>> -> memref<624x128xf32, #tpu.memory_space<vmem_shared>>
          tpu.enqueue_dma source(%dma_start3A_137 : memref<624x128xf32, #tpu.memory_space<vmem_shared>>) target(%dma_start3A_135 : memref<624x128xf32, #tpu.memory_space<hbm>>) target_semaphore(%run_scoped3A : memref<!tpu.dma_semaphore, #tpu.memory_space<semaphore_mem>>)
          %dma_wait3A = arith.constant 0 : i32
          %dma_wait3A_138 = arith.constant 0 : i32
          %dma_wait3A_139 = tpu.memref_slice %arg6[%cond3A_118, %dma_wait3A, %dma_wait3A_138] : memref<4x10000x128xf32, #tpu.memory_space<hbm>> -> memref<1x10000x128xf32, #tpu.memory_space<hbm>>
          %dma_wait3A_140 = tpu.memref_squeeze %dma_wait3A_139 : memref<1x10000x128xf32, #tpu.memory_space<hbm>> -> memref<10000x128xf32, #tpu.memory_space<hbm>>
          %dma_wait3A_141 = arith.constant 0 : i32
          %dma_wait3A_142 = tpu.memref_slice %dma_wait3A_140[%multiple_of3A, %dma_wait3A_141] : memref<10000x128xf32, #tpu.memory_space<hbm>> -> memref<624x128xf32, #tpu.memory_space<hbm>>
          %dma_wait3A_143 = arith.constant 0 : i32
          %dma_wait3A_144 = tpu.memref_slice %arg14[%multiple_of3A, %dma_wait3A_143] : memref<10008x128xf32, #tpu.memory_space<vmem_shared>> -> memref<624x128xf32, #tpu.memory_space<vmem_shared>>
          tpu.wait_dma2 semaphore(%run_scoped3A : memref<!tpu.dma_semaphore, #tpu.memory_space<semaphore_mem>>) src(%dma_wait3A_144 : memref<624x128xf32, #tpu.memory_space<vmem_shared>>) dst(%dma_wait3A_142 : memref<624x128xf32, #tpu.memory_space<hbm>>)
          tpu.yield
        }) : () -> ()
      } else {
      }
      %eq3A_121 = arith.constant 15 : i32
      %eq3A_122 = arith.cmpi eq, %arg1, %eq3A_121 : i32
      %convert_element_type3A_123 = arith.extui %eq3A_122 : i1 to i32
      %cond3A_124 = arith.constant 3 : i32
      %cond3A_125 = arith.constant 0 : i32
      %cond3A_126 = arith.cmpi ne, %convert_element_type3A_123, %cond3A_125 : i32
      scf.if %cond3A_126 {
        "tpu.region"() ({
          %run_scoped3A = tpu.sem_alloc : memref<!tpu.dma_semaphore, #tpu.memory_space<semaphore_mem>>
          %dma_start3A_128 = arith.constant 0 : i32
          %dma_start3A_129 = arith.constant 0 : i32
          %dma_start3A_130 = tpu.memref_slice %arg6[%cond3A_124, %dma_start3A_128, %dma_start3A_129] : memref<4x10000x128xf32, #tpu.memory_space<hbm>> -> memref<1x10000x128xf32, #tpu.memory_space<hbm>>
          %dma_start3A_131 = tpu.memref_squeeze %dma_start3A_130 : memref<1x10000x128xf32, #tpu.memory_space<hbm>> -> memref<10000x128xf32, #tpu.memory_space<hbm>>
          %dma_start3A_132 = arith.constant 9360 : i32
          %dma_start3A_133 = arith.constant 0 : i32
          %dma_start3A_134 = tpu.memref_slice %dma_start3A_131[%dma_start3A_132, %dma_start3A_133] : memref<10000x128xf32, #tpu.memory_space<hbm>> -> memref<640x128xf32, #tpu.memory_space<hbm>>
          %dma_start3A_135 = arith.constant 9360 : i32
          %dma_start3A_136 = arith.constant 0 : i32
          %dma_start3A_137 = tpu.memref_slice %arg14[%dma_start3A_135, %dma_start3A_136] : memref<10008x128xf32, #tpu.memory_space<vmem_shared>> -> memref<640x128xf32, #tpu.memory_space<vmem_shared>>
          tpu.enqueue_dma source(%dma_start3A_137 : memref<640x128xf32, #tpu.memory_space<vmem_shared>>) target(%dma_start3A_134 : memref<640x128xf32, #tpu.memory_space<hbm>>) target_semaphore(%run_scoped3A : memref<!tpu.dma_semaphore, #tpu.memory_space<semaphore_mem>>)
          %dma_wait3A = arith.constant 0 : i32
          %dma_wait3A_138 = arith.constant 0 : i32
          %dma_wait3A_139 = tpu.memref_slice %arg6[%cond3A_124, %dma_wait3A, %dma_wait3A_138] : memref<4x10000x128xf32, #tpu.memory_space<hbm>> -> memref<1x10000x128xf32, #tpu.memory_space<hbm>>
          %dma_wait3A_140 = tpu.memref_squeeze %dma_wait3A_139 : memref<1x10000x128xf32, #tpu.memory_space<hbm>> -> memref<10000x128xf32, #tpu.memory_space<hbm>>
          %dma_wait3A_141 = arith.constant 9360 : i32
          %dma_wait3A_142 = arith.constant 0 : i32
          %dma_wait3A_143 = tpu.memref_slice %dma_wait3A_140[%dma_wait3A_141, %dma_wait3A_142] : memref<10000x128xf32, #tpu.memory_space<hbm>> -> memref<640x128xf32, #tpu.memory_space<hbm>>
          %dma_wait3A_144 = arith.constant 9360 : i32
          %dma_wait3A_145 = arith.constant 0 : i32
          %dma_wait3A_146 = tpu.memref_slice %arg14[%dma_wait3A_144, %dma_wait3A_145] : memref<10008x128xf32, #tpu.memory_space<vmem_shared>> -> memref<640x128xf32, #tpu.memory_space<vmem_shared>>
          tpu.wait_dma2 semaphore(%run_scoped3A : memref<!tpu.dma_semaphore, #tpu.memory_space<semaphore_mem>>) src(%dma_wait3A_146 : memref<640x128xf32, #tpu.memory_space<vmem_shared>>) dst(%dma_wait3A_143 : memref<640x128xf32, #tpu.memory_space<hbm>>)
          tpu.yield
        }) : () -> ()
      } else {
      }
      %barrier3A_127 = arith.constant 0 : index
      tpu.barrier barrier_id(%barrier3A_127)
    } else {
    }
    return
  }
}

module attributes {stable_mosaic.version = 14 : i64} {
  func.func @_mm1_body(%arg0: i32, %arg1: i32, %arg2: memref<1000x256xf32, #tpu.memory_space<vmem>>, %arg3: memref<256x128xf32, #tpu.memory_space<vmem>>, %arg4: memref<2x1000x16xf32, #tpu.memory_space<vmem>>, %arg5: memref<1x1000x128xf32, #tpu.memory_space<vmem>>) attributes {dimension_semantics = [#tpu.dimension_semantics<arbitrary>, #tpu.dimension_semantics<arbitrary>], iteration_bounds = array<i64: 4, 10>, scalar_prefetch = 0 : i64, scratch_operands = 0 : i64, tpu.core_type = #tpu.core_type<tc>, window_params = [{transform_indices = @transform_0, window_bounds = array<i64: 1000, 256>}, {transform_indices = @transform_1, window_bounds = array<i64: 256, 128>}, {transform_indices = @transform_2, window_bounds = array<i64: 2, 1000, 16>}, {transform_indices = @transform_3, window_bounds = array<i64: 1, 1000, 128>}]} {
    %get3A = arith.constant 0 : index
    %get3A_0 = arith.constant 0 : index
    %get3A_1 = arith.constant 0 : index
    %get3A_2 = vector.load %arg4[%get3A, %get3A_0, %get3A_1] : memref<2x1000x16xf32, #tpu.memory_space<vmem>>, vector<1x1000x16xf32>
    %get3A_3 = vector.shape_cast %get3A_2 : vector<1x1000x16xf32> to vector<1000x16xf32>
    %get3A_4 = arith.constant 1 : index
    %get3A_5 = arith.constant 0 : index
    %get3A_6 = arith.constant 0 : index
    %get3A_7 = vector.load %arg4[%get3A_4, %get3A_5, %get3A_6] : memref<2x1000x16xf32, #tpu.memory_space<vmem>>, vector<1x1000x16xf32>
    %get3A_8 = vector.shape_cast %get3A_7 : vector<1x1000x16xf32> to vector<1000x16xf32>
    %add3A = arith.addf %get3A_3, %get3A_8 : vector<1000x16xf32>
    %slice3A = vector.extract_strided_slice %add3A {offsets = [0, 0], sizes = [1000, 1], strides = [1, 1]} : vector<1000x16xf32> to vector<1000x1xf32>
    %rsqrt3A = math.rsqrt %slice3A : vector<1000x1xf32>
    %get3A_9 = arith.constant 0 : index
    %get3A_10 = arith.constant 0 : index
    %get3A_11 = vector.load %arg2[%get3A_9, %get3A_10] : memref<1000x256xf32, #tpu.memory_space<vmem>>, vector<1000x256xf32>
    %get3A_12 = arith.constant 0 : index
    %get3A_13 = arith.constant 0 : index
    %get3A_14 = vector.load %arg3[%get3A_12, %get3A_13] : memref<256x128xf32, #tpu.memory_space<vmem>>, vector<256x128xf32>
    %dot_general3A = arith.constant dense<0.000000e+00> : vector<1000x128xf32>
    %dot_general3A_15 = tpu.matmul %get3A_11, %get3A_14, %dot_general3A {dimension_numbers = #tpu.dot_dimension_numbers<[1], [0], [0], [1], [0, 0, 1, 1], [], []>, transpose_lhs_hint = false} : vector<1000x256xf32>, vector<256x128xf32>, vector<1000x128xf32> -> vector<1000x128xf32>
    %mul3A = vector.broadcast %rsqrt3A : vector<1000x1xf32> to vector<1000x128xf32>
    %mul3A_16 = arith.mulf %dot_general3A_15, %mul3A : vector<1000x128xf32>
    %swap3A = arith.constant 0 : index
    %swap3A_17 = arith.constant 0 : index
    %swap3A_18 = arith.constant 0 : index
    %swap3A_19 = vector.load %arg5[%swap3A, %swap3A_17, %swap3A_18] : memref<1x1000x128xf32, #tpu.memory_space<vmem>>, vector<1x1000x128xf32>
    %swap3A_20 = vector.shape_cast %swap3A_19 : vector<1x1000x128xf32> to vector<1000x128xf32>
    %swap3A_21 = vector.shape_cast %mul3A_16 : vector<1000x128xf32> to vector<1x1000x128xf32>
    tpu.vector_store %arg5[%swap3A, %swap3A_17, %swap3A_18], %swap3A_21 {strides = array<i32>} : memref<1x1000x128xf32, #tpu.memory_space<vmem>>, vector<1x1000x128xf32>,
    return
  }
  func.func @transform_0(%arg0: i32, %arg1: i32) -> (i32, i32) {
    %c0_i32 = arith.constant 0 : i32
    %c0_i32_0 = arith.constant 0 : i32
    return %arg1, %c0_i32 : i32, i32
  }
  func.func @transform_1(%arg0: i32, %arg1: i32) -> (i32, i32) {
    %c0_i32 = arith.constant 0 : i32
    %c0_i32_0 = arith.constant 0 : i32
    return %c0_i32, %arg0 : i32, i32
  }
  func.func @transform_2(%arg0: i32, %arg1: i32) -> (i32, i32, i32) {
    %c0_i32 = arith.constant 0 : i32
    %c0_i32_0 = arith.constant 0 : i32
    %c0_i32_1 = arith.constant 0 : i32
    return %c0_i32, %arg1, %c0_i32_0 : i32, i32, i32
  }
  func.func @transform_3(%arg0: i32, %arg1: i32) -> (i32, i32, i32) {
    %c0_i32 = arith.constant 0 : i32
    %c0_i32_0 = arith.constant 0 : i32
    return %arg0, %arg1, %c0_i32 : i32, i32, i32
  }
}

module attributes {stable_mosaic.version = 14 : i64} {
  func.func @_mm2_body(%arg0: i32, %arg1: i32, %arg2: memref<4x1000x128xf32, #tpu.memory_space<vmem>>, %arg3: memref<4x1000x128xf32, #tpu.memory_space<vmem>>, %arg4: memref<2x1000x16xf32, #tpu.memory_space<vmem>>, %arg5: memref<4x128xf32, #tpu.memory_space<vmem>>, %arg6: memref<4x1x128x128xf32, #tpu.memory_space<vmem>>, %arg7: memref<1x1000x128xf32, #tpu.memory_space<vmem>>) attributes {dimension_semantics = [#tpu.dimension_semantics<arbitrary>, #tpu.dimension_semantics<arbitrary>], iteration_bounds = array<i64: 2, 10>, scalar_prefetch = 0 : i64, scratch_operands = 0 : i64, tpu.core_type = #tpu.core_type<tc>, window_params = [{transform_indices = @transform_0, window_bounds = array<i64: 4, 1000, 128>}, {transform_indices = @transform_1, window_bounds = array<i64: 4, 1000, 128>}, {transform_indices = @transform_2, window_bounds = array<i64: 2, 1000, 16>}, {pipeline_mode = #tpu.pipeline_mode<synchronous>, transform_indices = @transform_3, window_bounds = array<i64: 4, 128>}, {transform_indices = @transform_4, window_bounds = array<i64: 4, 1, 128, 128>}, {transform_indices = @transform_5, window_bounds = array<i64: 1, 1000, 128>}]} {
    %get3A = arith.constant 0 : index
    %get3A_0 = arith.constant 0 : index
    %get3A_1 = arith.constant 0 : index
    %get3A_2 = vector.load %arg4[%get3A, %get3A_0, %get3A_1] : memref<2x1000x16xf32, #tpu.memory_space<vmem>>, vector<1x1000x16xf32>
    %get3A_3 = vector.shape_cast %get3A_2 : vector<1x1000x16xf32> to vector<1000x16xf32>
    %get3A_4 = arith.constant 1 : index
    %get3A_5 = arith.constant 0 : index
    %get3A_6 = arith.constant 0 : index
    %get3A_7 = vector.load %arg4[%get3A_4, %get3A_5, %get3A_6] : memref<2x1000x16xf32, #tpu.memory_space<vmem>>, vector<1x1000x16xf32>
    %get3A_8 = vector.shape_cast %get3A_7 : vector<1x1000x16xf32> to vector<1000x16xf32>
    %add3A = arith.addf %get3A_3, %get3A_8 : vector<1000x16xf32>
    %slice3A = vector.extract_strided_slice %add3A {offsets = [0, 0], sizes = [1000, 1], strides = [1, 1]} : vector<1000x16xf32> to vector<1000x1xf32>
    %rsqrt3A = math.rsqrt %slice3A : vector<1000x1xf32>
    %broadcast_in_dim3A = arith.constant 0.000000e+00 : f32
    %broadcast_in_dim3A_9 = vector.broadcast %broadcast_in_dim3A : f32 to vector<1000x128xf32>
    %get3A_10 = arith.constant 0 : index
    %get3A_11 = arith.constant 0 : index
    %get3A_12 = arith.constant 0 : index
    %get3A_13 = vector.load %arg2[%get3A_10, %get3A_11, %get3A_12] : memref<4x1000x128xf32, #tpu.memory_space<vmem>>, vector<1x1000x128xf32>
    %get3A_14 = vector.shape_cast %get3A_13 : vector<1x1000x128xf32> to vector<1000x128xf32>
    %get3A_15 = arith.constant 0 : index
    %get3A_16 = arith.constant 0 : index
    %get3A_17 = arith.constant 0 : index
    %get3A_18 = vector.load %arg3[%get3A_15, %get3A_16, %get3A_17] : memref<4x1000x128xf32, #tpu.memory_space<vmem>>, vector<1x1000x128xf32>
    %get3A_19 = vector.shape_cast %get3A_18 : vector<1x1000x128xf32> to vector<1000x128xf32>
    %add3A_20 = arith.addf %get3A_14, %get3A_19 : vector<1000x128xf32>
    %mul3A = vector.broadcast %rsqrt3A : vector<1000x1xf32> to vector<1000x128xf32>
    %mul3A_21 = arith.mulf %add3A_20, %mul3A : vector<1000x128xf32>
    %get3A_22 = arith.constant 0 : index
    %get3A_23 = arith.constant 0 : index
    %get3A_24 = vector.load %arg5[%get3A_22, %get3A_23] : memref<4x128xf32, #tpu.memory_space<vmem>>, vector<1x128xf32>
    %get3A_25 = vector.shape_cast %get3A_24 : vector<1x128xf32> to vector<128xf32>
    %broadcast_in_dim3A_26 = vector.shape_cast %get3A_25 : vector<128xf32> to vector<1x128xf32>
    %add3A_27 = vector.broadcast %broadcast_in_dim3A_26 : vector<1x128xf32> to vector<1000x128xf32>
    %add3A_28 = arith.addf %mul3A_21, %add3A_27 : vector<1000x128xf32>
    %max3A = arith.constant 0.000000e+00 : f32
    %max3A_29 = vector.broadcast %max3A : f32 to vector<1000x128xf32>
    %max3A_30 = arith.maximumf %add3A_28, %max3A_29 : vector<1000x128xf32>
    %get3A_31 = arith.constant 0 : index
    %get3A_32 = arith.constant 0 : index
    %get3A_33 = arith.constant 0 : index
    %get3A_34 = arith.constant 0 : index
    %get3A_35 = vector.load %arg6[%get3A_31, %get3A_32, %get3A_33, %get3A_34] : memref<4x1x128x128xf32, #tpu.memory_space<vmem>>, vector<1x1x128x128xf32>
    %get3A_36 = vector.shape_cast %get3A_35 : vector<1x1x128x128xf32> to vector<128x128xf32>
    %dot_general3A = arith.constant dense<0.000000e+00> : vector<1000x128xf32>
    %dot_general3A_37 = tpu.matmul %max3A_30, %get3A_36, %dot_general3A {dimension_numbers = #tpu.dot_dimension_numbers<[1], [0], [0], [1], [0, 0, 1, 1], [], []>, transpose_lhs_hint = false} : vector<1000x128xf32>, vector<128x128xf32>, vector<1000x128xf32> -> vector<1000x128xf32>
    %add3A_38 = arith.addf %broadcast_in_dim3A_9, %dot_general3A_37 : vector<1000x128xf32>
    %get3A_39 = arith.constant 1 : index
    %get3A_40 = arith.constant 0 : index
    %get3A_41 = arith.constant 0 : index
    %get3A_42 = vector.load %arg2[%get3A_39, %get3A_40, %get3A_41] : memref<4x1000x128xf32, #tpu.memory_space<vmem>>, vector<1x1000x128xf32>
    %get3A_43 = vector.shape_cast %get3A_42 : vector<1x1000x128xf32> to vector<1000x128xf32>
    %get3A_44 = arith.constant 1 : index
    %get3A_45 = arith.constant 0 : index
    %get3A_46 = arith.constant 0 : index
    %get3A_47 = vector.load %arg3[%get3A_44, %get3A_45, %get3A_46] : memref<4x1000x128xf32, #tpu.memory_space<vmem>>, vector<1x1000x128xf32>
    %get3A_48 = vector.shape_cast %get3A_47 : vector<1x1000x128xf32> to vector<1000x128xf32>
    %add3A_49 = arith.addf %get3A_43, %get3A_48 : vector<1000x128xf32>
    %mul3A_50 = vector.broadcast %rsqrt3A : vector<1000x1xf32> to vector<1000x128xf32>
    %mul3A_51 = arith.mulf %add3A_49, %mul3A_50 : vector<1000x128xf32>
    %get3A_52 = arith.constant 1 : index
    %get3A_53 = arith.constant 0 : index
    %get3A_54 = vector.load %arg5[%get3A_52, %get3A_53] : memref<4x128xf32, #tpu.memory_space<vmem>>, vector<1x128xf32>
    %get3A_55 = vector.shape_cast %get3A_54 : vector<1x128xf32> to vector<128xf32>
    %broadcast_in_dim3A_56 = vector.shape_cast %get3A_55 : vector<128xf32> to vector<1x128xf32>
    %add3A_57 = vector.broadcast %broadcast_in_dim3A_56 : vector<1x128xf32> to vector<1000x128xf32>
    %add3A_58 = arith.addf %mul3A_51, %add3A_57 : vector<1000x128xf32>
    %max3A_59 = arith.constant 0.000000e+00 : f32
    %max3A_60 = vector.broadcast %max3A_59 : f32 to vector<1000x128xf32>
    %max3A_61 = arith.maximumf %add3A_58, %max3A_60 : vector<1000x128xf32>
    %get3A_62 = arith.constant 1 : index
    %get3A_63 = arith.constant 0 : index
    %get3A_64 = arith.constant 0 : index
    %get3A_65 = arith.constant 0 : index
    %get3A_66 = vector.load %arg6[%get3A_62, %get3A_63, %get3A_64, %get3A_65] : memref<4x1x128x128xf32, #tpu.memory_space<vmem>>, vector<1x1x128x128xf32>
    %get3A_67 = vector.shape_cast %get3A_66 : vector<1x1x128x128xf32> to vector<128x128xf32>
    %dot_general3A_68 = arith.constant dense<0.000000e+00> : vector<1000x128xf32>
    %dot_general3A_69 = tpu.matmul %max3A_61, %get3A_67, %dot_general3A_68 {dimension_numbers = #tpu.dot_dimension_numbers<[1], [0], [0], [1], [0, 0, 1, 1], [], []>, transpose_lhs_hint = false} : vector<1000x128xf32>, vector<128x128xf32>, vector<1000x128xf32> -> vector<1000x128xf32>
    %add3A_70 = arith.addf %add3A_38, %dot_general3A_69 : vector<1000x128xf32>
    %get3A_71 = arith.constant 2 : index
    %get3A_72 = arith.constant 0 : index
    %get3A_73 = arith.constant 0 : index
    %get3A_74 = vector.load %arg2[%get3A_71, %get3A_72, %get3A_73] : memref<4x1000x128xf32, #tpu.memory_space<vmem>>, vector<1x1000x128xf32>
    %get3A_75 = vector.shape_cast %get3A_74 : vector<1x1000x128xf32> to vector<1000x128xf32>
    %get3A_76 = arith.constant 2 : index
    %get3A_77 = arith.constant 0 : index
    %get3A_78 = arith.constant 0 : index
    %get3A_79 = vector.load %arg3[%get3A_76, %get3A_77, %get3A_78] : memref<4x1000x128xf32, #tpu.memory_space<vmem>>, vector<1x1000x128xf32>
    %get3A_80 = vector.shape_cast %get3A_79 : vector<1x1000x128xf32> to vector<1000x128xf32>
    %add3A_81 = arith.addf %get3A_75, %get3A_80 : vector<1000x128xf32>
    %mul3A_82 = vector.broadcast %rsqrt3A : vector<1000x1xf32> to vector<1000x128xf32>
    %mul3A_83 = arith.mulf %add3A_81, %mul3A_82 : vector<1000x128xf32>
    %get3A_84 = arith.constant 2 : index
    %get3A_85 = arith.constant 0 : index
    %get3A_86 = vector.load %arg5[%get3A_84, %get3A_85] : memref<4x128xf32, #tpu.memory_space<vmem>>, vector<1x128xf32>
    %get3A_87 = vector.shape_cast %get3A_86 : vector<1x128xf32> to vector<128xf32>
    %broadcast_in_dim3A_88 = vector.shape_cast %get3A_87 : vector<128xf32> to vector<1x128xf32>
    %add3A_89 = vector.broadcast %broadcast_in_dim3A_88 : vector<1x128xf32> to vector<1000x128xf32>
    %add3A_90 = arith.addf %mul3A_83, %add3A_89 : vector<1000x128xf32>
    %max3A_91 = arith.constant 0.000000e+00 : f32
    %max3A_92 = vector.broadcast %max3A_91 : f32 to vector<1000x128xf32>
    %max3A_93 = arith.maximumf %add3A_90, %max3A_92 : vector<1000x128xf32>
    %get3A_94 = arith.constant 2 : index
    %get3A_95 = arith.constant 0 : index
    %get3A_96 = arith.constant 0 : index
    %get3A_97 = arith.constant 0 : index
    %get3A_98 = vector.load %arg6[%get3A_94, %get3A_95, %get3A_96, %get3A_97] : memref<4x1x128x128xf32, #tpu.memory_space<vmem>>, vector<1x1x128x128xf32>
    %get3A_99 = vector.shape_cast %get3A_98 : vector<1x1x128x128xf32> to vector<128x128xf32>
    %dot_general3A_100 = arith.constant dense<0.000000e+00> : vector<1000x128xf32>
    %dot_general3A_101 = tpu.matmul %max3A_93, %get3A_99, %dot_general3A_100 {dimension_numbers = #tpu.dot_dimension_numbers<[1], [0], [0], [1], [0, 0, 1, 1], [], []>, transpose_lhs_hint = false} : vector<1000x128xf32>, vector<128x128xf32>, vector<1000x128xf32> -> vector<1000x128xf32>
    %add3A_102 = arith.addf %add3A_70, %dot_general3A_101 : vector<1000x128xf32>
    %get3A_103 = arith.constant 3 : index
    %get3A_104 = arith.constant 0 : index
    %get3A_105 = arith.constant 0 : index
    %get3A_106 = vector.load %arg2[%get3A_103, %get3A_104, %get3A_105] : memref<4x1000x128xf32, #tpu.memory_space<vmem>>, vector<1x1000x128xf32>
    %get3A_107 = vector.shape_cast %get3A_106 : vector<1x1000x128xf32> to vector<1000x128xf32>
    %get3A_108 = arith.constant 3 : index
    %get3A_109 = arith.constant 0 : index
    %get3A_110 = arith.constant 0 : index
    %get3A_111 = vector.load %arg3[%get3A_108, %get3A_109, %get3A_110] : memref<4x1000x128xf32, #tpu.memory_space<vmem>>, vector<1x1000x128xf32>
    %get3A_112 = vector.shape_cast %get3A_111 : vector<1x1000x128xf32> to vector<1000x128xf32>
    %add3A_113 = arith.addf %get3A_107, %get3A_112 : vector<1000x128xf32>
    %mul3A_114 = vector.broadcast %rsqrt3A : vector<1000x1xf32> to vector<1000x128xf32>
    %mul3A_115 = arith.mulf %add3A_113, %mul3A_114 : vector<1000x128xf32>
    %get3A_116 = arith.constant 3 : index
    %get3A_117 = arith.constant 0 : index
    %get3A_118 = vector.load %arg5[%get3A_116, %get3A_117] : memref<4x128xf32, #tpu.memory_space<vmem>>, vector<1x128xf32>
    %get3A_119 = vector.shape_cast %get3A_118 : vector<1x128xf32> to vector<128xf32>
    %broadcast_in_dim3A_120 = vector.shape_cast %get3A_119 : vector<128xf32> to vector<1x128xf32>
    %add3A_121 = vector.broadcast %broadcast_in_dim3A_120 : vector<1x128xf32> to vector<1000x128xf32>
    %add3A_122 = arith.addf %mul3A_115, %add3A_121 : vector<1000x128xf32>
    %max3A_123 = arith.constant 0.000000e+00 : f32
    %max3A_124 = vector.broadcast %max3A_123 : f32 to vector<1000x128xf32>
    %max3A_125 = arith.maximumf %add3A_122, %max3A_124 : vector<1000x128xf32>
    %get3A_126 = arith.constant 3 : index
    %get3A_127 = arith.constant 0 : index
    %get3A_128 = arith.constant 0 : index
    %get3A_129 = arith.constant 0 : index
    %get3A_130 = vector.load %arg6[%get3A_126, %get3A_127, %get3A_128, %get3A_129] : memref<4x1x128x128xf32, #tpu.memory_space<vmem>>, vector<1x1x128x128xf32>
    %get3A_131 = vector.shape_cast %get3A_130 : vector<1x1x128x128xf32> to vector<128x128xf32>
    %dot_general3A_132 = arith.constant dense<0.000000e+00> : vector<1000x128xf32>
    %dot_general3A_133 = tpu.matmul %max3A_125, %get3A_131, %dot_general3A_132 {dimension_numbers = #tpu.dot_dimension_numbers<[1], [0], [0], [1], [0, 0, 1, 1], [], []>, transpose_lhs_hint = false} : vector<1000x128xf32>, vector<128x128xf32>, vector<1000x128xf32> -> vector<1000x128xf32>
    %add3A_134 = arith.addf %add3A_102, %dot_general3A_133 : vector<1000x128xf32>
    %mul3A_135 = vector.broadcast %rsqrt3A : vector<1000x1xf32> to vector<1000x128xf32>
    %mul3A_136 = arith.mulf %add3A_134, %mul3A_135 : vector<1000x128xf32>
    %swap3A = arith.constant 0 : index
    %swap3A_137 = arith.constant 0 : index
    %swap3A_138 = arith.constant 0 : index
    %swap3A_139 = vector.load %arg7[%swap3A, %swap3A_137, %swap3A_138] : memref<1x1000x128xf32, #tpu.memory_space<vmem>>, vector<1x1000x128xf32>
    %swap3A_140 = vector.shape_cast %swap3A_139 : vector<1x1000x128xf32> to vector<1000x128xf32>
    %swap3A_141 = vector.shape_cast %mul3A_136 : vector<1000x128xf32> to vector<1x1000x128xf32>
    tpu.vector_store %arg7[%swap3A, %swap3A_137, %swap3A_138], %swap3A_141 {strides = array<i32>} : memref<1x1000x128xf32, #tpu.memory_space<vmem>>, vector<1x1000x128xf32>,
    return
  }
  func.func @transform_0(%arg0: i32, %arg1: i32) -> (i32, i32, i32) {
    %c0_i32 = arith.constant 0 : i32
    %c0_i32_0 = arith.constant 0 : i32
    %c0_i32_1 = arith.constant 0 : i32
    return %c0_i32, %arg1, %c0_i32_0 : i32, i32, i32
  }
  func.func @transform_1(%arg0: i32, %arg1: i32) -> (i32, i32, i32) {
    %c0_i32 = arith.constant 0 : i32
    %c0_i32_0 = arith.constant 0 : i32
    %c0_i32_1 = arith.constant 0 : i32
    return %c0_i32, %arg1, %c0_i32_0 : i32, i32, i32
  }
  func.func @transform_2(%arg0: i32, %arg1: i32) -> (i32, i32, i32) {
    %c0_i32 = arith.constant 0 : i32
    %c0_i32_0 = arith.constant 0 : i32
    %c0_i32_1 = arith.constant 0 : i32
    return %c0_i32, %arg1, %c0_i32_0 : i32, i32, i32
  }
  func.func @transform_3(%arg0: i32, %arg1: i32) -> (i32, i32) {
    %c0_i32 = arith.constant 0 : i32
    %c0_i32_0 = arith.constant 0 : i32
    %c0_i32_1 = arith.constant 0 : i32
    return %c0_i32, %c0_i32_0 : i32, i32
  }
  func.func @transform_4(%arg0: i32, %arg1: i32) -> (i32, i32, i32, i32) {
    %c0_i32 = arith.constant 0 : i32
    %c0_i32_0 = arith.constant 0 : i32
    %c0_i32_1 = arith.constant 0 : i32
    %c0_i32_2 = arith.constant 0 : i32
    return %c0_i32, %arg0, %c0_i32_0, %c0_i32_1 : i32, i32, i32, i32
  }
  func.func @transform_5(%arg0: i32, %arg1: i32) -> (i32, i32, i32) {
    %c0_i32 = arith.constant 0 : i32
    %c0_i32_0 = arith.constant 0 : i32
    return %arg0, %arg1, %c0_i32 : i32, i32, i32
  }
}

module attributes {stable_mosaic.version = 14 : i64} {
  func.func @_fin_body(%arg0: i32, %arg1: memref<2x1000x128xf32, #tpu.memory_space<vmem>>, %arg2: memref<2x1000x128xf32, #tpu.memory_space<vmem>>, %arg3: memref<2x1000x16xf32, #tpu.memory_space<vmem>>, %arg4: memref<2x128xf32, #tpu.memory_space<vmem>>, %arg5: memref<1000x256xf32, #tpu.memory_space<vmem>>) attributes {dimension_semantics = [#tpu.dimension_semantics<arbitrary>], iteration_bounds = array<i64: 10>, scalar_prefetch = 0 : i64, scratch_operands = 0 : i64, tpu.core_type = #tpu.core_type<tc>, window_params = [{transform_indices = @transform_0, window_bounds = array<i64: 2, 1000, 128>}, {transform_indices = @transform_1, window_bounds = array<i64: 2, 1000, 128>}, {transform_indices = @transform_2, window_bounds = array<i64: 2, 1000, 16>}, {pipeline_mode = #tpu.pipeline_mode<synchronous>, transform_indices = @transform_3, window_bounds = array<i64: 2, 128>}, {transform_indices = @transform_4, window_bounds = array<i64: 1000, 256>}]} {
    %get3A = arith.constant 0 : index
    %get3A_0 = arith.constant 0 : index
    %get3A_1 = arith.constant 0 : index
    %get3A_2 = vector.load %arg3[%get3A, %get3A_0, %get3A_1] : memref<2x1000x16xf32, #tpu.memory_space<vmem>>, vector<1x1000x16xf32>
    %get3A_3 = vector.shape_cast %get3A_2 : vector<1x1000x16xf32> to vector<1000x16xf32>
    %get3A_4 = arith.constant 1 : index
    %get3A_5 = arith.constant 0 : index
    %get3A_6 = arith.constant 0 : index
    %get3A_7 = vector.load %arg3[%get3A_4, %get3A_5, %get3A_6] : memref<2x1000x16xf32, #tpu.memory_space<vmem>>, vector<1x1000x16xf32>
    %get3A_8 = vector.shape_cast %get3A_7 : vector<1x1000x16xf32> to vector<1000x16xf32>
    %add3A = arith.addf %get3A_3, %get3A_8 : vector<1000x16xf32>
    %slice3A = vector.extract_strided_slice %add3A {offsets = [0, 0], sizes = [1000, 1], strides = [1, 1]} : vector<1000x16xf32> to vector<1000x1xf32>
    %rsqrt3A = math.rsqrt %slice3A : vector<1000x1xf32>
    %get3A_9 = arith.constant 0 : index
    %get3A_10 = arith.constant 0 : index
    %get3A_11 = arith.constant 0 : index
    %get3A_12 = vector.load %arg1[%get3A_9, %get3A_10, %get3A_11] : memref<2x1000x128xf32, #tpu.memory_space<vmem>>, vector<1x1000x128xf32>
    %get3A_13 = vector.shape_cast %get3A_12 : vector<1x1000x128xf32> to vector<1000x128xf32>
    %get3A_14 = arith.constant 0 : index
    %get3A_15 = arith.constant 0 : index
    %get3A_16 = arith.constant 0 : index
    %get3A_17 = vector.load %arg2[%get3A_14, %get3A_15, %get3A_16] : memref<2x1000x128xf32, #tpu.memory_space<vmem>>, vector<1x1000x128xf32>
    %get3A_18 = vector.shape_cast %get3A_17 : vector<1x1000x128xf32> to vector<1000x128xf32>
    %add3A_19 = arith.addf %get3A_13, %get3A_18 : vector<1000x128xf32>
    %mul3A = vector.broadcast %rsqrt3A : vector<1000x1xf32> to vector<1000x128xf32>
    %mul3A_20 = arith.mulf %add3A_19, %mul3A : vector<1000x128xf32>
    %get3A_21 = arith.constant 0 : index
    %get3A_22 = arith.constant 0 : index
    %get3A_23 = vector.load %arg4[%get3A_21, %get3A_22] : memref<2x128xf32, #tpu.memory_space<vmem>>, vector<1x128xf32>
    %get3A_24 = vector.shape_cast %get3A_23 : vector<1x128xf32> to vector<128xf32>
    %broadcast_in_dim3A = vector.shape_cast %get3A_24 : vector<128xf32> to vector<1x128xf32>
    %add3A_25 = vector.broadcast %broadcast_in_dim3A : vector<1x128xf32> to vector<1000x128xf32>
    %add3A_26 = arith.addf %mul3A_20, %add3A_25 : vector<1000x128xf32>
    %swap3A = arith.constant 0 : index
    %swap3A_27 = arith.constant 0 : index
    %swap3A_28 = vector.load %arg5[%swap3A, %swap3A_27] : memref<1000x256xf32, #tpu.memory_space<vmem>>, vector<1000x128xf32>
    tpu.vector_store %arg5[%swap3A, %swap3A_27], %add3A_26 {strides = array<i32>} : memref<1000x256xf32, #tpu.memory_space<vmem>>, vector<1000x128xf32>,
    %get3A_29 = arith.constant 1 : index
    %get3A_30 = arith.constant 0 : index
    %get3A_31 = arith.constant 0 : index
    %get3A_32 = vector.load %arg1[%get3A_29, %get3A_30, %get3A_31] : memref<2x1000x128xf32, #tpu.memory_space<vmem>>, vector<1x1000x128xf32>
    %get3A_33 = vector.shape_cast %get3A_32 : vector<1x1000x128xf32> to vector<1000x128xf32>
    %get3A_34 = arith.constant 1 : index
    %get3A_35 = arith.constant 0 : index
    %get3A_36 = arith.constant 0 : index
    %get3A_37 = vector.load %arg2[%get3A_34, %get3A_35, %get3A_36] : memref<2x1000x128xf32, #tpu.memory_space<vmem>>, vector<1x1000x128xf32>
    %get3A_38 = vector.shape_cast %get3A_37 : vector<1x1000x128xf32> to vector<1000x128xf32>
    %add3A_39 = arith.addf %get3A_33, %get3A_38 : vector<1000x128xf32>
    %mul3A_40 = vector.broadcast %rsqrt3A : vector<1000x1xf32> to vector<1000x128xf32>
    %mul3A_41 = arith.mulf %add3A_39, %mul3A_40 : vector<1000x128xf32>
    %get3A_42 = arith.constant 1 : index
    %get3A_43 = arith.constant 0 : index
    %get3A_44 = vector.load %arg4[%get3A_42, %get3A_43] : memref<2x128xf32, #tpu.memory_space<vmem>>, vector<1x128xf32>
    %get3A_45 = vector.shape_cast %get3A_44 : vector<1x128xf32> to vector<128xf32>
    %broadcast_in_dim3A_46 = vector.shape_cast %get3A_45 : vector<128xf32> to vector<1x128xf32>
    %add3A_47 = vector.broadcast %broadcast_in_dim3A_46 : vector<1x128xf32> to vector<1000x128xf32>
    %add3A_48 = arith.addf %mul3A_41, %add3A_47 : vector<1000x128xf32>
    %swap3A_49 = arith.constant 0 : index
    %swap3A_50 = arith.constant 128 : index
    %swap3A_51 = vector.load %arg5[%swap3A_49, %swap3A_50] : memref<1000x256xf32, #tpu.memory_space<vmem>>, vector<1000x128xf32>
    tpu.vector_store %arg5[%swap3A_49, %swap3A_50], %add3A_48 {strides = array<i32>} : memref<1000x256xf32, #tpu.memory_space<vmem>>, vector<1000x128xf32>,
    return
  }
  func.func @transform_0(%arg0: i32) -> (i32, i32, i32) {
    %c0_i32 = arith.constant 0 : i32
    %c0_i32_0 = arith.constant 0 : i32
    %c0_i32_1 = arith.constant 0 : i32
    return %c0_i32, %arg0, %c0_i32_0 : i32, i32, i32
  }
  func.func @transform_1(%arg0: i32) -> (i32, i32, i32) {
    %c0_i32 = arith.constant 0 : i32
    %c0_i32_0 = arith.constant 0 : i32
    %c0_i32_1 = arith.constant 0 : i32
    return %c0_i32, %arg0, %c0_i32_0 : i32, i32, i32
  }
  func.func @transform_2(%arg0: i32) -> (i32, i32, i32) {
    %c0_i32 = arith.constant 0 : i32
    %c0_i32_0 = arith.constant 0 : i32
    %c0_i32_1 = arith.constant 0 : i32
    return %c0_i32, %arg0, %c0_i32_0 : i32, i32, i32
  }
  func.func @transform_3(%arg0: i32) -> (i32, i32) {
    %c0_i32 = arith.constant 0 : i32
    %c0_i32_0 = arith.constant 0 : i32
    %c0_i32_1 = arith.constant 0 : i32
    return %c0_i32, %c0_i32_0 : i32, i32
  }
  func.func @transform_4(%arg0: i32) -> (i32, i32) {
    %c0_i32 = arith.constant 0 : i32
    %c0_i32_0 = arith.constant 0 : i32
    return %arg0, %c0_i32 : i32, i32
  }
}

</mosaic_0001>

<sc_bundles>
// kernel: kernel.11.cloned.1.call-start
scs
__scs_entry_jumppad:
0x0: {  	(pc) =	sbr.rel $0x88, $3  }
0x1: {  	(tag) =	ssettag $0x0;
	lr =	simm.s32 $0x1  }
0x2: {  	[smem:$0x3F9B] =	sst lr;
	_ =	strace $0xD0000000  }
0x3: {  	_ = 	snop  }
0x4: {  	_ = 	snop  }
0x5: {  	_ = 	snop  }
0x6: {  	_ = 	snop  }
0x7: {  	_ = 	snop  }
__scs_overlays_trampoline_lowered:
0x8: {  	[smem:$0x3FAA] =	sst s0  }
0x9: {  	[smem:$0x3FAB] =	sst s1  }
0xa: {  	[smem:$0x3FAC] =	sst s2  }
0xb: {  	[smem:$0x3FAD] =	sst s3  }
0xc: {  	[smem:$0x3FAE] =	sst s4  }
0xd: {  	[smem:$0x3FAF] =	sst s5  }
0xe: {  	[smem:$0x3FB0] =	sst s6  }
0xf: {  	[smem:$0x3FB1] =	sst s7  }
0x10: {  	[smem:$0x3FB2] =	sst s8  }
0x11: {  	[smem:$0x3FB3] =	sst s9;
	s0 =	simm.s32 @!p0 $0x0  }
0x12: {  	s1 =	sld [smem:$0x3F99];
	s0 =	simm.s32 @p0 $0x1  }
0x13: {  	[smem:$0x3FB4] =	sst s0;
	s0 =	simm.s32 @!p1 $0x0  }
0x14: {  	s2 =	sld [smem:$0x3F98];
	s0 =	simm.s32 @p1 $0x1  }
0x15: {  	[smem:$0x3FB5] =	sst s0;
	s0 =	simm.s32 @!p2 $0x0  }
0x16: {  	s3 =	sld [smem:$0x3FDB];
	s0 =	simm.s32 @p2 $0x1  }
0x17: {  	s4 =	simm.s32 $0x1BF5;
	[smem:$0x3FB7] =	sst s0  }
0x18: {  	s0 =	sld [smem:$0x3F9A];
	_ =	swait.ge [sflag:s4], $0x0  }
0x19: {  	s7 =	sld [smem:$0x3F9B]  }
0x1a: {  	s8 =	sadd.s32 $0xFFFFE003, lr  }
0x1b: {  	s9 =	sadd.s32 $0xFFFFFEF7, lr;
	s5 =	simm.s32 $0xFFFFFFFF;
	p2 =	slt.u32 s8, $0xFFFFF086  }
0x1c: {  	p1 =	slt.u32 s9, $0xF7A;
	s5 =	simm.s32 @!p2 $0x0  }
0x1d: {  	s5 =	simm.s32 @p1 $0x1;
	p0 =	seq.s32 s7, s2  }
0x1e: {  	s7 =	smul.u32 @!p0 $0xF7A, s2;
	p2 =	seq.s32 @!p0 s5, $0x0  }
0x1f: {  	s9 =	smul.u32 $0xF7A, s1;
	s8 =	simm.s32 @!p0 $0x1BF5;
	p2 =	por !p2, p0  }
0x20: {  	[sflag:s8] =	ssyncset.s32 @!p0 $0xFFFFF086;
	s6 =	sadd.s32 @!p0 s3, s7;
	s7 =	simm.s32 @!p0 $0x108  }
0x21: {  	s3 =	sadd.s32 s3, s9;
	s6 =	sadd.s32 @!p0 $0x88, s6;
	s7 =	simm.s32 @p2 $0x1082  }
0x22: {  	[simem:s7], [sflag:s8] =	dma.local @!p0 [hbm:s6], $0xF7A  }
0x23: {  	s9 =	sor.u32 $0xD0000000, s2;
	s6 =	simm.s32 $0x108;
	_ =	swait.ge @!p0 [sflag:s8], $0x0  }
0x24: {  	s3 =	sadd.s32 $0x88, s3;
	s6 =	simm.s32 @!p1 $0x1082;
	[sflag:s4] =	ssyncset.s32 $0xFFFFF086  }
0x25: {  	[simem:s6], [sflag:s4] =	dma.local [hbm:s3], $0xF7A  }
0x26: {  	[smem:$0x3F9B] =	sst s1;
	(tag) =	ssettag s2;
	_ =	strace s9  }
0x27: {  	s1 =	sld [smem:$0x3FAB]  }
0x28: {  	s2 =	sld [smem:$0x3FAC]  }
0x29: {  	s4 =	sld [smem:$0x3FAE]  }
0x2a: {  	p0 =	seq.s32 s5, $0x0;
	s5 =	sld [smem:$0x3FAF]  }
0x2b: {  	s6 =	sld [smem:$0x3FB0]  }
0x2c: {  	s7 =	sld [smem:$0x3FB1]  }
0x2d: {  	s3 =	simm.s32 $0x108;
	s8 =	sld [smem:$0x3FB2]  }
0x2e: {  	s3 =	simm.s32 @!p0 $0x1082;
	s9 =	sld [smem:$0x3FB3]  }
0x2f: {  	lr =	sadd.s32 s0, s3;
	s0 =	sld [smem:$0x3FAA]  }
0x30: {  	s3 =	sld [smem:$0x3FAD]  }
0x31: {  	[smem:$0x3FB6] =	sst s10  }
0x32: {  	s10 =	sld [smem:$0x3FB4];
	_ =	sdelay $0x3  }
0x33: {  	p0 =	seq.s32 s10, $0x1;
	s10 =	sld [smem:$0x3FB6];
	_ =	sdelay $0x3  }
0x34: {  	[smem:$0x3FB6] =	sst s10  }
0x35: {  	s10 =	sld [smem:$0x3FB5];
	_ =	sdelay $0x3  }
0x36: {  	p1 =	seq.s32 s10, $0x1;
	s10 =	sld [smem:$0x3FB6];
	_ =	sdelay $0x3  }
0x37: {  	[smem:$0x3FB6] =	sst s10  }
0x38: {  	s10 =	sld [smem:$0x3FB7]  }
0x39: {  	_ = 	snop;
	(pc) =	sbr.ind lr, $3  }
0x3a: {  	_ = 	snop  }
0x3b: {  	_ = 	snop  }
0x3c: {  	p2 =	seq.s32 s10, $0x1;
	s10 =	sld [smem:$0x3FB6]  }
0x3d: {  	_ =	shalt  }
0x3e: {  	_ =	shalt  }
0x3f: {  	_ =	shalt  }
0x40: {  	_ =	shalt  }
0x41: {  	_ =	shalt  }
0x42: {  	_ =	shalt  }
0x43: {  	_ =	shalt  }
0x44: {  	_ =	shalt  }
0x45: {  	_ =	shalt  }
0x46: {  	_ =	shalt  }
0x47: {  	_ =	shalt  }
0x48: {  	_ =	shalt  }
0x49: {  	_ =	shalt  }
0x4a: {  	_ =	shalt  }
0x4b: {  	_ =	shalt  }
0x4c: {  	_ =	shalt  }
0x4d: {  	_ =	shalt  }
0x4e: {  	_ =	shalt  }
0x4f: {  	_ =	shalt  }
0x50: {  	_ =	shalt  }
0x51: {  	_ =	shalt  }
0x52: {  	_ =	shalt  }
0x53: {  	_ =	shalt  }
0x54: {  	_ =	shalt  }
0x55: {  	_ =	shalt  }
0x56: {  	_ =	shalt  }
0x57: {  	_ =	shalt  }
0x58: {  	_ =	shalt  }
0x59: {  	_ =	shalt  }
0x5a: {  	_ =	shalt  }
0x5b: {  	_ =	shalt  }
0x5c: {  	_ =	shalt  }
0x5d: {  	_ =	shalt  }
0x5e: {  	_ =	shalt  }
0x5f: {  	_ =	shalt  }
0x60: {  	_ =	shalt  }
0x61: {  	_ =	shalt  }
0x62: {  	_ =	shalt  }
0x63: {  	_ =	shalt  }
0x64: {  	_ =	shalt  }
0x65: {  	_ =	shalt  }
0x66: {  	_ =	shalt  }
0x67: {  	_ =	shalt  }
0x68: {  	_ =	shalt  }
0x69: {  	_ =	shalt  }
0x6a: {  	_ =	shalt  }
0x6b: {  	_ =	shalt  }
0x6c: {  	_ =	shalt  }
0x6d: {  	_ =	shalt  }
0x6e: {  	_ =	shalt  }
0x6f: {  	_ =	shalt  }
0x70: {  	_ =	shalt  }
0x71: {  	_ =	shalt  }
0x72: {  	_ =	shalt  }
0x73: {  	_ =	shalt  }
0x74: {  	_ =	shalt  }
0x75: {  	_ =	shalt  }
0x76: {  	_ =	shalt  }
0x77: {  	_ =	shalt  }
0x78: {  	_ =	shalt  }
0x79: {  	_ =	shalt  }
0x7a: {  	_ =	shalt  }
0x7b: {  	_ =	shalt  }
0x7c: {  	_ =	shalt  }
0x7d: {  	_ =	shalt  }
0x7e: {  	_ =	shalt  }
0x7f: {  	_ =	shalt  }
0x80: {  	_ =	shalt  }
0x81: {  	_ =	shalt  }
0x82: {  	_ =	shalt  }
0x83: {  	_ =	shalt  }
0x84: {  	_ =	shalt  }
0x85: {  	_ =	shalt  }
0x86: {  	_ =	shalt  }
0x87: {  	_ =	shalt  }
.Lfunc_end0:
.L_simem_size_0:
called_computation.1_lowered:
.L_overlay_start_0:
0x88: {  	s2 =	sld [smem:$0x3FD9]  }
0x89: {  	s3 =	sld [smem:$0x3FFE];
	_ =	sdelay $0x1  }
0x8a: {  	s1 =	srdreg.scid  }
0x8b: {  	s0 =	sand.u32 $0x1, s1  }
0x8c: {  	s16 =	sshll.u32 s0, $0xA;
	s2 =	sadd.s32 s3, s2  }
0x8d: {  	s2 =	sadd.s32 s2, s16  }
0x8e: {  	[smem:$0x3FC2] =	sst s2  }
0x8f: {  	_ = 	snop  }
0x90: {  	(tm) =	ssettm $0x1  }
0x91: {  	s17 =	sld [smem:$0x3FFB];
	_ =	sdelay $0x3  }
0x92: {  	_ =	strace s17  }
0x93: {  	s2 =	sld [smem:$0x3FFC];
	_ =	sdelay $0x3  }
0x94: {  	_ =	strace s2  }
0x95: {  	s2 =	sld [smem:$0x3FFD];
	_ =	sdelay $0x3  }
0x96: {  	_ =	strace s2  }
0x97: {  	_ =	strace $0x8FFFFFFF  }
0x98: {  	s18 =	sld [smem:$0x3FDB];
	_ =	sdelay $0x1  }
0x99: {  	s19 =	simm.s32 $_scs_section_size  }
0x9a: {  	s4 =	simm.s32 $_size__tile_overlayer_lowered;
	s5 =	simm.s32 $_tile_overlayer_lowered  }
0x9b: {  	s22 =	simm.s32 $0x1BFF;
	s21 =	sshll.u32 s5, $0x1;
	s2 =	sadd.s32 s19, s18  }
0x9c: {  	s6 =	simm.s32 $0x0;
	s20 =	sshll.u32 s4, $0x1;
	s4 =	sadd.s32 s21, s2  }
0x9d: {  	[timem:s6], [sflag:s22] =	dma.local [hbm:s4], s20  }
0x9e: {  	_ =	swait.ge [sflag:s22], s20  }
0x9f: {  	s3 =	ssub.s32 $0x0, s20;
	[sflag:s22] =	ssyncset.done $0x0  }
0xa0: {  	[sflag:s22] =	ssyncadd.s32 s3;
	_ =	sdelay $0x1  }
0xa1: {  	s23 =	simm.s32 $0x1B8B  }
0xa2: {  	_ =	swait.ge [sflag:s23], $0x1  }
0xa3: {  	[sflag:s23] =	ssyncset.done $0x0  }
0xa4: {  	s25 =	simm.s32 $0x1B8E;
	s24 =	sld [smem:$0x3FFE];
	[sflag:s23] =	ssyncadd.s32 $0xFFFFFFFF  }
0xa5: {  	s26 =	simm.s32 $execute0_lowered;
	[smem:$0x3FD2] =	sst s25  }
0xa6: {  	s4 =	sshll.u32 s26, $0x1;
	_ =	strace $0x80000049;
	[dreg:$0x1] =	wrdreg $0xFFFFFFFF  }
0xa7: {  	s28 =	simm.s32 $_size_execute0_lowered;
	s2 =	sadd.s32 s2, s4;
	[dreg:$0x0] =	wrdreg $0x0  }
0xa8: {  	s4 =	sshll.u32 s28, $0x1;
	[dreg:$0x2] =	wrdreg s2  }
0xa9: {  	[dreg:$0x3] =	wrdreg s4  }
0xaa: {  	[dreg:$0x4] =	wrdreg $0xC0  }
0xab: {  	_ =	task [dreg:s6], $0x5FFFF  }
0xac: {  	[dreg:$0x1] =	wrdreg $0xFFFFFFFF  }
0xad: {  	[dreg:$0x0] =	wrdreg $0x60  }
0xae: {  	[dreg:$0x2] =	wrdreg s24  }
0xaf: {  	[dreg:$0x3] =	wrdreg $0xB8000  }
0xb0: {  	[dreg:$0x4] =	wrdreg $0x9  }
0xb1: {  	_ =	task.clear_ibuf [dreg:s6], $0x5FFFF;
	_ =	strace $0x90000049  }
0xb2: {  	s29 =	simm.s32 $0x9;
	_ =	strace $0x8000004B  }
0xb3: {  	_ =	swait.ge [sflag:s29], $0x1  }
0xb4: {  	[sflag:s29] =	ssyncadd.s32 $0xFFFFFFFF  }
0xb5: {  	_ =	strace $0x9000004B  }
0xb6: {  	_ =	sfence  }
0xb7: {  	s30 =	sld [smem:$0x0];
	_ =	sdelay $0x2  }
0xb8: {  	s31 =	sshll.u32 s1, $0xD;
	s1 =	sshrl.u32 s1, $0x2  }
0xb9: {  	s3 =	sand.u32 $0x4000, s31;
	s1 =	sadd.s32 s1, s30  }
0xba: {  	s0 =	sor.u32 s3, s0;
	s1 =	sshll.u32 s1, $0x11  }
0xbb: {  	s0 =	sor.u32 s1, s0  }
0xbc: {  	s0 =	sadd.s32 $0x8F2B, s0  }
0xbd: {  	[sflag:s0] =	ssyncadd.remote.s32 $0x1  }
0xbe: {  	_ =	sfence.sel $0xFFFF  }
0xbf: {  	[dreg:$0x0] =	wrdreg $0xFFFFFFFF;
	(pc) =	sbr.abs _section_cstart, $3  }
0xc0: {  	[dreg:$0x1] =	wrdreg $0xFFFFFFFF  }
0xc1: {  	_ =	task.clear_ibuf [dreg:s6], $0x2FFFF;
	_ =	strace $0x9FFFFFFF  }
0xc2: {  	(tm) =	ssettm $0x7FFFFFFF  }
0xc3: {  	_ =	shalt  }
tec
execute0_lowered:
.L_overlay_start_1:
0x0: {  	(tag) =	ssettag $0x1  }
0x1: {  	s0 =	rddreg [dreg:$0x0]  }
0x2: {  	s2 =	rddreg [dreg:$0x1];
	s1 =	simm.s32 $0x0  }
0x3: {  	s20 =	stileid.u32;
	s3 =	srdreg.scid;
	s19 =	simm.s32 $0x5  }
0x4: {  	s28 =	simm.s32 $0x1;
	s29 =	simm.s32 $0x3;
	s30 =	simm.s32 $0x2  }
0x5: {  	s31 =	simm.s32 $0x4;
	[smem:$0x7FF] =	sst s1;
	s21 =	smul.u32 $0x500, s20  }
0x6: {  	s4 =	sadd.s32 $0x65800, s0;
	s5 =	smul.u32 $0x2700, s20;
	s6 =	sshll.u32 s20, $0xB  }
0x7: {  	s3 =	sand.u32 $0x1, s3;
	s9 =	sadd.s32 $0x126500, s0;
	s26 =	sadd.s32 $0x14D700, s0  }
0x8: {  	s23 =	smul.u32 $0x4E000, s20;
	s12 =	sadd.s32 $0x8C900, s0;
	s13 =	sadd.s32 $0x14FF00, s0  }
0x9: {  	s14 =	sadd.s32 $0xB3A00, s0;
	s15 =	sadd.s32 $0x177000, s0;
	s17 =	sadd.s32 $0x19E100, s0  }
0xa: {  	s16 =	sadd.s32 $0xDAB00, s0;
	p1 =	seq.s32 s20, $0xF;
	_ =	strace $0x8000004A  }
0xb: {  	s7 =	ssub.s32 $0x2, s3;
	s8 =	sadd.s32 s6, s0;
	p0 =	seq.s32 s3, $0x1  }
0xc: {  	s3 =	sadd.s32 $0x124800, s2;
	[dreg:$0x6] =	wrdreg s26;
	s26 =	simm.s32 $0x9000  }
0xd: {  	s1 =	sadd.s32 s21, s0;
	s10 =	sadd.s32 s5, s0;
	s22 =	sshrl.u32 s7, $0x1  }
0xe: {  	s24 =	sadd.s32 $0x58800, s8;
	s21 =	sshrl.u32 @p1 s3, $0x3;
	s0 =	sshll.u32 @!p1 s20, $0x6  }
0xf: {  	s20 =	simm.s32 $0x0;
	s11 =	ssub.s32 s7, s22;
	s1 =	sadd.s32 $0x60800, s1  }
.Ltmp0:
0x10: {  	[dreg:$0x4] =	wrdreg s24;
	s8 =	sadd.s32 $0x101C00, s10;
	(pc) =	sbr.rel .LBB2_1-.Ltmp0, $4  }
0x11: {  	s25 =	sadd.s32 $0x128E00, s10;
	s22 =	sor.u32 @!p1 $0x1C05, s0;
	s24 =	simm.s32 $0x50  }
0x12: {  	s0 =	simm.s32 $0x6700;
	[dreg:$0x3] =	wrdreg s1;
	s1 =	sshrl.u32 s23, $0x2  }
0x13: {  	[dreg:$0x5] =	wrdreg s25;
	s18 =	smax.u32 s11, $0x1;
	s1 =	sadd.s32 s1, s2  }
0x14: {  	s25 =	simm.s32 $0x6800;
	s23 =	sshrl.u32 @!p1 s1, $0x3;
	s1 =	simm.s32 $0x6780  }
.LBB2_11:
0x15: {  	[tilespmem:s26], [sflag:$0x2] =	stream.indirect.gather [hbm4b:s16+s24], $0x80, s10, s24, $0xb8;
	[tilespmem:$0x1F0C0] =	vst v63  }
0x16: {  	_ =	swait.ge [sflag:s28], $0x2800  }
0x17: {  	[sflag:s28] =	ssyncset.done $0x0  }
0x18: {  	[sflag:s28] =	ssyncadd.s32 $0xFFFFD800  }
0x19: {  	[spmem:s2] =	stream.indirect.scatter.add.f32 [tilespmem:s25], [sflag:$0x3], $0x80, s0, s24, $0xb8;
	[tilespmem:$0x1F0C0] =	vst v63  }
0x1a: {  	_ =	swait.ge [sflag:s29], $0x2800  }
0x1b: {  	[sflag:s29] =	ssyncset.done $0x0  }
0x1c: {  	[sflag:s29] =	ssyncadd.s32 $0xFFFFD800  }
0x1d: {  	_ =	swait.ge [sflag:s30], $0x2800  }
0x1e: {  	[sflag:s30] =	ssyncset.done $0x0  }
0x1f: {  	[sflag:s30] =	ssyncadd.s32 $0xFFFFD800  }
0x20: {  	[spmem:s2] =	stream.indirect.scatter.add.f32 [tilespmem:s26], [sflag:$0x4], $0x80, s1, s24, $0xb8;
	[tilespmem:$0x1F0C0] =	vst v63  }
0x21: {  	_ =	swait.ge [sflag:s31], $0x2800  }
0x22: {  	[sflag:s31] =	ssyncset.done $0x0  }
0x23: {  	[sflag:s31] =	ssyncadd.s32 $0xFFFFD800  }
0x24: {  	s3 =	sadd.s32 @p1 $0x24900, s17;
	s6 =	simm.s32 @p1 $0x1FC5;
	[bflag:$0x0] =	sbarrier.arrive $0xFFFF  }
0x25: {  	[hbm:s3], [sflag:s6] =	dma.local @p1 [spmem:s21], $0x2800  }
0x26: {  	s3 =	simm.s32 @p1 $0x5  }
0x27: {  	_ =	swait.ge @p1 [sflag:s3], $0x2800  }
0x28: {  	[sflag:s3] =	ssyncset.done @p1 $0x0  }
0x29: {  	[sflag:s3] =	ssyncadd.s32 @p1 $0xFFFFD800;
	s3 =	sadd.s32 @!p1 s5, s17  }
0x2a: {  	[hbm:s3], [sflag:s22] =	dma.local @!p1 [spmem:s23], $0x2700  }
0x2b: {  	s3 =	simm.s32 @!p1 $0x5  }
0x2c: {  	_ =	swait.ge @!p1 [sflag:s3], $0x2700  }
0x2d: {  	[sflag:s3] =	ssyncset.done @!p1 $0x0  }
0x2e: {  	[sflag:s3] =	ssyncadd.s32 @!p1 $0xFFFFD900  }
.LBB2_12:
0x2f: {  	s20 =	sadd.s32 $0x1, s20  }
0x30: {  	p2 =	sne.s32 s20, s18  }
.Ltmp1:
0x31: {  	_ = 	snop;
	(pc) =	sbr.rel @!p2 .LBB2_13-.Ltmp1, $2  }
0x32: {  	_ =	sdelay $0x1  }
0x33: {  	[bflag:$0x0] =	sbarrier.arrive $0xFFFF;
	_ =	sdelay $0x1  }
.LBB2_1:
0x34: {  	s3 =	simm.s32 $0x0;
	s6 =	rddreg [dreg:$0x3]  }
0x35: {  	[tilespmem:s3], [sflag:$0x5] =	stream.linear.gather [hbm4b:s6+s3], $0x2800, $0x38;
	[tilespmem:$0x1F0C0] =	vst v63  }
0x36: {  	_ =	swait.ge [sflag:s19], $0x2800  }
0x37: {  	s7 =	simm.s32 $0x2800;
	[sflag:s19] =	ssyncset.done $0x0  }
.Ltmp2:
0x38: {  	s11 =	rddreg [dreg:$0x4];
	[sflag:s19] =	ssyncadd.s32 $0xFFFFD800;
	(pc) =	sbr.rel @!p0 .LBB2_2-.Ltmp2, $4  }
0x39: {  	[tilespmem:s7], [sflag:$0x5] =	stream.linear.gather [hbm4b:s11+s3], $0x4000, $0x38;
	[tilespmem:$0x1F0C0] =	vst v63  }
0x3a: {  	_ =	swait.ge [sflag:s19], $0x4000  }
0x3b: {  	[sflag:s19] =	ssyncset.done $0x0  }
0x3c: {  	[sflag:s19] =	ssyncadd.s32 $0xFFFFC000  }
0x3d: {  	s3 =	simm.s32 @p1 $0x1FC5  }
0x3e: {  	[spmem:s21], [sflag:s3] =	dma.local @p1 [hbm:s9], $0x2800  }
0x3f: {  	s3 =	simm.s32 @p1 $0x5  }
0x40: {  	_ =	swait.ge @p1 [sflag:s3], $0x2800  }
0x41: {  	[sflag:s3] =	ssyncset.done @p1 $0x0  }
0x42: {  	[sflag:s3] =	ssyncadd.s32 @p1 $0xFFFFD800;
	s3 =	simm.s32 @!p1 $0x5  }
0x43: {  	[spmem:s23], [sflag:s22] =	dma.local @!p1 [hbm:s8], $0x2700  }
0x44: {  	_ =	swait.ge @!p1 [sflag:s3], $0x2700  }
0x45: {  	[sflag:s3] =	ssyncset.done @!p1 $0x0  }
0x46: {  	[sflag:s3] =	ssyncadd.s32 @!p1 $0xFFFFD900  }
0x47: {  	s6 =	simm.s32 $0x0;
	[bflag:$0x0] =	sbarrier.arrive $0xFFFF  }
0x48: {  	[tilespmem:s25], [sflag:$0x1] =	stream.indirect.gather [hbm4b:s14+s24], $0x80, s6, s24, $0xb8;
	[tilespmem:$0x1F0C0] =	vst v63  }
0x49: {  	_ = 	snop  }
0x4a: {  	[tilespmem:s26], [sflag:$0x2] =	stream.indirect.gather [hbm4b:s14+s24], $0x80, s24, s24, $0xb8;
	[tilespmem:$0x1F0C0] =	vst v63  }
0x4b: {  	_ =	swait.ge [sflag:s28], $0x2800  }
0x4c: {  	[sflag:s28] =	ssyncset.done $0x0  }
0x4d: {  	s7 =	simm.s32 $0x2800;
	[sflag:s28] =	ssyncadd.s32 $0xFFFFD800  }
0x4e: {  	[spmem:s2] =	stream.indirect.scatter.add.f32 [tilespmem:s25], [sflag:$0x3], $0x80, s7, s24, $0xb8;
	[tilespmem:$0x1F0C0] =	vst v63  }
0x4f: {  	_ =	swait.ge [sflag:s29], $0x2800  }
0x50: {  	[sflag:s29] =	ssyncset.done $0x0  }
0x51: {  	s10 =	simm.s32 $0xA0;
	[sflag:s29] =	ssyncadd.s32 $0xFFFFD800  }
0x52: {  	[tilespmem:s25], [sflag:$0x1] =	stream.indirect.gather [hbm4b:s14+s24], $0x80, s10, s24, $0xb8;
	[tilespmem:$0x1F0C0] =	vst v63  }
0x53: {  	_ =	swait.ge [sflag:s30], $0x2800  }
0x54: {  	[sflag:s30] =	ssyncset.done $0x0  }
0x55: {  	s11 =	simm.s32 $0x2880;
	[sflag:s30] =	ssyncadd.s32 $0xFFFFD800  }
0x56: {  	[spmem:s2] =	stream.indirect.scatter.add.f32 [tilespmem:s26], [sflag:$0x4], $0x80, s11, s24, $0xb8;
	[tilespmem:$0x1F0C0] =	vst v63  }
0x57: {  	_ =	swait.ge [sflag:s31], $0x2800  }
0x58: {  	s3 =	simm.s32 $0x190;
	[sflag:s31] =	ssyncset.done $0x0  }
0x59: {  	s10 =	simm.s32 $0xF0;
	s11 =	simm.s32 $0x400;
	[sflag:s31] =	ssyncadd.s32 $0xFFFFD800  }
.LBB2_8:
0x5a: {  	[tilespmem:s26], [sflag:$0x2] =	stream.indirect.gather [hbm4b:s14+s24], $0x80, s10, s24, $0xb8;
	[tilespmem:$0x1F0C0] =	vst v63  }
0x5b: {  	s6 =	smov.u32 s11;
	s10 =	smov.u32 s3  }
0x5c: {  	p2 =	sne.s32 s11, $0xF800;
	s11 =	sadd.s32 $0x400, s11;
	_ =	swait.ge [sflag:s28], $0x2800  }
0x5d: {  	s6 =	sshra.s32 s6, $0x2;
	[sflag:s28] =	ssyncset.done $0x0  }
0x5e: {  	s7 =	sadd.s32 $0x2800, s6;
	[sflag:s28] =	ssyncadd.s32 $0xFFFFD800  }
0x5f: {  	[spmem:s2] =	stream.indirect.scatter.add.f32 [tilespmem:s25], [sflag:$0x3], $0x80, s7, s24, $0xb8;
	[tilespmem:$0x1F0C0] =	vst v63  }
0x60: {  	_ =	swait.ge [sflag:s29], $0x2800  }
0x61: {  	[sflag:s29] =	ssyncset.done $0x0  }
0x62: {  	s7 =	sadd.s32 $0xFFFFFFB0, s3;
	[sflag:s29] =	ssyncadd.s32 $0xFFFFD800  }
0x63: {  	[tilespmem:s25], [sflag:$0x1] =	stream.indirect.gather [hbm4b:s14+s24], $0x80, s7, s24, $0xb8;
	[tilespmem:$0x1F0C0] =	vst v63  }
0x64: {  	_ =	swait.ge [sflag:s30], $0x2800  }
0x65: {  	[sflag:s30] =	ssyncset.done $0x0  }
.Ltmp3:
0x66: {  	s6 =	sadd.s32 $0x2880, s6;
	[sflag:s30] =	ssyncadd.s32 $0xFFFFD800;
	(pc) =	sbr.rel @p2 .LBB2_8-.Ltmp3, $4  }
0x67: {  	[spmem:s2] =	stream.indirect.scatter.add.f32 [tilespmem:s26], [sflag:$0x4], $0x80, s6, s24, $0xb8;
	[tilespmem:$0x1F0C0] =	vst v63  }
0x68: {  	_ =	swait.ge [sflag:s31], $0x2800  }
0x69: {  	[sflag:s31] =	ssyncset.done $0x0  }
0x6a: {  	s3 =	sadd.s32 $0xA0, s3;
	[sflag:s31] =	ssyncadd.s32 $0xFFFFD800  }
0x6b: {  	[tilespmem:s26], [sflag:$0x2] =	stream.indirect.gather [hbm4b:s14+s24], $0x80, s10, s24, $0xb8;
	[tilespmem:$0x1F0C0] =	vst v63  }
0x6c: {  	_ =	swait.ge [sflag:s28], $0x2800  }
0x6d: {  	[sflag:s28] =	ssyncset.done $0x0  }
0x6e: {  	[sflag:s28] =	ssyncadd.s32 $0xFFFFD800  }
0x6f: {  	[spmem:s2] =	stream.indirect.scatter.add.f32 [tilespmem:s25], [sflag:$0x3], $0x80, s0, s24, $0xb8;
	[tilespmem:$0x1F0C0] =	vst v63  }
0x70: {  	_ =	swait.ge [sflag:s29], $0x2800  }
0x71: {  	[sflag:s29] =	ssyncset.done $0x0  }
0x72: {  	[sflag:s29] =	ssyncadd.s32 $0xFFFFD800  }
0x73: {  	_ =	swait.ge [sflag:s30], $0x2800  }
0x74: {  	[sflag:s30] =	ssyncset.done $0x0  }
0x75: {  	[sflag:s30] =	ssyncadd.s32 $0xFFFFD800  }
0x76: {  	[spmem:s2] =	stream.indirect.scatter.add.f32 [tilespmem:s26], [sflag:$0x4], $0x80, s1, s24, $0xb8;
	[tilespmem:$0x1F0C0] =	vst v63  }
0x77: {  	_ =	swait.ge [sflag:s31], $0x2800  }
0x78: {  	[sflag:s31] =	ssyncset.done $0x0  }
0x79: {  	[sflag:s31] =	ssyncadd.s32 $0xFFFFD800  }
0x7a: {  	s3 =	sadd.s32 @p1 $0x24900, s15;
	s6 =	simm.s32 @p1 $0x1FC5;
	[bflag:$0x0] =	sbarrier.arrive $0xFFFF  }
0x7b: {  	[hbm:s3], [sflag:s6] =	dma.local @p1 [spmem:s21], $0x2800  }
0x7c: {  	s3 =	simm.s32 @p1 $0x5  }
0x7d: {  	_ =	swait.ge @p1 [sflag:s3], $0x2800  }
0x7e: {  	[sflag:s3] =	ssyncset.done @p1 $0x0  }
0x7f: {  	[sflag:s3] =	ssyncadd.s32 @p1 $0xFFFFD800  }
0x80: {  	[bflag:$0x0] =	sbarrier.arrive @p1 $0xFFFF  }
0x81: {  	[spmem:s21], [sflag:s6] =	dma.local @p1 [hbm:s9], $0x2800  }
0x82: {  	_ =	swait.ge @p1 [sflag:s3], $0x2800  }
0x83: {  	[sflag:s3] =	ssyncset.done @p1 $0x0  }
0x84: {  	[sflag:s3] =	ssyncadd.s32 @p1 $0xFFFFD800;
	s3 =	sadd.s32 @!p1 s5, s15  }
0x85: {  	[hbm:s3], [sflag:s22] =	dma.local @!p1 [spmem:s23], $0x2700  }
0x86: {  	s3 =	simm.s32 @!p1 $0x5  }
0x87: {  	_ =	swait.ge @!p1 [sflag:s3], $0x2700  }
0x88: {  	[sflag:s3] =	ssyncset.done @!p1 $0x0  }
0x89: {  	[sflag:s3] =	ssyncadd.s32 @!p1 $0xFFFFD900  }
0x8a: {  	[bflag:$0x0] =	sbarrier.arrive @!p1 $0xFFFF  }
0x8b: {  	[spmem:s23], [sflag:s22] =	dma.local @!p1 [hbm:s8], $0x2700  }
0x8c: {  	_ =	swait.ge @!p1 [sflag:s3], $0x2700  }
0x8d: {  	[sflag:s3] =	ssyncset.done @!p1 $0x0  }
0x8e: {  	[sflag:s3] =	ssyncadd.s32 @!p1 $0xFFFFD900  }
0x8f: {  	s6 =	simm.s32 $0x0;
	[bflag:$0x0] =	sbarrier.arrive $0xFFFF  }
0x90: {  	[tilespmem:s25], [sflag:$0x1] =	stream.indirect.gather [hbm4b:s16+s24], $0x80, s6, s24, $0xb8;
	[tilespmem:$0x1F0C0] =	vst v63  }
0x91: {  	_ = 	snop  }
0x92: {  	[tilespmem:s26], [sflag:$0x2] =	stream.indirect.gather [hbm4b:s16+s24], $0x80, s24, s24, $0xb8;
	[tilespmem:$0x1F0C0] =	vst v63  }
0x93: {  	_ =	swait.ge [sflag:s28], $0x2800  }
0x94: {  	[sflag:s28] =	ssyncset.done $0x0  }
0x95: {  	s7 =	simm.s32 $0x2800;
	[sflag:s28] =	ssyncadd.s32 $0xFFFFD800  }
0x96: {  	[spmem:s2] =	stream.indirect.scatter.add.f32 [tilespmem:s25], [sflag:$0x3], $0x80, s7, s24, $0xb8;
	[tilespmem:$0x1F0C0] =	vst v63  }
0x97: {  	_ =	swait.ge [sflag:s29], $0x2800  }
0x98: {  	[sflag:s29] =	ssyncset.done $0x0  }
0x99: {  	s10 =	simm.s32 $0xA0;
	[sflag:s29] =	ssyncadd.s32 $0xFFFFD800  }
0x9a: {  	[tilespmem:s25], [sflag:$0x1] =	stream.indirect.gather [hbm4b:s16+s24], $0x80, s10, s24, $0xb8;
	[tilespmem:$0x1F0C0] =	vst v63  }
0x9b: {  	_ =	swait.ge [sflag:s30], $0x2800  }
0x9c: {  	[sflag:s30] =	ssyncset.done $0x0  }
0x9d: {  	s11 =	simm.s32 $0x2880;
	[sflag:s30] =	ssyncadd.s32 $0xFFFFD800  }
0x9e: {  	[spmem:s2] =	stream.indirect.scatter.add.f32 [tilespmem:s26], [sflag:$0x4], $0x80, s11, s24, $0xb8;
	[tilespmem:$0x1F0C0] =	vst v63  }
0x9f: {  	_ =	swait.ge [sflag:s31], $0x2800  }
0xa0: {  	s3 =	simm.s32 $0x190;
	[sflag:s31] =	ssyncset.done $0x0  }
0xa1: {  	s10 =	simm.s32 $0xF0;
	s11 =	simm.s32 $0x400;
	[sflag:s31] =	ssyncadd.s32 $0xFFFFD800  }
.LBB2_10:
0xa2: {  	[tilespmem:s26], [sflag:$0x2] =	stream.indirect.gather [hbm4b:s16+s24], $0x80, s10, s24, $0xb8;
	[tilespmem:$0x1F0C0] =	vst v63  }
0xa3: {  	s6 =	smov.u32 s11;
	s10 =	smov.u32 s3  }
0xa4: {  	p2 =	sne.s32 s11, $0xF800;
	s11 =	sadd.s32 $0x400, s11;
	_ =	swait.ge [sflag:s28], $0x2800  }
0xa5: {  	s6 =	sshra.s32 s6, $0x2;
	[sflag:s28] =	ssyncset.done $0x0  }
0xa6: {  	s7 =	sadd.s32 $0x2800, s6;
	[sflag:s28] =	ssyncadd.s32 $0xFFFFD800  }
0xa7: {  	[spmem:s2] =	stream.indirect.scatter.add.f32 [tilespmem:s25], [sflag:$0x3], $0x80, s7, s24, $0xb8;
	[tilespmem:$0x1F0C0] =	vst v63  }
0xa8: {  	_ =	swait.ge [sflag:s29], $0x2800  }
0xa9: {  	[sflag:s29] =	ssyncset.done $0x0  }
0xaa: {  	s7 =	sadd.s32 $0xFFFFFFB0, s3;
	[sflag:s29] =	ssyncadd.s32 $0xFFFFD800  }
0xab: {  	[tilespmem:s25], [sflag:$0x1] =	stream.indirect.gather [hbm4b:s16+s24], $0x80, s7, s24, $0xb8;
	[tilespmem:$0x1F0C0] =	vst v63  }
0xac: {  	_ =	swait.ge [sflag:s30], $0x2800  }
0xad: {  	[sflag:s30] =	ssyncset.done $0x0  }
.Ltmp4:
0xae: {  	s6 =	sadd.s32 $0x2880, s6;
	[sflag:s30] =	ssyncadd.s32 $0xFFFFD800;
	(pc) =	sbr.rel @p2 .LBB2_10-.Ltmp4, $4  }
0xaf: {  	[spmem:s2] =	stream.indirect.scatter.add.f32 [tilespmem:s26], [sflag:$0x4], $0x80, s6, s24, $0xb8;
	[tilespmem:$0x1F0C0] =	vst v63  }
0xb0: {  	_ =	swait.ge [sflag:s31], $0x2800  }
0xb1: {  	[sflag:s31] =	ssyncset.done $0x0  }
0xb2: {  	s3 =	sadd.s32 $0xA0, s3;
	[sflag:s31] =	ssyncadd.s32 $0xFFFFD800  }
.Ltmp5:
0xb3: {  	_ = 	snop;
	(pc) =	sbr.rel .LBB2_11-.Ltmp5, $1  }
0xb4: {  	_ =	sdelay $0x3  }
.LBB2_2:
0xb5: {  	s3 =	simm.s32 @p1 $0x1FC5  }
0xb6: {  	[spmem:s21], [sflag:s3] =	dma.local @p1 [hbm:s9], $0x2800  }
0xb7: {  	s3 =	simm.s32 @p1 $0x5  }
0xb8: {  	_ =	swait.ge @p1 [sflag:s3], $0x2800  }
0xb9: {  	[sflag:s3] =	ssyncset.done @p1 $0x0  }
0xba: {  	[sflag:s3] =	ssyncadd.s32 @p1 $0xFFFFD800;
	s3 =	simm.s32 @!p1 $0x5  }
0xbb: {  	[spmem:s23], [sflag:s22] =	dma.local @!p1 [hbm:s8], $0x2700  }
0xbc: {  	_ =	swait.ge @!p1 [sflag:s3], $0x2700  }
0xbd: {  	[sflag:s3] =	ssyncset.done @!p1 $0x0  }
0xbe: {  	[sflag:s3] =	ssyncadd.s32 @!p1 $0xFFFFD900  }
0xbf: {  	s6 =	simm.s32 $0x0;
	[bflag:$0x0] =	sbarrier.arrive $0xFFFF  }
0xc0: {  	[tilespmem:s25], [sflag:$0x1] =	stream.indirect.gather [hbm4b:s4+s24], $0x80, s6, s24, $0xb8;
	[tilespmem:$0x1F0C0] =	vst v63  }
0xc1: {  	_ = 	snop  }
0xc2: {  	[tilespmem:s26], [sflag:$0x2] =	stream.indirect.gather [hbm4b:s4+s24], $0x80, s24, s24, $0xb8;
	[tilespmem:$0x1F0C0] =	vst v63  }
0xc3: {  	_ =	swait.ge [sflag:s28], $0x2800  }
0xc4: {  	[sflag:s28] =	ssyncset.done $0x0  }
0xc5: {  	s7 =	simm.s32 $0x2800;
	[sflag:s28] =	ssyncadd.s32 $0xFFFFD800  }
0xc6: {  	[spmem:s2] =	stream.indirect.scatter.add.f32 [tilespmem:s25], [sflag:$0x3], $0x80, s7, s24, $0xb8;
	[tilespmem:$0x1F0C0] =	vst v63  }
0xc7: {  	_ =	swait.ge [sflag:s29], $0x2800  }
0xc8: {  	[sflag:s29] =	ssyncset.done $0x0  }
0xc9: {  	s10 =	simm.s32 $0xA0;
	[sflag:s29] =	ssyncadd.s32 $0xFFFFD800  }
0xca: {  	[tilespmem:s25], [sflag:$0x1] =	stream.indirect.gather [hbm4b:s4+s24], $0x80, s10, s24, $0xb8;
	[tilespmem:$0x1F0C0] =	vst v63  }
0xcb: {  	_ =	swait.ge [sflag:s30], $0x2800  }
0xcc: {  	[sflag:s30] =	ssyncset.done $0x0  }
0xcd: {  	s11 =	simm.s32 $0x2880;
	[sflag:s30] =	ssyncadd.s32 $0xFFFFD800  }
0xce: {  	[spmem:s2] =	stream.indirect.scatter.add.f32 [tilespmem:s26], [sflag:$0x4], $0x80, s11, s24, $0xb8;
	[tilespmem:$0x1F0C0] =	vst v63  }
0xcf: {  	_ =	swait.ge [sflag:s31], $0x2800  }
0xd0: {  	s3 =	simm.s32 $0x190;
	[sflag:s31] =	ssyncset.done $0x0  }
0xd1: {  	s10 =	simm.s32 $0xF0;
	s11 =	simm.s32 $0x400;
	[sflag:s31] =	ssyncadd.s32 $0xFFFFD800  }
.LBB2_3:
0xd2: {  	[tilespmem:s26], [sflag:$0x2] =	stream.indirect.gather [hbm4b:s4+s24], $0x80, s10, s24, $0xb8;
	[tilespmem:$0x1F0C0] =	vst v63  }
0xd3: {  	s6 =	smov.u32 s11;
	s10 =	smov.u32 s3  }
0xd4: {  	p2 =	sne.s32 s11, $0xF800;
	s11 =	sadd.s32 $0x400, s11;
	_ =	swait.ge [sflag:s28], $0x2800  }
0xd5: {  	s6 =	sshra.s32 s6, $0x2;
	[sflag:s28] =	ssyncset.done $0x0  }
0xd6: {  	s7 =	sadd.s32 $0x2800, s6;
	[sflag:s28] =	ssyncadd.s32 $0xFFFFD800  }
0xd7: {  	[spmem:s2] =	stream.indirect.scatter.add.f32 [tilespmem:s25], [sflag:$0x3], $0x80, s7, s24, $0xb8;
	[tilespmem:$0x1F0C0] =	vst v63  }
0xd8: {  	_ =	swait.ge [sflag:s29], $0x2800  }
0xd9: {  	[sflag:s29] =	ssyncset.done $0x0  }
0xda: {  	s7 =	sadd.s32 $0xFFFFFFB0, s3;
	[sflag:s29] =	ssyncadd.s32 $0xFFFFD800  }
0xdb: {  	[tilespmem:s25], [sflag:$0x1] =	stream.indirect.gather [hbm4b:s4+s24], $0x80, s7, s24, $0xb8;
	[tilespmem:$0x1F0C0] =	vst v63  }
0xdc: {  	_ =	swait.ge [sflag:s30], $0x2800  }
0xdd: {  	[sflag:s30] =	ssyncset.done $0x0  }
.Ltmp6:
0xde: {  	s6 =	sadd.s32 $0x2880, s6;
	[sflag:s30] =	ssyncadd.s32 $0xFFFFD800;
	(pc) =	sbr.rel @p2 .LBB2_3-.Ltmp6, $4  }
0xdf: {  	[spmem:s2] =	stream.indirect.scatter.add.f32 [tilespmem:s26], [sflag:$0x4], $0x80, s6, s24, $0xb8;
	[tilespmem:$0x1F0C0] =	vst v63  }
0xe0: {  	_ =	swait.ge [sflag:s31], $0x2800  }
0xe1: {  	[sflag:s31] =	ssyncset.done $0x0  }
0xe2: {  	s3 =	sadd.s32 $0xA0, s3;
	[sflag:s31] =	ssyncadd.s32 $0xFFFFD800  }
0xe3: {  	[tilespmem:s26], [sflag:$0x2] =	stream.indirect.gather [hbm4b:s4+s24], $0x80, s10, s24, $0xb8;
	[tilespmem:$0x1F0C0] =	vst v63  }
0xe4: {  	_ =	swait.ge [sflag:s28], $0x2800  }
0xe5: {  	[sflag:s28] =	ssyncset.done $0x0  }
0xe6: {  	[sflag:s28] =	ssyncadd.s32 $0xFFFFD800  }
0xe7: {  	[spmem:s2] =	stream.indirect.scatter.add.f32 [tilespmem:s25], [sflag:$0x3], $0x80, s0, s24, $0xb8;
	[tilespmem:$0x1F0C0] =	vst v63  }
0xe8: {  	_ =	swait.ge [sflag:s29], $0x2800  }
0xe9: {  	[sflag:s29] =	ssyncset.done $0x0  }
0xea: {  	[sflag:s29] =	ssyncadd.s32 $0xFFFFD800  }
0xeb: {  	_ =	swait.ge [sflag:s30], $0x2800  }
0xec: {  	[sflag:s30] =	ssyncset.done $0x0  }
0xed: {  	[sflag:s30] =	ssyncadd.s32 $0xFFFFD800  }
0xee: {  	[spmem:s2] =	stream.indirect.scatter.add.f32 [tilespmem:s26], [sflag:$0x4], $0x80, s1, s24, $0xb8;
	[tilespmem:$0x1F0C0] =	vst v63  }
0xef: {  	_ =	swait.ge [sflag:s31], $0x2800  }
0xf0: {  	[sflag:s31] =	ssyncset.done $0x0  }
0xf1: {  	[sflag:s31] =	ssyncadd.s32 $0xFFFFD800  }
0xf2: {  	[bflag:$0x0] =	sbarrier.arrive $0xFFFF  }
0xf3: {  	s3 =	simm.s32 @p1 $0x1FC5;
	s6 =	rddreg [dreg:$0x6]  }
0xf4: {  	[hbm:s6], [sflag:s3] =	dma.local @p1 [spmem:s21], $0x2800  }
0xf5: {  	s6 =	simm.s32 @p1 $0x5  }
0xf6: {  	_ =	swait.ge @p1 [sflag:s6], $0x2800  }
0xf7: {  	[sflag:s6] =	ssyncset.done @p1 $0x0  }
0xf8: {  	[sflag:s6] =	ssyncadd.s32 @p1 $0xFFFFD800  }
0xf9: {  	[bflag:$0x0] =	sbarrier.arrive @p1 $0xFFFF  }
0xfa: {  	[spmem:s21], [sflag:s3] =	dma.local @p1 [hbm:s9], $0x2800  }
0xfb: {  	_ =	swait.ge @p1 [sflag:s6], $0x2800  }
0xfc: {  	[sflag:s6] =	ssyncset.done @p1 $0x0  }
0xfd: {  	s3 =	rddreg [dreg:$0x5];
	[sflag:s6] =	ssyncadd.s32 @p1 $0xFFFFD800  }
0xfe: {  	[hbm:s3], [sflag:s22] =	dma.local @!p1 [spmem:s23], $0x2700  }
0xff: {  	s3 =	simm.s32 @!p1 $0x5  }
0x100: {  	_ =	swait.ge @!p1 [sflag:s3], $0x2700  }
0x101: {  	[sflag:s3] =	ssyncset.done @!p1 $0x0  }
0x102: {  	[sflag:s3] =	ssyncadd.s32 @!p1 $0xFFFFD900  }
0x103: {  	[bflag:$0x0] =	sbarrier.arrive @!p1 $0xFFFF  }
0x104: {  	[spmem:s23], [sflag:s22] =	dma.local @!p1 [hbm:s8], $0x2700  }
0x105: {  	_ =	swait.ge @!p1 [sflag:s3], $0x2700  }
0x106: {  	[sflag:s3] =	ssyncset.done @!p1 $0x0  }
0x107: {  	[sflag:s3] =	ssyncadd.s32 @!p1 $0xFFFFD900  }
0x108: {  	s6 =	simm.s32 $0x0;
	[bflag:$0x0] =	sbarrier.arrive $0xFFFF  }
0x109: {  	[tilespmem:s25], [sflag:$0x1] =	stream.indirect.gather [hbm4b:s12+s24], $0x80, s6, s24, $0xb8;
	[tilespmem:$0x1F0C0] =	vst v63  }
0x10a: {  	_ = 	snop  }
0x10b: {  	[tilespmem:s26], [sflag:$0x2] =	stream.indirect.gather [hbm4b:s12+s24], $0x80, s24, s24, $0xb8;
	[tilespmem:$0x1F0C0] =	vst v63  }
0x10c: {  	_ =	swait.ge [sflag:s28], $0x2800  }
0x10d: {  	[sflag:s28] =	ssyncset.done $0x0  }
0x10e: {  	s7 =	simm.s32 $0x2800;
	[sflag:s28] =	ssyncadd.s32 $0xFFFFD800  }
0x10f: {  	[spmem:s2] =	stream.indirect.scatter.add.f32 [tilespmem:s25], [sflag:$0x3], $0x80, s7, s24, $0xb8;
	[tilespmem:$0x1F0C0] =	vst v63  }
0x110: {  	_ =	swait.ge [sflag:s29], $0x2800  }
0x111: {  	[sflag:s29] =	ssyncset.done $0x0  }
0x112: {  	s10 =	simm.s32 $0xA0;
	[sflag:s29] =	ssyncadd.s32 $0xFFFFD800  }
0x113: {  	[tilespmem:s25], [sflag:$0x1] =	stream.indirect.gather [hbm4b:s12+s24], $0x80, s10, s24, $0xb8;
	[tilespmem:$0x1F0C0] =	vst v63  }
0x114: {  	_ =	swait.ge [sflag:s30], $0x2800  }
0x115: {  	[sflag:s30] =	ssyncset.done $0x0  }
0x116: {  	s11 =	simm.s32 $0x2880;
	[sflag:s30] =	ssyncadd.s32 $0xFFFFD800  }
0x117: {  	[spmem:s2] =	stream.indirect.scatter.add.f32 [tilespmem:s26], [sflag:$0x4], $0x80, s11, s24, $0xb8;
	[tilespmem:$0x1F0C0] =	vst v63  }
0x118: {  	_ =	swait.ge [sflag:s31], $0x2800  }
0x119: {  	s3 =	simm.s32 $0x190;
	[sflag:s31] =	ssyncset.done $0x0  }
0x11a: {  	s10 =	simm.s32 $0xF0;
	s11 =	simm.s32 $0x400;
	[sflag:s31] =	ssyncadd.s32 $0xFFFFD800  }
.LBB2_5:
0x11b: {  	[tilespmem:s26], [sflag:$0x2] =	stream.indirect.gather [hbm4b:s12+s24], $0x80, s10, s24, $0xb8;
	[tilespmem:$0x1F0C0] =	vst v63  }
0x11c: {  	s6 =	smov.u32 s11;
	s10 =	smov.u32 s3  }
0x11d: {  	p2 =	sne.s32 s11, $0xF800;
	s11 =	sadd.s32 $0x400, s11;
	_ =	swait.ge [sflag:s28], $0x2800  }
0x11e: {  	s6 =	sshra.s32 s6, $0x2;
	[sflag:s28] =	ssyncset.done $0x0  }
0x11f: {  	s7 =	sadd.s32 $0x2800, s6;
	[sflag:s28] =	ssyncadd.s32 $0xFFFFD800  }
0x120: {  	[spmem:s2] =	stream.indirect.scatter.add.f32 [tilespmem:s25], [sflag:$0x3], $0x80, s7, s24, $0xb8;
	[tilespmem:$0x1F0C0] =	vst v63  }
0x121: {  	_ =	swait.ge [sflag:s29], $0x2800  }
0x122: {  	[sflag:s29] =	ssyncset.done $0x0  }
0x123: {  	s7 =	sadd.s32 $0xFFFFFFB0, s3;
	[sflag:s29] =	ssyncadd.s32 $0xFFFFD800  }
0x124: {  	[tilespmem:s25], [sflag:$0x1] =	stream.indirect.gather [hbm4b:s12+s24], $0x80, s7, s24, $0xb8;
	[tilespmem:$0x1F0C0] =	vst v63  }
0x125: {  	_ =	swait.ge [sflag:s30], $0x2800  }
0x126: {  	[sflag:s30] =	ssyncset.done $0x0  }
.Ltmp7:
0x127: {  	s6 =	sadd.s32 $0x2880, s6;
	[sflag:s30] =	ssyncadd.s32 $0xFFFFD800;
	(pc) =	sbr.rel @p2 .LBB2_5-.Ltmp7, $4  }
0x128: {  	[spmem:s2] =	stream.indirect.scatter.add.f32 [tilespmem:s26], [sflag:$0x4], $0x80, s6, s24, $0xb8;
	[tilespmem:$0x1F0C0] =	vst v63  }
0x129: {  	_ =	swait.ge [sflag:s31], $0x2800  }
0x12a: {  	[sflag:s31] =	ssyncset.done $0x0  }
0x12b: {  	s3 =	sadd.s32 $0xA0, s3;
	[sflag:s31] =	ssyncadd.s32 $0xFFFFD800  }
0x12c: {  	[tilespmem:s26], [sflag:$0x2] =	stream.indirect.gather [hbm4b:s12+s24], $0x80, s10, s24, $0xb8;
	[tilespmem:$0x1F0C0] =	vst v63  }
0x12d: {  	_ =	swait.ge [sflag:s28], $0x2800  }
0x12e: {  	[sflag:s28] =	ssyncset.done $0x0  }
0x12f: {  	[sflag:s28] =	ssyncadd.s32 $0xFFFFD800  }
0x130: {  	[spmem:s2] =	stream.indirect.scatter.add.f32 [tilespmem:s25], [sflag:$0x3], $0x80, s0, s24, $0xb8;
	[tilespmem:$0x1F0C0] =	vst v63  }
0x131: {  	_ =	swait.ge [sflag:s29], $0x2800  }
0x132: {  	[sflag:s29] =	ssyncset.done $0x0  }
0x133: {  	[sflag:s29] =	ssyncadd.s32 $0xFFFFD800  }
0x134: {  	_ =	swait.ge [sflag:s30], $0x2800  }
0x135: {  	[sflag:s30] =	ssyncset.done $0x0  }
0x136: {  	[sflag:s30] =	ssyncadd.s32 $0xFFFFD800  }
0x137: {  	[spmem:s2] =	stream.indirect.scatter.add.f32 [tilespmem:s26], [sflag:$0x4], $0x80, s1, s24, $0xb8;
	[tilespmem:$0x1F0C0] =	vst v63  }
0x138: {  	_ =	swait.ge [sflag:s31], $0x2800  }
0x139: {  	[sflag:s31] =	ssyncset.done $0x0  }
0x13a: {  	[sflag:s31] =	ssyncadd.s32 $0xFFFFD800  }
0x13b: {  	s3 =	sadd.s32 @p1 $0x24900, s13;
	s6 =	simm.s32 @p1 $0x1FC5;
	[bflag:$0x0] =	sbarrier.arrive $0xFFFF  }
0x13c: {  	[hbm:s3], [sflag:s6] =	dma.local @p1 [spmem:s21], $0x2800  }
0x13d: {  	s3 =	simm.s32 @p1 $0x5  }
0x13e: {  	_ =	swait.ge @p1 [sflag:s3], $0x2800  }
0x13f: {  	[sflag:s3] =	ssyncset.done @p1 $0x0  }
0x140: {  	[sflag:s3] =	ssyncadd.s32 @p1 $0xFFFFD800;
	s3 =	sadd.s32 @!p1 s5, s13  }
0x141: {  	[hbm:s3], [sflag:s22] =	dma.local @!p1 [spmem:s23], $0x2700  }
.Ltmp8:
0x142: {  	_ = 	snop;
	(pc) =	sbr.rel .LBB2_12-.Ltmp8, $4  }
0x143: {  	s3 =	simm.s32 @!p1 $0x5  }
0x144: {  	_ =	swait.ge @!p1 [sflag:s3], $0x2700  }
0x145: {  	[sflag:s3] =	ssyncset.done @!p1 $0x0  }
0x146: {  	[sflag:s3] =	ssyncadd.s32 @!p1 $0xFFFFD900  }
.LBB2_13:
0x147: {  	_ =	sfence.sel $0x180000  }
0x148: {  	[bflag:$0x0] =	sbarrier.arrive $0xFFFF  }
0x149: {  	_ =	strace $0x9000004A  }
0x14a: {  	s0 =	stileid.u32;
	[bflag:$0x2] =	sbarrier.arrive $0xFFFF  }
0x14b: {  	p0 =	sne.s32 s0, $0x0;
	s0 =	rddreg [dreg:$0x2]  }
0x14c: {  	s0 =	sadd.s32 @!p0 $0x100000, s0  }
0x14d: {  	[sflag:s0] =	ssyncadd.tile.s32 @!p0 $0x1;
	_ =	shalt  }
.Lfunc_end2:
_tile_overlayer_lowered:
.L_overlay_start_2:
0x14e: {  	(tag) =	ssettag $0x2  }
0x14f: {  	s0 =	rddreg [dreg:$0x0];
	s2 =	stileid.u32  }
0x150: {  	s1 =	rddreg [dreg:$0x1];
	p0 =	sne.s32 s2, $0x0  }
0x151: {  	s3 =	rddreg [dreg:$0x2];
	[bflag:$0x3] =	sbarrier.arrive $0xFFFF;
	s2 =	simm.s32 @!p0 $0x1C05  }
0x152: {  	[timem:s3], [sflag:s2] =	dma.local @!p0 [hbm:s0], s1  }
0x153: {  	s0 =	simm.s32 @!p0 $0x5  }
0x154: {  	_ =	swait.ge @!p0 [sflag:s0], s1  }
0x155: {  	s1 =	ssub.s32 @!p0 $0x0, s1;
	[sflag:s0] =	ssyncset.done @!p0 $0x0  }
0x156: {  	[sflag:s0] =	ssyncadd.s32 @!p0 s1  }
0x157: {  	[bflag:$0x3] =	sbarrier.arrive $0xFFFF  }
0x158: {  	_ =	shalt  }

// kernel: kernel.14.cloned.1.call-start
scs
__scs_entry_jumppad:
0x0: {  	(pc) =	sbr.rel $0x88, $3  }
0x1: {  	(tag) =	ssettag $0x0;
	lr =	simm.s32 $0x1  }
0x2: {  	[smem:$0x3F9B] =	sst lr;
	_ =	strace $0xD0000000  }
0x3: {  	_ = 	snop  }
0x4: {  	_ = 	snop  }
0x5: {  	_ = 	snop  }
0x6: {  	_ = 	snop  }
0x7: {  	_ = 	snop  }
__scs_overlays_trampoline_lowered:
0x8: {  	[smem:$0x3FAA] =	sst s0  }
0x9: {  	[smem:$0x3FAB] =	sst s1  }
0xa: {  	[smem:$0x3FAC] =	sst s2  }
0xb: {  	[smem:$0x3FAD] =	sst s3  }
0xc: {  	[smem:$0x3FAE] =	sst s4  }
0xd: {  	[smem:$0x3FAF] =	sst s5  }
0xe: {  	[smem:$0x3FB0] =	sst s6  }
0xf: {  	[smem:$0x3FB1] =	sst s7  }
0x10: {  	[smem:$0x3FB2] =	sst s8  }
0x11: {  	[smem:$0x3FB3] =	sst s9;
	s0 =	simm.s32 @!p0 $0x0  }
0x12: {  	s1 =	sld [smem:$0x3F99];
	s0 =	simm.s32 @p0 $0x1  }
0x13: {  	[smem:$0x3FB4] =	sst s0;
	s0 =	simm.s32 @!p1 $0x0  }
0x14: {  	s2 =	sld [smem:$0x3F98];
	s0 =	simm.s32 @p1 $0x1  }
0x15: {  	[smem:$0x3FB5] =	sst s0;
	s0 =	simm.s32 @!p2 $0x0  }
0x16: {  	s3 =	sld [smem:$0x3FDB];
	s0 =	simm.s32 @p2 $0x1  }
0x17: {  	s4 =	simm.s32 $0x1BF5;
	[smem:$0x3FB7] =	sst s0  }
0x18: {  	s0 =	sld [smem:$0x3F9A];
	_ =	swait.ge [sflag:s4], $0x0  }
0x19: {  	s7 =	sld [smem:$0x3F9B]  }
0x1a: {  	s8 =	sadd.s32 $0xFFFFE003, lr  }
0x1b: {  	s9 =	sadd.s32 $0xFFFFFEF7, lr;
	s5 =	simm.s32 $0xFFFFFFFF;
	p2 =	slt.u32 s8, $0xFFFFF086  }
0x1c: {  	p1 =	slt.u32 s9, $0xF7A;
	s5 =	simm.s32 @!p2 $0x0  }
0x1d: {  	s5 =	simm.s32 @p1 $0x1;
	p0 =	seq.s32 s7, s2  }
0x1e: {  	s7 =	smul.u32 @!p0 $0xF7A, s2;
	p2 =	seq.s32 @!p0 s5, $0x0  }
0x1f: {  	s9 =	smul.u32 $0xF7A, s1;
	s8 =	simm.s32 @!p0 $0x1BF5;
	p2 =	por !p2, p0  }
0x20: {  	[sflag:s8] =	ssyncset.s32 @!p0 $0xFFFFF086;
	s6 =	sadd.s32 @!p0 s3, s7;
	s7 =	simm.s32 @!p0 $0x108  }
0x21: {  	s3 =	sadd.s32 s3, s9;
	s6 =	sadd.s32 @!p0 $0x88, s6;
	s7 =	simm.s32 @p2 $0x1082  }
0x22: {  	[simem:s7], [sflag:s8] =	dma.local @!p0 [hbm:s6], $0xF7A  }
0x23: {  	s9 =	sor.u32 $0xD0000000, s2;
	s6 =	simm.s32 $0x108;
	_ =	swait.ge @!p0 [sflag:s8], $0x0  }
0x24: {  	s3 =	sadd.s32 $0x88, s3;
	s6 =	simm.s32 @!p1 $0x1082;
	[sflag:s4] =	ssyncset.s32 $0xFFFFF086  }
0x25: {  	[simem:s6], [sflag:s4] =	dma.local [hbm:s3], $0xF7A  }
0x26: {  	[smem:$0x3F9B] =	sst s1;
	(tag) =	ssettag s2;
	_ =	strace s9  }
0x27: {  	s1 =	sld [smem:$0x3FAB]  }
0x28: {  	s2 =	sld [smem:$0x3FAC]  }
0x29: {  	s4 =	sld [smem:$0x3FAE]  }
0x2a: {  	p0 =	seq.s32 s5, $0x0;
	s5 =	sld [smem:$0x3FAF]  }
0x2b: {  	s6 =	sld [smem:$0x3FB0]  }
0x2c: {  	s7 =	sld [smem:$0x3FB1]  }
0x2d: {  	s3 =	simm.s32 $0x108;
	s8 =	sld [smem:$0x3FB2]  }
0x2e: {  	s3 =	simm.s32 @!p0 $0x1082;
	s9 =	sld [smem:$0x3FB3]  }
0x2f: {  	lr =	sadd.s32 s0, s3;
	s0 =	sld [smem:$0x3FAA]  }
0x30: {  	s3 =	sld [smem:$0x3FAD]  }
0x31: {  	[smem:$0x3FB6] =	sst s10  }
0x32: {  	s10 =	sld [smem:$0x3FB4];
	_ =	sdelay $0x3  }
0x33: {  	p0 =	seq.s32 s10, $0x1;
	s10 =	sld [smem:$0x3FB6];
	_ =	sdelay $0x3  }
0x34: {  	[smem:$0x3FB6] =	sst s10  }
0x35: {  	s10 =	sld [smem:$0x3FB5];
	_ =	sdelay $0x3  }
0x36: {  	p1 =	seq.s32 s10, $0x1;
	s10 =	sld [smem:$0x3FB6];
	_ =	sdelay $0x3  }
0x37: {  	[smem:$0x3FB6] =	sst s10  }
0x38: {  	s10 =	sld [smem:$0x3FB7]  }
0x39: {  	_ = 	snop;
	(pc) =	sbr.ind lr, $3  }
0x3a: {  	_ = 	snop  }
0x3b: {  	_ = 	snop  }
0x3c: {  	p2 =	seq.s32 s10, $0x1;
	s10 =	sld [smem:$0x3FB6]  }
0x3d: {  	_ =	shalt  }
0x3e: {  	_ =	shalt  }
0x3f: {  	_ =	shalt  }
0x40: {  	_ =	shalt  }
0x41: {  	_ =	shalt  }
0x42: {  	_ =	shalt  }
0x43: {  	_ =	shalt  }
0x44: {  	_ =	shalt  }
0x45: {  	_ =	shalt  }
0x46: {  	_ =	shalt  }
0x47: {  	_ =	shalt  }
0x48: {  	_ =	shalt  }
0x49: {  	_ =	shalt  }
0x4a: {  	_ =	shalt  }
0x4b: {  	_ =	shalt  }
0x4c: {  	_ =	shalt  }
0x4d: {  	_ =	shalt  }
0x4e: {  	_ =	shalt  }
0x4f: {  	_ =	shalt  }
0x50: {  	_ =	shalt  }
0x51: {  	_ =	shalt  }
0x52: {  	_ =	shalt  }
0x53: {  	_ =	shalt  }
0x54: {  	_ =	shalt  }
0x55: {  	_ =	shalt  }
0x56: {  	_ =	shalt  }
0x57: {  	_ =	shalt  }
0x58: {  	_ =	shalt  }
0x59: {  	_ =	shalt  }
0x5a: {  	_ =	shalt  }
0x5b: {  	_ =	shalt  }
0x5c: {  	_ =	shalt  }
0x5d: {  	_ =	shalt  }
0x5e: {  	_ =	shalt  }
0x5f: {  	_ =	shalt  }
0x60: {  	_ =	shalt  }
0x61: {  	_ =	shalt  }
0x62: {  	_ =	shalt  }
0x63: {  	_ =	shalt  }
0x64: {  	_ =	shalt  }
0x65: {  	_ =	shalt  }
0x66: {  	_ =	shalt  }
0x67: {  	_ =	shalt  }
0x68: {  	_ =	shalt  }
0x69: {  	_ =	shalt  }
0x6a: {  	_ =	shalt  }
0x6b: {  	_ =	shalt  }
0x6c: {  	_ =	shalt  }
0x6d: {  	_ =	shalt  }
0x6e: {  	_ =	shalt  }
0x6f: {  	_ =	shalt  }
0x70: {  	_ =	shalt  }
0x71: {  	_ =	shalt  }
0x72: {  	_ =	shalt  }
0x73: {  	_ =	shalt  }
0x74: {  	_ =	shalt  }
0x75: {  	_ =	shalt  }
0x76: {  	_ =	shalt  }
0x77: {  	_ =	shalt  }
0x78: {  	_ =	shalt  }
0x79: {  	_ =	shalt  }
0x7a: {  	_ =	shalt  }
0x7b: {  	_ =	shalt  }
0x7c: {  	_ =	shalt  }
0x7d: {  	_ =	shalt  }
0x7e: {  	_ =	shalt  }
0x7f: {  	_ =	shalt  }
0x80: {  	_ =	shalt  }
0x81: {  	_ =	shalt  }
0x82: {  	_ =	shalt  }
0x83: {  	_ =	shalt  }
0x84: {  	_ =	shalt  }
0x85: {  	_ =	shalt  }
0x86: {  	_ =	shalt  }
0x87: {  	_ =	shalt  }
.Lfunc_end0:
.L_simem_size_0:
called_computation.2_lowered:
.L_overlay_start_0:
0x88: {  	s2 =	sld [smem:$0x3FD9]  }
0x89: {  	s3 =	sld [smem:$0x3FFE];
	_ =	sdelay $0x1  }
0x8a: {  	s1 =	srdreg.scid  }
0x8b: {  	s0 =	sand.u32 $0x1, s1  }
0x8c: {  	s17 =	sshll.u32 s0, $0xA;
	s2 =	sadd.s32 s3, s2  }
0x8d: {  	s2 =	sadd.s32 s2, s17  }
0x8e: {  	[smem:$0x3FC2] =	sst s2  }
0x8f: {  	_ = 	snop  }
0x90: {  	s2 =	sld [smem:$0x3FD0];
	(tm) =	ssettm $0x1  }
0x91: {  	s18 =	sld [smem:$0x3FFB];
	_ =	sdelay $0x3  }
0x92: {  	_ =	strace s18  }
0x93: {  	s3 =	sld [smem:$0x3FFC];
	_ =	sdelay $0x3  }
0x94: {  	_ =	strace s3  }
0x95: {  	s3 =	sld [smem:$0x3FFD];
	_ =	sdelay $0x3  }
0x96: {  	_ =	strace s3  }
0x97: {  	_ =	strace $0x8FFFFFFF  }
0x98: {  	s19 =	sld [smem:$0x3FDB];
	_ =	sdelay $0x1  }
0x99: {  	s4 =	simm.s32 $_scs_section_size  }
0x9a: {  	s5 =	simm.s32 $_size__tile_overlayer_lowered;
	s6 =	simm.s32 $_tile_overlayer_lowered  }
0x9b: {  	s22 =	simm.s32 $0x1BFF;
	s21 =	sshll.u32 s6, $0x1;
	s3 =	sadd.s32 s4, s19  }
0x9c: {  	s7 =	simm.s32 $0x0;
	s20 =	sshll.u32 s5, $0x1;
	s5 =	sadd.s32 s21, s3  }
0x9d: {  	[timem:s7], [sflag:s22] =	dma.local [hbm:s5], s20  }
0x9e: {  	_ =	swait.ge [sflag:s22], s20  }
0x9f: {  	s4 =	ssub.s32 $0x0, s20;
	[sflag:s22] =	ssyncset.done $0x0  }
0xa0: {  	[sflag:s22] =	ssyncadd.s32 s4;
	_ =	sdelay $0x1  }
0xa1: {  	s23 =	simm.s32 $0x1B8B  }
0xa2: {  	_ =	swait.ge [sflag:s23], $0x1  }
0xa3: {  	[sflag:s23] =	ssyncset.done $0x0  }
0xa4: {  	s25 =	simm.s32 $0x1B8E;
	s24 =	sld [smem:$0x3FFE];
	[sflag:s23] =	ssyncadd.s32 $0xFFFFFFFF  }
0xa5: {  	s26 =	simm.s32 $execute0_lowered;
	[smem:$0x3FD2] =	sst s25  }
0xa6: {  	s5 =	sshll.u32 s26, $0x1;
	_ =	strace $0x8000004C;
	[dreg:$0x1] =	wrdreg $0xFFFFFFFF  }
0xa7: {  	s28 =	simm.s32 $_size_execute0_lowered;
	s3 =	sadd.s32 s3, s5;
	[dreg:$0x0] =	wrdreg $0x0  }
0xa8: {  	s5 =	sshll.u32 s28, $0x1;
	[dreg:$0x2] =	wrdreg s3  }
0xa9: {  	[dreg:$0x3] =	wrdreg s5  }
0xaa: {  	[dreg:$0x4] =	wrdreg $0xC0  }
0xab: {  	_ =	task [dreg:s7], $0x5FFFF  }
0xac: {  	[dreg:$0x1] =	wrdreg $0xFFFFFFFF  }
0xad: {  	[dreg:$0x0] =	wrdreg $0x60  }
0xae: {  	[dreg:$0x2] =	wrdreg s2  }
0xaf: {  	[dreg:$0x3] =	wrdreg s24  }
0xb0: {  	[dreg:$0x4] =	wrdreg $0xB8000  }
0xb1: {  	[dreg:$0x5] =	wrdreg $0x9  }
0xb2: {  	_ =	task.clear_ibuf [dreg:s7], $0x6FFFF;
	_ =	strace $0x9000004C  }
0xb3: {  	s29 =	simm.s32 $0x9;
	_ =	strace $0x8000004E  }
0xb4: {  	_ =	swait.ge [sflag:s29], $0x1  }
0xb5: {  	[sflag:s29] =	ssyncadd.s32 $0xFFFFFFFF  }
0xb6: {  	_ =	strace $0x9000004E  }
0xb7: {  	_ =	sfence  }
0xb8: {  	s30 =	sld [smem:$0x0];
	_ =	sdelay $0x2  }
0xb9: {  	s31 =	sshll.u32 s1, $0xD;
	s1 =	sshrl.u32 s1, $0x2  }
0xba: {  	s3 =	sand.u32 $0x4000, s31;
	s1 =	sadd.s32 s1, s30  }
0xbb: {  	s0 =	sor.u32 s3, s0;
	s1 =	sshll.u32 s1, $0x11  }
0xbc: {  	s0 =	sor.u32 s1, s0  }
0xbd: {  	s0 =	sadd.s32 $0x8F2B, s0  }
0xbe: {  	[sflag:s0] =	ssyncadd.remote.s32 $0x1  }
0xbf: {  	_ =	sfence.sel $0xFFFF  }
0xc0: {  	[dreg:$0x0] =	wrdreg $0xFFFFFFFF;
	(pc) =	sbr.abs _section_cstart, $3  }
0xc1: {  	[dreg:$0x1] =	wrdreg $0xFFFFFFFF  }
0xc2: {  	_ =	task.clear_ibuf [dreg:s7], $0x2FFFF;
	_ =	strace $0x9FFFFFFF  }
0xc3: {  	(tm) =	ssettm $0x7FFFFFFF  }
tec
execute0_lowered:
.L_overlay_start_1:
0x0: {  	(tag) =	ssettag $0x1  }
0x1: {  	s1 =	rddreg [dreg:$0x0]  }
0x2: {  	s0 =	rddreg [dreg:$0x1]  }
0x3: {  	s3 =	rddreg [dreg:$0x2];
	s4 =	simm.s32 $0x0;
	s16 =	stileid.u32  }
0x4: {  	s2 =	srdreg.scid;
	s15 =	simm.s32 $0x5;
	s20 =	simm.s32 $0x50  }
0x5: {  	s21 =	simm.s32 $0x6800;
	s22 =	simm.s32 $0x9000;
	s23 =	simm.s32 $0x1  }
0x6: {  	s24 =	simm.s32 $0x3;
	s25 =	simm.s32 $0x2;
	s28 =	simm.s32 $0x6700  }
0x7: {  	s29 =	simm.s32 $0x6780;
	s30 =	simm.s32 $0x0;
	s6 =	smul.u32 $0x500, s16  }
0x8: {  	[smem:$0x7FF] =	sst s4;
	s2 =	sand.u32 $0x1, s2;
	s5 =	smul.u32 $0x2700, s16  }
0x9: {  	s7 =	sshll.u32 s16, $0xB;
	s26 =	smul.u32 $0x4E000, s16;
	s17 =	sadd.s32 $0x124800, s3  }
0xa: {  	s11 =	sadd.s32 $0x8A100, s0;
	s12 =	sadd.s32 $0x27100, s1;
	s13 =	sadd.s32 $0x8C900, s0  }
0xb: {  	p1 =	seq.s32 s16, $0xF;
	_ =	strace $0x8000004D;
	s8 =	ssub.s32 $0x2, s2  }
0xc: {  	s7 =	sadd.s32 s7, s0;
	p0 =	seq.s32 s2, $0x1;
	s17 =	sshrl.u32 @p1 s17, $0x3  }
0xd: {  	s6 =	sadd.s32 s6, s0;
	s9 =	sshrl.u32 s8, $0x1;
	s10 =	sadd.s32 s5, s0  }
.Ltmp0:
0xe: {  	s7 =	sadd.s32 $0x58800, s7;
	s31 =	sshrl.u32 s26, $0x2;
	(pc) =	sbr.rel .LBB2_1-.Ltmp0, $4  }
0xf: {  	s26 =	simm.s32 $0x4;
	s14 =	ssub.s32 s8, s9;
	s6 =	sadd.s32 $0x60800, s6  }
0x10: {  	s8 =	sadd.s32 $0x101C00, s10;
	s2 =	sadd.s32 s31, s3;
	s10 =	sadd.s32 $0x65800, s10  }
0x11: {  	s9 =	sadd.s32 $0x126500, s0;
	s0 =	sshll.u32 @!p1 s16, $0x6;
	[dreg:$0x4] =	wrdreg s10  }
0x12: {  	s14 =	smax.u32 s14, $0x1;
	s18 =	sor.u32 @!p1 $0x1C05, s0;
	s19 =	sshrl.u32 @!p1 s2, $0x3  }
.LBB2_7:
0x13: {  	[tilespmem:s22], [sflag:$0x2] =	stream.indirect.gather [hbm4b:s12+s20], $0x80, s31, s20, $0xb8;
	[tilespmem:$0x1F0C0] =	vst v63  }
0x14: {  	_ =	swait.ge [sflag:s23], $0x2800  }
0x15: {  	[sflag:s23] =	ssyncset.done $0x0  }
0x16: {  	[sflag:s23] =	ssyncadd.s32 $0xFFFFD800  }
0x17: {  	[spmem:s3] =	stream.indirect.scatter.add.f32 [tilespmem:s21], [sflag:$0x3], $0x80, s28, s20, $0xb8;
	[tilespmem:$0x1F0C0] =	vst v63  }
0x18: {  	_ =	swait.ge [sflag:s24], $0x2800  }
0x19: {  	[sflag:s24] =	ssyncset.done $0x0  }
0x1a: {  	[sflag:s24] =	ssyncadd.s32 $0xFFFFD800  }
0x1b: {  	_ =	swait.ge [sflag:s25], $0x2800  }
0x1c: {  	[sflag:s25] =	ssyncset.done $0x0  }
0x1d: {  	[sflag:s25] =	ssyncadd.s32 $0xFFFFD800  }
0x1e: {  	[spmem:s3] =	stream.indirect.scatter.add.f32 [tilespmem:s22], [sflag:$0x4], $0x80, s29, s20, $0xb8;
	[tilespmem:$0x1F0C0] =	vst v63  }
0x1f: {  	_ =	swait.ge [sflag:s26], $0x2800  }
0x20: {  	[sflag:s26] =	ssyncset.done $0x0  }
0x21: {  	[sflag:s26] =	ssyncadd.s32 $0xFFFFD800  }
0x22: {  	s0 =	sadd.s32 @p1 $0x24900, s13;
	s2 =	simm.s32 @p1 $0x1FC5;
	[bflag:$0x0] =	sbarrier.arrive $0xFFFF  }
0x23: {  	[hbm:s0], [sflag:s2] =	dma.local @p1 [spmem:s17], $0x2800  }
0x24: {  	s0 =	simm.s32 @p1 $0x5  }
0x25: {  	_ =	swait.ge @p1 [sflag:s0], $0x2800  }
0x26: {  	[sflag:s0] =	ssyncset.done @p1 $0x0  }
0x27: {  	[sflag:s0] =	ssyncadd.s32 @p1 $0xFFFFD800;
	s0 =	sadd.s32 @!p1 s5, s13  }
0x28: {  	[hbm:s0], [sflag:s18] =	dma.local @!p1 [spmem:s19], $0x2700  }
0x29: {  	s0 =	simm.s32 @!p1 $0x5  }
0x2a: {  	_ =	swait.ge @!p1 [sflag:s0], $0x2700  }
0x2b: {  	[sflag:s0] =	ssyncset.done @!p1 $0x0  }
0x2c: {  	[sflag:s0] =	ssyncadd.s32 @!p1 $0xFFFFD900  }
.LBB2_8:
0x2d: {  	s30 =	sadd.s32 $0x1, s30  }
0x2e: {  	p2 =	sne.s32 s30, s14  }
.Ltmp1:
0x2f: {  	_ = 	snop;
	(pc) =	sbr.rel @!p2 .LBB2_9-.Ltmp1, $2  }
0x30: {  	_ =	sdelay $0x1  }
0x31: {  	[bflag:$0x0] =	sbarrier.arrive $0xFFFF;
	_ =	sdelay $0x1  }
.LBB2_1:
0x32: {  	[tilespmem:s4], [sflag:$0x5] =	stream.linear.gather [hbm4b:s6+s4], $0x2800, $0x38;
	[tilespmem:$0x1F0C0] =	vst v63  }
0x33: {  	_ =	swait.ge [sflag:s15], $0x2800  }
0x34: {  	[sflag:s15] =	ssyncset.done $0x0  }
.Ltmp2:
0x35: {  	s0 =	simm.s32 $0x2800;
	[sflag:s15] =	ssyncadd.s32 $0xFFFFD800;
	(pc) =	sbr.rel @!p0 .LBB2_2-.Ltmp2, $4  }
0x36: {  	[tilespmem:s0], [sflag:$0x5] =	stream.linear.gather [hbm4b:s7+s4], $0x4000, $0x38;
	[tilespmem:$0x1F0C0] =	vst v63  }
0x37: {  	_ =	swait.ge [sflag:s15], $0x4000  }
0x38: {  	[sflag:s15] =	ssyncset.done $0x0  }
0x39: {  	[sflag:s15] =	ssyncadd.s32 $0xFFFFC000  }
0x3a: {  	s0 =	simm.s32 @p1 $0x1FC5  }
0x3b: {  	[spmem:s17], [sflag:s0] =	dma.local @p1 [hbm:s9], $0x2800  }
0x3c: {  	s0 =	simm.s32 @p1 $0x5  }
0x3d: {  	_ =	swait.ge @p1 [sflag:s0], $0x2800  }
0x3e: {  	[sflag:s0] =	ssyncset.done @p1 $0x0  }
0x3f: {  	[sflag:s0] =	ssyncadd.s32 @p1 $0xFFFFD800;
	s0 =	simm.s32 @!p1 $0x5  }
0x40: {  	[spmem:s19], [sflag:s18] =	dma.local @!p1 [hbm:s8], $0x2700  }
0x41: {  	_ =	swait.ge @!p1 [sflag:s0], $0x2700  }
0x42: {  	[sflag:s0] =	ssyncset.done @!p1 $0x0  }
0x43: {  	[sflag:s0] =	ssyncadd.s32 @!p1 $0xFFFFD900  }
0x44: {  	s16 =	simm.s32 $0x0;
	[bflag:$0x0] =	sbarrier.arrive $0xFFFF  }
0x45: {  	[tilespmem:s21], [sflag:$0x1] =	stream.indirect.gather [hbm4b:s12+s20], $0x80, s16, s20, $0xb8;
	[tilespmem:$0x1F0C0] =	vst v63  }
0x46: {  	_ = 	snop  }
0x47: {  	[tilespmem:s22], [sflag:$0x2] =	stream.indirect.gather [hbm4b:s12+s20], $0x80, s20, s20, $0xb8;
	[tilespmem:$0x1F0C0] =	vst v63  }
0x48: {  	_ =	swait.ge [sflag:s23], $0x2800  }
0x49: {  	[sflag:s23] =	ssyncset.done $0x0  }
0x4a: {  	s2 =	simm.s32 $0x2800;
	[sflag:s23] =	ssyncadd.s32 $0xFFFFD800  }
0x4b: {  	[spmem:s3] =	stream.indirect.scatter.add.f32 [tilespmem:s21], [sflag:$0x3], $0x80, s2, s20, $0xb8;
	[tilespmem:$0x1F0C0] =	vst v63  }
0x4c: {  	_ =	swait.ge [sflag:s24], $0x2800  }
0x4d: {  	[sflag:s24] =	ssyncset.done $0x0  }
0x4e: {  	s10 =	simm.s32 $0xA0;
	[sflag:s24] =	ssyncadd.s32 $0xFFFFD800  }
0x4f: {  	[tilespmem:s21], [sflag:$0x1] =	stream.indirect.gather [hbm4b:s12+s20], $0x80, s10, s20, $0xb8;
	[tilespmem:$0x1F0C0] =	vst v63  }
0x50: {  	_ =	swait.ge [sflag:s25], $0x2800  }
0x51: {  	[sflag:s25] =	ssyncset.done $0x0  }
0x52: {  	s16 =	simm.s32 $0x2880;
	[sflag:s25] =	ssyncadd.s32 $0xFFFFD800  }
0x53: {  	[spmem:s3] =	stream.indirect.scatter.add.f32 [tilespmem:s22], [sflag:$0x4], $0x80, s16, s20, $0xb8;
	[tilespmem:$0x1F0C0] =	vst v63  }
0x54: {  	_ =	swait.ge [sflag:s26], $0x2800  }
0x55: {  	s31 =	simm.s32 $0xF0;
	[sflag:s26] =	ssyncset.done $0x0  }
0x56: {  	s0 =	simm.s32 $0x400;
	s2 =	simm.s32 $0x190;
	[sflag:s26] =	ssyncadd.s32 $0xFFFFD800  }
.LBB2_6:
0x57: {  	[tilespmem:s22], [sflag:$0x2] =	stream.indirect.gather [hbm4b:s12+s20], $0x80, s31, s20, $0xb8;
	[tilespmem:$0x1F0C0] =	vst v63  }
0x58: {  	s10 =	smov.u32 s0;
	s31 =	smov.u32 s2  }
0x59: {  	p2 =	sne.s32 s0, $0xF800;
	s0 =	sadd.s32 $0x400, s0;
	_ =	swait.ge [sflag:s23], $0x2800  }
0x5a: {  	s10 =	sshra.s32 s10, $0x2;
	[sflag:s23] =	ssyncset.done $0x0  }
0x5b: {  	s16 =	sadd.s32 $0x2800, s10;
	[sflag:s23] =	ssyncadd.s32 $0xFFFFD800  }
0x5c: {  	[spmem:s3] =	stream.indirect.scatter.add.f32 [tilespmem:s21], [sflag:$0x3], $0x80, s16, s20, $0xb8;
	[tilespmem:$0x1F0C0] =	vst v63  }
0x5d: {  	_ =	swait.ge [sflag:s24], $0x2800  }
0x5e: {  	[sflag:s24] =	ssyncset.done $0x0  }
0x5f: {  	s16 =	sadd.s32 $0xFFFFFFB0, s2;
	[sflag:s24] =	ssyncadd.s32 $0xFFFFD800  }
0x60: {  	[tilespmem:s21], [sflag:$0x1] =	stream.indirect.gather [hbm4b:s12+s20], $0x80, s16, s20, $0xb8;
	[tilespmem:$0x1F0C0] =	vst v63  }
0x61: {  	_ =	swait.ge [sflag:s25], $0x2800  }
0x62: {  	[sflag:s25] =	ssyncset.done $0x0  }
.Ltmp3:
0x63: {  	s10 =	sadd.s32 $0x2880, s10;
	[sflag:s25] =	ssyncadd.s32 $0xFFFFD800;
	(pc) =	sbr.rel @p2 .LBB2_6-.Ltmp3, $4  }
0x64: {  	[spmem:s3] =	stream.indirect.scatter.add.f32 [tilespmem:s22], [sflag:$0x4], $0x80, s10, s20, $0xb8;
	[tilespmem:$0x1F0C0] =	vst v63  }
0x65: {  	_ =	swait.ge [sflag:s26], $0x2800  }
0x66: {  	[sflag:s26] =	ssyncset.done $0x0  }
0x67: {  	s2 =	sadd.s32 $0xA0, s2;
	[sflag:s26] =	ssyncadd.s32 $0xFFFFD800  }
.Ltmp4:
0x68: {  	_ = 	snop;
	(pc) =	sbr.rel .LBB2_7-.Ltmp4, $1  }
0x69: {  	_ =	sdelay $0x3  }
.LBB2_2:
0x6a: {  	s0 =	simm.s32 @p1 $0x1FC5  }
0x6b: {  	[spmem:s17], [sflag:s0] =	dma.local @p1 [hbm:s9], $0x2800  }
0x6c: {  	s0 =	simm.s32 @p1 $0x5  }
0x6d: {  	_ =	swait.ge @p1 [sflag:s0], $0x2800  }
0x6e: {  	[sflag:s0] =	ssyncset.done @p1 $0x0  }
0x6f: {  	[sflag:s0] =	ssyncadd.s32 @p1 $0xFFFFD800;
	s0 =	simm.s32 @!p1 $0x5  }
0x70: {  	[spmem:s19], [sflag:s18] =	dma.local @!p1 [hbm:s8], $0x2700  }
0x71: {  	_ =	swait.ge @!p1 [sflag:s0], $0x2700  }
0x72: {  	[sflag:s0] =	ssyncset.done @!p1 $0x0  }
0x73: {  	[sflag:s0] =	ssyncadd.s32 @!p1 $0xFFFFD900  }
0x74: {  	s16 =	simm.s32 $0x0;
	[bflag:$0x0] =	sbarrier.arrive $0xFFFF  }
0x75: {  	[tilespmem:s21], [sflag:$0x1] =	stream.indirect.gather [hbm4b:s1+s20], $0x80, s16, s20, $0xb8;
	[tilespmem:$0x1F0C0] =	vst v63  }
0x76: {  	_ = 	snop  }
0x77: {  	[tilespmem:s22], [sflag:$0x2] =	stream.indirect.gather [hbm4b:s1+s20], $0x80, s20, s20, $0xb8;
	[tilespmem:$0x1F0C0] =	vst v63  }
0x78: {  	_ =	swait.ge [sflag:s23], $0x2800  }
0x79: {  	[sflag:s23] =	ssyncset.done $0x0  }
0x7a: {  	s2 =	simm.s32 $0x2800;
	[sflag:s23] =	ssyncadd.s32 $0xFFFFD800  }
0x7b: {  	[spmem:s3] =	stream.indirect.scatter.add.f32 [tilespmem:s21], [sflag:$0x3], $0x80, s2, s20, $0xb8;
	[tilespmem:$0x1F0C0] =	vst v63  }
0x7c: {  	_ =	swait.ge [sflag:s24], $0x2800  }
0x7d: {  	[sflag:s24] =	ssyncset.done $0x0  }
0x7e: {  	s10 =	simm.s32 $0xA0;
	[sflag:s24] =	ssyncadd.s32 $0xFFFFD800  }
0x7f: {  	[tilespmem:s21], [sflag:$0x1] =	stream.indirect.gather [hbm4b:s1+s20], $0x80, s10, s20, $0xb8;
	[tilespmem:$0x1F0C0] =	vst v63  }
0x80: {  	_ =	swait.ge [sflag:s25], $0x2800  }
0x81: {  	[sflag:s25] =	ssyncset.done $0x0  }
0x82: {  	s16 =	simm.s32 $0x2880;
	[sflag:s25] =	ssyncadd.s32 $0xFFFFD800  }
0x83: {  	[spmem:s3] =	stream.indirect.scatter.add.f32 [tilespmem:s22], [sflag:$0x4], $0x80, s16, s20, $0xb8;
	[tilespmem:$0x1F0C0] =	vst v63  }
0x84: {  	_ =	swait.ge [sflag:s26], $0x2800  }
0x85: {  	s31 =	simm.s32 $0xF0;
	[sflag:s26] =	ssyncset.done $0x0  }
0x86: {  	s0 =	simm.s32 $0x400;
	s2 =	simm.s32 $0x190;
	[sflag:s26] =	ssyncadd.s32 $0xFFFFD800  }
.LBB2_3:
0x87: {  	[tilespmem:s22], [sflag:$0x2] =	stream.indirect.gather [hbm4b:s1+s20], $0x80, s31, s20, $0xb8;
	[tilespmem:$0x1F0C0] =	vst v63  }
0x88: {  	s16 =	smov.u32 s0;
	s31 =	smov.u32 s2  }
0x89: {  	p2 =	sne.s32 s0, $0xF800;
	s0 =	sadd.s32 $0x400, s0;
	_ =	swait.ge [sflag:s23], $0x2800  }
0x8a: {  	s16 =	sshra.s32 s16, $0x2;
	[sflag:s23] =	ssyncset.done $0x0  }
0x8b: {  	s10 =	sadd.s32 $0x2800, s16;
	[sflag:s23] =	ssyncadd.s32 $0xFFFFD800  }
0x8c: {  	[spmem:s3] =	stream.indirect.scatter.add.f32 [tilespmem:s21], [sflag:$0x3], $0x80, s10, s20, $0xb8;
	[tilespmem:$0x1F0C0] =	vst v63  }
0x8d: {  	_ =	swait.ge [sflag:s24], $0x2800  }
0x8e: {  	[sflag:s24] =	ssyncset.done $0x0  }
0x8f: {  	s10 =	sadd.s32 $0xFFFFFFB0, s2;
	[sflag:s24] =	ssyncadd.s32 $0xFFFFD800  }
0x90: {  	[tilespmem:s21], [sflag:$0x1] =	stream.indirect.gather [hbm4b:s1+s20], $0x80, s10, s20, $0xb8;
	[tilespmem:$0x1F0C0] =	vst v63  }
0x91: {  	_ =	swait.ge [sflag:s25], $0x2800  }
0x92: {  	[sflag:s25] =	ssyncset.done $0x0  }
.Ltmp5:
0x93: {  	s10 =	sadd.s32 $0x2880, s16;
	[sflag:s25] =	ssyncadd.s32 $0xFFFFD800;
	(pc) =	sbr.rel @p2 .LBB2_3-.Ltmp5, $4  }
0x94: {  	[spmem:s3] =	stream.indirect.scatter.add.f32 [tilespmem:s22], [sflag:$0x4], $0x80, s10, s20, $0xb8;
	[tilespmem:$0x1F0C0] =	vst v63  }
0x95: {  	_ =	swait.ge [sflag:s26], $0x2800  }
0x96: {  	[sflag:s26] =	ssyncset.done $0x0  }
0x97: {  	s2 =	sadd.s32 $0xA0, s2;
	[sflag:s26] =	ssyncadd.s32 $0xFFFFD800  }
0x98: {  	[tilespmem:s22], [sflag:$0x2] =	stream.indirect.gather [hbm4b:s1+s20], $0x80, s31, s20, $0xb8;
	[tilespmem:$0x1F0C0] =	vst v63  }
0x99: {  	_ =	swait.ge [sflag:s23], $0x2800  }
0x9a: {  	[sflag:s23] =	ssyncset.done $0x0  }
0x9b: {  	[sflag:s23] =	ssyncadd.s32 $0xFFFFD800  }
0x9c: {  	[spmem:s3] =	stream.indirect.scatter.add.f32 [tilespmem:s21], [sflag:$0x3], $0x80, s28, s20, $0xb8;
	[tilespmem:$0x1F0C0] =	vst v63  }
0x9d: {  	_ =	swait.ge [sflag:s24], $0x2800  }
0x9e: {  	[sflag:s24] =	ssyncset.done $0x0  }
0x9f: {  	[sflag:s24] =	ssyncadd.s32 $0xFFFFD800  }
0xa0: {  	_ =	swait.ge [sflag:s25], $0x2800  }
0xa1: {  	[sflag:s25] =	ssyncset.done $0x0  }
0xa2: {  	[sflag:s25] =	ssyncadd.s32 $0xFFFFD800  }
0xa3: {  	[spmem:s3] =	stream.indirect.scatter.add.f32 [tilespmem:s22], [sflag:$0x4], $0x80, s29, s20, $0xb8;
	[tilespmem:$0x1F0C0] =	vst v63  }
0xa4: {  	_ =	swait.ge [sflag:s26], $0x2800  }
0xa5: {  	[sflag:s26] =	ssyncset.done $0x0  }
0xa6: {  	[sflag:s26] =	ssyncadd.s32 $0xFFFFD800  }
0xa7: {  	s0 =	simm.s32 @p1 $0x1FC5;
	[bflag:$0x0] =	sbarrier.arrive $0xFFFF  }
0xa8: {  	[hbm:s11], [sflag:s0] =	dma.local @p1 [spmem:s17], $0x2800  }
0xa9: {  	s0 =	simm.s32 @p1 $0x5  }
0xaa: {  	_ =	swait.ge @p1 [sflag:s0], $0x2800  }
0xab: {  	[sflag:s0] =	ssyncset.done @p1 $0x0  }
0xac: {  	[sflag:s0] =	ssyncadd.s32 @p1 $0xFFFFD800;
	s0 =	rddreg [dreg:$0x4]  }
0xad: {  	[hbm:s0], [sflag:s18] =	dma.local @!p1 [spmem:s19], $0x2700  }
.Ltmp6:
0xae: {  	_ = 	snop;
	(pc) =	sbr.rel .LBB2_8-.Ltmp6, $4  }
0xaf: {  	s0 =	simm.s32 @!p1 $0x5  }
0xb0: {  	_ =	swait.ge @!p1 [sflag:s0], $0x2700  }
0xb1: {  	[sflag:s0] =	ssyncset.done @!p1 $0x0  }
0xb2: {  	[sflag:s0] =	ssyncadd.s32 @!p1 $0xFFFFD900  }
.LBB2_9:
0xb3: {  	_ =	sfence.sel $0x180000  }
0xb4: {  	[bflag:$0x0] =	sbarrier.arrive $0xFFFF  }
0xb5: {  	_ =	strace $0x9000004D  }
0xb6: {  	s0 =	stileid.u32;
	[bflag:$0x2] =	sbarrier.arrive $0xFFFF  }
0xb7: {  	p0 =	sne.s32 s0, $0x0;
	s0 =	rddreg [dreg:$0x3]  }
0xb8: {  	s0 =	sadd.s32 @!p0 $0x100000, s0  }
0xb9: {  	[sflag:s0] =	ssyncadd.tile.s32 @!p0 $0x1;
	_ =	shalt  }
.Lfunc_end2:
_tile_overlayer_lowered:
.L_overlay_start_2:
0xba: {  	(tag) =	ssettag $0x2  }
0xbb: {  	s0 =	rddreg [dreg:$0x0];
	s2 =	stileid.u32  }
0xbc: {  	s1 =	rddreg [dreg:$0x1];
	p0 =	sne.s32 s2, $0x0  }
0xbd: {  	s3 =	rddreg [dreg:$0x2];
	[bflag:$0x3] =	sbarrier.arrive $0xFFFF;
	s2 =	simm.s32 @!p0 $0x1C05  }
0xbe: {  	[timem:s3], [sflag:s2] =	dma.local @!p0 [hbm:s0], s1  }
0xbf: {  	s0 =	simm.s32 @!p0 $0x5  }
0xc0: {  	_ =	swait.ge @!p0 [sflag:s0], s1  }
0xc1: {  	s1 =	ssub.s32 @!p0 $0x0, s1;
	[sflag:s0] =	ssyncset.done @!p0 $0x0  }
0xc2: {  	[sflag:s0] =	ssyncadd.s32 @!p0 s1  }
0xc3: {  	[bflag:$0x3] =	sbarrier.arrive $0xFFFF  }
0xc4: {  	_ =	shalt  }

// kernel: kernel.8.cloned.1.call-start
scs
__scs_entry_jumppad:
0x0: {  	(pc) =	sbr.rel $0x88, $3  }
0x1: {  	(tag) =	ssettag $0x0;
	lr =	simm.s32 $0x1  }
0x2: {  	[smem:$0x3F9B] =	sst lr;
	_ =	strace $0xD0000000  }
0x3: {  	_ = 	snop  }
0x4: {  	_ = 	snop  }
0x5: {  	_ = 	snop  }
0x6: {  	_ = 	snop  }
0x7: {  	_ = 	snop  }
__scs_overlays_trampoline_lowered:
0x8: {  	[smem:$0x3FAA] =	sst s0  }
0x9: {  	[smem:$0x3FAB] =	sst s1  }
0xa: {  	[smem:$0x3FAC] =	sst s2  }
0xb: {  	[smem:$0x3FAD] =	sst s3  }
0xc: {  	[smem:$0x3FAE] =	sst s4  }
0xd: {  	[smem:$0x3FAF] =	sst s5  }
0xe: {  	[smem:$0x3FB0] =	sst s6  }
0xf: {  	[smem:$0x3FB1] =	sst s7  }
0x10: {  	[smem:$0x3FB2] =	sst s8  }
0x11: {  	[smem:$0x3FB3] =	sst s9;
	s0 =	simm.s32 @!p0 $0x0  }
0x12: {  	s1 =	sld [smem:$0x3F99];
	s0 =	simm.s32 @p0 $0x1  }
0x13: {  	[smem:$0x3FB4] =	sst s0;
	s0 =	simm.s32 @!p1 $0x0  }
0x14: {  	s2 =	sld [smem:$0x3F98];
	s0 =	simm.s32 @p1 $0x1  }
0x15: {  	[smem:$0x3FB5] =	sst s0;
	s0 =	simm.s32 @!p2 $0x0  }
0x16: {  	s3 =	sld [smem:$0x3FDB];
	s0 =	simm.s32 @p2 $0x1  }
0x17: {  	s4 =	simm.s32 $0x1BF5;
	[smem:$0x3FB7] =	sst s0  }
0x18: {  	s0 =	sld [smem:$0x3F9A];
	_ =	swait.ge [sflag:s4], $0x0  }
0x19: {  	s7 =	sld [smem:$0x3F9B]  }
0x1a: {  	s8 =	sadd.s32 $0xFFFFE003, lr  }
0x1b: {  	s9 =	sadd.s32 $0xFFFFFEF7, lr;
	s5 =	simm.s32 $0xFFFFFFFF;
	p2 =	slt.u32 s8, $0xFFFFF086  }
0x1c: {  	p1 =	slt.u32 s9, $0xF7A;
	s5 =	simm.s32 @!p2 $0x0  }
0x1d: {  	s5 =	simm.s32 @p1 $0x1;
	p0 =	seq.s32 s7, s2  }
0x1e: {  	s7 =	smul.u32 @!p0 $0xF7A, s2;
	p2 =	seq.s32 @!p0 s5, $0x0  }
0x1f: {  	s9 =	smul.u32 $0xF7A, s1;
	s8 =	simm.s32 @!p0 $0x1BF5;
	p2 =	por !p2, p0  }
0x20: {  	[sflag:s8] =	ssyncset.s32 @!p0 $0xFFFFF086;
	s6 =	sadd.s32 @!p0 s3, s7;
	s7 =	simm.s32 @!p0 $0x108  }
0x21: {  	s3 =	sadd.s32 s3, s9;
	s6 =	sadd.s32 @!p0 $0x88, s6;
	s7 =	simm.s32 @p2 $0x1082  }
0x22: {  	[simem:s7], [sflag:s8] =	dma.local @!p0 [hbm:s6], $0xF7A  }
0x23: {  	s9 =	sor.u32 $0xD0000000, s2;
	s6 =	simm.s32 $0x108;
	_ =	swait.ge @!p0 [sflag:s8], $0x0  }
0x24: {  	s3 =	sadd.s32 $0x88, s3;
	s6 =	simm.s32 @!p1 $0x1082;
	[sflag:s4] =	ssyncset.s32 $0xFFFFF086  }
0x25: {  	[simem:s6], [sflag:s4] =	dma.local [hbm:s3], $0xF7A  }
0x26: {  	[smem:$0x3F9B] =	sst s1;
	(tag) =	ssettag s2;
	_ =	strace s9  }
0x27: {  	s1 =	sld [smem:$0x3FAB]  }
0x28: {  	s2 =	sld [smem:$0x3FAC]  }
0x29: {  	s4 =	sld [smem:$0x3FAE]  }
0x2a: {  	p0 =	seq.s32 s5, $0x0;
	s5 =	sld [smem:$0x3FAF]  }
0x2b: {  	s6 =	sld [smem:$0x3FB0]  }
0x2c: {  	s7 =	sld [smem:$0x3FB1]  }
0x2d: {  	s3 =	simm.s32 $0x108;
	s8 =	sld [smem:$0x3FB2]  }
0x2e: {  	s3 =	simm.s32 @!p0 $0x1082;
	s9 =	sld [smem:$0x3FB3]  }
0x2f: {  	lr =	sadd.s32 s0, s3;
	s0 =	sld [smem:$0x3FAA]  }
0x30: {  	s3 =	sld [smem:$0x3FAD]  }
0x31: {  	[smem:$0x3FB6] =	sst s10  }
0x32: {  	s10 =	sld [smem:$0x3FB4];
	_ =	sdelay $0x3  }
0x33: {  	p0 =	seq.s32 s10, $0x1;
	s10 =	sld [smem:$0x3FB6];
	_ =	sdelay $0x3  }
0x34: {  	[smem:$0x3FB6] =	sst s10  }
0x35: {  	s10 =	sld [smem:$0x3FB5];
	_ =	sdelay $0x3  }
0x36: {  	p1 =	seq.s32 s10, $0x1;
	s10 =	sld [smem:$0x3FB6];
	_ =	sdelay $0x3  }
0x37: {  	[smem:$0x3FB6] =	sst s10  }
0x38: {  	s10 =	sld [smem:$0x3FB7]  }
0x39: {  	_ = 	snop;
	(pc) =	sbr.ind lr, $3  }
0x3a: {  	_ = 	snop  }
0x3b: {  	_ = 	snop  }
0x3c: {  	p2 =	seq.s32 s10, $0x1;
	s10 =	sld [smem:$0x3FB6]  }
0x3d: {  	_ =	shalt  }
0x3e: {  	_ =	shalt  }
0x3f: {  	_ =	shalt  }
0x40: {  	_ =	shalt  }
0x41: {  	_ =	shalt  }
0x42: {  	_ =	shalt  }
0x43: {  	_ =	shalt  }
0x44: {  	_ =	shalt  }
0x45: {  	_ =	shalt  }
0x46: {  	_ =	shalt  }
0x47: {  	_ =	shalt  }
0x48: {  	_ =	shalt  }
0x49: {  	_ =	shalt  }
0x4a: {  	_ =	shalt  }
0x4b: {  	_ =	shalt  }
0x4c: {  	_ =	shalt  }
0x4d: {  	_ =	shalt  }
0x4e: {  	_ =	shalt  }
0x4f: {  	_ =	shalt  }
0x50: {  	_ =	shalt  }
0x51: {  	_ =	shalt  }
0x52: {  	_ =	shalt  }
0x53: {  	_ =	shalt  }
0x54: {  	_ =	shalt  }
0x55: {  	_ =	shalt  }
0x56: {  	_ =	shalt  }
0x57: {  	_ =	shalt  }
0x58: {  	_ =	shalt  }
0x59: {  	_ =	shalt  }
0x5a: {  	_ =	shalt  }
0x5b: {  	_ =	shalt  }
0x5c: {  	_ =	shalt  }
0x5d: {  	_ =	shalt  }
0x5e: {  	_ =	shalt  }
0x5f: {  	_ =	shalt  }
0x60: {  	_ =	shalt  }
0x61: {  	_ =	shalt  }
0x62: {  	_ =	shalt  }
0x63: {  	_ =	shalt  }
0x64: {  	_ =	shalt  }
0x65: {  	_ =	shalt  }
0x66: {  	_ =	shalt  }
0x67: {  	_ =	shalt  }
0x68: {  	_ =	shalt  }
0x69: {  	_ =	shalt  }
0x6a: {  	_ =	shalt  }
0x6b: {  	_ =	shalt  }
0x6c: {  	_ =	shalt  }
0x6d: {  	_ =	shalt  }
0x6e: {  	_ =	shalt  }
0x6f: {  	_ =	shalt  }
0x70: {  	_ =	shalt  }
0x71: {  	_ =	shalt  }
0x72: {  	_ =	shalt  }
0x73: {  	_ =	shalt  }
0x74: {  	_ =	shalt  }
0x75: {  	_ =	shalt  }
0x76: {  	_ =	shalt  }
0x77: {  	_ =	shalt  }
0x78: {  	_ =	shalt  }
0x79: {  	_ =	shalt  }
0x7a: {  	_ =	shalt  }
0x7b: {  	_ =	shalt  }
0x7c: {  	_ =	shalt  }
0x7d: {  	_ =	shalt  }
0x7e: {  	_ =	shalt  }
0x7f: {  	_ =	shalt  }
0x80: {  	_ =	shalt  }
0x81: {  	_ =	shalt  }
0x82: {  	_ =	shalt  }
0x83: {  	_ =	shalt  }
0x84: {  	_ =	shalt  }
0x85: {  	_ =	shalt  }
0x86: {  	_ =	shalt  }
0x87: {  	_ =	shalt  }
.Lfunc_end0:
.L_simem_size_0:
called_computation_lowered:
.L_overlay_start_0:
0x88: {  	s2 =	sld [smem:$0x3FD9]  }
0x89: {  	s3 =	sld [smem:$0x3FFE];
	_ =	sdelay $0x1  }
0x8a: {  	s1 =	srdreg.scid  }
0x8b: {  	s0 =	sand.u32 $0x1, s1  }
0x8c: {  	s17 =	sshll.u32 s0, $0xA;
	s2 =	sadd.s32 s3, s2  }
0x8d: {  	s2 =	sadd.s32 s2, s17  }
0x8e: {  	[smem:$0x3FC2] =	sst s2  }
0x8f: {  	_ = 	snop  }
0x90: {  	s2 =	sld [smem:$0x3FD0];
	(tm) =	ssettm $0x1  }
0x91: {  	s18 =	sld [smem:$0x3FFB];
	_ =	sdelay $0x3  }
0x92: {  	_ =	strace s18  }
0x93: {  	s3 =	sld [smem:$0x3FFC];
	_ =	sdelay $0x3  }
0x94: {  	_ =	strace s3  }
0x95: {  	s3 =	sld [smem:$0x3FFD];
	_ =	sdelay $0x3  }
0x96: {  	_ =	strace s3  }
0x97: {  	_ =	strace $0x8FFFFFFF  }
0x98: {  	s19 =	sld [smem:$0x3FDB];
	_ =	sdelay $0x1  }
0x99: {  	s4 =	simm.s32 $_scs_section_size  }
0x9a: {  	s5 =	simm.s32 $_size__tile_overlayer_lowered;
	s6 =	simm.s32 $_tile_overlayer_lowered  }
0x9b: {  	s22 =	simm.s32 $0x1BFF;
	s21 =	sshll.u32 s6, $0x1;
	s3 =	sadd.s32 s4, s19  }
0x9c: {  	s7 =	simm.s32 $0x0;
	s20 =	sshll.u32 s5, $0x1;
	s5 =	sadd.s32 s21, s3  }
0x9d: {  	[timem:s7], [sflag:s22] =	dma.local [hbm:s5], s20  }
0x9e: {  	_ =	swait.ge [sflag:s22], s20  }
0x9f: {  	s4 =	ssub.s32 $0x0, s20;
	[sflag:s22] =	ssyncset.done $0x0  }
0xa0: {  	[sflag:s22] =	ssyncadd.s32 s4;
	_ =	sdelay $0x1  }
0xa1: {  	s23 =	simm.s32 $0x1B8B  }
0xa2: {  	_ =	swait.ge [sflag:s23], $0x1  }
0xa3: {  	[sflag:s23] =	ssyncset.done $0x0  }
0xa4: {  	s25 =	simm.s32 $0x1B8E;
	s24 =	sld [smem:$0x3FFE];
	[sflag:s23] =	ssyncadd.s32 $0xFFFFFFFF  }
0xa5: {  	s26 =	simm.s32 $execute0_lowered;
	[smem:$0x3FD2] =	sst s25  }
0xa6: {  	s5 =	sshll.u32 s26, $0x1;
	_ =	strace $0x80000046;
	[dreg:$0x1] =	wrdreg $0xFFFFFFFF  }
0xa7: {  	s28 =	simm.s32 $_size_execute0_lowered;
	s3 =	sadd.s32 s3, s5;
	[dreg:$0x0] =	wrdreg $0x0  }
0xa8: {  	s5 =	sshll.u32 s28, $0x1;
	[dreg:$0x2] =	wrdreg s3  }
0xa9: {  	[dreg:$0x3] =	wrdreg s5  }
0xaa: {  	[dreg:$0x4] =	wrdreg $0xC0  }
0xab: {  	_ =	task [dreg:s7], $0x5FFFF  }
0xac: {  	[dreg:$0x1] =	wrdreg $0xFFFFFFFF  }
0xad: {  	[dreg:$0x0] =	wrdreg $0x60  }
0xae: {  	[dreg:$0x2] =	wrdreg s24  }
0xaf: {  	[dreg:$0x3] =	wrdreg s2  }
0xb0: {  	[dreg:$0x4] =	wrdreg $0x48000  }
0xb1: {  	[dreg:$0x5] =	wrdreg $0x9  }
0xb2: {  	_ =	task.clear_ibuf [dreg:s7], $0x6FFFF;
	_ =	strace $0x90000046  }
0xb3: {  	s29 =	simm.s32 $0x9;
	_ =	strace $0x80000048  }
0xb4: {  	_ =	swait.ge [sflag:s29], $0x1  }
0xb5: {  	[sflag:s29] =	ssyncadd.s32 $0xFFFFFFFF  }
0xb6: {  	_ =	strace $0x90000048  }
0xb7: {  	_ =	sfence  }
0xb8: {  	s30 =	sld [smem:$0x0];
	_ =	sdelay $0x2  }
0xb9: {  	s31 =	sshll.u32 s1, $0xD;
	s1 =	sshrl.u32 s1, $0x2  }
0xba: {  	s3 =	sand.u32 $0x4000, s31;
	s1 =	sadd.s32 s1, s30  }
0xbb: {  	s0 =	sor.u32 s3, s0;
	s1 =	sshll.u32 s1, $0x11  }
0xbc: {  	s0 =	sor.u32 s1, s0  }
0xbd: {  	s0 =	sadd.s32 $0x8F2B, s0  }
0xbe: {  	[sflag:s0] =	ssyncadd.remote.s32 $0x1  }
0xbf: {  	_ =	sfence.sel $0xFFFF  }
0xc0: {  	[dreg:$0x0] =	wrdreg $0xFFFFFFFF;
	(pc) =	sbr.abs _section_cstart, $3  }
0xc1: {  	[dreg:$0x1] =	wrdreg $0xFFFFFFFF  }
0xc2: {  	_ =	task.clear_ibuf [dreg:s7], $0x2FFFF;
	_ =	strace $0x9FFFFFFF  }
0xc3: {  	(tm) =	ssettm $0x7FFFFFFF  }
tec
execute0_lowered:
.L_overlay_start_1:
0x0: {  	(tag) =	ssettag $0x1  }
0x1: {  	s10 =	rddreg [dreg:$0x0]  }
0x2: {  	s6 =	rddreg [dreg:$0x1]  }
0x3: {  	s1 =	rddreg [dreg:$0x2]  }
0x4: {  	s0 =	rddreg [dreg:$0x3]  }
0x5: {  	s3 =	simm.s32 $0x0;
	s2 =	stileid.u32;
	s4 =	srdreg.scid  }
0x6: {  	s16 =	simm.s32 $0x1;
	s17 =	simm.s32 $0x50;
	[smem:$0x7FF] =	sst s3  }
0x7: {  	s5 =	sshll.u32 s2, $0xA;
	s15 =	sand.u32 $0x1, s4;
	s7 =	smul.u32 $0x4E000, s2  }
0x8: {  	s19 =	smul.u32 $0x2700, s2;
	s4 =	sadd.s32 $0xA000, s10;
	s13 =	sadd.s32 $0x124800, s1  }
0x9: {  	s20 =	sadd.s32 $0x31700, s10;
	p0 =	seq.s32 s2, $0xF;
	_ =	strace $0x80000047  }
0xa: {  	s8 =	sadd.s32 s5, s10;
	s31 =	ssub.s32 $0x2, s15;
	p1 =	sne.s32 s15, $0x0  }
0xb: {  	s15 =	simm.s32 $0x2000;
	s18 =	sadd.s32 @p0 $0x24900, s20;
	s9 =	sshrl.u32 s31, $0x1  }
0xc: {  	s7 =	sshrl.u32 s7, $0x2;
	s11 =	sadd.s32 s19, s10;
	s5 =	sadd.s32 s6, s19  }
.Ltmp0:
0xd: {  	s6 =	sadd.s32 $0x24900, s6;
	s10 =	sadd.s32 $0x2EF00, s10;
	(pc) =	sbr.rel .LBB2_1-.Ltmp0, $4  }
0xe: {  	s19 =	sadd.s32 @!p0 s19, s20;
	s20 =	simm.s32 $0x0;
	s12 =	ssub.s32 s31, s9  }
0xf: {  	s14 =	sadd.s32 s7, s1;
	s7 =	sadd.s32 $0x6000, s8;
	s9 =	sadd.s32 $0xA600, s11  }
0x10: {  	s11 =	smax.u32 s12, $0x1;
	s12 =	sshrl.u32 @p0 s13, $0x3;
	s13 =	sshll.u32 @!p0 s2, $0x6  }
0x11: {  	s8 =	sadd.s32 $0x2000, s8;
	s14 =	sshrl.u32 @!p0 s14, $0x3;
	s13 =	sor.u32 @!p0 $0x1C01, s13  }
.LBB2_7:
0x12: {  	[sflag:s16] =	ssyncadd.s32 $0xFFFFFB00  }
0x13: {  	s21 =	simm.s32 @p0 $0x1FC1;
	[bflag:$0x0] =	sbarrier.arrive $0xFFFF  }
0x14: {  	[hbm:s18], [sflag:s21] =	dma.local @p0 [spmem:s12], $0x2800  }
0x15: {  	s21 =	simm.s32 @p0 $0x1  }
0x16: {  	_ =	swait.ge @p0 [sflag:s21], $0x2800  }
0x17: {  	[sflag:s21] =	ssyncset.done @p0 $0x0  }
0x18: {  	[sflag:s21] =	ssyncadd.s32 @p0 $0xFFFFD800;
	s21 =	simm.s32 @!p0 $0x1  }
0x19: {  	[hbm:s19], [sflag:s13] =	dma.local @!p0 [spmem:s14], $0x2700  }
0x1a: {  	_ =	swait.ge @!p0 [sflag:s21], $0x2700  }
0x1b: {  	[sflag:s21] =	ssyncset.done @!p0 $0x0  }
0x1c: {  	[sflag:s21] =	ssyncadd.s32 @!p0 $0xFFFFD900  }
.LBB2_8:
0x1d: {  	s20 =	sadd.s32 $0x1, s20  }
0x1e: {  	p2 =	sne.s32 s20, s11  }
.Ltmp1:
0x1f: {  	_ = 	snop;
	(pc) =	sbr.rel @!p2 .LBB2_9-.Ltmp1, $1  }
0x20: {  	_ =	sdelay $0x3  }
.LBB2_1:
0x21: {  	s21 =	simm.s32 @p0 $0x1FC1  }
0x22: {  	[spmem:s12], [sflag:s21] =	dma.local @p0 [hbm:s6], $0x2800  }
0x23: {  	s21 =	simm.s32 @p0 $0x1  }
0x24: {  	_ =	swait.ge @p0 [sflag:s21], $0x2800  }
0x25: {  	[sflag:s21] =	ssyncset.done @p0 $0x0  }
0x26: {  	[sflag:s21] =	ssyncadd.s32 @p0 $0xFFFFD800;
	s21 =	simm.s32 @!p0 $0x1  }
0x27: {  	[spmem:s14], [sflag:s13] =	dma.local @!p0 [hbm:s5], $0x2700  }
0x28: {  	_ =	swait.ge @!p0 [sflag:s21], $0x2700  }
0x29: {  	[sflag:s21] =	ssyncset.done @!p0 $0x0  }
0x2a: {  	[sflag:s21] =	ssyncadd.s32 @!p0 $0xFFFFD900  }
0x2b: {  	[tilespmem:s15], [sflag:$0x1] =	stream.linear.gather [hbm4b:s4+s3], $0x2800, $0x38;
	[tilespmem:$0x6F18] =	vst v63  }
.Ltmp2:
0x2c: {  	_ =	swait.ge [sflag:s16], $0x2800;
	(pc) =	sbr.rel @p1 .LBB2_5-.Ltmp2, $4  }
0x2d: {  	[sflag:s16] =	ssyncset.done $0x0  }
0x2e: {  	[sflag:s16] =	ssyncadd.s32 $0xFFFFD800  }
0x2f: {  	[bflag:$0x0] =	sbarrier.arrive $0xFFFF  }
0x30: {  	s21 =	simm.s32 $0x0  }
0x31: {  	[tilespmem:s21], [sflag:$0x1] =	stream.linear.gather [hbm4b:s8+s21], $0x2000, $0x38;
	[tilespmem:$0x6F18] =	vst v63  }
0x32: {  	_ =	swait.ge [sflag:s16], $0x2000  }
0x33: {  	[sflag:s16] =	ssyncset.done $0x0  }
0x34: {  	s31 =	simm.s32 $0x0;
	[sflag:s16] =	ssyncadd.s32 $0xFFFFE000  }
0x35: {  	[spmem:s1] =	stream.indirect.scatter.add.f32 [tilespmem:s15], [sflag:$0x1], $0x10, s31, s17, $0xb8;
	[tilespmem:$0x6F18] =	vst v63  }
0x36: {  	_ =	swait.ge [sflag:s16], $0x500  }
0x37: {  	s21 =	simm.s32 $0x200;
	[sflag:s16] =	ssyncset.done $0x0  }
.LBB2_3:
0x38: {  	s22 =	sshra.s32 s21, $0x2;
	[sflag:s16] =	ssyncadd.s32 $0xFFFFFB00;
	p2 =	sne.s32 s21, $0x7E00  }
0x39: {  	[spmem:s1] =	stream.indirect.scatter.add.f32 [tilespmem:s15], [sflag:$0x1], $0x10, s22, s17, $0xb8;
	[tilespmem:$0x6F18] =	vst v63  }
.Ltmp3:
0x3a: {  	_ = 	snop;
	(pc) =	sbr.rel @p2 .LBB2_3-.Ltmp3, $4  }
0x3b: {  	_ = 	snop  }
0x3c: {  	s21 =	sadd.s32 $0x200, s21  }
0x3d: {  	_ =	swait.ge [sflag:s16], $0x500  }
0x3e: {  	[sflag:s16] =	ssyncset.done $0x0  }
0x3f: {  	[sflag:s16] =	ssyncadd.s32 $0xFFFFFB00  }
0x40: {  	s21 =	simm.s32 @p0 $0x1FC1;
	[bflag:$0x0] =	sbarrier.arrive $0xFFFF  }
0x41: {  	[hbm:s10], [sflag:s21] =	dma.local @p0 [spmem:s12], $0x2800  }
0x42: {  	s21 =	simm.s32 @p0 $0x1  }
0x43: {  	_ =	swait.ge @p0 [sflag:s21], $0x2800  }
0x44: {  	[sflag:s21] =	ssyncset.done @p0 $0x0  }
.Ltmp4:
0x45: {  	[sflag:s21] =	ssyncadd.s32 @p0 $0xFFFFD800;
	s21 =	simm.s32 @!p0 $0x1;
	(pc) =	sbr.rel .LBB2_8-.Ltmp4, $4  }
0x46: {  	[hbm:s9], [sflag:s13] =	dma.local @!p0 [spmem:s14], $0x2700  }
0x47: {  	_ =	swait.ge @!p0 [sflag:s21], $0x2700  }
0x48: {  	[sflag:s21] =	ssyncset.done @!p0 $0x0  }
0x49: {  	[sflag:s21] =	ssyncadd.s32 @!p0 $0xFFFFD900  }
.LBB2_5:
0x4a: {  	[tilespmem:s21], [sflag:$0x1] =	stream.linear.gather [hbm4b:s7+s21], $0x2000, $0x38;
	[tilespmem:$0x6F18] =	vst v63  }
0x4b: {  	_ =	swait.ge [sflag:s16], $0x2000  }
0x4c: {  	[sflag:s16] =	ssyncset.done $0x0  }
0x4d: {  	s31 =	simm.s32 $0x0;
	[sflag:s16] =	ssyncadd.s32 $0xFFFFE000  }
0x4e: {  	[spmem:s1] =	stream.indirect.scatter.add.f32 [tilespmem:s15], [sflag:$0x1], $0x10, s31, s17, $0xb8;
	[tilespmem:$0x6F18] =	vst v63  }
0x4f: {  	_ =	swait.ge [sflag:s16], $0x500  }
0x50: {  	s21 =	simm.s32 $0x200;
	[sflag:s16] =	ssyncset.done $0x0  }
.LBB2_6:
0x51: {  	s22 =	sshra.s32 s21, $0x2;
	[sflag:s16] =	ssyncadd.s32 $0xFFFFFB00;
	p2 =	sne.s32 s21, $0x7E00  }
0x52: {  	[spmem:s1] =	stream.indirect.scatter.add.f32 [tilespmem:s15], [sflag:$0x1], $0x10, s22, s17, $0xb8;
	[tilespmem:$0x6F18] =	vst v63  }
.Ltmp5:
0x53: {  	_ = 	snop;
	(pc) =	sbr.rel @p2 .LBB2_6-.Ltmp5, $4  }
0x54: {  	_ = 	snop  }
0x55: {  	s21 =	sadd.s32 $0x200, s21  }
0x56: {  	_ =	swait.ge [sflag:s16], $0x500  }
0x57: {  	[sflag:s16] =	ssyncset.done $0x0  }
.Ltmp6:
0x58: {  	_ = 	snop;
	(pc) =	sbr.rel .LBB2_7-.Ltmp6, $1  }
0x59: {  	_ =	sdelay $0x3  }
.LBB2_9:
0x5a: {  	_ =	sfence.sel $0x180000  }
0x5b: {  	[bflag:$0x0] =	sbarrier.arrive $0xFFFF  }
0x5c: {  	p0 =	sne.s32 s2, $0x0;
	_ =	strace $0x90000047  }
0x5d: {  	s0 =	sadd.s32 @!p0 $0x100000, s0;
	[bflag:$0x2] =	sbarrier.arrive $0xFFFF  }
0x5e: {  	[sflag:s0] =	ssyncadd.tile.s32 @!p0 $0x1;
	_ =	shalt  }
.Lfunc_end2:
_tile_overlayer_lowered:
.L_overlay_start_2:
0x5f: {  	(tag) =	ssettag $0x2  }
0x60: {  	s0 =	rddreg [dreg:$0x0];
	s2 =	stileid.u32  }
0x61: {  	s1 =	rddreg [dreg:$0x1];
	p0 =	sne.s32 s2, $0x0  }
0x62: {  	s3 =	rddreg [dreg:$0x2];
	[bflag:$0x3] =	sbarrier.arrive $0xFFFF;
	s2 =	simm.s32 @!p0 $0x1C01  }
0x63: {  	[timem:s3], [sflag:s2] =	dma.local @!p0 [hbm:s0], s1  }
0x64: {  	s0 =	simm.s32 @!p0 $0x1  }
0x65: {  	_ =	swait.ge @!p0 [sflag:s0], s1  }
0x66: {  	s1 =	ssub.s32 @!p0 $0x0, s1;
	[sflag:s0] =	ssyncset.done @!p0 $0x0  }
0x67: {  	[sflag:s0] =	ssyncadd.s32 @!p0 s1  }
0x68: {  	[bflag:$0x3] =	sbarrier.arrive $0xFFFF  }
0x69: {  	_ =	shalt  }

</sc_bundles>
